<compile_context>
chip_gen: v7x
topology: tpu7x:2x2x1
jax: 0.10.2.dev20260603
libtpu: 0.0.44.dev20260713+nightly
codegen_flags: <defaults>
</compile_context>

<pallas_src>
import functools

import jax
import jax.numpy as jnp
from jax import lax
from jax.experimental import pallas as pl
from jax.experimental.pallas import tpu as pltpu
from jax.experimental.pallas import tpu_sc as plsc

_N = 4096
_TC_ROWS = 3072
_SC_ROWS = _N - _TC_ROWS
_NW = 32
_QPW = _SC_ROWS // _NW
_L = 16
_JC = _N // _L
_QB = 8
_UNROLL = 2
_TI = 256
_BIG = 3.0e38



def _sc_body(wp_hbm, cham_hbm, idx_hbm, colp_hbm, sums_hbm,
             px_v, py_v, pz_v, qx_v, qy_v, qz_v, colmin_v, cham_v, idx_v,
             sum_v):
    wid = lax.axis_index("c") * 16 + lax.axis_index("s")
    base = _TC_ROWS + wid * _QPW

    pltpu.sync_copy(wp_hbm.at[pl.ds(3 * _N, _N)], px_v)
    pltpu.sync_copy(wp_hbm.at[pl.ds(4 * _N, _N)], py_v)
    pltpu.sync_copy(wp_hbm.at[pl.ds(5 * _N, _N)], pz_v)
    pltpu.sync_copy(wp_hbm.at[pl.ds(base, _QPW)], qx_v)
    pltpu.sync_copy(wp_hbm.at[pl.ds(_N + base, _QPW)], qy_v)
    pltpu.sync_copy(wp_hbm.at[pl.ds(2 * _N + base, _QPW)], qz_v)

    iota16 = lax.broadcasted_iota(jnp.int32, (_L,), 0)

    def init_body(c, _):
        colmin_v[pl.ds(c * _L, _L)] = jnp.full((_L,), _BIG, jnp.float32)
        return 0
    lax.fori_loop(0, _JC, init_body, 0)

    def _bcast(vec, lane):
        idx = jnp.full((_L, 1), lane, jnp.int32)
        dn = lax.GatherDimensionNumbers(
            offset_dims=(), collapsed_slice_dims=(0,), start_index_map=(0,))
        return lax.gather(vec, idx, dn, (1,),
                          mode=lax.GatherScatterMode.PROMISE_IN_BOUNDS)

    chamacc = jnp.zeros((_L,), jnp.float32)
    idxacc = jnp.zeros((_L,), jnp.int32)

    for b in range(_QPW // _QB):
        qoff = (b * _QB // _L) * _L
        qx16 = qx_v[pl.ds(qoff, _L)]
        qy16 = qy_v[pl.ds(qoff, _L)]
        qz16 = qz_v[pl.ds(qoff, _L)]
        bxs, bys, bzs = [], [], []
        for l in range(_QB):
            lane = (b * _QB + l) % _L
            bxs.append(_bcast(qx16, lane))
            bys.append(_bcast(qy16, lane))
            bzs.append(_bcast(qz16, lane))

        def scan_body(jc, carry):
            rms, ris = carry
            rms, ris = list(rms), list(ris)
            for u in range(_UNROLL):
                jb = jc * (_L * _UNROLL) + u * _L
                px = px_v[pl.ds(jb, _L)]
                py = py_v[pl.ds(jb, _L)]
                pz = pz_v[pl.ds(jb, _L)]
                cm = colmin_v[pl.ds(jb, _L)]
                jv = iota16 + jb
                for l in range(_QB):
                    d = (jnp.abs(px - bxs[l]) + jnp.abs(py - bys[l])) \
                        + jnp.abs(pz - bzs[l])
                    cm = jnp.minimum(cm, d)
                    lt = d < rms[l]
                    rms[l] = jnp.where(lt, d, rms[l])
                    ris[l] = jnp.where(lt, jv, ris[l])
                colmin_v[pl.ds(jb, _L)] = cm
            return tuple(rms), tuple(ris)

        rms0 = tuple(jnp.full((_L,), _BIG, jnp.float32) for _ in range(_QB))
        ris0 = tuple(jnp.zeros((_L,), jnp.int32) for _ in range(_QB))
        rms, ris = lax.fori_loop(0, _JC // _UNROLL, scan_body, (rms0, ris0))

        for l in range(_QB):
            i = b * _QB + l
            m = jnp.min(rms[l])
            jm = jnp.min(jnp.where(rms[l] == m, ris[l], _N))
            lsel = iota16 == (i % _L)
            chamacc = jnp.where(lsel, m, chamacc)
            idxacc = jnp.where(lsel, jm, idxacc)
        if (b * _QB + _QB) % _L == 0:
            o = ((b * _QB + _QB) // _L - 1) * _L
            cham_v[pl.ds(o, _L)] = chamacc
            idx_v[pl.ds(o, _L)] = idxacc

    psum = jnp.zeros((_L,), jnp.float32)
    for c in range(_QPW // _L):
        psum = psum + cham_v[pl.ds(c * _L, _L)]
    sum_v[pl.ds(0, _L)] = psum

    pltpu.sync_copy(cham_v, cham_hbm.at[pl.ds(wid * _QPW, _QPW)])
    pltpu.sync_copy(idx_v, idx_hbm.at[pl.ds(wid * _QPW, _QPW)])
    pltpu.sync_copy(colmin_v, colp_hbm.at[pl.ds(wid * _N, _N)])
    pltpu.sync_copy(sum_v, sums_hbm.at[pl.ds(wid * _L, _L)])



def _tc_body(pc1_ref, ef_ref, p_ref, jrow_ref, cham_ref, idx_ref,
             colmin_ref, rowsum_ref):
    step = pl.program_id(0)

    w = pc1_ref[...] + ef_ref[...]
    wx = w[:, 0:1]
    wy = w[:, 1:2]
    wz = w[:, 2:3]
    px = p_ref[0:1, :]
    py = p_ref[1:2, :]
    pz = p_ref[2:3, :]

    d = (jnp.abs(wx - px) + jnp.abs(wy - py)) + jnp.abs(wz - pz)

    rmin = jnp.min(d, axis=1, keepdims=True)
    ridx = jnp.min(jnp.where(d == rmin, jrow_ref[...], _N), axis=1,
                   keepdims=True)
    cham_ref[...] = rmin
    idx_ref[...] = ridx

    cmin = jnp.min(d, axis=0, keepdims=True)

    @pl.when(step == 0)
    def _init():
        colmin_ref[...] = cmin
        rowsum_ref[...] = jnp.full((1, 1), jnp.sum(rmin), jnp.float32)

    @pl.when(step != 0)
    def _acc():
        colmin_ref[...] = jnp.minimum(colmin_ref[...], cmin)
        rowsum_ref[...] = rowsum_ref[...] + jnp.sum(rmin)


def _loss_body(sums_ref, colp_ref, colmin_tc_ref, rowsum_tc_ref, loss_ref):
    sum_x = rowsum_tc_ref[0, 0] + jnp.sum(sums_ref[...])
    colmin = jnp.minimum(jnp.min(colp_ref[...], axis=0, keepdims=True),
                         colmin_tc_ref[...])
    mean_y = jnp.sum(colmin) / _N
    loss_ref[...] = jnp.full((1, 1), (sum_x / _N + mean_y) * 0.5, jnp.float32)


@jax.jit
def _chamfer(pc1r, efr, p2rows, wp, jrow):
    sc = functools.partial(
        pl.kernel,
        mesh=plsc.VectorSubcoreMesh(core_axis_name="c", subcore_axis_name="s"),
        compiler_params=pltpu.CompilerParams(needs_layout_passes=False),
        out_type=[
            jax.ShapeDtypeStruct((_SC_ROWS,), jnp.float32),
            jax.ShapeDtypeStruct((_SC_ROWS,), jnp.int32),
            jax.ShapeDtypeStruct((_NW * _N,), jnp.float32),
            jax.ShapeDtypeStruct((_NW * _L,), jnp.float32),
        ],
        scratch_types=[
            pltpu.VMEM((_N,), jnp.float32),
            pltpu.VMEM((_N,), jnp.float32),
            pltpu.VMEM((_N,), jnp.float32),
            pltpu.VMEM((_QPW,), jnp.float32),
            pltpu.VMEM((_QPW,), jnp.float32),
            pltpu.VMEM((_QPW,), jnp.float32),
            pltpu.VMEM((_N,), jnp.float32),
            pltpu.VMEM((_QPW,), jnp.float32),
            pltpu.VMEM((_QPW,), jnp.int32),
            pltpu.VMEM((_L,), jnp.float32),
        ],
    )(_sc_body)
    cham_sc, idx_sc, colp, sums = sc(wp)

    cham_tc, idx_tc, colmin_tc, rowsum_tc = pl.pallas_call(
        _tc_body,
        grid=(_TC_ROWS // _TI,),
        in_specs=[
            pl.BlockSpec((_TI, 3), lambda i: (i, 0)),
            pl.BlockSpec((_TI, 3), lambda i: (i, 0)),
            pl.BlockSpec((8, _N), lambda i: (0, 0)),
            pl.BlockSpec((1, _N), lambda i: (0, 0)),
        ],
        out_specs=[
            pl.BlockSpec((_TI, 1), lambda i: (i, 0)),
            pl.BlockSpec((_TI, 1), lambda i: (i, 0)),
            pl.BlockSpec((1, _N), lambda i: (0, 0)),
            pl.BlockSpec((1, 1), lambda i: (0, 0)),
        ],
        out_shape=[
            jax.ShapeDtypeStruct((_TC_ROWS, 1), jnp.float32),
            jax.ShapeDtypeStruct((_TC_ROWS, 1), jnp.int32),
            jax.ShapeDtypeStruct((1, _N), jnp.float32),
            jax.ShapeDtypeStruct((1, 1), jnp.float32),
        ],
    )(pc1r[:_TC_ROWS], efr[:_TC_ROWS], p2rows, jrow)

    loss = pl.pallas_call(
        _loss_body,
        in_specs=[
            pl.BlockSpec((8, (_NW * _L) // 8), lambda: (0, 0)),
            pl.BlockSpec((_NW, _N), lambda: (0, 0)),
            pl.BlockSpec((1, _N), lambda: (0, 0)),
            pl.BlockSpec((1, 1), lambda: (0, 0)),
        ],
        out_specs=pl.BlockSpec((1, 1), lambda: (0, 0)),
        out_shape=jax.ShapeDtypeStruct((1, 1), jnp.float32),
    )(sums.reshape(8, (_NW * _L) // 8), colp.reshape(_NW, _N),
      colmin_tc, rowsum_tc)

    cham = jnp.concatenate([cham_tc.reshape(_TC_ROWS), cham_sc])
    idx = jnp.concatenate([idx_tc.reshape(_TC_ROWS), idx_sc])
    return loss, cham, idx


def kernel(pc1, pc2, est_flow):
    pc1r = pc1.reshape(_N, 3)
    efr = est_flow.reshape(_N, 3)
    wqc = (pc1 + est_flow).reshape(_N, 3).T
    p2c = pc2.reshape(_N, 3).T
    p2rows = jnp.zeros((8, _N), jnp.float32).at[0:3, :].set(p2c)
    wp = jnp.concatenate([wqc.reshape(3 * _N), p2c.reshape(3 * _N)])
    jrow = jnp.arange(_N, dtype=jnp.int32).reshape(1, _N)
    loss, cham, idx = _chamfer(pc1r, efr, p2rows, wp, jrow)
    return (loss[0, 0], cham.reshape(1, _N), idx.reshape(1, _N))

# --- scband reference (transcript-rebuilt; emitter-appended) ---
"""Pipeline reference for scband-unsupervised-flow-losses-29076928594561 (READ-ONLY COPY).

The authoritative reference and input builder live on the scoring server;
editing this copy changes nothing except your own understanding.
"""

import jax, jax.numpy as jnp
import numpy as np


def _knn1_l1(x, y):
    # x: [B, N, 3], y: [B, M, 3]; pytorch3d knn_points with K=1, norm=1 (L1)
    diff = jnp.abs(x[:, :, None, :] - y[:, None, :, :]).sum(axis=-1)  # [B, N, M]
    dists = jnp.min(diff, axis=-1)       # [B, N]
    idx = jnp.argmin(diff, axis=-1)      # [B, N]
    return dists, idx


def setup_inputs(seed: int = 0) -> dict:
    key = jax.random.key(seed)
    k1, k2, k3 = jax.random.split(key, 3)
    pc1 = jax.random.uniform(k1, (1, 4096, 3), dtype=jnp.float32)
    pc2 = jax.random.uniform(k2, (1, 4096, 3), dtype=jnp.float32)
    est_flow = jax.random.normal(k3, (1, 4096, 3), dtype=jnp.float32) * 0.05
    return {"pc1": pc1, "pc2": pc2, "est_flow": est_flow}


def reference(pc1, pc2, est_flow):
    # Faithful translation of chamfer_distance_loss(pc1 + est_flow, pc2,
    # both_ways=True, normals_K=0, loss_norm=1) from UnsupervisedFlowLosses.
    warped = pc1 + est_flow
    cham_x, x_nearest_to_y = _knn1_l1(warped, pc2)
    cham_y, y_nearest_to_x = _knn1_l1(pc2, warped)
    nn_loss = (cham_x.mean() + cham_y.mean()) / 2.0
    return (nn_loss, cham_x, x_nearest_to_y)

if __name__ == "__main__":
    import jax
    _d = setup_inputs()
    print(jax.jit(kernel)(*tuple(_d.values())))

</pallas_src>

<mosaic_0001>
#map = affine_map<(d0, d1) -> (0)>
module attributes {stable_mosaic.version = 14 : i64} {
  func.func @_sc_body(%arg0: i32, %arg1: i32, %arg2: memref<24576xf32, #tpu.memory_space<hbm>>, %arg3: memref<1024xf32, #tpu.memory_space<hbm>>, %arg4: memref<1024xi32, #tpu.memory_space<hbm>>, %arg5: memref<131072xf32, #tpu.memory_space<hbm>>, %arg6: memref<512xf32, #tpu.memory_space<hbm>>, %arg7: memref<4096xf32, #tpu.memory_space<vmem>>, %arg8: memref<4096xf32, #tpu.memory_space<vmem>>, %arg9: memref<4096xf32, #tpu.memory_space<vmem>>, %arg10: memref<32xf32, #tpu.memory_space<vmem>>, %arg11: memref<32xf32, #tpu.memory_space<vmem>>, %arg12: memref<32xf32, #tpu.memory_space<vmem>>, %arg13: memref<4096xf32, #tpu.memory_space<vmem>>, %arg14: memref<32xf32, #tpu.memory_space<vmem>>, %arg15: memref<32xi32, #tpu.memory_space<vmem>>, %arg16: memref<16xf32, #tpu.memory_space<vmem>>) attributes {dimension_semantics = [#tpu.dimension_semantics<core_parallel>, #tpu.dimension_semantics<subcore_parallel>], iteration_bounds = array<i64: 2, 16>, scalar_prefetch = 0 : i64, scratch_operands = 10 : i64, tpu.core_type = #tpu.core_type<sc_vector_subcore>, window_params = [{transform_indices = #map}, {transform_indices = #map}, {transform_indices = #map}, {transform_indices = #map}, {transform_indices = #map}]} {
    %mul3A = arith.constant 16 : i32
    %mul3A_0 = arith.muli %arg0, %mul3A : i32
    %add3A = arith.addi %mul3A_0, %arg1 : i32
    %mul3A_1 = arith.constant 32 : i32
    %mul3A_2 = arith.muli %add3A, %mul3A_1 : i32
    %add3A_3 = arith.constant 3072 : i32
    %add3A_4 = arith.addi %add3A_3, %mul3A_2 : i32
    "tpu.region"() ({
      %run_scoped3A = tpu.sem_alloc : memref<!tpu.dma_semaphore, #tpu.memory_space<semaphore_mem>>
      %dma_start3A = arith.constant 12288 : i32
      %dma_start3A_1365 = tpu.memref_slice %arg2[%dma_start3A] : memref<24576xf32, #tpu.memory_space<hbm>> -> memref<4096xf32, #tpu.memory_space<hbm>>
      %dma_start3A_1366 = arith.constant 12288 : i32
      %dma_start3A_1367 = tpu.memref_slice %arg2[%dma_start3A_1366] : memref<24576xf32, #tpu.memory_space<hbm>> -> memref<4096xf32, #tpu.memory_space<hbm>>
      tpu.enqueue_dma source(%dma_start3A_1367 : memref<4096xf32, #tpu.memory_space<hbm>>) target(%arg7 : memref<4096xf32, #tpu.memory_space<vmem>>) target_semaphore(%run_scoped3A : memref<!tpu.dma_semaphore, #tpu.memory_space<semaphore_mem>>)
      %dma_wait3A = arith.constant 12288 : i32
      %dma_wait3A_1368 = tpu.memref_slice %arg2[%dma_wait3A] : memref<24576xf32, #tpu.memory_space<hbm>> -> memref<4096xf32, #tpu.memory_space<hbm>>
      %dma_wait3A_1369 = arith.constant 12288 : i32
      %dma_wait3A_1370 = tpu.memref_slice %arg2[%dma_wait3A_1369] : memref<24576xf32, #tpu.memory_space<hbm>> -> memref<4096xf32, #tpu.memory_space<hbm>>
      tpu.wait_dma2 semaphore(%run_scoped3A : memref<!tpu.dma_semaphore, #tpu.memory_space<semaphore_mem>>) src(%dma_wait3A_1370 : memref<4096xf32, #tpu.memory_space<hbm>>) dst(%arg7 : memref<4096xf32, #tpu.memory_space<vmem>>)
      tpu.yield
    }) : () -> ()
    "tpu.region"() ({
      %run_scoped3A = tpu.sem_alloc : memref<!tpu.dma_semaphore, #tpu.memory_space<semaphore_mem>>
      %dma_start3A = arith.constant 16384 : i32
      %dma_start3A_1365 = tpu.memref_slice %arg2[%dma_start3A] : memref<24576xf32, #tpu.memory_space<hbm>> -> memref<4096xf32, #tpu.memory_space<hbm>>
      %dma_start3A_1366 = arith.constant 16384 : i32
      %dma_start3A_1367 = tpu.memref_slice %arg2[%dma_start3A_1366] : memref<24576xf32, #tpu.memory_space<hbm>> -> memref<4096xf32, #tpu.memory_space<hbm>>
      tpu.enqueue_dma source(%dma_start3A_1367 : memref<4096xf32, #tpu.memory_space<hbm>>) target(%arg8 : memref<4096xf32, #tpu.memory_space<vmem>>) target_semaphore(%run_scoped3A : memref<!tpu.dma_semaphore, #tpu.memory_space<semaphore_mem>>)
      %dma_wait3A = arith.constant 16384 : i32
      %dma_wait3A_1368 = tpu.memref_slice %arg2[%dma_wait3A] : memref<24576xf32, #tpu.memory_space<hbm>> -> memref<4096xf32, #tpu.memory_space<hbm>>
      %dma_wait3A_1369 = arith.constant 16384 : i32
      %dma_wait3A_1370 = tpu.memref_slice %arg2[%dma_wait3A_1369] : memref<24576xf32, #tpu.memory_space<hbm>> -> memref<4096xf32, #tpu.memory_space<hbm>>
      tpu.wait_dma2 semaphore(%run_scoped3A : memref<!tpu.dma_semaphore, #tpu.memory_space<semaphore_mem>>) src(%dma_wait3A_1370 : memref<4096xf32, #tpu.memory_space<hbm>>) dst(%arg8 : memref<4096xf32, #tpu.memory_space<vmem>>)
      tpu.yield
    }) : () -> ()
    "tpu.region"() ({
      %run_scoped3A = tpu.sem_alloc : memref<!tpu.dma_semaphore, #tpu.memory_space<semaphore_mem>>
      %dma_start3A = arith.constant 20480 : i32
      %dma_start3A_1365 = tpu.memref_slice %arg2[%dma_start3A] : memref<24576xf32, #tpu.memory_space<hbm>> -> memref<4096xf32, #tpu.memory_space<hbm>>
      %dma_start3A_1366 = arith.constant 20480 : i32
      %dma_start3A_1367 = tpu.memref_slice %arg2[%dma_start3A_1366] : memref<24576xf32, #tpu.memory_space<hbm>> -> memref<4096xf32, #tpu.memory_space<hbm>>
      tpu.enqueue_dma source(%dma_start3A_1367 : memref<4096xf32, #tpu.memory_space<hbm>>) target(%arg9 : memref<4096xf32, #tpu.memory_space<vmem>>) target_semaphore(%run_scoped3A : memref<!tpu.dma_semaphore, #tpu.memory_space<semaphore_mem>>)
      %dma_wait3A = arith.constant 20480 : i32
      %dma_wait3A_1368 = tpu.memref_slice %arg2[%dma_wait3A] : memref<24576xf32, #tpu.memory_space<hbm>> -> memref<4096xf32, #tpu.memory_space<hbm>>
      %dma_wait3A_1369 = arith.constant 20480 : i32
      %dma_wait3A_1370 = tpu.memref_slice %arg2[%dma_wait3A_1369] : memref<24576xf32, #tpu.memory_space<hbm>> -> memref<4096xf32, #tpu.memory_space<hbm>>
      tpu.wait_dma2 semaphore(%run_scoped3A : memref<!tpu.dma_semaphore, #tpu.memory_space<semaphore_mem>>) src(%dma_wait3A_1370 : memref<4096xf32, #tpu.memory_space<hbm>>) dst(%arg9 : memref<4096xf32, #tpu.memory_space<vmem>>)
      tpu.yield
    }) : () -> ()
    "tpu.region"() ({
      %run_scoped3A = tpu.sem_alloc : memref<!tpu.dma_semaphore, #tpu.memory_space<semaphore_mem>>
      %dma_start3A = tpu.memref_slice %arg2[%add3A_4] : memref<24576xf32, #tpu.memory_space<hbm>> -> memref<32xf32, #tpu.memory_space<hbm>>
      %dma_start3A_1365 = tpu.memref_slice %arg2[%add3A_4] : memref<24576xf32, #tpu.memory_space<hbm>> -> memref<32xf32, #tpu.memory_space<hbm>>
      tpu.enqueue_dma source(%dma_start3A_1365 : memref<32xf32, #tpu.memory_space<hbm>>) target(%arg10 : memref<32xf32, #tpu.memory_space<vmem>>) target_semaphore(%run_scoped3A : memref<!tpu.dma_semaphore, #tpu.memory_space<semaphore_mem>>)
      %dma_wait3A = tpu.memref_slice %arg2[%add3A_4] : memref<24576xf32, #tpu.memory_space<hbm>> -> memref<32xf32, #tpu.memory_space<hbm>>
      %dma_wait3A_1366 = tpu.memref_slice %arg2[%add3A_4] : memref<24576xf32, #tpu.memory_space<hbm>> -> memref<32xf32, #tpu.memory_space<hbm>>
      tpu.wait_dma2 semaphore(%run_scoped3A : memref<!tpu.dma_semaphore, #tpu.memory_space<semaphore_mem>>) src(%dma_wait3A_1366 : memref<32xf32, #tpu.memory_space<hbm>>) dst(%arg10 : memref<32xf32, #tpu.memory_space<vmem>>)
      tpu.yield
    }) : () -> ()
    %add3A_5 = arith.constant 4096 : i32
    %add3A_6 = arith.addi %add3A_5, %add3A_4 : i32
    "tpu.region"() ({
      %run_scoped3A = tpu.sem_alloc : memref<!tpu.dma_semaphore, #tpu.memory_space<semaphore_mem>>
      %dma_start3A = tpu.memref_slice %arg2[%add3A_6] : memref<24576xf32, #tpu.memory_space<hbm>> -> memref<32xf32, #tpu.memory_space<hbm>>
      %dma_start3A_1365 = tpu.memref_slice %arg2[%add3A_6] : memref<24576xf32, #tpu.memory_space<hbm>> -> memref<32xf32, #tpu.memory_space<hbm>>
      tpu.enqueue_dma source(%dma_start3A_1365 : memref<32xf32, #tpu.memory_space<hbm>>) target(%arg11 : memref<32xf32, #tpu.memory_space<vmem>>) target_semaphore(%run_scoped3A : memref<!tpu.dma_semaphore, #tpu.memory_space<semaphore_mem>>)
      %dma_wait3A = tpu.memref_slice %arg2[%add3A_6] : memref<24576xf32, #tpu.memory_space<hbm>> -> memref<32xf32, #tpu.memory_space<hbm>>
      %dma_wait3A_1366 = tpu.memref_slice %arg2[%add3A_6] : memref<24576xf32, #tpu.memory_space<hbm>> -> memref<32xf32, #tpu.memory_space<hbm>>
      tpu.wait_dma2 semaphore(%run_scoped3A : memref<!tpu.dma_semaphore, #tpu.memory_space<semaphore_mem>>) src(%dma_wait3A_1366 : memref<32xf32, #tpu.memory_space<hbm>>) dst(%arg11 : memref<32xf32, #tpu.memory_space<vmem>>)
      tpu.yield
    }) : () -> ()
    %add3A_7 = arith.constant 8192 : i32
    %add3A_8 = arith.addi %add3A_7, %add3A_4 : i32
    "tpu.region"() ({
      %run_scoped3A = tpu.sem_alloc : memref<!tpu.dma_semaphore, #tpu.memory_space<semaphore_mem>>
      %dma_start3A = tpu.memref_slice %arg2[%add3A_8] : memref<24576xf32, #tpu.memory_space<hbm>> -> memref<32xf32, #tpu.memory_space<hbm>>
      %dma_start3A_1365 = tpu.memref_slice %arg2[%add3A_8] : memref<24576xf32, #tpu.memory_space<hbm>> -> memref<32xf32, #tpu.memory_space<hbm>>
      tpu.enqueue_dma source(%dma_start3A_1365 : memref<32xf32, #tpu.memory_space<hbm>>) target(%arg12 : memref<32xf32, #tpu.memory_space<vmem>>) target_semaphore(%run_scoped3A : memref<!tpu.dma_semaphore, #tpu.memory_space<semaphore_mem>>)
      %dma_wait3A = tpu.memref_slice %arg2[%add3A_8] : memref<24576xf32, #tpu.memory_space<hbm>> -> memref<32xf32, #tpu.memory_space<hbm>>
      %dma_wait3A_1366 = tpu.memref_slice %arg2[%add3A_8] : memref<24576xf32, #tpu.memory_space<hbm>> -> memref<32xf32, #tpu.memory_space<hbm>>
      tpu.wait_dma2 semaphore(%run_scoped3A : memref<!tpu.dma_semaphore, #tpu.memory_space<semaphore_mem>>) src(%dma_wait3A_1366 : memref<32xf32, #tpu.memory_space<hbm>>) dst(%arg12 : memref<32xf32, #tpu.memory_space<vmem>>)
      tpu.yield
    }) : () -> ()
    %iota3A = tpu.iota {dimensions = array<i32: 0>} : vector<16xi32>
    %scan3A = arith.constant 0 : i32
    %scan3A_9 = arith.constant 0 : i32
    %scan3A_10 = arith.constant 256 : i32
    %scan3A_11 = arith.addi %scan3A_9, %scan3A_10 : i32
    %scan3A_12 = arith.constant 1 : i32
    %scan3A_13 = scf.for %scan3A_1365 = %scan3A_9 to %scan3A_11 step %scan3A_12 iter_args(%scan3A_1366 = %scan3A) -> (i32)  : i32 {
      %broadcast_in_dim3A_1367 = arith.constant 3.000000e+38 : f32
      %broadcast_in_dim3A_1368 = vector.broadcast %broadcast_in_dim3A_1367 : f32 to vector<16xf32>
      %mul3A_1369 = arith.constant 16 : i32
      %mul3A_1370 = arith.muli %scan3A_1365, %mul3A_1369 : i32
      %swap3A_1371 = arith.index_cast %mul3A_1370 : i32 to index
      %swap3A_1372 = tpu.vector_load %arg13[%swap3A_1371] {strides = array<i32>} : memref<4096xf32, #tpu.memory_space<vmem>>, vector<16xf32>,
      tpu.vector_store %arg13[%swap3A_1371], %broadcast_in_dim3A_1368 {strides = array<i32>} : memref<4096xf32, #tpu.memory_space<vmem>>, vector<16xf32>,
      %scan3A_1373 = arith.constant 0 : i32
      scf.yield %scan3A_1373 : i32
    }
    %scan3A_14 = arith.constant 256 : i32
    %broadcast_in_dim3A = arith.constant 0.000000e+00 : f32
    %broadcast_in_dim3A_15 = vector.broadcast %broadcast_in_dim3A : f32 to vector<16xf32>
    %broadcast_in_dim3A_16 = arith.constant 0 : i32
    %broadcast_in_dim3A_17 = vector.broadcast %broadcast_in_dim3A_16 : i32 to vector<16xi32>
    %get3A = arith.constant 0 : index
    %get3A_18 = tpu.vector_load %arg10[%get3A] {strides = array<i32>} : memref<32xf32, #tpu.memory_space<vmem>>, vector<16xf32>,
    %get3A_19 = arith.constant 0 : index
    %get3A_20 = tpu.vector_load %arg11[%get3A_19] {strides = array<i32>} : memref<32xf32, #tpu.memory_space<vmem>>, vector<16xf32>,
    %get3A_21 = arith.constant 0 : index
    %get3A_22 = tpu.vector_load %arg12[%get3A_21] {strides = array<i32>} : memref<32xf32, #tpu.memory_space<vmem>>, vector<16xf32>,
    %broadcast_in_dim3A_23 = arith.constant 0 : i32
    %broadcast_in_dim3A_24 = vector.broadcast %broadcast_in_dim3A_23 : i32 to vector<16x1xi32>
    %gather3A = vector.shape_cast %broadcast_in_dim3A_24 : vector<16x1xi32> to vector<16xi32>
    %gather3A_25 = tpu.dynamic_gather %get3A_18[%gather3A] in [0] : vector<16xf32>, vector<16xi32> -> vector<16xf32>
    %broadcast_in_dim3A_26 = arith.constant 0 : i32
    %broadcast_in_dim3A_27 = vector.broadcast %broadcast_in_dim3A_26 : i32 to vector<16x1xi32>
    %gather3A_28 = vector.shape_cast %broadcast_in_dim3A_27 : vector<16x1xi32> to vector<16xi32>
    %gather3A_29 = tpu.dynamic_gather %get3A_20[%gather3A_28] in [0] : vector<16xf32>, vector<16xi32> -> vector<16xf32>
    %broadcast_in_dim3A_30 = arith.constant 0 : i32
    %broadcast_in_dim3A_31 = vector.broadcast %broadcast_in_dim3A_30 : i32 to vector<16x1xi32>
    %gather3A_32 = vector.shape_cast %broadcast_in_dim3A_31 : vector<16x1xi32> to vector<16xi32>
    %gather3A_33 = tpu.dynamic_gather %get3A_22[%gather3A_32] in [0] : vector<16xf32>, vector<16xi32> -> vector<16xf32>
    %broadcast_in_dim3A_34 = arith.constant 1 : i32
    %broadcast_in_dim3A_35 = vector.broadcast %broadcast_in_dim3A_34 : i32 to vector<16x1xi32>
    %gather3A_36 = vector.shape_cast %broadcast_in_dim3A_35 : vector<16x1xi32> to vector<16xi32>
    %gather3A_37 = tpu.dynamic_gather %get3A_18[%gather3A_36] in [0] : vector<16xf32>, vector<16xi32> -> vector<16xf32>
    %broadcast_in_dim3A_38 = arith.constant 1 : i32
    %broadcast_in_dim3A_39 = vector.broadcast %broadcast_in_dim3A_38 : i32 to vector<16x1xi32>
    %gather3A_40 = vector.shape_cast %broadcast_in_dim3A_39 : vector<16x1xi32> to vector<16xi32>
    %gather3A_41 = tpu.dynamic_gather %get3A_20[%gather3A_40] in [0] : vector<16xf32>, vector<16xi32> -> vector<16xf32>
    %broadcast_in_dim3A_42 = arith.constant 1 : i32
    %broadcast_in_dim3A_43 = vector.broadcast %broadcast_in_dim3A_42 : i32 to vector<16x1xi32>
    %gather3A_44 = vector.shape_cast %broadcast_in_dim3A_43 : vector<16x1xi32> to vector<16xi32>
    %gather3A_45 = tpu.dynamic_gather %get3A_22[%gather3A_44] in [0] : vector<16xf32>, vector<16xi32> -> vector<16xf32>
    %broadcast_in_dim3A_46 = arith.constant 2 : i32
    %broadcast_in_dim3A_47 = vector.broadcast %broadcast_in_dim3A_46 : i32 to vector<16x1xi32>
    %gather3A_48 = vector.shape_cast %broadcast_in_dim3A_47 : vector<16x1xi32> to vector<16xi32>
    %gather3A_49 = tpu.dynamic_gather %get3A_18[%gather3A_48] in [0] : vector<16xf32>, vector<16xi32> -> vector<16xf32>
    %broadcast_in_dim3A_50 = arith.constant 2 : i32
    %broadcast_in_dim3A_51 = vector.broadcast %broadcast_in_dim3A_50 : i32 to vector<16x1xi32>
    %gather3A_52 = vector.shape_cast %broadcast_in_dim3A_51 : vector<16x1xi32> to vector<16xi32>
    %gather3A_53 = tpu.dynamic_gather %get3A_20[%gather3A_52] in [0] : vector<16xf32>, vector<16xi32> -> vector<16xf32>
    %broadcast_in_dim3A_54 = arith.constant 2 : i32
    %broadcast_in_dim3A_55 = vector.broadcast %broadcast_in_dim3A_54 : i32 to vector<16x1xi32>
    %gather3A_56 = vector.shape_cast %broadcast_in_dim3A_55 : vector<16x1xi32> to vector<16xi32>
    %gather3A_57 = tpu.dynamic_gather %get3A_22[%gather3A_56] in [0] : vector<16xf32>, vector<16xi32> -> vector<16xf32>
    %broadcast_in_dim3A_58 = arith.constant 3 : i32
    %broadcast_in_dim3A_59 = vector.broadcast %broadcast_in_dim3A_58 : i32 to vector<16x1xi32>
    %gather3A_60 = vector.shape_cast %broadcast_in_dim3A_59 : vector<16x1xi32> to vector<16xi32>
    %gather3A_61 = tpu.dynamic_gather %get3A_18[%gather3A_60] in [0] : vector<16xf32>, vector<16xi32> -> vector<16xf32>
    %broadcast_in_dim3A_62 = arith.constant 3 : i32
    %broadcast_in_dim3A_63 = vector.broadcast %broadcast_in_dim3A_62 : i32 to vector<16x1xi32>
    %gather3A_64 = vector.shape_cast %broadcast_in_dim3A_63 : vector<16x1xi32> to vector<16xi32>
    %gather3A_65 = tpu.dynamic_gather %get3A_20[%gather3A_64] in [0] : vector<16xf32>, vector<16xi32> -> vector<16xf32>
    %broadcast_in_dim3A_66 = arith.constant 3 : i32
    %broadcast_in_dim3A_67 = vector.broadcast %broadcast_in_dim3A_66 : i32 to vector<16x1xi32>
    %gather3A_68 = vector.shape_cast %broadcast_in_dim3A_67 : vector<16x1xi32> to vector<16xi32>
    %gather3A_69 = tpu.dynamic_gather %get3A_22[%gather3A_68] in [0] : vector<16xf32>, vector<16xi32> -> vector<16xf32>
    %broadcast_in_dim3A_70 = arith.constant 4 : i32
    %broadcast_in_dim3A_71 = vector.broadcast %broadcast_in_dim3A_70 : i32 to vector<16x1xi32>
    %gather3A_72 = vector.shape_cast %broadcast_in_dim3A_71 : vector<16x1xi32> to vector<16xi32>
    %gather3A_73 = tpu.dynamic_gather %get3A_18[%gather3A_72] in [0] : vector<16xf32>, vector<16xi32> -> vector<16xf32>
    %broadcast_in_dim3A_74 = arith.constant 4 : i32
    %broadcast_in_dim3A_75 = vector.broadcast %broadcast_in_dim3A_74 : i32 to vector<16x1xi32>
    %gather3A_76 = vector.shape_cast %broadcast_in_dim3A_75 : vector<16x1xi32> to vector<16xi32>
    %gather3A_77 = tpu.dynamic_gather %get3A_20[%gather3A_76] in [0] : vector<16xf32>, vector<16xi32> -> vector<16xf32>
    %broadcast_in_dim3A_78 = arith.constant 4 : i32
    %broadcast_in_dim3A_79 = vector.broadcast %broadcast_in_dim3A_78 : i32 to vector<16x1xi32>
    %gather3A_80 = vector.shape_cast %broadcast_in_dim3A_79 : vector<16x1xi32> to vector<16xi32>
    %gather3A_81 = tpu.dynamic_gather %get3A_22[%gather3A_80] in [0] : vector<16xf32>, vector<16xi32> -> vector<16xf32>
    %broadcast_in_dim3A_82 = arith.constant 5 : i32
    %broadcast_in_dim3A_83 = vector.broadcast %broadcast_in_dim3A_82 : i32 to vector<16x1xi32>
    %gather3A_84 = vector.shape_cast %broadcast_in_dim3A_83 : vector<16x1xi32> to vector<16xi32>
    %gather3A_85 = tpu.dynamic_gather %get3A_18[%gather3A_84] in [0] : vector<16xf32>, vector<16xi32> -> vector<16xf32>
    %broadcast_in_dim3A_86 = arith.constant 5 : i32
    %broadcast_in_dim3A_87 = vector.broadcast %broadcast_in_dim3A_86 : i32 to vector<16x1xi32>
    %gather3A_88 = vector.shape_cast %broadcast_in_dim3A_87 : vector<16x1xi32> to vector<16xi32>
    %gather3A_89 = tpu.dynamic_gather %get3A_20[%gather3A_88] in [0] : vector<16xf32>, vector<16xi32> -> vector<16xf32>
    %broadcast_in_dim3A_90 = arith.constant 5 : i32
    %broadcast_in_dim3A_91 = vector.broadcast %broadcast_in_dim3A_90 : i32 to vector<16x1xi32>
    %gather3A_92 = vector.shape_cast %broadcast_in_dim3A_91 : vector<16x1xi32> to vector<16xi32>
    %gather3A_93 = tpu.dynamic_gather %get3A_22[%gather3A_92] in [0] : vector<16xf32>, vector<16xi32> -> vector<16xf32>
    %broadcast_in_dim3A_94 = arith.constant 6 : i32
    %broadcast_in_dim3A_95 = vector.broadcast %broadcast_in_dim3A_94 : i32 to vector<16x1xi32>
    %gather3A_96 = vector.shape_cast %broadcast_in_dim3A_95 : vector<16x1xi32> to vector<16xi32>
    %gather3A_97 = tpu.dynamic_gather %get3A_18[%gather3A_96] in [0] : vector<16xf32>, vector<16xi32> -> vector<16xf32>
    %broadcast_in_dim3A_98 = arith.constant 6 : i32
    %broadcast_in_dim3A_99 = vector.broadcast %broadcast_in_dim3A_98 : i32 to vector<16x1xi32>
    %gather3A_100 = vector.shape_cast %broadcast_in_dim3A_99 : vector<16x1xi32> to vector<16xi32>
    %gather3A_101 = tpu.dynamic_gather %get3A_20[%gather3A_100] in [0] : vector<16xf32>, vector<16xi32> -> vector<16xf32>
    %broadcast_in_dim3A_102 = arith.constant 6 : i32
    %broadcast_in_dim3A_103 = vector.broadcast %broadcast_in_dim3A_102 : i32 to vector<16x1xi32>
    %gather3A_104 = vector.shape_cast %broadcast_in_dim3A_103 : vector<16x1xi32> to vector<16xi32>
    %gather3A_105 = tpu.dynamic_gather %get3A_22[%gather3A_104] in [0] : vector<16xf32>, vector<16xi32> -> vector<16xf32>
    %broadcast_in_dim3A_106 = arith.constant 7 : i32
    %broadcast_in_dim3A_107 = vector.broadcast %broadcast_in_dim3A_106 : i32 to vector<16x1xi32>
    %gather3A_108 = vector.shape_cast %broadcast_in_dim3A_107 : vector<16x1xi32> to vector<16xi32>
    %gather3A_109 = tpu.dynamic_gather %get3A_18[%gather3A_108] in [0] : vector<16xf32>, vector<16xi32> -> vector<16xf32>
    %broadcast_in_dim3A_110 = arith.constant 7 : i32
    %broadcast_in_dim3A_111 = vector.broadcast %broadcast_in_dim3A_110 : i32 to vector<16x1xi32>
    %gather3A_112 = vector.shape_cast %broadcast_in_dim3A_111 : vector<16x1xi32> to vector<16xi32>
    %gather3A_113 = tpu.dynamic_gather %get3A_20[%gather3A_112] in [0] : vector<16xf32>, vector<16xi32> -> vector<16xf32>
    %broadcast_in_dim3A_114 = arith.constant 7 : i32
    %broadcast_in_dim3A_115 = vector.broadcast %broadcast_in_dim3A_114 : i32 to vector<16x1xi32>
    %gather3A_116 = vector.shape_cast %broadcast_in_dim3A_115 : vector<16x1xi32> to vector<16xi32>
    %gather3A_117 = tpu.dynamic_gather %get3A_22[%gather3A_116] in [0] : vector<16xf32>, vector<16xi32> -> vector<16xf32>
    %broadcast_in_dim3A_118 = arith.constant 3.000000e+38 : f32
    %broadcast_in_dim3A_119 = vector.broadcast %broadcast_in_dim3A_118 : f32 to vector<16xf32>
    %broadcast_in_dim3A_120 = arith.constant 3.000000e+38 : f32
    %broadcast_in_dim3A_121 = vector.broadcast %broadcast_in_dim3A_120 : f32 to vector<16xf32>
    %broadcast_in_dim3A_122 = arith.constant 3.000000e+38 : f32
    %broadcast_in_dim3A_123 = vector.broadcast %broadcast_in_dim3A_122 : f32 to vector<16xf32>
    %broadcast_in_dim3A_124 = arith.constant 3.000000e+38 : f32
    %broadcast_in_dim3A_125 = vector.broadcast %broadcast_in_dim3A_124 : f32 to vector<16xf32>
    %broadcast_in_dim3A_126 = arith.constant 3.000000e+38 : f32
    %broadcast_in_dim3A_127 = vector.broadcast %broadcast_in_dim3A_126 : f32 to vector<16xf32>
    %broadcast_in_dim3A_128 = arith.constant 3.000000e+38 : f32
    %broadcast_in_dim3A_129 = vector.broadcast %broadcast_in_dim3A_128 : f32 to vector<16xf32>
    %broadcast_in_dim3A_130 = arith.constant 3.000000e+38 : f32
    %broadcast_in_dim3A_131 = vector.broadcast %broadcast_in_dim3A_130 : f32 to vector<16xf32>
    %broadcast_in_dim3A_132 = arith.constant 3.000000e+38 : f32
    %broadcast_in_dim3A_133 = vector.broadcast %broadcast_in_dim3A_132 : f32 to vector<16xf32>
    %broadcast_in_dim3A_134 = arith.constant 0 : i32
    %broadcast_in_dim3A_135 = vector.broadcast %broadcast_in_dim3A_134 : i32 to vector<16xi32>
    %broadcast_in_dim3A_136 = arith.constant 0 : i32
    %broadcast_in_dim3A_137 = vector.broadcast %broadcast_in_dim3A_136 : i32 to vector<16xi32>
    %broadcast_in_dim3A_138 = arith.constant 0 : i32
    %broadcast_in_dim3A_139 = vector.broadcast %broadcast_in_dim3A_138 : i32 to vector<16xi32>
    %broadcast_in_dim3A_140 = arith.constant 0 : i32
    %broadcast_in_dim3A_141 = vector.broadcast %broadcast_in_dim3A_140 : i32 to vector<16xi32>
    %broadcast_in_dim3A_142 = arith.constant 0 : i32
    %broadcast_in_dim3A_143 = vector.broadcast %broadcast_in_dim3A_142 : i32 to vector<16xi32>
    %broadcast_in_dim3A_144 = arith.constant 0 : i32
    %broadcast_in_dim3A_145 = vector.broadcast %broadcast_in_dim3A_144 : i32 to vector<16xi32>
    %broadcast_in_dim3A_146 = arith.constant 0 : i32
    %broadcast_in_dim3A_147 = vector.broadcast %broadcast_in_dim3A_146 : i32 to vector<16xi32>
    %broadcast_in_dim3A_148 = arith.constant 0 : i32
    %broadcast_in_dim3A_149 = vector.broadcast %broadcast_in_dim3A_148 : i32 to vector<16xi32>
    %scan3A_150 = arith.constant 0 : i32
    %scan3A_151 = arith.constant 128 : i32
    %scan3A_152 = arith.addi %scan3A_150, %scan3A_151 : i32
    %scan3A_153 = arith.constant 1 : i32
    %scan3A_154:16 = scf.for %scan3A_1365 = %scan3A_150 to %scan3A_152 step %scan3A_153 iter_args(%scan3A_1366 = %broadcast_in_dim3A_119, %scan3A_1367 = %broadcast_in_dim3A_121, %scan3A_1368 = %broadcast_in_dim3A_123, %scan3A_1369 = %broadcast_in_dim3A_125, %scan3A_1370 = %broadcast_in_dim3A_127, %scan3A_1371 = %broadcast_in_dim3A_129, %scan3A_1372 = %broadcast_in_dim3A_131, %scan3A_1373 = %broadcast_in_dim3A_133, %scan3A_1374 = %broadcast_in_dim3A_135, %scan3A_1375 = %broadcast_in_dim3A_137, %scan3A_1376 = %broadcast_in_dim3A_139, %scan3A_1377 = %broadcast_in_dim3A_141, %scan3A_1378 = %broadcast_in_dim3A_143, %scan3A_1379 = %broadcast_in_dim3A_145, %scan3A_1380 = %broadcast_in_dim3A_147, %scan3A_1381 = %broadcast_in_dim3A_149) -> (vector<16xf32>, vector<16xf32>, vector<16xf32>, vector<16xf32>, vector<16xf32>, vector<16xf32>, vector<16xf32>, vector<16xf32>, vector<16xi32>, vector<16xi32>, vector<16xi32>, vector<16xi32>, vector<16xi32>, vector<16xi32>, vector<16xi32>, vector<16xi32>)  : i32 {
      %mul3A_1382 = arith.constant 32 : i32
      %mul3A_1383 = arith.muli %scan3A_1365, %mul3A_1382 : i32
      %add3A_1384 = arith.constant 0 : i32
      %add3A_1385 = arith.addi %mul3A_1383, %add3A_1384 : i32
      %get3A_1386 = arith.index_cast %add3A_1385 : i32 to index
      %get3A_1387 = tpu.vector_load %arg7[%get3A_1386] {strides = array<i32>} : memref<4096xf32, #tpu.memory_space<vmem>>, vector<16xf32>,
      %get3A_1388 = arith.index_cast %add3A_1385 : i32 to index
      %get3A_1389 = tpu.vector_load %arg8[%get3A_1388] {strides = array<i32>} : memref<4096xf32, #tpu.memory_space<vmem>>, vector<16xf32>,
      %get3A_1390 = arith.index_cast %add3A_1385 : i32 to index
      %get3A_1391 = tpu.vector_load %arg9[%get3A_1390] {strides = array<i32>} : memref<4096xf32, #tpu.memory_space<vmem>>, vector<16xf32>,
      %get3A_1392 = arith.index_cast %add3A_1385 : i32 to index
      %get3A_1393 = tpu.vector_load %arg13[%get3A_1392] {strides = array<i32>} : memref<4096xf32, #tpu.memory_space<vmem>>, vector<16xf32>,
      %add3A_1394 = vector.broadcast %add3A_1385 : i32 to vector<16xi32>
      %add3A_1395 = arith.addi %iota3A, %add3A_1394 : vector<16xi32>
      %sub3A = arith.subf %get3A_1387, %gather3A_25 : vector<16xf32>
      %abs3A = math.absf %sub3A : vector<16xf32>
      %sub3A_1396 = arith.subf %get3A_1389, %gather3A_29 : vector<16xf32>
      %abs3A_1397 = math.absf %sub3A_1396 : vector<16xf32>
      %add3A_1398 = arith.addf %abs3A, %abs3A_1397 : vector<16xf32>
      %sub3A_1399 = arith.subf %get3A_1391, %gather3A_33 : vector<16xf32>
      %abs3A_1400 = math.absf %sub3A_1399 : vector<16xf32>
      %add3A_1401 = arith.addf %add3A_1398, %abs3A_1400 : vector<16xf32>
      %min3A = arith.minimumf %get3A_1393, %add3A_1401 : vector<16xf32>
      %lt3A = arith.cmpf olt, %add3A_1401, %scan3A_1366 : vector<16xf32>
      %select_n3A_1402 = arith.select %lt3A, %add3A_1401, %scan3A_1366 : vector<16xi1>, vector<16xf32>
      %select_n3A_1403 = arith.select %lt3A, %add3A_1395, %scan3A_1374 : vector<16xi1>, vector<16xi32>
      %sub3A_1404 = arith.subf %get3A_1387, %gather3A_37 : vector<16xf32>
      %abs3A_1405 = math.absf %sub3A_1404 : vector<16xf32>
      %sub3A_1406 = arith.subf %get3A_1389, %gather3A_41 : vector<16xf32>
      %abs3A_1407 = math.absf %sub3A_1406 : vector<16xf32>
      %add3A_1408 = arith.addf %abs3A_1405, %abs3A_1407 : vector<16xf32>
      %sub3A_1409 = arith.subf %get3A_1391, %gather3A_45 : vector<16xf32>
      %abs3A_1410 = math.absf %sub3A_1409 : vector<16xf32>
      %add3A_1411 = arith.addf %add3A_1408, %abs3A_1410 : vector<16xf32>
      %min3A_1412 = arith.minimumf %min3A, %add3A_1411 : vector<16xf32>
      %lt3A_1413 = arith.cmpf olt, %add3A_1411, %scan3A_1367 : vector<16xf32>
      %select_n3A_1414 = arith.select %lt3A_1413, %add3A_1411, %scan3A_1367 : vector<16xi1>, vector<16xf32>
      %select_n3A_1415 = arith.select %lt3A_1413, %add3A_1395, %scan3A_1375 : vector<16xi1>, vector<16xi32>
      %sub3A_1416 = arith.subf %get3A_1387, %gather3A_49 : vector<16xf32>
      %abs3A_1417 = math.absf %sub3A_1416 : vector<16xf32>
      %sub3A_1418 = arith.subf %get3A_1389, %gather3A_53 : vector<16xf32>
      %abs3A_1419 = math.absf %sub3A_1418 : vector<16xf32>
      %add3A_1420 = arith.addf %abs3A_1417, %abs3A_1419 : vector<16xf32>
      %sub3A_1421 = arith.subf %get3A_1391, %gather3A_57 : vector<16xf32>
      %abs3A_1422 = math.absf %sub3A_1421 : vector<16xf32>
      %add3A_1423 = arith.addf %add3A_1420, %abs3A_1422 : vector<16xf32>
      %min3A_1424 = arith.minimumf %min3A_1412, %add3A_1423 : vector<16xf32>
      %lt3A_1425 = arith.cmpf olt, %add3A_1423, %scan3A_1368 : vector<16xf32>
      %select_n3A_1426 = arith.select %lt3A_1425, %add3A_1423, %scan3A_1368 : vector<16xi1>, vector<16xf32>
      %select_n3A_1427 = arith.select %lt3A_1425, %add3A_1395, %scan3A_1376 : vector<16xi1>, vector<16xi32>
      %sub3A_1428 = arith.subf %get3A_1387, %gather3A_61 : vector<16xf32>
      %abs3A_1429 = math.absf %sub3A_1428 : vector<16xf32>
      %sub3A_1430 = arith.subf %get3A_1389, %gather3A_65 : vector<16xf32>
      %abs3A_1431 = math.absf %sub3A_1430 : vector<16xf32>
      %add3A_1432 = arith.addf %abs3A_1429, %abs3A_1431 : vector<16xf32>
      %sub3A_1433 = arith.subf %get3A_1391, %gather3A_69 : vector<16xf32>
      %abs3A_1434 = math.absf %sub3A_1433 : vector<16xf32>
      %add3A_1435 = arith.addf %add3A_1432, %abs3A_1434 : vector<16xf32>
      %min3A_1436 = arith.minimumf %min3A_1424, %add3A_1435 : vector<16xf32>
      %lt3A_1437 = arith.cmpf olt, %add3A_1435, %scan3A_1369 : vector<16xf32>
      %select_n3A_1438 = arith.select %lt3A_1437, %add3A_1435, %scan3A_1369 : vector<16xi1>, vector<16xf32>
      %select_n3A_1439 = arith.select %lt3A_1437, %add3A_1395, %scan3A_1377 : vector<16xi1>, vector<16xi32>
      %sub3A_1440 = arith.subf %get3A_1387, %gather3A_73 : vector<16xf32>
      %abs3A_1441 = math.absf %sub3A_1440 : vector<16xf32>
      %sub3A_1442 = arith.subf %get3A_1389, %gather3A_77 : vector<16xf32>
      %abs3A_1443 = math.absf %sub3A_1442 : vector<16xf32>
      %add3A_1444 = arith.addf %abs3A_1441, %abs3A_1443 : vector<16xf32>
      %sub3A_1445 = arith.subf %get3A_1391, %gather3A_81 : vector<16xf32>
      %abs3A_1446 = math.absf %sub3A_1445 : vector<16xf32>
      %add3A_1447 = arith.addf %add3A_1444, %abs3A_1446 : vector<16xf32>
      %min3A_1448 = arith.minimumf %min3A_1436, %add3A_1447 : vector<16xf32>
      %lt3A_1449 = arith.cmpf olt, %add3A_1447, %scan3A_1370 : vector<16xf32>
      %select_n3A_1450 = arith.select %lt3A_1449, %add3A_1447, %scan3A_1370 : vector<16xi1>, vector<16xf32>
      %select_n3A_1451 = arith.select %lt3A_1449, %add3A_1395, %scan3A_1378 : vector<16xi1>, vector<16xi32>
      %sub3A_1452 = arith.subf %get3A_1387, %gather3A_85 : vector<16xf32>
      %abs3A_1453 = math.absf %sub3A_1452 : vector<16xf32>
      %sub3A_1454 = arith.subf %get3A_1389, %gather3A_89 : vector<16xf32>
      %abs3A_1455 = math.absf %sub3A_1454 : vector<16xf32>
      %add3A_1456 = arith.addf %abs3A_1453, %abs3A_1455 : vector<16xf32>
      %sub3A_1457 = arith.subf %get3A_1391, %gather3A_93 : vector<16xf32>
      %abs3A_1458 = math.absf %sub3A_1457 : vector<16xf32>
      %add3A_1459 = arith.addf %add3A_1456, %abs3A_1458 : vector<16xf32>
      %min3A_1460 = arith.minimumf %min3A_1448, %add3A_1459 : vector<16xf32>
      %lt3A_1461 = arith.cmpf olt, %add3A_1459, %scan3A_1371 : vector<16xf32>
      %select_n3A_1462 = arith.select %lt3A_1461, %add3A_1459, %scan3A_1371 : vector<16xi1>, vector<16xf32>
      %select_n3A_1463 = arith.select %lt3A_1461, %add3A_1395, %scan3A_1379 : vector<16xi1>, vector<16xi32>
      %sub3A_1464 = arith.subf %get3A_1387, %gather3A_97 : vector<16xf32>
      %abs3A_1465 = math.absf %sub3A_1464 : vector<16xf32>
      %sub3A_1466 = arith.subf %get3A_1389, %gather3A_101 : vector<16xf32>
      %abs3A_1467 = math.absf %sub3A_1466 : vector<16xf32>
      %add3A_1468 = arith.addf %abs3A_1465, %abs3A_1467 : vector<16xf32>
      %sub3A_1469 = arith.subf %get3A_1391, %gather3A_105 : vector<16xf32>
      %abs3A_1470 = math.absf %sub3A_1469 : vector<16xf32>
      %add3A_1471 = arith.addf %add3A_1468, %abs3A_1470 : vector<16xf32>
      %min3A_1472 = arith.minimumf %min3A_1460, %add3A_1471 : vector<16xf32>
      %lt3A_1473 = arith.cmpf olt, %add3A_1471, %scan3A_1372 : vector<16xf32>
      %select_n3A_1474 = arith.select %lt3A_1473, %add3A_1471, %scan3A_1372 : vector<16xi1>, vector<16xf32>
      %select_n3A_1475 = arith.select %lt3A_1473, %add3A_1395, %scan3A_1380 : vector<16xi1>, vector<16xi32>
      %sub3A_1476 = arith.subf %get3A_1387, %gather3A_109 : vector<16xf32>
      %abs3A_1477 = math.absf %sub3A_1476 : vector<16xf32>
      %sub3A_1478 = arith.subf %get3A_1389, %gather3A_113 : vector<16xf32>
      %abs3A_1479 = math.absf %sub3A_1478 : vector<16xf32>
      %add3A_1480 = arith.addf %abs3A_1477, %abs3A_1479 : vector<16xf32>
      %sub3A_1481 = arith.subf %get3A_1391, %gather3A_117 : vector<16xf32>
      %abs3A_1482 = math.absf %sub3A_1481 : vector<16xf32>
      %add3A_1483 = arith.addf %add3A_1480, %abs3A_1482 : vector<16xf32>
      %min3A_1484 = arith.minimumf %min3A_1472, %add3A_1483 : vector<16xf32>
      %lt3A_1485 = arith.cmpf olt, %add3A_1483, %scan3A_1373 : vector<16xf32>
      %select_n3A_1486 = arith.select %lt3A_1485, %add3A_1483, %scan3A_1373 : vector<16xi1>, vector<16xf32>
      %select_n3A_1487 = arith.select %lt3A_1485, %add3A_1395, %scan3A_1381 : vector<16xi1>, vector<16xi32>
      %swap3A_1488 = arith.index_cast %add3A_1385 : i32 to index
      %swap3A_1489 = tpu.vector_load %arg13[%swap3A_1488] {strides = array<i32>} : memref<4096xf32, #tpu.memory_space<vmem>>, vector<16xf32>,
      tpu.vector_store %arg13[%swap3A_1488], %min3A_1484 {strides = array<i32>} : memref<4096xf32, #tpu.memory_space<vmem>>, vector<16xf32>,
      %mul3A_1490 = arith.constant 32 : i32
      %mul3A_1491 = arith.muli %scan3A_1365, %mul3A_1490 : i32
      %add3A_1492 = arith.constant 16 : i32
      %add3A_1493 = arith.addi %mul3A_1491, %add3A_1492 : i32
      %get3A_1494 = arith.index_cast %add3A_1493 : i32 to index
      %get3A_1495 = tpu.vector_load %arg7[%get3A_1494] {strides = array<i32>} : memref<4096xf32, #tpu.memory_space<vmem>>, vector<16xf32>,
      %get3A_1496 = arith.index_cast %add3A_1493 : i32 to index
      %get3A_1497 = tpu.vector_load %arg8[%get3A_1496] {strides = array<i32>} : memref<4096xf32, #tpu.memory_space<vmem>>, vector<16xf32>,
      %get3A_1498 = arith.index_cast %add3A_1493 : i32 to index
      %get3A_1499 = tpu.vector_load %arg9[%get3A_1498] {strides = array<i32>} : memref<4096xf32, #tpu.memory_space<vmem>>, vector<16xf32>,
      %get3A_1500 = arith.index_cast %add3A_1493 : i32 to index
      %get3A_1501 = tpu.vector_load %arg13[%get3A_1500] {strides = array<i32>} : memref<4096xf32, #tpu.memory_space<vmem>>, vector<16xf32>,
      %add3A_1502 = vector.broadcast %add3A_1493 : i32 to vector<16xi32>
      %add3A_1503 = arith.addi %iota3A, %add3A_1502 : vector<16xi32>
      %sub3A_1504 = arith.subf %get3A_1495, %gather3A_25 : vector<16xf32>
      %abs3A_1505 = math.absf %sub3A_1504 : vector<16xf32>
      %sub3A_1506 = arith.subf %get3A_1497, %gather3A_29 : vector<16xf32>
      %abs3A_1507 = math.absf %sub3A_1506 : vector<16xf32>
      %add3A_1508 = arith.addf %abs3A_1505, %abs3A_1507 : vector<16xf32>
      %sub3A_1509 = arith.subf %get3A_1499, %gather3A_33 : vector<16xf32>
      %abs3A_1510 = math.absf %sub3A_1509 : vector<16xf32>
      %add3A_1511 = arith.addf %add3A_1508, %abs3A_1510 : vector<16xf32>
      %min3A_1512 = arith.minimumf %get3A_1501, %add3A_1511 : vector<16xf32>
      %lt3A_1513 = arith.cmpf olt, %add3A_1511, %select_n3A_1402 : vector<16xf32>
      %select_n3A_1514 = arith.select %lt3A_1513, %add3A_1511, %select_n3A_1402 : vector<16xi1>, vector<16xf32>
      %select_n3A_1515 = arith.select %lt3A_1513, %add3A_1503, %select_n3A_1403 : vector<16xi1>, vector<16xi32>
      %sub3A_1516 = arith.subf %get3A_1495, %gather3A_37 : vector<16xf32>
      %abs3A_1517 = math.absf %sub3A_1516 : vector<16xf32>
      %sub3A_1518 = arith.subf %get3A_1497, %gather3A_41 : vector<16xf32>
      %abs3A_1519 = math.absf %sub3A_1518 : vector<16xf32>
      %add3A_1520 = arith.addf %abs3A_1517, %abs3A_1519 : vector<16xf32>
      %sub3A_1521 = arith.subf %get3A_1499, %gather3A_45 : vector<16xf32>
      %abs3A_1522 = math.absf %sub3A_1521 : vector<16xf32>
      %add3A_1523 = arith.addf %add3A_1520, %abs3A_1522 : vector<16xf32>
      %min3A_1524 = arith.minimumf %min3A_1512, %add3A_1523 : vector<16xf32>
      %lt3A_1525 = arith.cmpf olt, %add3A_1523, %select_n3A_1414 : vector<16xf32>
      %select_n3A_1526 = arith.select %lt3A_1525, %add3A_1523, %select_n3A_1414 : vector<16xi1>, vector<16xf32>
      %select_n3A_1527 = arith.select %lt3A_1525, %add3A_1503, %select_n3A_1415 : vector<16xi1>, vector<16xi32>
      %sub3A_1528 = arith.subf %get3A_1495, %gather3A_49 : vector<16xf32>
      %abs3A_1529 = math.absf %sub3A_1528 : vector<16xf32>
      %sub3A_1530 = arith.subf %get3A_1497, %gather3A_53 : vector<16xf32>
      %abs3A_1531 = math.absf %sub3A_1530 : vector<16xf32>
      %add3A_1532 = arith.addf %abs3A_1529, %abs3A_1531 : vector<16xf32>
      %sub3A_1533 = arith.subf %get3A_1499, %gather3A_57 : vector<16xf32>
      %abs3A_1534 = math.absf %sub3A_1533 : vector<16xf32>
      %add3A_1535 = arith.addf %add3A_1532, %abs3A_1534 : vector<16xf32>
      %min3A_1536 = arith.minimumf %min3A_1524, %add3A_1535 : vector<16xf32>
      %lt3A_1537 = arith.cmpf olt, %add3A_1535, %select_n3A_1426 : vector<16xf32>
      %select_n3A_1538 = arith.select %lt3A_1537, %add3A_1535, %select_n3A_1426 : vector<16xi1>, vector<16xf32>
      %select_n3A_1539 = arith.select %lt3A_1537, %add3A_1503, %select_n3A_1427 : vector<16xi1>, vector<16xi32>
      %sub3A_1540 = arith.subf %get3A_1495, %gather3A_61 : vector<16xf32>
      %abs3A_1541 = math.absf %sub3A_1540 : vector<16xf32>
      %sub3A_1542 = arith.subf %get3A_1497, %gather3A_65 : vector<16xf32>
      %abs3A_1543 = math.absf %sub3A_1542 : vector<16xf32>
      %add3A_1544 = arith.addf %abs3A_1541, %abs3A_1543 : vector<16xf32>
      %sub3A_1545 = arith.subf %get3A_1499, %gather3A_69 : vector<16xf32>
      %abs3A_1546 = math.absf %sub3A_1545 : vector<16xf32>
      %add3A_1547 = arith.addf %add3A_1544, %abs3A_1546 : vector<16xf32>
      %min3A_1548 = arith.minimumf %min3A_1536, %add3A_1547 : vector<16xf32>
      %lt3A_1549 = arith.cmpf olt, %add3A_1547, %select_n3A_1438 : vector<16xf32>
      %select_n3A_1550 = arith.select %lt3A_1549, %add3A_1547, %select_n3A_1438 : vector<16xi1>, vector<16xf32>
      %select_n3A_1551 = arith.select %lt3A_1549, %add3A_1503, %select_n3A_1439 : vector<16xi1>, vector<16xi32>
      %sub3A_1552 = arith.subf %get3A_1495, %gather3A_73 : vector<16xf32>
      %abs3A_1553 = math.absf %sub3A_1552 : vector<16xf32>
      %sub3A_1554 = arith.subf %get3A_1497, %gather3A_77 : vector<16xf32>
      %abs3A_1555 = math.absf %sub3A_1554 : vector<16xf32>
      %add3A_1556 = arith.addf %abs3A_1553, %abs3A_1555 : vector<16xf32>
      %sub3A_1557 = arith.subf %get3A_1499, %gather3A_81 : vector<16xf32>
      %abs3A_1558 = math.absf %sub3A_1557 : vector<16xf32>
      %add3A_1559 = arith.addf %add3A_1556, %abs3A_1558 : vector<16xf32>
      %min3A_1560 = arith.minimumf %min3A_1548, %add3A_1559 : vector<16xf32>
      %lt3A_1561 = arith.cmpf olt, %add3A_1559, %select_n3A_1450 : vector<16xf32>
      %select_n3A_1562 = arith.select %lt3A_1561, %add3A_1559, %select_n3A_1450 : vector<16xi1>, vector<16xf32>
      %select_n3A_1563 = arith.select %lt3A_1561, %add3A_1503, %select_n3A_1451 : vector<16xi1>, vector<16xi32>
      %sub3A_1564 = arith.subf %get3A_1495, %gather3A_85 : vector<16xf32>
      %abs3A_1565 = math.absf %sub3A_1564 : vector<16xf32>
      %sub3A_1566 = arith.subf %get3A_1497, %gather3A_89 : vector<16xf32>
      %abs3A_1567 = math.absf %sub3A_1566 : vector<16xf32>
      %add3A_1568 = arith.addf %abs3A_1565, %abs3A_1567 : vector<16xf32>
      %sub3A_1569 = arith.subf %get3A_1499, %gather3A_93 : vector<16xf32>
      %abs3A_1570 = math.absf %sub3A_1569 : vector<16xf32>
      %add3A_1571 = arith.addf %add3A_1568, %abs3A_1570 : vector<16xf32>
      %min3A_1572 = arith.minimumf %min3A_1560, %add3A_1571 : vector<16xf32>
      %lt3A_1573 = arith.cmpf olt, %add3A_1571, %select_n3A_1462 : vector<16xf32>
      %select_n3A_1574 = arith.select %lt3A_1573, %add3A_1571, %select_n3A_1462 : vector<16xi1>, vector<16xf32>
      %select_n3A_1575 = arith.select %lt3A_1573, %add3A_1503, %select_n3A_1463 : vector<16xi1>, vector<16xi32>
      %sub3A_1576 = arith.subf %get3A_1495, %gather3A_97 : vector<16xf32>
      %abs3A_1577 = math.absf %sub3A_1576 : vector<16xf32>
      %sub3A_1578 = arith.subf %get3A_1497, %gather3A_101 : vector<16xf32>
      %abs3A_1579 = math.absf %sub3A_1578 : vector<16xf32>
      %add3A_1580 = arith.addf %abs3A_1577, %abs3A_1579 : vector<16xf32>
      %sub3A_1581 = arith.subf %get3A_1499, %gather3A_105 : vector<16xf32>
      %abs3A_1582 = math.absf %sub3A_1581 : vector<16xf32>
      %add3A_1583 = arith.addf %add3A_1580, %abs3A_1582 : vector<16xf32>
      %min3A_1584 = arith.minimumf %min3A_1572, %add3A_1583 : vector<16xf32>
      %lt3A_1585 = arith.cmpf olt, %add3A_1583, %select_n3A_1474 : vector<16xf32>
      %select_n3A_1586 = arith.select %lt3A_1585, %add3A_1583, %select_n3A_1474 : vector<16xi1>, vector<16xf32>
      %select_n3A_1587 = arith.select %lt3A_1585, %add3A_1503, %select_n3A_1475 : vector<16xi1>, vector<16xi32>
      %sub3A_1588 = arith.subf %get3A_1495, %gather3A_109 : vector<16xf32>
      %abs3A_1589 = math.absf %sub3A_1588 : vector<16xf32>
      %sub3A_1590 = arith.subf %get3A_1497, %gather3A_113 : vector<16xf32>
      %abs3A_1591 = math.absf %sub3A_1590 : vector<16xf32>
      %add3A_1592 = arith.addf %abs3A_1589, %abs3A_1591 : vector<16xf32>
      %sub3A_1593 = arith.subf %get3A_1499, %gather3A_117 : vector<16xf32>
      %abs3A_1594 = math.absf %sub3A_1593 : vector<16xf32>
      %add3A_1595 = arith.addf %add3A_1592, %abs3A_1594 : vector<16xf32>
      %min3A_1596 = arith.minimumf %min3A_1584, %add3A_1595 : vector<16xf32>
      %lt3A_1597 = arith.cmpf olt, %add3A_1595, %select_n3A_1486 : vector<16xf32>
      %select_n3A_1598 = arith.select %lt3A_1597, %add3A_1595, %select_n3A_1486 : vector<16xi1>, vector<16xf32>
      %select_n3A_1599 = arith.select %lt3A_1597, %add3A_1503, %select_n3A_1487 : vector<16xi1>, vector<16xi32>
      %swap3A_1600 = arith.index_cast %add3A_1493 : i32 to index
      %swap3A_1601 = tpu.vector_load %arg13[%swap3A_1600] {strides = array<i32>} : memref<4096xf32, #tpu.memory_space<vmem>>, vector<16xf32>,
      tpu.vector_store %arg13[%swap3A_1600], %min3A_1596 {strides = array<i32>} : memref<4096xf32, #tpu.memory_space<vmem>>, vector<16xf32>,
      scf.yield %select_n3A_1514, %select_n3A_1526, %select_n3A_1538, %select_n3A_1550, %select_n3A_1562, %select_n3A_1574, %select_n3A_1586, %select_n3A_1598, %select_n3A_1515, %select_n3A_1527, %select_n3A_1539, %select_n3A_1551, %select_n3A_1563, %select_n3A_1575, %select_n3A_1587, %select_n3A_1599 : vector<16xf32>, vector<16xf32>, vector<16xf32>, vector<16xf32>, vector<16xf32>, vector<16xf32>, vector<16xf32>, vector<16xf32>, vector<16xi32>, vector<16xi32>, vector<16xi32>, vector<16xi32>, vector<16xi32>, vector<16xi32>, vector<16xi32>, vector<16xi32>
    }
    %scan3A_155 = arith.constant 128 : i32
    %reduce_min3A = arith.constant true
    %reduce_min3A_156 = vector.broadcast %reduce_min3A : i1 to vector<16xi1>
    %reduce_min3A_157 = tpu.scan <min>, %scan3A_154#0 masked %reduce_min3A_156 : vector<16xf32>, vector<16xi1> -> vector<16xf32>
    %reduce_min3A_158 = vector.extract %reduce_min3A_157[15] : f32 from vector<16xf32>
    %eq3A = vector.broadcast %reduce_min3A_158 : f32 to vector<16xf32>
    %eq3A_159 = arith.cmpf oeq, %scan3A_154#0, %eq3A : vector<16xf32>
    %jit3A = arith.constant 4096 : i32
    %broadcast_in_dim3A_160 = vector.broadcast %jit3A : i32 to vector<16xi32>
    %select_n3A = arith.select %eq3A_159, %scan3A_154#8, %broadcast_in_dim3A_160 : vector<16xi1>, vector<16xi32>
    %reduce_min3A_161 = arith.constant true
    %reduce_min3A_162 = vector.broadcast %reduce_min3A_161 : i1 to vector<16xi1>
    %reduce_min3A_163 = arith.constant -2147483648 : i32
    %reduce_min3A_164 = vector.broadcast %reduce_min3A_163 : i32 to vector<16xi32>
    %reduce_min3A_165 = arith.xori %select_n3A, %reduce_min3A_164 : vector<16xi32>
    %reduce_min3A_166 = tpu.scan <min>, %reduce_min3A_165 masked %reduce_min3A_162 : vector<16xi32>, vector<16xi1> -> vector<16xi32>
    %reduce_min3A_167 = arith.xori %reduce_min3A_166, %reduce_min3A_164 : vector<16xi32>
    %reduce_min3A_168 = vector.extract %reduce_min3A_167[15] : i32 from vector<16xi32>
    %eq3A_169 = arith.constant 0 : i32
    %eq3A_170 = vector.broadcast %eq3A_169 : i32 to vector<16xi32>
    %eq3A_171 = arith.cmpi eq, %iota3A, %eq3A_170 : vector<16xi32>
    %broadcast_in_dim3A_172 = vector.broadcast %reduce_min3A_158 : f32 to vector<16xf32>
    %select_n3A_173 = arith.select %eq3A_171, %broadcast_in_dim3A_172, %broadcast_in_dim3A_15 : vector<16xi1>, vector<16xf32>
    %broadcast_in_dim3A_174 = vector.broadcast %reduce_min3A_168 : i32 to vector<16xi32>
    %select_n3A_175 = arith.select %eq3A_171, %broadcast_in_dim3A_174, %broadcast_in_dim3A_17 : vector<16xi1>, vector<16xi32>
    %reduce_min3A_176 = arith.constant true
    %reduce_min3A_177 = vector.broadcast %reduce_min3A_176 : i1 to vector<16xi1>
    %reduce_min3A_178 = tpu.scan <min>, %scan3A_154#1 masked %reduce_min3A_177 : vector<16xf32>, vector<16xi1> -> vector<16xf32>
    %reduce_min3A_179 = vector.extract %reduce_min3A_178[15] : f32 from vector<16xf32>
    %eq3A_180 = vector.broadcast %reduce_min3A_179 : f32 to vector<16xf32>
    %eq3A_181 = arith.cmpf oeq, %scan3A_154#1, %eq3A_180 : vector<16xf32>
    %jit3A_182 = arith.constant 4096 : i32
    %broadcast_in_dim3A_183 = vector.broadcast %jit3A_182 : i32 to vector<16xi32>
    %select_n3A_184 = arith.select %eq3A_181, %scan3A_154#9, %broadcast_in_dim3A_183 : vector<16xi1>, vector<16xi32>
    %reduce_min3A_185 = arith.constant true
    %reduce_min3A_186 = vector.broadcast %reduce_min3A_185 : i1 to vector<16xi1>
    %reduce_min3A_187 = arith.constant -2147483648 : i32
    %reduce_min3A_188 = vector.broadcast %reduce_min3A_187 : i32 to vector<16xi32>
    %reduce_min3A_189 = arith.xori %select_n3A_184, %reduce_min3A_188 : vector<16xi32>
    %reduce_min3A_190 = tpu.scan <min>, %reduce_min3A_189 masked %reduce_min3A_186 : vector<16xi32>, vector<16xi1> -> vector<16xi32>
    %reduce_min3A_191 = arith.xori %reduce_min3A_190, %reduce_min3A_188 : vector<16xi32>
    %reduce_min3A_192 = vector.extract %reduce_min3A_191[15] : i32 from vector<16xi32>
    %eq3A_193 = arith.constant 1 : i32
    %eq3A_194 = vector.broadcast %eq3A_193 : i32 to vector<16xi32>
    %eq3A_195 = arith.cmpi eq, %iota3A, %eq3A_194 : vector<16xi32>
    %broadcast_in_dim3A_196 = vector.broadcast %reduce_min3A_179 : f32 to vector<16xf32>
    %select_n3A_197 = arith.select %eq3A_195, %broadcast_in_dim3A_196, %select_n3A_173 : vector<16xi1>, vector<16xf32>
    %broadcast_in_dim3A_198 = vector.broadcast %reduce_min3A_192 : i32 to vector<16xi32>
    %select_n3A_199 = arith.select %eq3A_195, %broadcast_in_dim3A_198, %select_n3A_175 : vector<16xi1>, vector<16xi32>
    %reduce_min3A_200 = arith.constant true
    %reduce_min3A_201 = vector.broadcast %reduce_min3A_200 : i1 to vector<16xi1>
    %reduce_min3A_202 = tpu.scan <min>, %scan3A_154#2 masked %reduce_min3A_201 : vector<16xf32>, vector<16xi1> -> vector<16xf32>
    %reduce_min3A_203 = vector.extract %reduce_min3A_202[15] : f32 from vector<16xf32>
    %eq3A_204 = vector.broadcast %reduce_min3A_203 : f32 to vector<16xf32>
    %eq3A_205 = arith.cmpf oeq, %scan3A_154#2, %eq3A_204 : vector<16xf32>
    %jit3A_206 = arith.constant 4096 : i32
    %broadcast_in_dim3A_207 = vector.broadcast %jit3A_206 : i32 to vector<16xi32>
    %select_n3A_208 = arith.select %eq3A_205, %scan3A_154#10, %broadcast_in_dim3A_207 : vector<16xi1>, vector<16xi32>
    %reduce_min3A_209 = arith.constant true
    %reduce_min3A_210 = vector.broadcast %reduce_min3A_209 : i1 to vector<16xi1>
    %reduce_min3A_211 = arith.constant -2147483648 : i32
    %reduce_min3A_212 = vector.broadcast %reduce_min3A_211 : i32 to vector<16xi32>
    %reduce_min3A_213 = arith.xori %select_n3A_208, %reduce_min3A_212 : vector<16xi32>
    %reduce_min3A_214 = tpu.scan <min>, %reduce_min3A_213 masked %reduce_min3A_210 : vector<16xi32>, vector<16xi1> -> vector<16xi32>
    %reduce_min3A_215 = arith.xori %reduce_min3A_214, %reduce_min3A_212 : vector<16xi32>
    %reduce_min3A_216 = vector.extract %reduce_min3A_215[15] : i32 from vector<16xi32>
    %eq3A_217 = arith.constant 2 : i32
    %eq3A_218 = vector.broadcast %eq3A_217 : i32 to vector<16xi32>
    %eq3A_219 = arith.cmpi eq, %iota3A, %eq3A_218 : vector<16xi32>
    %broadcast_in_dim3A_220 = vector.broadcast %reduce_min3A_203 : f32 to vector<16xf32>
    %select_n3A_221 = arith.select %eq3A_219, %broadcast_in_dim3A_220, %select_n3A_197 : vector<16xi1>, vector<16xf32>
    %broadcast_in_dim3A_222 = vector.broadcast %reduce_min3A_216 : i32 to vector<16xi32>
    %select_n3A_223 = arith.select %eq3A_219, %broadcast_in_dim3A_222, %select_n3A_199 : vector<16xi1>, vector<16xi32>
    %reduce_min3A_224 = arith.constant true
    %reduce_min3A_225 = vector.broadcast %reduce_min3A_224 : i1 to vector<16xi1>
    %reduce_min3A_226 = tpu.scan <min>, %scan3A_154#3 masked %reduce_min3A_225 : vector<16xf32>, vector<16xi1> -> vector<16xf32>
    %reduce_min3A_227 = vector.extract %reduce_min3A_226[15] : f32 from vector<16xf32>
    %eq3A_228 = vector.broadcast %reduce_min3A_227 : f32 to vector<16xf32>
    %eq3A_229 = arith.cmpf oeq, %scan3A_154#3, %eq3A_228 : vector<16xf32>
    %jit3A_230 = arith.constant 4096 : i32
    %broadcast_in_dim3A_231 = vector.broadcast %jit3A_230 : i32 to vector<16xi32>
    %select_n3A_232 = arith.select %eq3A_229, %scan3A_154#11, %broadcast_in_dim3A_231 : vector<16xi1>, vector<16xi32>
    %reduce_min3A_233 = arith.constant true
    %reduce_min3A_234 = vector.broadcast %reduce_min3A_233 : i1 to vector<16xi1>
    %reduce_min3A_235 = arith.constant -2147483648 : i32
    %reduce_min3A_236 = vector.broadcast %reduce_min3A_235 : i32 to vector<16xi32>
    %reduce_min3A_237 = arith.xori %select_n3A_232, %reduce_min3A_236 : vector<16xi32>
    %reduce_min3A_238 = tpu.scan <min>, %reduce_min3A_237 masked %reduce_min3A_234 : vector<16xi32>, vector<16xi1> -> vector<16xi32>
    %reduce_min3A_239 = arith.xori %reduce_min3A_238, %reduce_min3A_236 : vector<16xi32>
    %reduce_min3A_240 = vector.extract %reduce_min3A_239[15] : i32 from vector<16xi32>
    %eq3A_241 = arith.constant 3 : i32
    %eq3A_242 = vector.broadcast %eq3A_241 : i32 to vector<16xi32>
    %eq3A_243 = arith.cmpi eq, %iota3A, %eq3A_242 : vector<16xi32>
    %broadcast_in_dim3A_244 = vector.broadcast %reduce_min3A_227 : f32 to vector<16xf32>
    %select_n3A_245 = arith.select %eq3A_243, %broadcast_in_dim3A_244, %select_n3A_221 : vector<16xi1>, vector<16xf32>
    %broadcast_in_dim3A_246 = vector.broadcast %reduce_min3A_240 : i32 to vector<16xi32>
    %select_n3A_247 = arith.select %eq3A_243, %broadcast_in_dim3A_246, %select_n3A_223 : vector<16xi1>, vector<16xi32>
    %reduce_min3A_248 = arith.constant true
    %reduce_min3A_249 = vector.broadcast %reduce_min3A_248 : i1 to vector<16xi1>
    %reduce_min3A_250 = tpu.scan <min>, %scan3A_154#4 masked %reduce_min3A_249 : vector<16xf32>, vector<16xi1> -> vector<16xf32>
    %reduce_min3A_251 = vector.extract %reduce_min3A_250[15] : f32 from vector<16xf32>
    %eq3A_252 = vector.broadcast %reduce_min3A_251 : f32 to vector<16xf32>
    %eq3A_253 = arith.cmpf oeq, %scan3A_154#4, %eq3A_252 : vector<16xf32>
    %jit3A_254 = arith.constant 4096 : i32
    %broadcast_in_dim3A_255 = vector.broadcast %jit3A_254 : i32 to vector<16xi32>
    %select_n3A_256 = arith.select %eq3A_253, %scan3A_154#12, %broadcast_in_dim3A_255 : vector<16xi1>, vector<16xi32>
    %reduce_min3A_257 = arith.constant true
    %reduce_min3A_258 = vector.broadcast %reduce_min3A_257 : i1 to vector<16xi1>
    %reduce_min3A_259 = arith.constant -2147483648 : i32
    %reduce_min3A_260 = vector.broadcast %reduce_min3A_259 : i32 to vector<16xi32>
    %reduce_min3A_261 = arith.xori %select_n3A_256, %reduce_min3A_260 : vector<16xi32>
    %reduce_min3A_262 = tpu.scan <min>, %reduce_min3A_261 masked %reduce_min3A_258 : vector<16xi32>, vector<16xi1> -> vector<16xi32>
    %reduce_min3A_263 = arith.xori %reduce_min3A_262, %reduce_min3A_260 : vector<16xi32>
    %reduce_min3A_264 = vector.extract %reduce_min3A_263[15] : i32 from vector<16xi32>
    %eq3A_265 = arith.constant 4 : i32
    %eq3A_266 = vector.broadcast %eq3A_265 : i32 to vector<16xi32>
    %eq3A_267 = arith.cmpi eq, %iota3A, %eq3A_266 : vector<16xi32>
    %broadcast_in_dim3A_268 = vector.broadcast %reduce_min3A_251 : f32 to vector<16xf32>
    %select_n3A_269 = arith.select %eq3A_267, %broadcast_in_dim3A_268, %select_n3A_245 : vector<16xi1>, vector<16xf32>
    %broadcast_in_dim3A_270 = vector.broadcast %reduce_min3A_264 : i32 to vector<16xi32>
    %select_n3A_271 = arith.select %eq3A_267, %broadcast_in_dim3A_270, %select_n3A_247 : vector<16xi1>, vector<16xi32>
    %reduce_min3A_272 = arith.constant true
    %reduce_min3A_273 = vector.broadcast %reduce_min3A_272 : i1 to vector<16xi1>
    %reduce_min3A_274 = tpu.scan <min>, %scan3A_154#5 masked %reduce_min3A_273 : vector<16xf32>, vector<16xi1> -> vector<16xf32>
    %reduce_min3A_275 = vector.extract %reduce_min3A_274[15] : f32 from vector<16xf32>
    %eq3A_276 = vector.broadcast %reduce_min3A_275 : f32 to vector<16xf32>
    %eq3A_277 = arith.cmpf oeq, %scan3A_154#5, %eq3A_276 : vector<16xf32>
    %jit3A_278 = arith.constant 4096 : i32
    %broadcast_in_dim3A_279 = vector.broadcast %jit3A_278 : i32 to vector<16xi32>
    %select_n3A_280 = arith.select %eq3A_277, %scan3A_154#13, %broadcast_in_dim3A_279 : vector<16xi1>, vector<16xi32>
    %reduce_min3A_281 = arith.constant true
    %reduce_min3A_282 = vector.broadcast %reduce_min3A_281 : i1 to vector<16xi1>
    %reduce_min3A_283 = arith.constant -2147483648 : i32
    %reduce_min3A_284 = vector.broadcast %reduce_min3A_283 : i32 to vector<16xi32>
    %reduce_min3A_285 = arith.xori %select_n3A_280, %reduce_min3A_284 : vector<16xi32>
    %reduce_min3A_286 = tpu.scan <min>, %reduce_min3A_285 masked %reduce_min3A_282 : vector<16xi32>, vector<16xi1> -> vector<16xi32>
    %reduce_min3A_287 = arith.xori %reduce_min3A_286, %reduce_min3A_284 : vector<16xi32>
    %reduce_min3A_288 = vector.extract %reduce_min3A_287[15] : i32 from vector<16xi32>
    %eq3A_289 = arith.constant 5 : i32
    %eq3A_290 = vector.broadcast %eq3A_289 : i32 to vector<16xi32>
    %eq3A_291 = arith.cmpi eq, %iota3A, %eq3A_290 : vector<16xi32>
    %broadcast_in_dim3A_292 = vector.broadcast %reduce_min3A_275 : f32 to vector<16xf32>
    %select_n3A_293 = arith.select %eq3A_291, %broadcast_in_dim3A_292, %select_n3A_269 : vector<16xi1>, vector<16xf32>
    %broadcast_in_dim3A_294 = vector.broadcast %reduce_min3A_288 : i32 to vector<16xi32>
    %select_n3A_295 = arith.select %eq3A_291, %broadcast_in_dim3A_294, %select_n3A_271 : vector<16xi1>, vector<16xi32>
    %reduce_min3A_296 = arith.constant true
    %reduce_min3A_297 = vector.broadcast %reduce_min3A_296 : i1 to vector<16xi1>
    %reduce_min3A_298 = tpu.scan <min>, %scan3A_154#6 masked %reduce_min3A_297 : vector<16xf32>, vector<16xi1> -> vector<16xf32>
    %reduce_min3A_299 = vector.extract %reduce_min3A_298[15] : f32 from vector<16xf32>
    %eq3A_300 = vector.broadcast %reduce_min3A_299 : f32 to vector<16xf32>
    %eq3A_301 = arith.cmpf oeq, %scan3A_154#6, %eq3A_300 : vector<16xf32>
    %jit3A_302 = arith.constant 4096 : i32
    %broadcast_in_dim3A_303 = vector.broadcast %jit3A_302 : i32 to vector<16xi32>
    %select_n3A_304 = arith.select %eq3A_301, %scan3A_154#14, %broadcast_in_dim3A_303 : vector<16xi1>, vector<16xi32>
    %reduce_min3A_305 = arith.constant true
    %reduce_min3A_306 = vector.broadcast %reduce_min3A_305 : i1 to vector<16xi1>
    %reduce_min3A_307 = arith.constant -2147483648 : i32
    %reduce_min3A_308 = vector.broadcast %reduce_min3A_307 : i32 to vector<16xi32>
    %reduce_min3A_309 = arith.xori %select_n3A_304, %reduce_min3A_308 : vector<16xi32>
    %reduce_min3A_310 = tpu.scan <min>, %reduce_min3A_309 masked %reduce_min3A_306 : vector<16xi32>, vector<16xi1> -> vector<16xi32>
    %reduce_min3A_311 = arith.xori %reduce_min3A_310, %reduce_min3A_308 : vector<16xi32>
    %reduce_min3A_312 = vector.extract %reduce_min3A_311[15] : i32 from vector<16xi32>
    %eq3A_313 = arith.constant 6 : i32
    %eq3A_314 = vector.broadcast %eq3A_313 : i32 to vector<16xi32>
    %eq3A_315 = arith.cmpi eq, %iota3A, %eq3A_314 : vector<16xi32>
    %broadcast_in_dim3A_316 = vector.broadcast %reduce_min3A_299 : f32 to vector<16xf32>
    %select_n3A_317 = arith.select %eq3A_315, %broadcast_in_dim3A_316, %select_n3A_293 : vector<16xi1>, vector<16xf32>
    %broadcast_in_dim3A_318 = vector.broadcast %reduce_min3A_312 : i32 to vector<16xi32>
    %select_n3A_319 = arith.select %eq3A_315, %broadcast_in_dim3A_318, %select_n3A_295 : vector<16xi1>, vector<16xi32>
    %reduce_min3A_320 = arith.constant true
    %reduce_min3A_321 = vector.broadcast %reduce_min3A_320 : i1 to vector<16xi1>
    %reduce_min3A_322 = tpu.scan <min>, %scan3A_154#7 masked %reduce_min3A_321 : vector<16xf32>, vector<16xi1> -> vector<16xf32>
    %reduce_min3A_323 = vector.extract %reduce_min3A_322[15] : f32 from vector<16xf32>
    %eq3A_324 = vector.broadcast %reduce_min3A_323 : f32 to vector<16xf32>
    %eq3A_325 = arith.cmpf oeq, %scan3A_154#7, %eq3A_324 : vector<16xf32>
    %jit3A_326 = arith.constant 4096 : i32
    %broadcast_in_dim3A_327 = vector.broadcast %jit3A_326 : i32 to vector<16xi32>
    %select_n3A_328 = arith.select %eq3A_325, %scan3A_154#15, %broadcast_in_dim3A_327 : vector<16xi1>, vector<16xi32>
    %reduce_min3A_329 = arith.constant true
    %reduce_min3A_330 = vector.broadcast %reduce_min3A_329 : i1 to vector<16xi1>
    %reduce_min3A_331 = arith.constant -2147483648 : i32
    %reduce_min3A_332 = vector.broadcast %reduce_min3A_331 : i32 to vector<16xi32>
    %reduce_min3A_333 = arith.xori %select_n3A_328, %reduce_min3A_332 : vector<16xi32>
    %reduce_min3A_334 = tpu.scan <min>, %reduce_min3A_333 masked %reduce_min3A_330 : vector<16xi32>, vector<16xi1> -> vector<16xi32>
    %reduce_min3A_335 = arith.xori %reduce_min3A_334, %reduce_min3A_332 : vector<16xi32>
    %reduce_min3A_336 = vector.extract %reduce_min3A_335[15] : i32 from vector<16xi32>
    %eq3A_337 = arith.constant 7 : i32
    %eq3A_338 = vector.broadcast %eq3A_337 : i32 to vector<16xi32>
    %eq3A_339 = arith.cmpi eq, %iota3A, %eq3A_338 : vector<16xi32>
    %broadcast_in_dim3A_340 = vector.broadcast %reduce_min3A_323 : f32 to vector<16xf32>
    %select_n3A_341 = arith.select %eq3A_339, %broadcast_in_dim3A_340, %select_n3A_317 : vector<16xi1>, vector<16xf32>
    %broadcast_in_dim3A_342 = vector.broadcast %reduce_min3A_336 : i32 to vector<16xi32>
    %select_n3A_343 = arith.select %eq3A_339, %broadcast_in_dim3A_342, %select_n3A_319 : vector<16xi1>, vector<16xi32>
    %get3A_344 = arith.constant 0 : index
    %get3A_345 = tpu.vector_load %arg10[%get3A_344] {strides = array<i32>} : memref<32xf32, #tpu.memory_space<vmem>>, vector<16xf32>,
    %get3A_346 = arith.constant 0 : index
    %get3A_347 = tpu.vector_load %arg11[%get3A_346] {strides = array<i32>} : memref<32xf32, #tpu.memory_space<vmem>>, vector<16xf32>,
    %get3A_348 = arith.constant 0 : index
    %get3A_349 = tpu.vector_load %arg12[%get3A_348] {strides = array<i32>} : memref<32xf32, #tpu.memory_space<vmem>>, vector<16xf32>,
    %broadcast_in_dim3A_350 = arith.constant 8 : i32
    %broadcast_in_dim3A_351 = vector.broadcast %broadcast_in_dim3A_350 : i32 to vector<16x1xi32>
    %gather3A_352 = vector.shape_cast %broadcast_in_dim3A_351 : vector<16x1xi32> to vector<16xi32>
    %gather3A_353 = tpu.dynamic_gather %get3A_345[%gather3A_352] in [0] : vector<16xf32>, vector<16xi32> -> vector<16xf32>
    %broadcast_in_dim3A_354 = arith.constant 8 : i32
    %broadcast_in_dim3A_355 = vector.broadcast %broadcast_in_dim3A_354 : i32 to vector<16x1xi32>
    %gather3A_356 = vector.shape_cast %broadcast_in_dim3A_355 : vector<16x1xi32> to vector<16xi32>
    %gather3A_357 = tpu.dynamic_gather %get3A_347[%gather3A_356] in [0] : vector<16xf32>, vector<16xi32> -> vector<16xf32>
    %broadcast_in_dim3A_358 = arith.constant 8 : i32
    %broadcast_in_dim3A_359 = vector.broadcast %broadcast_in_dim3A_358 : i32 to vector<16x1xi32>
    %gather3A_360 = vector.shape_cast %broadcast_in_dim3A_359 : vector<16x1xi32> to vector<16xi32>
    %gather3A_361 = tpu.dynamic_gather %get3A_349[%gather3A_360] in [0] : vector<16xf32>, vector<16xi32> -> vector<16xf32>
    %broadcast_in_dim3A_362 = arith.constant 9 : i32
    %broadcast_in_dim3A_363 = vector.broadcast %broadcast_in_dim3A_362 : i32 to vector<16x1xi32>
    %gather3A_364 = vector.shape_cast %broadcast_in_dim3A_363 : vector<16x1xi32> to vector<16xi32>
    %gather3A_365 = tpu.dynamic_gather %get3A_345[%gather3A_364] in [0] : vector<16xf32>, vector<16xi32> -> vector<16xf32>
    %broadcast_in_dim3A_366 = arith.constant 9 : i32
    %broadcast_in_dim3A_367 = vector.broadcast %broadcast_in_dim3A_366 : i32 to vector<16x1xi32>
    %gather3A_368 = vector.shape_cast %broadcast_in_dim3A_367 : vector<16x1xi32> to vector<16xi32>
    %gather3A_369 = tpu.dynamic_gather %get3A_347[%gather3A_368] in [0] : vector<16xf32>, vector<16xi32> -> vector<16xf32>
    %broadcast_in_dim3A_370 = arith.constant 9 : i32
    %broadcast_in_dim3A_371 = vector.broadcast %broadcast_in_dim3A_370 : i32 to vector<16x1xi32>
    %gather3A_372 = vector.shape_cast %broadcast_in_dim3A_371 : vector<16x1xi32> to vector<16xi32>
    %gather3A_373 = tpu.dynamic_gather %get3A_349[%gather3A_372] in [0] : vector<16xf32>, vector<16xi32> -> vector<16xf32>
    %broadcast_in_dim3A_374 = arith.constant 10 : i32
    %broadcast_in_dim3A_375 = vector.broadcast %broadcast_in_dim3A_374 : i32 to vector<16x1xi32>
    %gather3A_376 = vector.shape_cast %broadcast_in_dim3A_375 : vector<16x1xi32> to vector<16xi32>
    %gather3A_377 = tpu.dynamic_gather %get3A_345[%gather3A_376] in [0] : vector<16xf32>, vector<16xi32> -> vector<16xf32>
    %broadcast_in_dim3A_378 = arith.constant 10 : i32
    %broadcast_in_dim3A_379 = vector.broadcast %broadcast_in_dim3A_378 : i32 to vector<16x1xi32>
    %gather3A_380 = vector.shape_cast %broadcast_in_dim3A_379 : vector<16x1xi32> to vector<16xi32>
    %gather3A_381 = tpu.dynamic_gather %get3A_347[%gather3A_380] in [0] : vector<16xf32>, vector<16xi32> -> vector<16xf32>
    %broadcast_in_dim3A_382 = arith.constant 10 : i32
    %broadcast_in_dim3A_383 = vector.broadcast %broadcast_in_dim3A_382 : i32 to vector<16x1xi32>
    %gather3A_384 = vector.shape_cast %broadcast_in_dim3A_383 : vector<16x1xi32> to vector<16xi32>
    %gather3A_385 = tpu.dynamic_gather %get3A_349[%gather3A_384] in [0] : vector<16xf32>, vector<16xi32> -> vector<16xf32>
    %broadcast_in_dim3A_386 = arith.constant 11 : i32
    %broadcast_in_dim3A_387 = vector.broadcast %broadcast_in_dim3A_386 : i32 to vector<16x1xi32>
    %gather3A_388 = vector.shape_cast %broadcast_in_dim3A_387 : vector<16x1xi32> to vector<16xi32>
    %gather3A_389 = tpu.dynamic_gather %get3A_345[%gather3A_388] in [0] : vector<16xf32>, vector<16xi32> -> vector<16xf32>
    %broadcast_in_dim3A_390 = arith.constant 11 : i32
    %broadcast_in_dim3A_391 = vector.broadcast %broadcast_in_dim3A_390 : i32 to vector<16x1xi32>
    %gather3A_392 = vector.shape_cast %broadcast_in_dim3A_391 : vector<16x1xi32> to vector<16xi32>
    %gather3A_393 = tpu.dynamic_gather %get3A_347[%gather3A_392] in [0] : vector<16xf32>, vector<16xi32> -> vector<16xf32>
    %broadcast_in_dim3A_394 = arith.constant 11 : i32
    %broadcast_in_dim3A_395 = vector.broadcast %broadcast_in_dim3A_394 : i32 to vector<16x1xi32>
    %gather3A_396 = vector.shape_cast %broadcast_in_dim3A_395 : vector<16x1xi32> to vector<16xi32>
    %gather3A_397 = tpu.dynamic_gather %get3A_349[%gather3A_396] in [0] : vector<16xf32>, vector<16xi32> -> vector<16xf32>
    %broadcast_in_dim3A_398 = arith.constant 12 : i32
    %broadcast_in_dim3A_399 = vector.broadcast %broadcast_in_dim3A_398 : i32 to vector<16x1xi32>
    %gather3A_400 = vector.shape_cast %broadcast_in_dim3A_399 : vector<16x1xi32> to vector<16xi32>
    %gather3A_401 = tpu.dynamic_gather %get3A_345[%gather3A_400] in [0] : vector<16xf32>, vector<16xi32> -> vector<16xf32>
    %broadcast_in_dim3A_402 = arith.constant 12 : i32
    %broadcast_in_dim3A_403 = vector.broadcast %broadcast_in_dim3A_402 : i32 to vector<16x1xi32>
    %gather3A_404 = vector.shape_cast %broadcast_in_dim3A_403 : vector<16x1xi32> to vector<16xi32>
    %gather3A_405 = tpu.dynamic_gather %get3A_347[%gather3A_404] in [0] : vector<16xf32>, vector<16xi32> -> vector<16xf32>
    %broadcast_in_dim3A_406 = arith.constant 12 : i32
    %broadcast_in_dim3A_407 = vector.broadcast %broadcast_in_dim3A_406 : i32 to vector<16x1xi32>
    %gather3A_408 = vector.shape_cast %broadcast_in_dim3A_407 : vector<16x1xi32> to vector<16xi32>
    %gather3A_409 = tpu.dynamic_gather %get3A_349[%gather3A_408] in [0] : vector<16xf32>, vector<16xi32> -> vector<16xf32>
    %broadcast_in_dim3A_410 = arith.constant 13 : i32
    %broadcast_in_dim3A_411 = vector.broadcast %broadcast_in_dim3A_410 : i32 to vector<16x1xi32>
    %gather3A_412 = vector.shape_cast %broadcast_in_dim3A_411 : vector<16x1xi32> to vector<16xi32>
    %gather3A_413 = tpu.dynamic_gather %get3A_345[%gather3A_412] in [0] : vector<16xf32>, vector<16xi32> -> vector<16xf32>
    %broadcast_in_dim3A_414 = arith.constant 13 : i32
    %broadcast_in_dim3A_415 = vector.broadcast %broadcast_in_dim3A_414 : i32 to vector<16x1xi32>
    %gather3A_416 = vector.shape_cast %broadcast_in_dim3A_415 : vector<16x1xi32> to vector<16xi32>
    %gather3A_417 = tpu.dynamic_gather %get3A_347[%gather3A_416] in [0] : vector<16xf32>, vector<16xi32> -> vector<16xf32>
    %broadcast_in_dim3A_418 = arith.constant 13 : i32
    %broadcast_in_dim3A_419 = vector.broadcast %broadcast_in_dim3A_418 : i32 to vector<16x1xi32>
    %gather3A_420 = vector.shape_cast %broadcast_in_dim3A_419 : vector<16x1xi32> to vector<16xi32>
    %gather3A_421 = tpu.dynamic_gather %get3A_349[%gather3A_420] in [0] : vector<16xf32>, vector<16xi32> -> vector<16xf32>
    %broadcast_in_dim3A_422 = arith.constant 14 : i32
    %broadcast_in_dim3A_423 = vector.broadcast %broadcast_in_dim3A_422 : i32 to vector<16x1xi32>
    %gather3A_424 = vector.shape_cast %broadcast_in_dim3A_423 : vector<16x1xi32> to vector<16xi32>
    %gather3A_425 = tpu.dynamic_gather %get3A_345[%gather3A_424] in [0] : vector<16xf32>, vector<16xi32> -> vector<16xf32>
    %broadcast_in_dim3A_426 = arith.constant 14 : i32
    %broadcast_in_dim3A_427 = vector.broadcast %broadcast_in_dim3A_426 : i32 to vector<16x1xi32>
    %gather3A_428 = vector.shape_cast %broadcast_in_dim3A_427 : vector<16x1xi32> to vector<16xi32>
    %gather3A_429 = tpu.dynamic_gather %get3A_347[%gather3A_428] in [0] : vector<16xf32>, vector<16xi32> -> vector<16xf32>
    %broadcast_in_dim3A_430 = arith.constant 14 : i32
    %broadcast_in_dim3A_431 = vector.broadcast %broadcast_in_dim3A_430 : i32 to vector<16x1xi32>
    %gather3A_432 = vector.shape_cast %broadcast_in_dim3A_431 : vector<16x1xi32> to vector<16xi32>
    %gather3A_433 = tpu.dynamic_gather %get3A_349[%gather3A_432] in [0] : vector<16xf32>, vector<16xi32> -> vector<16xf32>
    %broadcast_in_dim3A_434 = arith.constant 15 : i32
    %broadcast_in_dim3A_435 = vector.broadcast %broadcast_in_dim3A_434 : i32 to vector<16x1xi32>
    %gather3A_436 = vector.shape_cast %broadcast_in_dim3A_435 : vector<16x1xi32> to vector<16xi32>
    %gather3A_437 = tpu.dynamic_gather %get3A_345[%gather3A_436] in [0] : vector<16xf32>, vector<16xi32> -> vector<16xf32>
    %broadcast_in_dim3A_438 = arith.constant 15 : i32
    %broadcast_in_dim3A_439 = vector.broadcast %broadcast_in_dim3A_438 : i32 to vector<16x1xi32>
    %gather3A_440 = vector.shape_cast %broadcast_in_dim3A_439 : vector<16x1xi32> to vector<16xi32>
    %gather3A_441 = tpu.dynamic_gather %get3A_347[%gather3A_440] in [0] : vector<16xf32>, vector<16xi32> -> vector<16xf32>
    %broadcast_in_dim3A_442 = arith.constant 15 : i32
    %broadcast_in_dim3A_443 = vector.broadcast %broadcast_in_dim3A_442 : i32 to vector<16x1xi32>
    %gather3A_444 = vector.shape_cast %broadcast_in_dim3A_443 : vector<16x1xi32> to vector<16xi32>
    %gather3A_445 = tpu.dynamic_gather %get3A_349[%gather3A_444] in [0] : vector<16xf32>, vector<16xi32> -> vector<16xf32>
    %broadcast_in_dim3A_446 = arith.constant 3.000000e+38 : f32
    %broadcast_in_dim3A_447 = vector.broadcast %broadcast_in_dim3A_446 : f32 to vector<16xf32>
    %broadcast_in_dim3A_448 = arith.constant 3.000000e+38 : f32
    %broadcast_in_dim3A_449 = vector.broadcast %broadcast_in_dim3A_448 : f32 to vector<16xf32>
    %broadcast_in_dim3A_450 = arith.constant 3.000000e+38 : f32
    %broadcast_in_dim3A_451 = vector.broadcast %broadcast_in_dim3A_450 : f32 to vector<16xf32>
    %broadcast_in_dim3A_452 = arith.constant 3.000000e+38 : f32
    %broadcast_in_dim3A_453 = vector.broadcast %broadcast_in_dim3A_452 : f32 to vector<16xf32>
    %broadcast_in_dim3A_454 = arith.constant 3.000000e+38 : f32
    %broadcast_in_dim3A_455 = vector.broadcast %broadcast_in_dim3A_454 : f32 to vector<16xf32>
    %broadcast_in_dim3A_456 = arith.constant 3.000000e+38 : f32
    %broadcast_in_dim3A_457 = vector.broadcast %broadcast_in_dim3A_456 : f32 to vector<16xf32>
    %broadcast_in_dim3A_458 = arith.constant 3.000000e+38 : f32
    %broadcast_in_dim3A_459 = vector.broadcast %broadcast_in_dim3A_458 : f32 to vector<16xf32>
    %broadcast_in_dim3A_460 = arith.constant 3.000000e+38 : f32
    %broadcast_in_dim3A_461 = vector.broadcast %broadcast_in_dim3A_460 : f32 to vector<16xf32>
    %broadcast_in_dim3A_462 = arith.constant 0 : i32
    %broadcast_in_dim3A_463 = vector.broadcast %broadcast_in_dim3A_462 : i32 to vector<16xi32>
    %broadcast_in_dim3A_464 = arith.constant 0 : i32
    %broadcast_in_dim3A_465 = vector.broadcast %broadcast_in_dim3A_464 : i32 to vector<16xi32>
    %broadcast_in_dim3A_466 = arith.constant 0 : i32
    %broadcast_in_dim3A_467 = vector.broadcast %broadcast_in_dim3A_466 : i32 to vector<16xi32>
    %broadcast_in_dim3A_468 = arith.constant 0 : i32
    %broadcast_in_dim3A_469 = vector.broadcast %broadcast_in_dim3A_468 : i32 to vector<16xi32>
    %broadcast_in_dim3A_470 = arith.constant 0 : i32
    %broadcast_in_dim3A_471 = vector.broadcast %broadcast_in_dim3A_470 : i32 to vector<16xi32>
    %broadcast_in_dim3A_472 = arith.constant 0 : i32
    %broadcast_in_dim3A_473 = vector.broadcast %broadcast_in_dim3A_472 : i32 to vector<16xi32>
    %broadcast_in_dim3A_474 = arith.constant 0 : i32
    %broadcast_in_dim3A_475 = vector.broadcast %broadcast_in_dim3A_474 : i32 to vector<16xi32>
    %broadcast_in_dim3A_476 = arith.constant 0 : i32
    %broadcast_in_dim3A_477 = vector.broadcast %broadcast_in_dim3A_476 : i32 to vector<16xi32>
    %scan3A_478 = arith.constant 0 : i32
    %scan3A_479 = arith.constant 128 : i32
    %scan3A_480 = arith.addi %scan3A_478, %scan3A_479 : i32
    %scan3A_481 = arith.constant 1 : i32
    %scan3A_482:16 = scf.for %scan3A_1365 = %scan3A_478 to %scan3A_480 step %scan3A_481 iter_args(%scan3A_1366 = %broadcast_in_dim3A_447, %scan3A_1367 = %broadcast_in_dim3A_449, %scan3A_1368 = %broadcast_in_dim3A_451, %scan3A_1369 = %broadcast_in_dim3A_453, %scan3A_1370 = %broadcast_in_dim3A_455, %scan3A_1371 = %broadcast_in_dim3A_457, %scan3A_1372 = %broadcast_in_dim3A_459, %scan3A_1373 = %broadcast_in_dim3A_461, %scan3A_1374 = %broadcast_in_dim3A_463, %scan3A_1375 = %broadcast_in_dim3A_465, %scan3A_1376 = %broadcast_in_dim3A_467, %scan3A_1377 = %broadcast_in_dim3A_469, %scan3A_1378 = %broadcast_in_dim3A_471, %scan3A_1379 = %broadcast_in_dim3A_473, %scan3A_1380 = %broadcast_in_dim3A_475, %scan3A_1381 = %broadcast_in_dim3A_477) -> (vector<16xf32>, vector<16xf32>, vector<16xf32>, vector<16xf32>, vector<16xf32>, vector<16xf32>, vector<16xf32>, vector<16xf32>, vector<16xi32>, vector<16xi32>, vector<16xi32>, vector<16xi32>, vector<16xi32>, vector<16xi32>, vector<16xi32>, vector<16xi32>)  : i32 {
      %mul3A_1382 = arith.constant 32 : i32
      %mul3A_1383 = arith.muli %scan3A_1365, %mul3A_1382 : i32
      %add3A_1384 = arith.constant 0 : i32
      %add3A_1385 = arith.addi %mul3A_1383, %add3A_1384 : i32
      %get3A_1386 = arith.index_cast %add3A_1385 : i32 to index
      %get3A_1387 = tpu.vector_load %arg7[%get3A_1386] {strides = array<i32>} : memref<4096xf32, #tpu.memory_space<vmem>>, vector<16xf32>,
      %get3A_1388 = arith.index_cast %add3A_1385 : i32 to index
      %get3A_1389 = tpu.vector_load %arg8[%get3A_1388] {strides = array<i32>} : memref<4096xf32, #tpu.memory_space<vmem>>, vector<16xf32>,
      %get3A_1390 = arith.index_cast %add3A_1385 : i32 to index
      %get3A_1391 = tpu.vector_load %arg9[%get3A_1390] {strides = array<i32>} : memref<4096xf32, #tpu.memory_space<vmem>>, vector<16xf32>,
      %get3A_1392 = arith.index_cast %add3A_1385 : i32 to index
      %get3A_1393 = tpu.vector_load %arg13[%get3A_1392] {strides = array<i32>} : memref<4096xf32, #tpu.memory_space<vmem>>, vector<16xf32>,
      %add3A_1394 = vector.broadcast %add3A_1385 : i32 to vector<16xi32>
      %add3A_1395 = arith.addi %iota3A, %add3A_1394 : vector<16xi32>
      %sub3A = arith.subf %get3A_1387, %gather3A_353 : vector<16xf32>
      %abs3A = math.absf %sub3A : vector<16xf32>
      %sub3A_1396 = arith.subf %get3A_1389, %gather3A_357 : vector<16xf32>
      %abs3A_1397 = math.absf %sub3A_1396 : vector<16xf32>
      %add3A_1398 = arith.addf %abs3A, %abs3A_1397 : vector<16xf32>
      %sub3A_1399 = arith.subf %get3A_1391, %gather3A_361 : vector<16xf32>
      %abs3A_1400 = math.absf %sub3A_1399 : vector<16xf32>
      %add3A_1401 = arith.addf %add3A_1398, %abs3A_1400 : vector<16xf32>
      %min3A = arith.minimumf %get3A_1393, %add3A_1401 : vector<16xf32>
      %lt3A = arith.cmpf olt, %add3A_1401, %scan3A_1366 : vector<16xf32>
      %select_n3A_1402 = arith.select %lt3A, %add3A_1401, %scan3A_1366 : vector<16xi1>, vector<16xf32>
      %select_n3A_1403 = arith.select %lt3A, %add3A_1395, %scan3A_1374 : vector<16xi1>, vector<16xi32>
      %sub3A_1404 = arith.subf %get3A_1387, %gather3A_365 : vector<16xf32>
      %abs3A_1405 = math.absf %sub3A_1404 : vector<16xf32>
      %sub3A_1406 = arith.subf %get3A_1389, %gather3A_369 : vector<16xf32>
      %abs3A_1407 = math.absf %sub3A_1406 : vector<16xf32>
      %add3A_1408 = arith.addf %abs3A_1405, %abs3A_1407 : vector<16xf32>
      %sub3A_1409 = arith.subf %get3A_1391, %gather3A_373 : vector<16xf32>
      %abs3A_1410 = math.absf %sub3A_1409 : vector<16xf32>
      %add3A_1411 = arith.addf %add3A_1408, %abs3A_1410 : vector<16xf32>
      %min3A_1412 = arith.minimumf %min3A, %add3A_1411 : vector<16xf32>
      %lt3A_1413 = arith.cmpf olt, %add3A_1411, %scan3A_1367 : vector<16xf32>
      %select_n3A_1414 = arith.select %lt3A_1413, %add3A_1411, %scan3A_1367 : vector<16xi1>, vector<16xf32>
      %select_n3A_1415 = arith.select %lt3A_1413, %add3A_1395, %scan3A_1375 : vector<16xi1>, vector<16xi32>
      %sub3A_1416 = arith.subf %get3A_1387, %gather3A_377 : vector<16xf32>
      %abs3A_1417 = math.absf %sub3A_1416 : vector<16xf32>
      %sub3A_1418 = arith.subf %get3A_1389, %gather3A_381 : vector<16xf32>
      %abs3A_1419 = math.absf %sub3A_1418 : vector<16xf32>
      %add3A_1420 = arith.addf %abs3A_1417, %abs3A_1419 : vector<16xf32>
      %sub3A_1421 = arith.subf %get3A_1391, %gather3A_385 : vector<16xf32>
      %abs3A_1422 = math.absf %sub3A_1421 : vector<16xf32>
      %add3A_1423 = arith.addf %add3A_1420, %abs3A_1422 : vector<16xf32>
      %min3A_1424 = arith.minimumf %min3A_1412, %add3A_1423 : vector<16xf32>
      %lt3A_1425 = arith.cmpf olt, %add3A_1423, %scan3A_1368 : vector<16xf32>
      %select_n3A_1426 = arith.select %lt3A_1425, %add3A_1423, %scan3A_1368 : vector<16xi1>, vector<16xf32>
      %select_n3A_1427 = arith.select %lt3A_1425, %add3A_1395, %scan3A_1376 : vector<16xi1>, vector<16xi32>
      %sub3A_1428 = arith.subf %get3A_1387, %gather3A_389 : vector<16xf32>
      %abs3A_1429 = math.absf %sub3A_1428 : vector<16xf32>
      %sub3A_1430 = arith.subf %get3A_1389, %gather3A_393 : vector<16xf32>
      %abs3A_1431 = math.absf %sub3A_1430 : vector<16xf32>
      %add3A_1432 = arith.addf %abs3A_1429, %abs3A_1431 : vector<16xf32>
      %sub3A_1433 = arith.subf %get3A_1391, %gather3A_397 : vector<16xf32>
      %abs3A_1434 = math.absf %sub3A_1433 : vector<16xf32>
      %add3A_1435 = arith.addf %add3A_1432, %abs3A_1434 : vector<16xf32>
      %min3A_1436 = arith.minimumf %min3A_1424, %add3A_1435 : vector<16xf32>
      %lt3A_1437 = arith.cmpf olt, %add3A_1435, %scan3A_1369 : vector<16xf32>
      %select_n3A_1438 = arith.select %lt3A_1437, %add3A_1435, %scan3A_1369 : vector<16xi1>, vector<16xf32>
      %select_n3A_1439 = arith.select %lt3A_1437, %add3A_1395, %scan3A_1377 : vector<16xi1>, vector<16xi32>
      %sub3A_1440 = arith.subf %get3A_1387, %gather3A_401 : vector<16xf32>
      %abs3A_1441 = math.absf %sub3A_1440 : vector<16xf32>
      %sub3A_1442 = arith.subf %get3A_1389, %gather3A_405 : vector<16xf32>
      %abs3A_1443 = math.absf %sub3A_1442 : vector<16xf32>
      %add3A_1444 = arith.addf %abs3A_1441, %abs3A_1443 : vector<16xf32>
      %sub3A_1445 = arith.subf %get3A_1391, %gather3A_409 : vector<16xf32>
      %abs3A_1446 = math.absf %sub3A_1445 : vector<16xf32>
      %add3A_1447 = arith.addf %add3A_1444, %abs3A_1446 : vector<16xf32>
      %min3A_1448 = arith.minimumf %min3A_1436, %add3A_1447 : vector<16xf32>
      %lt3A_1449 = arith.cmpf olt, %add3A_1447, %scan3A_1370 : vector<16xf32>
      %select_n3A_1450 = arith.select %lt3A_1449, %add3A_1447, %scan3A_1370 : vector<16xi1>, vector<16xf32>
      %select_n3A_1451 = arith.select %lt3A_1449, %add3A_1395, %scan3A_1378 : vector<16xi1>, vector<16xi32>
      %sub3A_1452 = arith.subf %get3A_1387, %gather3A_413 : vector<16xf32>
      %abs3A_1453 = math.absf %sub3A_1452 : vector<16xf32>
      %sub3A_1454 = arith.subf %get3A_1389, %gather3A_417 : vector<16xf32>
      %abs3A_1455 = math.absf %sub3A_1454 : vector<16xf32>
      %add3A_1456 = arith.addf %abs3A_1453, %abs3A_1455 : vector<16xf32>
      %sub3A_1457 = arith.subf %get3A_1391, %gather3A_421 : vector<16xf32>
      %abs3A_1458 = math.absf %sub3A_1457 : vector<16xf32>
      %add3A_1459 = arith.addf %add3A_1456, %abs3A_1458 : vector<16xf32>
      %min3A_1460 = arith.minimumf %min3A_1448, %add3A_1459 : vector<16xf32>
      %lt3A_1461 = arith.cmpf olt, %add3A_1459, %scan3A_1371 : vector<16xf32>
      %select_n3A_1462 = arith.select %lt3A_1461, %add3A_1459, %scan3A_1371 : vector<16xi1>, vector<16xf32>
      %select_n3A_1463 = arith.select %lt3A_1461, %add3A_1395, %scan3A_1379 : vector<16xi1>, vector<16xi32>
      %sub3A_1464 = arith.subf %get3A_1387, %gather3A_425 : vector<16xf32>
      %abs3A_1465 = math.absf %sub3A_1464 : vector<16xf32>
      %sub3A_1466 = arith.subf %get3A_1389, %gather3A_429 : vector<16xf32>
      %abs3A_1467 = math.absf %sub3A_1466 : vector<16xf32>
      %add3A_1468 = arith.addf %abs3A_1465, %abs3A_1467 : vector<16xf32>
      %sub3A_1469 = arith.subf %get3A_1391, %gather3A_433 : vector<16xf32>
      %abs3A_1470 = math.absf %sub3A_1469 : vector<16xf32>
      %add3A_1471 = arith.addf %add3A_1468, %abs3A_1470 : vector<16xf32>
      %min3A_1472 = arith.minimumf %min3A_1460, %add3A_1471 : vector<16xf32>
      %lt3A_1473 = arith.cmpf olt, %add3A_1471, %scan3A_1372 : vector<16xf32>
      %select_n3A_1474 = arith.select %lt3A_1473, %add3A_1471, %scan3A_1372 : vector<16xi1>, vector<16xf32>
      %select_n3A_1475 = arith.select %lt3A_1473, %add3A_1395, %scan3A_1380 : vector<16xi1>, vector<16xi32>
      %sub3A_1476 = arith.subf %get3A_1387, %gather3A_437 : vector<16xf32>
      %abs3A_1477 = math.absf %sub3A_1476 : vector<16xf32>
      %sub3A_1478 = arith.subf %get3A_1389, %gather3A_441 : vector<16xf32>
      %abs3A_1479 = math.absf %sub3A_1478 : vector<16xf32>
      %add3A_1480 = arith.addf %abs3A_1477, %abs3A_1479 : vector<16xf32>
      %sub3A_1481 = arith.subf %get3A_1391, %gather3A_445 : vector<16xf32>
      %abs3A_1482 = math.absf %sub3A_1481 : vector<16xf32>
      %add3A_1483 = arith.addf %add3A_1480, %abs3A_1482 : vector<16xf32>
      %min3A_1484 = arith.minimumf %min3A_1472, %add3A_1483 : vector<16xf32>
      %lt3A_1485 = arith.cmpf olt, %add3A_1483, %scan3A_1373 : vector<16xf32>
      %select_n3A_1486 = arith.select %lt3A_1485, %add3A_1483, %scan3A_1373 : vector<16xi1>, vector<16xf32>
      %select_n3A_1487 = arith.select %lt3A_1485, %add3A_1395, %scan3A_1381 : vector<16xi1>, vector<16xi32>
      %swap3A_1488 = arith.index_cast %add3A_1385 : i32 to index
      %swap3A_1489 = tpu.vector_load %arg13[%swap3A_1488] {strides = array<i32>} : memref<4096xf32, #tpu.memory_space<vmem>>, vector<16xf32>,
      tpu.vector_store %arg13[%swap3A_1488], %min3A_1484 {strides = array<i32>} : memref<4096xf32, #tpu.memory_space<vmem>>, vector<16xf32>,
      %mul3A_1490 = arith.constant 32 : i32
      %mul3A_1491 = arith.muli %scan3A_1365, %mul3A_1490 : i32
      %add3A_1492 = arith.constant 16 : i32
      %add3A_1493 = arith.addi %mul3A_1491, %add3A_1492 : i32
      %get3A_1494 = arith.index_cast %add3A_1493 : i32 to index
      %get3A_1495 = tpu.vector_load %arg7[%get3A_1494] {strides = array<i32>} : memref<4096xf32, #tpu.memory_space<vmem>>, vector<16xf32>,
      %get3A_1496 = arith.index_cast %add3A_1493 : i32 to index
      %get3A_1497 = tpu.vector_load %arg8[%get3A_1496] {strides = array<i32>} : memref<4096xf32, #tpu.memory_space<vmem>>, vector<16xf32>,
      %get3A_1498 = arith.index_cast %add3A_1493 : i32 to index
      %get3A_1499 = tpu.vector_load %arg9[%get3A_1498] {strides = array<i32>} : memref<4096xf32, #tpu.memory_space<vmem>>, vector<16xf32>,
      %get3A_1500 = arith.index_cast %add3A_1493 : i32 to index
      %get3A_1501 = tpu.vector_load %arg13[%get3A_1500] {strides = array<i32>} : memref<4096xf32, #tpu.memory_space<vmem>>, vector<16xf32>,
      %add3A_1502 = vector.broadcast %add3A_1493 : i32 to vector<16xi32>
      %add3A_1503 = arith.addi %iota3A, %add3A_1502 : vector<16xi32>
      %sub3A_1504 = arith.subf %get3A_1495, %gather3A_353 : vector<16xf32>
      %abs3A_1505 = math.absf %sub3A_1504 : vector<16xf32>
      %sub3A_1506 = arith.subf %get3A_1497, %gather3A_357 : vector<16xf32>
      %abs3A_1507 = math.absf %sub3A_1506 : vector<16xf32>
      %add3A_1508 = arith.addf %abs3A_1505, %abs3A_1507 : vector<16xf32>
      %sub3A_1509 = arith.subf %get3A_1499, %gather3A_361 : vector<16xf32>
      %abs3A_1510 = math.absf %sub3A_1509 : vector<16xf32>
      %add3A_1511 = arith.addf %add3A_1508, %abs3A_1510 : vector<16xf32>
      %min3A_1512 = arith.minimumf %get3A_1501, %add3A_1511 : vector<16xf32>
      %lt3A_1513 = arith.cmpf olt, %add3A_1511, %select_n3A_1402 : vector<16xf32>
      %select_n3A_1514 = arith.select %lt3A_1513, %add3A_1511, %select_n3A_1402 : vector<16xi1>, vector<16xf32>
      %select_n3A_1515 = arith.select %lt3A_1513, %add3A_1503, %select_n3A_1403 : vector<16xi1>, vector<16xi32>
      %sub3A_1516 = arith.subf %get3A_1495, %gather3A_365 : vector<16xf32>
      %abs3A_1517 = math.absf %sub3A_1516 : vector<16xf32>
      %sub3A_1518 = arith.subf %get3A_1497, %gather3A_369 : vector<16xf32>
      %abs3A_1519 = math.absf %sub3A_1518 : vector<16xf32>
      %add3A_1520 = arith.addf %abs3A_1517, %abs3A_1519 : vector<16xf32>
      %sub3A_1521 = arith.subf %get3A_1499, %gather3A_373 : vector<16xf32>
      %abs3A_1522 = math.absf %sub3A_1521 : vector<16xf32>
      %add3A_1523 = arith.addf %add3A_1520, %abs3A_1522 : vector<16xf32>
      %min3A_1524 = arith.minimumf %min3A_1512, %add3A_1523 : vector<16xf32>
      %lt3A_1525 = arith.cmpf olt, %add3A_1523, %select_n3A_1414 : vector<16xf32>
      %select_n3A_1526 = arith.select %lt3A_1525, %add3A_1523, %select_n3A_1414 : vector<16xi1>, vector<16xf32>
      %select_n3A_1527 = arith.select %lt3A_1525, %add3A_1503, %select_n3A_1415 : vector<16xi1>, vector<16xi32>
      %sub3A_1528 = arith.subf %get3A_1495, %gather3A_377 : vector<16xf32>
      %abs3A_1529 = math.absf %sub3A_1528 : vector<16xf32>
      %sub3A_1530 = arith.subf %get3A_1497, %gather3A_381 : vector<16xf32>
      %abs3A_1531 = math.absf %sub3A_1530 : vector<16xf32>
      %add3A_1532 = arith.addf %abs3A_1529, %abs3A_1531 : vector<16xf32>
      %sub3A_1533 = arith.subf %get3A_1499, %gather3A_385 : vector<16xf32>
      %abs3A_1534 = math.absf %sub3A_1533 : vector<16xf32>
      %add3A_1535 = arith.addf %add3A_1532, %abs3A_1534 : vector<16xf32>
      %min3A_1536 = arith.minimumf %min3A_1524, %add3A_1535 : vector<16xf32>
      %lt3A_1537 = arith.cmpf olt, %add3A_1535, %select_n3A_1426 : vector<16xf32>
      %select_n3A_1538 = arith.select %lt3A_1537, %add3A_1535, %select_n3A_1426 : vector<16xi1>, vector<16xf32>
      %select_n3A_1539 = arith.select %lt3A_1537, %add3A_1503, %select_n3A_1427 : vector<16xi1>, vector<16xi32>
      %sub3A_1540 = arith.subf %get3A_1495, %gather3A_389 : vector<16xf32>
      %abs3A_1541 = math.absf %sub3A_1540 : vector<16xf32>
      %sub3A_1542 = arith.subf %get3A_1497, %gather3A_393 : vector<16xf32>
      %abs3A_1543 = math.absf %sub3A_1542 : vector<16xf32>
      %add3A_1544 = arith.addf %abs3A_1541, %abs3A_1543 : vector<16xf32>
      %sub3A_1545 = arith.subf %get3A_1499, %gather3A_397 : vector<16xf32>
      %abs3A_1546 = math.absf %sub3A_1545 : vector<16xf32>
      %add3A_1547 = arith.addf %add3A_1544, %abs3A_1546 : vector<16xf32>
      %min3A_1548 = arith.minimumf %min3A_1536, %add3A_1547 : vector<16xf32>
      %lt3A_1549 = arith.cmpf olt, %add3A_1547, %select_n3A_1438 : vector<16xf32>
      %select_n3A_1550 = arith.select %lt3A_1549, %add3A_1547, %select_n3A_1438 : vector<16xi1>, vector<16xf32>
      %select_n3A_1551 = arith.select %lt3A_1549, %add3A_1503, %select_n3A_1439 : vector<16xi1>, vector<16xi32>
      %sub3A_1552 = arith.subf %get3A_1495, %gather3A_401 : vector<16xf32>
      %abs3A_1553 = math.absf %sub3A_1552 : vector<16xf32>
      %sub3A_1554 = arith.subf %get3A_1497, %gather3A_405 : vector<16xf32>
      %abs3A_1555 = math.absf %sub3A_1554 : vector<16xf32>
      %add3A_1556 = arith.addf %abs3A_1553, %abs3A_1555 : vector<16xf32>
      %sub3A_1557 = arith.subf %get3A_1499, %gather3A_409 : vector<16xf32>
      %abs3A_1558 = math.absf %sub3A_1557 : vector<16xf32>
      %add3A_1559 = arith.addf %add3A_1556, %abs3A_1558 : vector<16xf32>
      %min3A_1560 = arith.minimumf %min3A_1548, %add3A_1559 : vector<16xf32>
      %lt3A_1561 = arith.cmpf olt, %add3A_1559, %select_n3A_1450 : vector<16xf32>
      %select_n3A_1562 = arith.select %lt3A_1561, %add3A_1559, %select_n3A_1450 : vector<16xi1>, vector<16xf32>
      %select_n3A_1563 = arith.select %lt3A_1561, %add3A_1503, %select_n3A_1451 : vector<16xi1>, vector<16xi32>
      %sub3A_1564 = arith.subf %get3A_1495, %gather3A_413 : vector<16xf32>
      %abs3A_1565 = math.absf %sub3A_1564 : vector<16xf32>
      %sub3A_1566 = arith.subf %get3A_1497, %gather3A_417 : vector<16xf32>
      %abs3A_1567 = math.absf %sub3A_1566 : vector<16xf32>
      %add3A_1568 = arith.addf %abs3A_1565, %abs3A_1567 : vector<16xf32>
      %sub3A_1569 = arith.subf %get3A_1499, %gather3A_421 : vector<16xf32>
      %abs3A_1570 = math.absf %sub3A_1569 : vector<16xf32>
      %add3A_1571 = arith.addf %add3A_1568, %abs3A_1570 : vector<16xf32>
      %min3A_1572 = arith.minimumf %min3A_1560, %add3A_1571 : vector<16xf32>
      %lt3A_1573 = arith.cmpf olt, %add3A_1571, %select_n3A_1462 : vector<16xf32>
      %select_n3A_1574 = arith.select %lt3A_1573, %add3A_1571, %select_n3A_1462 : vector<16xi1>, vector<16xf32>
      %select_n3A_1575 = arith.select %lt3A_1573, %add3A_1503, %select_n3A_1463 : vector<16xi1>, vector<16xi32>
      %sub3A_1576 = arith.subf %get3A_1495, %gather3A_425 : vector<16xf32>
      %abs3A_1577 = math.absf %sub3A_1576 : vector<16xf32>
      %sub3A_1578 = arith.subf %get3A_1497, %gather3A_429 : vector<16xf32>
      %abs3A_1579 = math.absf %sub3A_1578 : vector<16xf32>
      %add3A_1580 = arith.addf %abs3A_1577, %abs3A_1579 : vector<16xf32>
      %sub3A_1581 = arith.subf %get3A_1499, %gather3A_433 : vector<16xf32>
      %abs3A_1582 = math.absf %sub3A_1581 : vector<16xf32>
      %add3A_1583 = arith.addf %add3A_1580, %abs3A_1582 : vector<16xf32>
      %min3A_1584 = arith.minimumf %min3A_1572, %add3A_1583 : vector<16xf32>
      %lt3A_1585 = arith.cmpf olt, %add3A_1583, %select_n3A_1474 : vector<16xf32>
      %select_n3A_1586 = arith.select %lt3A_1585, %add3A_1583, %select_n3A_1474 : vector<16xi1>, vector<16xf32>
      %select_n3A_1587 = arith.select %lt3A_1585, %add3A_1503, %select_n3A_1475 : vector<16xi1>, vector<16xi32>
      %sub3A_1588 = arith.subf %get3A_1495, %gather3A_437 : vector<16xf32>
      %abs3A_1589 = math.absf %sub3A_1588 : vector<16xf32>
      %sub3A_1590 = arith.subf %get3A_1497, %gather3A_441 : vector<16xf32>
      %abs3A_1591 = math.absf %sub3A_1590 : vector<16xf32>
      %add3A_1592 = arith.addf %abs3A_1589, %abs3A_1591 : vector<16xf32>
      %sub3A_1593 = arith.subf %get3A_1499, %gather3A_445 : vector<16xf32>
      %abs3A_1594 = math.absf %sub3A_1593 : vector<16xf32>
      %add3A_1595 = arith.addf %add3A_1592, %abs3A_1594 : vector<16xf32>
      %min3A_1596 = arith.minimumf %min3A_1584, %add3A_1595 : vector<16xf32>
      %lt3A_1597 = arith.cmpf olt, %add3A_1595, %select_n3A_1486 : vector<16xf32>
      %select_n3A_1598 = arith.select %lt3A_1597, %add3A_1595, %select_n3A_1486 : vector<16xi1>, vector<16xf32>
      %select_n3A_1599 = arith.select %lt3A_1597, %add3A_1503, %select_n3A_1487 : vector<16xi1>, vector<16xi32>
      %swap3A_1600 = arith.index_cast %add3A_1493 : i32 to index
      %swap3A_1601 = tpu.vector_load %arg13[%swap3A_1600] {strides = array<i32>} : memref<4096xf32, #tpu.memory_space<vmem>>, vector<16xf32>,
      tpu.vector_store %arg13[%swap3A_1600], %min3A_1596 {strides = array<i32>} : memref<4096xf32, #tpu.memory_space<vmem>>, vector<16xf32>,
      scf.yield %select_n3A_1514, %select_n3A_1526, %select_n3A_1538, %select_n3A_1550, %select_n3A_1562, %select_n3A_1574, %select_n3A_1586, %select_n3A_1598, %select_n3A_1515, %select_n3A_1527, %select_n3A_1539, %select_n3A_1551, %select_n3A_1563, %select_n3A_1575, %select_n3A_1587, %select_n3A_1599 : vector<16xf32>, vector<16xf32>, vector<16xf32>, vector<16xf32>, vector<16xf32>, vector<16xf32>, vector<16xf32>, vector<16xf32>, vector<16xi32>, vector<16xi32>, vector<16xi32>, vector<16xi32>, vector<16xi32>, vector<16xi32>, vector<16xi32>, vector<16xi32>
    }
    %scan3A_483 = arith.constant 128 : i32
    %reduce_min3A_484 = arith.constant true
    %reduce_min3A_485 = vector.broadcast %reduce_min3A_484 : i1 to vector<16xi1>
    %reduce_min3A_486 = tpu.scan <min>, %scan3A_482#0 masked %reduce_min3A_485 : vector<16xf32>, vector<16xi1> -> vector<16xf32>
    %reduce_min3A_487 = vector.extract %reduce_min3A_486[15] : f32 from vector<16xf32>
    %eq3A_488 = vector.broadcast %reduce_min3A_487 : f32 to vector<16xf32>
    %eq3A_489 = arith.cmpf oeq, %scan3A_482#0, %eq3A_488 : vector<16xf32>
    %jit3A_490 = arith.constant 4096 : i32
    %broadcast_in_dim3A_491 = vector.broadcast %jit3A_490 : i32 to vector<16xi32>
    %select_n3A_492 = arith.select %eq3A_489, %scan3A_482#8, %broadcast_in_dim3A_491 : vector<16xi1>, vector<16xi32>
    %reduce_min3A_493 = arith.constant true
    %reduce_min3A_494 = vector.broadcast %reduce_min3A_493 : i1 to vector<16xi1>
    %reduce_min3A_495 = arith.constant -2147483648 : i32
    %reduce_min3A_496 = vector.broadcast %reduce_min3A_495 : i32 to vector<16xi32>
    %reduce_min3A_497 = arith.xori %select_n3A_492, %reduce_min3A_496 : vector<16xi32>
    %reduce_min3A_498 = tpu.scan <min>, %reduce_min3A_497 masked %reduce_min3A_494 : vector<16xi32>, vector<16xi1> -> vector<16xi32>
    %reduce_min3A_499 = arith.xori %reduce_min3A_498, %reduce_min3A_496 : vector<16xi32>
    %reduce_min3A_500 = vector.extract %reduce_min3A_499[15] : i32 from vector<16xi32>
    %eq3A_501 = arith.constant 8 : i32
    %eq3A_502 = vector.broadcast %eq3A_501 : i32 to vector<16xi32>
    %eq3A_503 = arith.cmpi eq, %iota3A, %eq3A_502 : vector<16xi32>
    %broadcast_in_dim3A_504 = vector.broadcast %reduce_min3A_487 : f32 to vector<16xf32>
    %select_n3A_505 = arith.select %eq3A_503, %broadcast_in_dim3A_504, %select_n3A_341 : vector<16xi1>, vector<16xf32>
    %broadcast_in_dim3A_506 = vector.broadcast %reduce_min3A_500 : i32 to vector<16xi32>
    %select_n3A_507 = arith.select %eq3A_503, %broadcast_in_dim3A_506, %select_n3A_343 : vector<16xi1>, vector<16xi32>
    %reduce_min3A_508 = arith.constant true
    %reduce_min3A_509 = vector.broadcast %reduce_min3A_508 : i1 to vector<16xi1>
    %reduce_min3A_510 = tpu.scan <min>, %scan3A_482#1 masked %reduce_min3A_509 : vector<16xf32>, vector<16xi1> -> vector<16xf32>
    %reduce_min3A_511 = vector.extract %reduce_min3A_510[15] : f32 from vector<16xf32>
    %eq3A_512 = vector.broadcast %reduce_min3A_511 : f32 to vector<16xf32>
    %eq3A_513 = arith.cmpf oeq, %scan3A_482#1, %eq3A_512 : vector<16xf32>
    %jit3A_514 = arith.constant 4096 : i32
    %broadcast_in_dim3A_515 = vector.broadcast %jit3A_514 : i32 to vector<16xi32>
    %select_n3A_516 = arith.select %eq3A_513, %scan3A_482#9, %broadcast_in_dim3A_515 : vector<16xi1>, vector<16xi32>
    %reduce_min3A_517 = arith.constant true
    %reduce_min3A_518 = vector.broadcast %reduce_min3A_517 : i1 to vector<16xi1>
    %reduce_min3A_519 = arith.constant -2147483648 : i32
    %reduce_min3A_520 = vector.broadcast %reduce_min3A_519 : i32 to vector<16xi32>
    %reduce_min3A_521 = arith.xori %select_n3A_516, %reduce_min3A_520 : vector<16xi32>
    %reduce_min3A_522 = tpu.scan <min>, %reduce_min3A_521 masked %reduce_min3A_518 : vector<16xi32>, vector<16xi1> -> vector<16xi32>
    %reduce_min3A_523 = arith.xori %reduce_min3A_522, %reduce_min3A_520 : vector<16xi32>
    %reduce_min3A_524 = vector.extract %reduce_min3A_523[15] : i32 from vector<16xi32>
    %eq3A_525 = arith.constant 9 : i32
    %eq3A_526 = vector.broadcast %eq3A_525 : i32 to vector<16xi32>
    %eq3A_527 = arith.cmpi eq, %iota3A, %eq3A_526 : vector<16xi32>
    %broadcast_in_dim3A_528 = vector.broadcast %reduce_min3A_511 : f32 to vector<16xf32>
    %select_n3A_529 = arith.select %eq3A_527, %broadcast_in_dim3A_528, %select_n3A_505 : vector<16xi1>, vector<16xf32>
    %broadcast_in_dim3A_530 = vector.broadcast %reduce_min3A_524 : i32 to vector<16xi32>
    %select_n3A_531 = arith.select %eq3A_527, %broadcast_in_dim3A_530, %select_n3A_507 : vector<16xi1>, vector<16xi32>
    %reduce_min3A_532 = arith.constant true
    %reduce_min3A_533 = vector.broadcast %reduce_min3A_532 : i1 to vector<16xi1>
    %reduce_min3A_534 = tpu.scan <min>, %scan3A_482#2 masked %reduce_min3A_533 : vector<16xf32>, vector<16xi1> -> vector<16xf32>
    %reduce_min3A_535 = vector.extract %reduce_min3A_534[15] : f32 from vector<16xf32>
    %eq3A_536 = vector.broadcast %reduce_min3A_535 : f32 to vector<16xf32>
    %eq3A_537 = arith.cmpf oeq, %scan3A_482#2, %eq3A_536 : vector<16xf32>
    %jit3A_538 = arith.constant 4096 : i32
    %broadcast_in_dim3A_539 = vector.broadcast %jit3A_538 : i32 to vector<16xi32>
    %select_n3A_540 = arith.select %eq3A_537, %scan3A_482#10, %broadcast_in_dim3A_539 : vector<16xi1>, vector<16xi32>
    %reduce_min3A_541 = arith.constant true
    %reduce_min3A_542 = vector.broadcast %reduce_min3A_541 : i1 to vector<16xi1>
    %reduce_min3A_543 = arith.constant -2147483648 : i32
    %reduce_min3A_544 = vector.broadcast %reduce_min3A_543 : i32 to vector<16xi32>
    %reduce_min3A_545 = arith.xori %select_n3A_540, %reduce_min3A_544 : vector<16xi32>
    %reduce_min3A_546 = tpu.scan <min>, %reduce_min3A_545 masked %reduce_min3A_542 : vector<16xi32>, vector<16xi1> -> vector<16xi32>
    %reduce_min3A_547 = arith.xori %reduce_min3A_546, %reduce_min3A_544 : vector<16xi32>
    %reduce_min3A_548 = vector.extract %reduce_min3A_547[15] : i32 from vector<16xi32>
    %eq3A_549 = arith.constant 10 : i32
    %eq3A_550 = vector.broadcast %eq3A_549 : i32 to vector<16xi32>
    %eq3A_551 = arith.cmpi eq, %iota3A, %eq3A_550 : vector<16xi32>
    %broadcast_in_dim3A_552 = vector.broadcast %reduce_min3A_535 : f32 to vector<16xf32>
    %select_n3A_553 = arith.select %eq3A_551, %broadcast_in_dim3A_552, %select_n3A_529 : vector<16xi1>, vector<16xf32>
    %broadcast_in_dim3A_554 = vector.broadcast %reduce_min3A_548 : i32 to vector<16xi32>
    %select_n3A_555 = arith.select %eq3A_551, %broadcast_in_dim3A_554, %select_n3A_531 : vector<16xi1>, vector<16xi32>
    %reduce_min3A_556 = arith.constant true
    %reduce_min3A_557 = vector.broadcast %reduce_min3A_556 : i1 to vector<16xi1>
    %reduce_min3A_558 = tpu.scan <min>, %scan3A_482#3 masked %reduce_min3A_557 : vector<16xf32>, vector<16xi1> -> vector<16xf32>
    %reduce_min3A_559 = vector.extract %reduce_min3A_558[15] : f32 from vector<16xf32>
    %eq3A_560 = vector.broadcast %reduce_min3A_559 : f32 to vector<16xf32>
    %eq3A_561 = arith.cmpf oeq, %scan3A_482#3, %eq3A_560 : vector<16xf32>
    %jit3A_562 = arith.constant 4096 : i32
    %broadcast_in_dim3A_563 = vector.broadcast %jit3A_562 : i32 to vector<16xi32>
    %select_n3A_564 = arith.select %eq3A_561, %scan3A_482#11, %broadcast_in_dim3A_563 : vector<16xi1>, vector<16xi32>
    %reduce_min3A_565 = arith.constant true
    %reduce_min3A_566 = vector.broadcast %reduce_min3A_565 : i1 to vector<16xi1>
    %reduce_min3A_567 = arith.constant -2147483648 : i32
    %reduce_min3A_568 = vector.broadcast %reduce_min3A_567 : i32 to vector<16xi32>
    %reduce_min3A_569 = arith.xori %select_n3A_564, %reduce_min3A_568 : vector<16xi32>
    %reduce_min3A_570 = tpu.scan <min>, %reduce_min3A_569 masked %reduce_min3A_566 : vector<16xi32>, vector<16xi1> -> vector<16xi32>
    %reduce_min3A_571 = arith.xori %reduce_min3A_570, %reduce_min3A_568 : vector<16xi32>
    %reduce_min3A_572 = vector.extract %reduce_min3A_571[15] : i32 from vector<16xi32>
    %eq3A_573 = arith.constant 11 : i32
    %eq3A_574 = vector.broadcast %eq3A_573 : i32 to vector<16xi32>
    %eq3A_575 = arith.cmpi eq, %iota3A, %eq3A_574 : vector<16xi32>
    %broadcast_in_dim3A_576 = vector.broadcast %reduce_min3A_559 : f32 to vector<16xf32>
    %select_n3A_577 = arith.select %eq3A_575, %broadcast_in_dim3A_576, %select_n3A_553 : vector<16xi1>, vector<16xf32>
    %broadcast_in_dim3A_578 = vector.broadcast %reduce_min3A_572 : i32 to vector<16xi32>
    %select_n3A_579 = arith.select %eq3A_575, %broadcast_in_dim3A_578, %select_n3A_555 : vector<16xi1>, vector<16xi32>
    %reduce_min3A_580 = arith.constant true
    %reduce_min3A_581 = vector.broadcast %reduce_min3A_580 : i1 to vector<16xi1>
    %reduce_min3A_582 = tpu.scan <min>, %scan3A_482#4 masked %reduce_min3A_581 : vector<16xf32>, vector<16xi1> -> vector<16xf32>
    %reduce_min3A_583 = vector.extract %reduce_min3A_582[15] : f32 from vector<16xf32>
    %eq3A_584 = vector.broadcast %reduce_min3A_583 : f32 to vector<16xf32>
    %eq3A_585 = arith.cmpf oeq, %scan3A_482#4, %eq3A_584 : vector<16xf32>
    %jit3A_586 = arith.constant 4096 : i32
    %broadcast_in_dim3A_587 = vector.broadcast %jit3A_586 : i32 to vector<16xi32>
    %select_n3A_588 = arith.select %eq3A_585, %scan3A_482#12, %broadcast_in_dim3A_587 : vector<16xi1>, vector<16xi32>
    %reduce_min3A_589 = arith.constant true
    %reduce_min3A_590 = vector.broadcast %reduce_min3A_589 : i1 to vector<16xi1>
    %reduce_min3A_591 = arith.constant -2147483648 : i32
    %reduce_min3A_592 = vector.broadcast %reduce_min3A_591 : i32 to vector<16xi32>
    %reduce_min3A_593 = arith.xori %select_n3A_588, %reduce_min3A_592 : vector<16xi32>
    %reduce_min3A_594 = tpu.scan <min>, %reduce_min3A_593 masked %reduce_min3A_590 : vector<16xi32>, vector<16xi1> -> vector<16xi32>
    %reduce_min3A_595 = arith.xori %reduce_min3A_594, %reduce_min3A_592 : vector<16xi32>
    %reduce_min3A_596 = vector.extract %reduce_min3A_595[15] : i32 from vector<16xi32>
    %eq3A_597 = arith.constant 12 : i32
    %eq3A_598 = vector.broadcast %eq3A_597 : i32 to vector<16xi32>
    %eq3A_599 = arith.cmpi eq, %iota3A, %eq3A_598 : vector<16xi32>
    %broadcast_in_dim3A_600 = vector.broadcast %reduce_min3A_583 : f32 to vector<16xf32>
    %select_n3A_601 = arith.select %eq3A_599, %broadcast_in_dim3A_600, %select_n3A_577 : vector<16xi1>, vector<16xf32>
    %broadcast_in_dim3A_602 = vector.broadcast %reduce_min3A_596 : i32 to vector<16xi32>
    %select_n3A_603 = arith.select %eq3A_599, %broadcast_in_dim3A_602, %select_n3A_579 : vector<16xi1>, vector<16xi32>
    %reduce_min3A_604 = arith.constant true
    %reduce_min3A_605 = vector.broadcast %reduce_min3A_604 : i1 to vector<16xi1>
    %reduce_min3A_606 = tpu.scan <min>, %scan3A_482#5 masked %reduce_min3A_605 : vector<16xf32>, vector<16xi1> -> vector<16xf32>
    %reduce_min3A_607 = vector.extract %reduce_min3A_606[15] : f32 from vector<16xf32>
    %eq3A_608 = vector.broadcast %reduce_min3A_607 : f32 to vector<16xf32>
    %eq3A_609 = arith.cmpf oeq, %scan3A_482#5, %eq3A_608 : vector<16xf32>
    %jit3A_610 = arith.constant 4096 : i32
    %broadcast_in_dim3A_611 = vector.broadcast %jit3A_610 : i32 to vector<16xi32>
    %select_n3A_612 = arith.select %eq3A_609, %scan3A_482#13, %broadcast_in_dim3A_611 : vector<16xi1>, vector<16xi32>
    %reduce_min3A_613 = arith.constant true
    %reduce_min3A_614 = vector.broadcast %reduce_min3A_613 : i1 to vector<16xi1>
    %reduce_min3A_615 = arith.constant -2147483648 : i32
    %reduce_min3A_616 = vector.broadcast %reduce_min3A_615 : i32 to vector<16xi32>
    %reduce_min3A_617 = arith.xori %select_n3A_612, %reduce_min3A_616 : vector<16xi32>
    %reduce_min3A_618 = tpu.scan <min>, %reduce_min3A_617 masked %reduce_min3A_614 : vector<16xi32>, vector<16xi1> -> vector<16xi32>
    %reduce_min3A_619 = arith.xori %reduce_min3A_618, %reduce_min3A_616 : vector<16xi32>
    %reduce_min3A_620 = vector.extract %reduce_min3A_619[15] : i32 from vector<16xi32>
    %eq3A_621 = arith.constant 13 : i32
    %eq3A_622 = vector.broadcast %eq3A_621 : i32 to vector<16xi32>
    %eq3A_623 = arith.cmpi eq, %iota3A, %eq3A_622 : vector<16xi32>
    %broadcast_in_dim3A_624 = vector.broadcast %reduce_min3A_607 : f32 to vector<16xf32>
    %select_n3A_625 = arith.select %eq3A_623, %broadcast_in_dim3A_624, %select_n3A_601 : vector<16xi1>, vector<16xf32>
    %broadcast_in_dim3A_626 = vector.broadcast %reduce_min3A_620 : i32 to vector<16xi32>
    %select_n3A_627 = arith.select %eq3A_623, %broadcast_in_dim3A_626, %select_n3A_603 : vector<16xi1>, vector<16xi32>
    %reduce_min3A_628 = arith.constant true
    %reduce_min3A_629 = vector.broadcast %reduce_min3A_628 : i1 to vector<16xi1>
    %reduce_min3A_630 = tpu.scan <min>, %scan3A_482#6 masked %reduce_min3A_629 : vector<16xf32>, vector<16xi1> -> vector<16xf32>
    %reduce_min3A_631 = vector.extract %reduce_min3A_630[15] : f32 from vector<16xf32>
    %eq3A_632 = vector.broadcast %reduce_min3A_631 : f32 to vector<16xf32>
    %eq3A_633 = arith.cmpf oeq, %scan3A_482#6, %eq3A_632 : vector<16xf32>
    %jit3A_634 = arith.constant 4096 : i32
    %broadcast_in_dim3A_635 = vector.broadcast %jit3A_634 : i32 to vector<16xi32>
    %select_n3A_636 = arith.select %eq3A_633, %scan3A_482#14, %broadcast_in_dim3A_635 : vector<16xi1>, vector<16xi32>
    %reduce_min3A_637 = arith.constant true
    %reduce_min3A_638 = vector.broadcast %reduce_min3A_637 : i1 to vector<16xi1>
    %reduce_min3A_639 = arith.constant -2147483648 : i32
    %reduce_min3A_640 = vector.broadcast %reduce_min3A_639 : i32 to vector<16xi32>
    %reduce_min3A_641 = arith.xori %select_n3A_636, %reduce_min3A_640 : vector<16xi32>
    %reduce_min3A_642 = tpu.scan <min>, %reduce_min3A_641 masked %reduce_min3A_638 : vector<16xi32>, vector<16xi1> -> vector<16xi32>
    %reduce_min3A_643 = arith.xori %reduce_min3A_642, %reduce_min3A_640 : vector<16xi32>
    %reduce_min3A_644 = vector.extract %reduce_min3A_643[15] : i32 from vector<16xi32>
    %eq3A_645 = arith.constant 14 : i32
    %eq3A_646 = vector.broadcast %eq3A_645 : i32 to vector<16xi32>
    %eq3A_647 = arith.cmpi eq, %iota3A, %eq3A_646 : vector<16xi32>
    %broadcast_in_dim3A_648 = vector.broadcast %reduce_min3A_631 : f32 to vector<16xf32>
    %select_n3A_649 = arith.select %eq3A_647, %broadcast_in_dim3A_648, %select_n3A_625 : vector<16xi1>, vector<16xf32>
    %broadcast_in_dim3A_650 = vector.broadcast %reduce_min3A_644 : i32 to vector<16xi32>
    %select_n3A_651 = arith.select %eq3A_647, %broadcast_in_dim3A_650, %select_n3A_627 : vector<16xi1>, vector<16xi32>
    %reduce_min3A_652 = arith.constant true
    %reduce_min3A_653 = vector.broadcast %reduce_min3A_652 : i1 to vector<16xi1>
    %reduce_min3A_654 = tpu.scan <min>, %scan3A_482#7 masked %reduce_min3A_653 : vector<16xf32>, vector<16xi1> -> vector<16xf32>
    %reduce_min3A_655 = vector.extract %reduce_min3A_654[15] : f32 from vector<16xf32>
    %eq3A_656 = vector.broadcast %reduce_min3A_655 : f32 to vector<16xf32>
    %eq3A_657 = arith.cmpf oeq, %scan3A_482#7, %eq3A_656 : vector<16xf32>
    %jit3A_658 = arith.constant 4096 : i32
    %broadcast_in_dim3A_659 = vector.broadcast %jit3A_658 : i32 to vector<16xi32>
    %select_n3A_660 = arith.select %eq3A_657, %scan3A_482#15, %broadcast_in_dim3A_659 : vector<16xi1>, vector<16xi32>
    %reduce_min3A_661 = arith.constant true
    %reduce_min3A_662 = vector.broadcast %reduce_min3A_661 : i1 to vector<16xi1>
    %reduce_min3A_663 = arith.constant -2147483648 : i32
    %reduce_min3A_664 = vector.broadcast %reduce_min3A_663 : i32 to vector<16xi32>
    %reduce_min3A_665 = arith.xori %select_n3A_660, %reduce_min3A_664 : vector<16xi32>
    %reduce_min3A_666 = tpu.scan <min>, %reduce_min3A_665 masked %reduce_min3A_662 : vector<16xi32>, vector<16xi1> -> vector<16xi32>
    %reduce_min3A_667 = arith.xori %reduce_min3A_666, %reduce_min3A_664 : vector<16xi32>
    %reduce_min3A_668 = vector.extract %reduce_min3A_667[15] : i32 from vector<16xi32>
    %eq3A_669 = arith.constant 15 : i32
    %eq3A_670 = vector.broadcast %eq3A_669 : i32 to vector<16xi32>
    %eq3A_671 = arith.cmpi eq, %iota3A, %eq3A_670 : vector<16xi32>
    %broadcast_in_dim3A_672 = vector.broadcast %reduce_min3A_655 : f32 to vector<16xf32>
    %select_n3A_673 = arith.select %eq3A_671, %broadcast_in_dim3A_672, %select_n3A_649 : vector<16xi1>, vector<16xf32>
    %broadcast_in_dim3A_674 = vector.broadcast %reduce_min3A_668 : i32 to vector<16xi32>
    %select_n3A_675 = arith.select %eq3A_671, %broadcast_in_dim3A_674, %select_n3A_651 : vector<16xi1>, vector<16xi32>
    %swap3A = arith.constant 0 : index
    %swap3A_676 = tpu.vector_load %arg14[%swap3A] {strides = array<i32>} : memref<32xf32, #tpu.memory_space<vmem>>, vector<16xf32>,
    tpu.vector_store %arg14[%swap3A], %select_n3A_673 {strides = array<i32>} : memref<32xf32, #tpu.memory_space<vmem>>, vector<16xf32>,
    %swap3A_677 = arith.constant 0 : index
    %swap3A_678 = tpu.vector_load %arg15[%swap3A_677] {strides = array<i32>} : memref<32xi32, #tpu.memory_space<vmem>>, vector<16xi32>,
    tpu.vector_store %arg15[%swap3A_677], %select_n3A_675 {strides = array<i32>} : memref<32xi32, #tpu.memory_space<vmem>>, vector<16xi32>,
    %get3A_679 = arith.constant 16 : index
    %get3A_680 = tpu.vector_load %arg10[%get3A_679] {strides = array<i32>} : memref<32xf32, #tpu.memory_space<vmem>>, vector<16xf32>,
    %get3A_681 = arith.constant 16 : index
    %get3A_682 = tpu.vector_load %arg11[%get3A_681] {strides = array<i32>} : memref<32xf32, #tpu.memory_space<vmem>>, vector<16xf32>,
    %get3A_683 = arith.constant 16 : index
    %get3A_684 = tpu.vector_load %arg12[%get3A_683] {strides = array<i32>} : memref<32xf32, #tpu.memory_space<vmem>>, vector<16xf32>,
    %broadcast_in_dim3A_685 = arith.constant 0 : i32
    %broadcast_in_dim3A_686 = vector.broadcast %broadcast_in_dim3A_685 : i32 to vector<16x1xi32>
    %gather3A_687 = vector.shape_cast %broadcast_in_dim3A_686 : vector<16x1xi32> to vector<16xi32>
    %gather3A_688 = tpu.dynamic_gather %get3A_680[%gather3A_687] in [0] : vector<16xf32>, vector<16xi32> -> vector<16xf32>
    %broadcast_in_dim3A_689 = arith.constant 0 : i32
    %broadcast_in_dim3A_690 = vector.broadcast %broadcast_in_dim3A_689 : i32 to vector<16x1xi32>
    %gather3A_691 = vector.shape_cast %broadcast_in_dim3A_690 : vector<16x1xi32> to vector<16xi32>
    %gather3A_692 = tpu.dynamic_gather %get3A_682[%gather3A_691] in [0] : vector<16xf32>, vector<16xi32> -> vector<16xf32>
    %broadcast_in_dim3A_693 = arith.constant 0 : i32
    %broadcast_in_dim3A_694 = vector.broadcast %broadcast_in_dim3A_693 : i32 to vector<16x1xi32>
    %gather3A_695 = vector.shape_cast %broadcast_in_dim3A_694 : vector<16x1xi32> to vector<16xi32>
    %gather3A_696 = tpu.dynamic_gather %get3A_684[%gather3A_695] in [0] : vector<16xf32>, vector<16xi32> -> vector<16xf32>
    %broadcast_in_dim3A_697 = arith.constant 1 : i32
    %broadcast_in_dim3A_698 = vector.broadcast %broadcast_in_dim3A_697 : i32 to vector<16x1xi32>
    %gather3A_699 = vector.shape_cast %broadcast_in_dim3A_698 : vector<16x1xi32> to vector<16xi32>
    %gather3A_700 = tpu.dynamic_gather %get3A_680[%gather3A_699] in [0] : vector<16xf32>, vector<16xi32> -> vector<16xf32>
    %broadcast_in_dim3A_701 = arith.constant 1 : i32
    %broadcast_in_dim3A_702 = vector.broadcast %broadcast_in_dim3A_701 : i32 to vector<16x1xi32>
    %gather3A_703 = vector.shape_cast %broadcast_in_dim3A_702 : vector<16x1xi32> to vector<16xi32>
    %gather3A_704 = tpu.dynamic_gather %get3A_682[%gather3A_703] in [0] : vector<16xf32>, vector<16xi32> -> vector<16xf32>
    %broadcast_in_dim3A_705 = arith.constant 1 : i32
    %broadcast_in_dim3A_706 = vector.broadcast %broadcast_in_dim3A_705 : i32 to vector<16x1xi32>
    %gather3A_707 = vector.shape_cast %broadcast_in_dim3A_706 : vector<16x1xi32> to vector<16xi32>
    %gather3A_708 = tpu.dynamic_gather %get3A_684[%gather3A_707] in [0] : vector<16xf32>, vector<16xi32> -> vector<16xf32>
    %broadcast_in_dim3A_709 = arith.constant 2 : i32
    %broadcast_in_dim3A_710 = vector.broadcast %broadcast_in_dim3A_709 : i32 to vector<16x1xi32>
    %gather3A_711 = vector.shape_cast %broadcast_in_dim3A_710 : vector<16x1xi32> to vector<16xi32>
    %gather3A_712 = tpu.dynamic_gather %get3A_680[%gather3A_711] in [0] : vector<16xf32>, vector<16xi32> -> vector<16xf32>
    %broadcast_in_dim3A_713 = arith.constant 2 : i32
    %broadcast_in_dim3A_714 = vector.broadcast %broadcast_in_dim3A_713 : i32 to vector<16x1xi32>
    %gather3A_715 = vector.shape_cast %broadcast_in_dim3A_714 : vector<16x1xi32> to vector<16xi32>
    %gather3A_716 = tpu.dynamic_gather %get3A_682[%gather3A_715] in [0] : vector<16xf32>, vector<16xi32> -> vector<16xf32>
    %broadcast_in_dim3A_717 = arith.constant 2 : i32
    %broadcast_in_dim3A_718 = vector.broadcast %broadcast_in_dim3A_717 : i32 to vector<16x1xi32>
    %gather3A_719 = vector.shape_cast %broadcast_in_dim3A_718 : vector<16x1xi32> to vector<16xi32>
    %gather3A_720 = tpu.dynamic_gather %get3A_684[%gather3A_719] in [0] : vector<16xf32>, vector<16xi32> -> vector<16xf32>
    %broadcast_in_dim3A_721 = arith.constant 3 : i32
    %broadcast_in_dim3A_722 = vector.broadcast %broadcast_in_dim3A_721 : i32 to vector<16x1xi32>
    %gather3A_723 = vector.shape_cast %broadcast_in_dim3A_722 : vector<16x1xi32> to vector<16xi32>
    %gather3A_724 = tpu.dynamic_gather %get3A_680[%gather3A_723] in [0] : vector<16xf32>, vector<16xi32> -> vector<16xf32>
    %broadcast_in_dim3A_725 = arith.constant 3 : i32
    %broadcast_in_dim3A_726 = vector.broadcast %broadcast_in_dim3A_725 : i32 to vector<16x1xi32>
    %gather3A_727 = vector.shape_cast %broadcast_in_dim3A_726 : vector<16x1xi32> to vector<16xi32>
    %gather3A_728 = tpu.dynamic_gather %get3A_682[%gather3A_727] in [0] : vector<16xf32>, vector<16xi32> -> vector<16xf32>
    %broadcast_in_dim3A_729 = arith.constant 3 : i32
    %broadcast_in_dim3A_730 = vector.broadcast %broadcast_in_dim3A_729 : i32 to vector<16x1xi32>
    %gather3A_731 = vector.shape_cast %broadcast_in_dim3A_730 : vector<16x1xi32> to vector<16xi32>
    %gather3A_732 = tpu.dynamic_gather %get3A_684[%gather3A_731] in [0] : vector<16xf32>, vector<16xi32> -> vector<16xf32>
    %broadcast_in_dim3A_733 = arith.constant 4 : i32
    %broadcast_in_dim3A_734 = vector.broadcast %broadcast_in_dim3A_733 : i32 to vector<16x1xi32>
    %gather3A_735 = vector.shape_cast %broadcast_in_dim3A_734 : vector<16x1xi32> to vector<16xi32>
    %gather3A_736 = tpu.dynamic_gather %get3A_680[%gather3A_735] in [0] : vector<16xf32>, vector<16xi32> -> vector<16xf32>
    %broadcast_in_dim3A_737 = arith.constant 4 : i32
    %broadcast_in_dim3A_738 = vector.broadcast %broadcast_in_dim3A_737 : i32 to vector<16x1xi32>
    %gather3A_739 = vector.shape_cast %broadcast_in_dim3A_738 : vector<16x1xi32> to vector<16xi32>
    %gather3A_740 = tpu.dynamic_gather %get3A_682[%gather3A_739] in [0] : vector<16xf32>, vector<16xi32> -> vector<16xf32>
    %broadcast_in_dim3A_741 = arith.constant 4 : i32
    %broadcast_in_dim3A_742 = vector.broadcast %broadcast_in_dim3A_741 : i32 to vector<16x1xi32>
    %gather3A_743 = vector.shape_cast %broadcast_in_dim3A_742 : vector<16x1xi32> to vector<16xi32>
    %gather3A_744 = tpu.dynamic_gather %get3A_684[%gather3A_743] in [0] : vector<16xf32>, vector<16xi32> -> vector<16xf32>
    %broadcast_in_dim3A_745 = arith.constant 5 : i32
    %broadcast_in_dim3A_746 = vector.broadcast %broadcast_in_dim3A_745 : i32 to vector<16x1xi32>
    %gather3A_747 = vector.shape_cast %broadcast_in_dim3A_746 : vector<16x1xi32> to vector<16xi32>
    %gather3A_748 = tpu.dynamic_gather %get3A_680[%gather3A_747] in [0] : vector<16xf32>, vector<16xi32> -> vector<16xf32>
    %broadcast_in_dim3A_749 = arith.constant 5 : i32
    %broadcast_in_dim3A_750 = vector.broadcast %broadcast_in_dim3A_749 : i32 to vector<16x1xi32>
    %gather3A_751 = vector.shape_cast %broadcast_in_dim3A_750 : vector<16x1xi32> to vector<16xi32>
    %gather3A_752 = tpu.dynamic_gather %get3A_682[%gather3A_751] in [0] : vector<16xf32>, vector<16xi32> -> vector<16xf32>
    %broadcast_in_dim3A_753 = arith.constant 5 : i32
    %broadcast_in_dim3A_754 = vector.broadcast %broadcast_in_dim3A_753 : i32 to vector<16x1xi32>
    %gather3A_755 = vector.shape_cast %broadcast_in_dim3A_754 : vector<16x1xi32> to vector<16xi32>
    %gather3A_756 = tpu.dynamic_gather %get3A_684[%gather3A_755] in [0] : vector<16xf32>, vector<16xi32> -> vector<16xf32>
    %broadcast_in_dim3A_757 = arith.constant 6 : i32
    %broadcast_in_dim3A_758 = vector.broadcast %broadcast_in_dim3A_757 : i32 to vector<16x1xi32>
    %gather3A_759 = vector.shape_cast %broadcast_in_dim3A_758 : vector<16x1xi32> to vector<16xi32>
    %gather3A_760 = tpu.dynamic_gather %get3A_680[%gather3A_759] in [0] : vector<16xf32>, vector<16xi32> -> vector<16xf32>
    %broadcast_in_dim3A_761 = arith.constant 6 : i32
    %broadcast_in_dim3A_762 = vector.broadcast %broadcast_in_dim3A_761 : i32 to vector<16x1xi32>
    %gather3A_763 = vector.shape_cast %broadcast_in_dim3A_762 : vector<16x1xi32> to vector<16xi32>
    %gather3A_764 = tpu.dynamic_gather %get3A_682[%gather3A_763] in [0] : vector<16xf32>, vector<16xi32> -> vector<16xf32>
    %broadcast_in_dim3A_765 = arith.constant 6 : i32
    %broadcast_in_dim3A_766 = vector.broadcast %broadcast_in_dim3A_765 : i32 to vector<16x1xi32>
    %gather3A_767 = vector.shape_cast %broadcast_in_dim3A_766 : vector<16x1xi32> to vector<16xi32>
    %gather3A_768 = tpu.dynamic_gather %get3A_684[%gather3A_767] in [0] : vector<16xf32>, vector<16xi32> -> vector<16xf32>
    %broadcast_in_dim3A_769 = arith.constant 7 : i32
    %broadcast_in_dim3A_770 = vector.broadcast %broadcast_in_dim3A_769 : i32 to vector<16x1xi32>
    %gather3A_771 = vector.shape_cast %broadcast_in_dim3A_770 : vector<16x1xi32> to vector<16xi32>
    %gather3A_772 = tpu.dynamic_gather %get3A_680[%gather3A_771] in [0] : vector<16xf32>, vector<16xi32> -> vector<16xf32>
    %broadcast_in_dim3A_773 = arith.constant 7 : i32
    %broadcast_in_dim3A_774 = vector.broadcast %broadcast_in_dim3A_773 : i32 to vector<16x1xi32>
    %gather3A_775 = vector.shape_cast %broadcast_in_dim3A_774 : vector<16x1xi32> to vector<16xi32>
    %gather3A_776 = tpu.dynamic_gather %get3A_682[%gather3A_775] in [0] : vector<16xf32>, vector<16xi32> -> vector<16xf32>
    %broadcast_in_dim3A_777 = arith.constant 7 : i32
    %broadcast_in_dim3A_778 = vector.broadcast %broadcast_in_dim3A_777 : i32 to vector<16x1xi32>
    %gather3A_779 = vector.shape_cast %broadcast_in_dim3A_778 : vector<16x1xi32> to vector<16xi32>
    %gather3A_780 = tpu.dynamic_gather %get3A_684[%gather3A_779] in [0] : vector<16xf32>, vector<16xi32> -> vector<16xf32>
    %broadcast_in_dim3A_781 = arith.constant 3.000000e+38 : f32
    %broadcast_in_dim3A_782 = vector.broadcast %broadcast_in_dim3A_781 : f32 to vector<16xf32>
    %broadcast_in_dim3A_783 = arith.constant 3.000000e+38 : f32
    %broadcast_in_dim3A_784 = vector.broadcast %broadcast_in_dim3A_783 : f32 to vector<16xf32>
    %broadcast_in_dim3A_785 = arith.constant 3.000000e+38 : f32
    %broadcast_in_dim3A_786 = vector.broadcast %broadcast_in_dim3A_785 : f32 to vector<16xf32>
    %broadcast_in_dim3A_787 = arith.constant 3.000000e+38 : f32
    %broadcast_in_dim3A_788 = vector.broadcast %broadcast_in_dim3A_787 : f32 to vector<16xf32>
    %broadcast_in_dim3A_789 = arith.constant 3.000000e+38 : f32
    %broadcast_in_dim3A_790 = vector.broadcast %broadcast_in_dim3A_789 : f32 to vector<16xf32>
    %broadcast_in_dim3A_791 = arith.constant 3.000000e+38 : f32
    %broadcast_in_dim3A_792 = vector.broadcast %broadcast_in_dim3A_791 : f32 to vector<16xf32>
    %broadcast_in_dim3A_793 = arith.constant 3.000000e+38 : f32
    %broadcast_in_dim3A_794 = vector.broadcast %broadcast_in_dim3A_793 : f32 to vector<16xf32>
    %broadcast_in_dim3A_795 = arith.constant 3.000000e+38 : f32
    %broadcast_in_dim3A_796 = vector.broadcast %broadcast_in_dim3A_795 : f32 to vector<16xf32>
    %broadcast_in_dim3A_797 = arith.constant 0 : i32
    %broadcast_in_dim3A_798 = vector.broadcast %broadcast_in_dim3A_797 : i32 to vector<16xi32>
    %broadcast_in_dim3A_799 = arith.constant 0 : i32
    %broadcast_in_dim3A_800 = vector.broadcast %broadcast_in_dim3A_799 : i32 to vector<16xi32>
    %broadcast_in_dim3A_801 = arith.constant 0 : i32
    %broadcast_in_dim3A_802 = vector.broadcast %broadcast_in_dim3A_801 : i32 to vector<16xi32>
    %broadcast_in_dim3A_803 = arith.constant 0 : i32
    %broadcast_in_dim3A_804 = vector.broadcast %broadcast_in_dim3A_803 : i32 to vector<16xi32>
    %broadcast_in_dim3A_805 = arith.constant 0 : i32
    %broadcast_in_dim3A_806 = vector.broadcast %broadcast_in_dim3A_805 : i32 to vector<16xi32>
    %broadcast_in_dim3A_807 = arith.constant 0 : i32
    %broadcast_in_dim3A_808 = vector.broadcast %broadcast_in_dim3A_807 : i32 to vector<16xi32>
    %broadcast_in_dim3A_809 = arith.constant 0 : i32
    %broadcast_in_dim3A_810 = vector.broadcast %broadcast_in_dim3A_809 : i32 to vector<16xi32>
    %broadcast_in_dim3A_811 = arith.constant 0 : i32
    %broadcast_in_dim3A_812 = vector.broadcast %broadcast_in_dim3A_811 : i32 to vector<16xi32>
    %scan3A_813 = arith.constant 0 : i32
    %scan3A_814 = arith.constant 128 : i32
    %scan3A_815 = arith.addi %scan3A_813, %scan3A_814 : i32
    %scan3A_816 = arith.constant 1 : i32
    %scan3A_817:16 = scf.for %scan3A_1365 = %scan3A_813 to %scan3A_815 step %scan3A_816 iter_args(%scan3A_1366 = %broadcast_in_dim3A_782, %scan3A_1367 = %broadcast_in_dim3A_784, %scan3A_1368 = %broadcast_in_dim3A_786, %scan3A_1369 = %broadcast_in_dim3A_788, %scan3A_1370 = %broadcast_in_dim3A_790, %scan3A_1371 = %broadcast_in_dim3A_792, %scan3A_1372 = %broadcast_in_dim3A_794, %scan3A_1373 = %broadcast_in_dim3A_796, %scan3A_1374 = %broadcast_in_dim3A_798, %scan3A_1375 = %broadcast_in_dim3A_800, %scan3A_1376 = %broadcast_in_dim3A_802, %scan3A_1377 = %broadcast_in_dim3A_804, %scan3A_1378 = %broadcast_in_dim3A_806, %scan3A_1379 = %broadcast_in_dim3A_808, %scan3A_1380 = %broadcast_in_dim3A_810, %scan3A_1381 = %broadcast_in_dim3A_812) -> (vector<16xf32>, vector<16xf32>, vector<16xf32>, vector<16xf32>, vector<16xf32>, vector<16xf32>, vector<16xf32>, vector<16xf32>, vector<16xi32>, vector<16xi32>, vector<16xi32>, vector<16xi32>, vector<16xi32>, vector<16xi32>, vector<16xi32>, vector<16xi32>)  : i32 {
      %mul3A_1382 = arith.constant 32 : i32
      %mul3A_1383 = arith.muli %scan3A_1365, %mul3A_1382 : i32
      %add3A_1384 = arith.constant 0 : i32
      %add3A_1385 = arith.addi %mul3A_1383, %add3A_1384 : i32
      %get3A_1386 = arith.index_cast %add3A_1385 : i32 to index
      %get3A_1387 = tpu.vector_load %arg7[%get3A_1386] {strides = array<i32>} : memref<4096xf32, #tpu.memory_space<vmem>>, vector<16xf32>,
      %get3A_1388 = arith.index_cast %add3A_1385 : i32 to index
      %get3A_1389 = tpu.vector_load %arg8[%get3A_1388] {strides = array<i32>} : memref<4096xf32, #tpu.memory_space<vmem>>, vector<16xf32>,
      %get3A_1390 = arith.index_cast %add3A_1385 : i32 to index
      %get3A_1391 = tpu.vector_load %arg9[%get3A_1390] {strides = array<i32>} : memref<4096xf32, #tpu.memory_space<vmem>>, vector<16xf32>,
      %get3A_1392 = arith.index_cast %add3A_1385 : i32 to index
      %get3A_1393 = tpu.vector_load %arg13[%get3A_1392] {strides = array<i32>} : memref<4096xf32, #tpu.memory_space<vmem>>, vector<16xf32>,
      %add3A_1394 = vector.broadcast %add3A_1385 : i32 to vector<16xi32>
      %add3A_1395 = arith.addi %iota3A, %add3A_1394 : vector<16xi32>
      %sub3A = arith.subf %get3A_1387, %gather3A_688 : vector<16xf32>
      %abs3A = math.absf %sub3A : vector<16xf32>
      %sub3A_1396 = arith.subf %get3A_1389, %gather3A_692 : vector<16xf32>
      %abs3A_1397 = math.absf %sub3A_1396 : vector<16xf32>
      %add3A_1398 = arith.addf %abs3A, %abs3A_1397 : vector<16xf32>
      %sub3A_1399 = arith.subf %get3A_1391, %gather3A_696 : vector<16xf32>
      %abs3A_1400 = math.absf %sub3A_1399 : vector<16xf32>
      %add3A_1401 = arith.addf %add3A_1398, %abs3A_1400 : vector<16xf32>
      %min3A = arith.minimumf %get3A_1393, %add3A_1401 : vector<16xf32>
      %lt3A = arith.cmpf olt, %add3A_1401, %scan3A_1366 : vector<16xf32>
      %select_n3A_1402 = arith.select %lt3A, %add3A_1401, %scan3A_1366 : vector<16xi1>, vector<16xf32>
      %select_n3A_1403 = arith.select %lt3A, %add3A_1395, %scan3A_1374 : vector<16xi1>, vector<16xi32>
      %sub3A_1404 = arith.subf %get3A_1387, %gather3A_700 : vector<16xf32>
      %abs3A_1405 = math.absf %sub3A_1404 : vector<16xf32>
      %sub3A_1406 = arith.subf %get3A_1389, %gather3A_704 : vector<16xf32>
      %abs3A_1407 = math.absf %sub3A_1406 : vector<16xf32>
      %add3A_1408 = arith.addf %abs3A_1405, %abs3A_1407 : vector<16xf32>
      %sub3A_1409 = arith.subf %get3A_1391, %gather3A_708 : vector<16xf32>
      %abs3A_1410 = math.absf %sub3A_1409 : vector<16xf32>
      %add3A_1411 = arith.addf %add3A_1408, %abs3A_1410 : vector<16xf32>
      %min3A_1412 = arith.minimumf %min3A, %add3A_1411 : vector<16xf32>
      %lt3A_1413 = arith.cmpf olt, %add3A_1411, %scan3A_1367 : vector<16xf32>
      %select_n3A_1414 = arith.select %lt3A_1413, %add3A_1411, %scan3A_1367 : vector<16xi1>, vector<16xf32>
      %select_n3A_1415 = arith.select %lt3A_1413, %add3A_1395, %scan3A_1375 : vector<16xi1>, vector<16xi32>
      %sub3A_1416 = arith.subf %get3A_1387, %gather3A_712 : vector<16xf32>
      %abs3A_1417 = math.absf %sub3A_1416 : vector<16xf32>
      %sub3A_1418 = arith.subf %get3A_1389, %gather3A_716 : vector<16xf32>
      %abs3A_1419 = math.absf %sub3A_1418 : vector<16xf32>
      %add3A_1420 = arith.addf %abs3A_1417, %abs3A_1419 : vector<16xf32>
      %sub3A_1421 = arith.subf %get3A_1391, %gather3A_720 : vector<16xf32>
      %abs3A_1422 = math.absf %sub3A_1421 : vector<16xf32>
      %add3A_1423 = arith.addf %add3A_1420, %abs3A_1422 : vector<16xf32>
      %min3A_1424 = arith.minimumf %min3A_1412, %add3A_1423 : vector<16xf32>
      %lt3A_1425 = arith.cmpf olt, %add3A_1423, %scan3A_1368 : vector<16xf32>
      %select_n3A_1426 = arith.select %lt3A_1425, %add3A_1423, %scan3A_1368 : vector<16xi1>, vector<16xf32>
      %select_n3A_1427 = arith.select %lt3A_1425, %add3A_1395, %scan3A_1376 : vector<16xi1>, vector<16xi32>
      %sub3A_1428 = arith.subf %get3A_1387, %gather3A_724 : vector<16xf32>
      %abs3A_1429 = math.absf %sub3A_1428 : vector<16xf32>
      %sub3A_1430 = arith.subf %get3A_1389, %gather3A_728 : vector<16xf32>
      %abs3A_1431 = math.absf %sub3A_1430 : vector<16xf32>
      %add3A_1432 = arith.addf %abs3A_1429, %abs3A_1431 : vector<16xf32>
      %sub3A_1433 = arith.subf %get3A_1391, %gather3A_732 : vector<16xf32>
      %abs3A_1434 = math.absf %sub3A_1433 : vector<16xf32>
      %add3A_1435 = arith.addf %add3A_1432, %abs3A_1434 : vector<16xf32>
      %min3A_1436 = arith.minimumf %min3A_1424, %add3A_1435 : vector<16xf32>
      %lt3A_1437 = arith.cmpf olt, %add3A_1435, %scan3A_1369 : vector<16xf32>
      %select_n3A_1438 = arith.select %lt3A_1437, %add3A_1435, %scan3A_1369 : vector<16xi1>, vector<16xf32>
      %select_n3A_1439 = arith.select %lt3A_1437, %add3A_1395, %scan3A_1377 : vector<16xi1>, vector<16xi32>
      %sub3A_1440 = arith.subf %get3A_1387, %gather3A_736 : vector<16xf32>
      %abs3A_1441 = math.absf %sub3A_1440 : vector<16xf32>
      %sub3A_1442 = arith.subf %get3A_1389, %gather3A_740 : vector<16xf32>
      %abs3A_1443 = math.absf %sub3A_1442 : vector<16xf32>
      %add3A_1444 = arith.addf %abs3A_1441, %abs3A_1443 : vector<16xf32>
      %sub3A_1445 = arith.subf %get3A_1391, %gather3A_744 : vector<16xf32>
      %abs3A_1446 = math.absf %sub3A_1445 : vector<16xf32>
      %add3A_1447 = arith.addf %add3A_1444, %abs3A_1446 : vector<16xf32>
      %min3A_1448 = arith.minimumf %min3A_1436, %add3A_1447 : vector<16xf32>
      %lt3A_1449 = arith.cmpf olt, %add3A_1447, %scan3A_1370 : vector<16xf32>
      %select_n3A_1450 = arith.select %lt3A_1449, %add3A_1447, %scan3A_1370 : vector<16xi1>, vector<16xf32>
      %select_n3A_1451 = arith.select %lt3A_1449, %add3A_1395, %scan3A_1378 : vector<16xi1>, vector<16xi32>
      %sub3A_1452 = arith.subf %get3A_1387, %gather3A_748 : vector<16xf32>
      %abs3A_1453 = math.absf %sub3A_1452 : vector<16xf32>
      %sub3A_1454 = arith.subf %get3A_1389, %gather3A_752 : vector<16xf32>
      %abs3A_1455 = math.absf %sub3A_1454 : vector<16xf32>
      %add3A_1456 = arith.addf %abs3A_1453, %abs3A_1455 : vector<16xf32>
      %sub3A_1457 = arith.subf %get3A_1391, %gather3A_756 : vector<16xf32>
      %abs3A_1458 = math.absf %sub3A_1457 : vector<16xf32>
      %add3A_1459 = arith.addf %add3A_1456, %abs3A_1458 : vector<16xf32>
      %min3A_1460 = arith.minimumf %min3A_1448, %add3A_1459 : vector<16xf32>
      %lt3A_1461 = arith.cmpf olt, %add3A_1459, %scan3A_1371 : vector<16xf32>
      %select_n3A_1462 = arith.select %lt3A_1461, %add3A_1459, %scan3A_1371 : vector<16xi1>, vector<16xf32>
      %select_n3A_1463 = arith.select %lt3A_1461, %add3A_1395, %scan3A_1379 : vector<16xi1>, vector<16xi32>
      %sub3A_1464 = arith.subf %get3A_1387, %gather3A_760 : vector<16xf32>
      %abs3A_1465 = math.absf %sub3A_1464 : vector<16xf32>
      %sub3A_1466 = arith.subf %get3A_1389, %gather3A_764 : vector<16xf32>
      %abs3A_1467 = math.absf %sub3A_1466 : vector<16xf32>
      %add3A_1468 = arith.addf %abs3A_1465, %abs3A_1467 : vector<16xf32>
      %sub3A_1469 = arith.subf %get3A_1391, %gather3A_768 : vector<16xf32>
      %abs3A_1470 = math.absf %sub3A_1469 : vector<16xf32>
      %add3A_1471 = arith.addf %add3A_1468, %abs3A_1470 : vector<16xf32>
      %min3A_1472 = arith.minimumf %min3A_1460, %add3A_1471 : vector<16xf32>
      %lt3A_1473 = arith.cmpf olt, %add3A_1471, %scan3A_1372 : vector<16xf32>
      %select_n3A_1474 = arith.select %lt3A_1473, %add3A_1471, %scan3A_1372 : vector<16xi1>, vector<16xf32>
      %select_n3A_1475 = arith.select %lt3A_1473, %add3A_1395, %scan3A_1380 : vector<16xi1>, vector<16xi32>
      %sub3A_1476 = arith.subf %get3A_1387, %gather3A_772 : vector<16xf32>
      %abs3A_1477 = math.absf %sub3A_1476 : vector<16xf32>
      %sub3A_1478 = arith.subf %get3A_1389, %gather3A_776 : vector<16xf32>
      %abs3A_1479 = math.absf %sub3A_1478 : vector<16xf32>
      %add3A_1480 = arith.addf %abs3A_1477, %abs3A_1479 : vector<16xf32>
      %sub3A_1481 = arith.subf %get3A_1391, %gather3A_780 : vector<16xf32>
      %abs3A_1482 = math.absf %sub3A_1481 : vector<16xf32>
      %add3A_1483 = arith.addf %add3A_1480, %abs3A_1482 : vector<16xf32>
      %min3A_1484 = arith.minimumf %min3A_1472, %add3A_1483 : vector<16xf32>
      %lt3A_1485 = arith.cmpf olt, %add3A_1483, %scan3A_1373 : vector<16xf32>
      %select_n3A_1486 = arith.select %lt3A_1485, %add3A_1483, %scan3A_1373 : vector<16xi1>, vector<16xf32>
      %select_n3A_1487 = arith.select %lt3A_1485, %add3A_1395, %scan3A_1381 : vector<16xi1>, vector<16xi32>
      %swap3A_1488 = arith.index_cast %add3A_1385 : i32 to index
      %swap3A_1489 = tpu.vector_load %arg13[%swap3A_1488] {strides = array<i32>} : memref<4096xf32, #tpu.memory_space<vmem>>, vector<16xf32>,
      tpu.vector_store %arg13[%swap3A_1488], %min3A_1484 {strides = array<i32>} : memref<4096xf32, #tpu.memory_space<vmem>>, vector<16xf32>,
      %mul3A_1490 = arith.constant 32 : i32
      %mul3A_1491 = arith.muli %scan3A_1365, %mul3A_1490 : i32
      %add3A_1492 = arith.constant 16 : i32
      %add3A_1493 = arith.addi %mul3A_1491, %add3A_1492 : i32
      %get3A_1494 = arith.index_cast %add3A_1493 : i32 to index
      %get3A_1495 = tpu.vector_load %arg7[%get3A_1494] {strides = array<i32>} : memref<4096xf32, #tpu.memory_space<vmem>>, vector<16xf32>,
      %get3A_1496 = arith.index_cast %add3A_1493 : i32 to index
      %get3A_1497 = tpu.vector_load %arg8[%get3A_1496] {strides = array<i32>} : memref<4096xf32, #tpu.memory_space<vmem>>, vector<16xf32>,
      %get3A_1498 = arith.index_cast %add3A_1493 : i32 to index
      %get3A_1499 = tpu.vector_load %arg9[%get3A_1498] {strides = array<i32>} : memref<4096xf32, #tpu.memory_space<vmem>>, vector<16xf32>,
      %get3A_1500 = arith.index_cast %add3A_1493 : i32 to index
      %get3A_1501 = tpu.vector_load %arg13[%get3A_1500] {strides = array<i32>} : memref<4096xf32, #tpu.memory_space<vmem>>, vector<16xf32>,
      %add3A_1502 = vector.broadcast %add3A_1493 : i32 to vector<16xi32>
      %add3A_1503 = arith.addi %iota3A, %add3A_1502 : vector<16xi32>
      %sub3A_1504 = arith.subf %get3A_1495, %gather3A_688 : vector<16xf32>
      %abs3A_1505 = math.absf %sub3A_1504 : vector<16xf32>
      %sub3A_1506 = arith.subf %get3A_1497, %gather3A_692 : vector<16xf32>
      %abs3A_1507 = math.absf %sub3A_1506 : vector<16xf32>
      %add3A_1508 = arith.addf %abs3A_1505, %abs3A_1507 : vector<16xf32>
      %sub3A_1509 = arith.subf %get3A_1499, %gather3A_696 : vector<16xf32>
      %abs3A_1510 = math.absf %sub3A_1509 : vector<16xf32>
      %add3A_1511 = arith.addf %add3A_1508, %abs3A_1510 : vector<16xf32>
      %min3A_1512 = arith.minimumf %get3A_1501, %add3A_1511 : vector<16xf32>
      %lt3A_1513 = arith.cmpf olt, %add3A_1511, %select_n3A_1402 : vector<16xf32>
      %select_n3A_1514 = arith.select %lt3A_1513, %add3A_1511, %select_n3A_1402 : vector<16xi1>, vector<16xf32>
      %select_n3A_1515 = arith.select %lt3A_1513, %add3A_1503, %select_n3A_1403 : vector<16xi1>, vector<16xi32>
      %sub3A_1516 = arith.subf %get3A_1495, %gather3A_700 : vector<16xf32>
      %abs3A_1517 = math.absf %sub3A_1516 : vector<16xf32>
      %sub3A_1518 = arith.subf %get3A_1497, %gather3A_704 : vector<16xf32>
      %abs3A_1519 = math.absf %sub3A_1518 : vector<16xf32>
      %add3A_1520 = arith.addf %abs3A_1517, %abs3A_1519 : vector<16xf32>
      %sub3A_1521 = arith.subf %get3A_1499, %gather3A_708 : vector<16xf32>
      %abs3A_1522 = math.absf %sub3A_1521 : vector<16xf32>
      %add3A_1523 = arith.addf %add3A_1520, %abs3A_1522 : vector<16xf32>
      %min3A_1524 = arith.minimumf %min3A_1512, %add3A_1523 : vector<16xf32>
      %lt3A_1525 = arith.cmpf olt, %add3A_1523, %select_n3A_1414 : vector<16xf32>
      %select_n3A_1526 = arith.select %lt3A_1525, %add3A_1523, %select_n3A_1414 : vector<16xi1>, vector<16xf32>
      %select_n3A_1527 = arith.select %lt3A_1525, %add3A_1503, %select_n3A_1415 : vector<16xi1>, vector<16xi32>
      %sub3A_1528 = arith.subf %get3A_1495, %gather3A_712 : vector<16xf32>
      %abs3A_1529 = math.absf %sub3A_1528 : vector<16xf32>
      %sub3A_1530 = arith.subf %get3A_1497, %gather3A_716 : vector<16xf32>
      %abs3A_1531 = math.absf %sub3A_1530 : vector<16xf32>
      %add3A_1532 = arith.addf %abs3A_1529, %abs3A_1531 : vector<16xf32>
      %sub3A_1533 = arith.subf %get3A_1499, %gather3A_720 : vector<16xf32>
      %abs3A_1534 = math.absf %sub3A_1533 : vector<16xf32>
      %add3A_1535 = arith.addf %add3A_1532, %abs3A_1534 : vector<16xf32>
      %min3A_1536 = arith.minimumf %min3A_1524, %add3A_1535 : vector<16xf32>
      %lt3A_1537 = arith.cmpf olt, %add3A_1535, %select_n3A_1426 : vector<16xf32>
      %select_n3A_1538 = arith.select %lt3A_1537, %add3A_1535, %select_n3A_1426 : vector<16xi1>, vector<16xf32>
      %select_n3A_1539 = arith.select %lt3A_1537, %add3A_1503, %select_n3A_1427 : vector<16xi1>, vector<16xi32>
      %sub3A_1540 = arith.subf %get3A_1495, %gather3A_724 : vector<16xf32>
      %abs3A_1541 = math.absf %sub3A_1540 : vector<16xf32>
      %sub3A_1542 = arith.subf %get3A_1497, %gather3A_728 : vector<16xf32>
      %abs3A_1543 = math.absf %sub3A_1542 : vector<16xf32>
      %add3A_1544 = arith.addf %abs3A_1541, %abs3A_1543 : vector<16xf32>
      %sub3A_1545 = arith.subf %get3A_1499, %gather3A_732 : vector<16xf32>
      %abs3A_1546 = math.absf %sub3A_1545 : vector<16xf32>
      %add3A_1547 = arith.addf %add3A_1544, %abs3A_1546 : vector<16xf32>
      %min3A_1548 = arith.minimumf %min3A_1536, %add3A_1547 : vector<16xf32>
      %lt3A_1549 = arith.cmpf olt, %add3A_1547, %select_n3A_1438 : vector<16xf32>
      %select_n3A_1550 = arith.select %lt3A_1549, %add3A_1547, %select_n3A_1438 : vector<16xi1>, vector<16xf32>
      %select_n3A_1551 = arith.select %lt3A_1549, %add3A_1503, %select_n3A_1439 : vector<16xi1>, vector<16xi32>
      %sub3A_1552 = arith.subf %get3A_1495, %gather3A_736 : vector<16xf32>
      %abs3A_1553 = math.absf %sub3A_1552 : vector<16xf32>
      %sub3A_1554 = arith.subf %get3A_1497, %gather3A_740 : vector<16xf32>
      %abs3A_1555 = math.absf %sub3A_1554 : vector<16xf32>
      %add3A_1556 = arith.addf %abs3A_1553, %abs3A_1555 : vector<16xf32>
      %sub3A_1557 = arith.subf %get3A_1499, %gather3A_744 : vector<16xf32>
      %abs3A_1558 = math.absf %sub3A_1557 : vector<16xf32>
      %add3A_1559 = arith.addf %add3A_1556, %abs3A_1558 : vector<16xf32>
      %min3A_1560 = arith.minimumf %min3A_1548, %add3A_1559 : vector<16xf32>
      %lt3A_1561 = arith.cmpf olt, %add3A_1559, %select_n3A_1450 : vector<16xf32>
      %select_n3A_1562 = arith.select %lt3A_1561, %add3A_1559, %select_n3A_1450 : vector<16xi1>, vector<16xf32>
      %select_n3A_1563 = arith.select %lt3A_1561, %add3A_1503, %select_n3A_1451 : vector<16xi1>, vector<16xi32>
      %sub3A_1564 = arith.subf %get3A_1495, %gather3A_748 : vector<16xf32>
      %abs3A_1565 = math.absf %sub3A_1564 : vector<16xf32>
      %sub3A_1566 = arith.subf %get3A_1497, %gather3A_752 : vector<16xf32>
      %abs3A_1567 = math.absf %sub3A_1566 : vector<16xf32>
      %add3A_1568 = arith.addf %abs3A_1565, %abs3A_1567 : vector<16xf32>
      %sub3A_1569 = arith.subf %get3A_1499, %gather3A_756 : vector<16xf32>
      %abs3A_1570 = math.absf %sub3A_1569 : vector<16xf32>
      %add3A_1571 = arith.addf %add3A_1568, %abs3A_1570 : vector<16xf32>
      %min3A_1572 = arith.minimumf %min3A_1560, %add3A_1571 : vector<16xf32>
      %lt3A_1573 = arith.cmpf olt, %add3A_1571, %select_n3A_1462 : vector<16xf32>
      %select_n3A_1574 = arith.select %lt3A_1573, %add3A_1571, %select_n3A_1462 : vector<16xi1>, vector<16xf32>
      %select_n3A_1575 = arith.select %lt3A_1573, %add3A_1503, %select_n3A_1463 : vector<16xi1>, vector<16xi32>
      %sub3A_1576 = arith.subf %get3A_1495, %gather3A_760 : vector<16xf32>
      %abs3A_1577 = math.absf %sub3A_1576 : vector<16xf32>
      %sub3A_1578 = arith.subf %get3A_1497, %gather3A_764 : vector<16xf32>
      %abs3A_1579 = math.absf %sub3A_1578 : vector<16xf32>
      %add3A_1580 = arith.addf %abs3A_1577, %abs3A_1579 : vector<16xf32>
      %sub3A_1581 = arith.subf %get3A_1499, %gather3A_768 : vector<16xf32>
      %abs3A_1582 = math.absf %sub3A_1581 : vector<16xf32>
      %add3A_1583 = arith.addf %add3A_1580, %abs3A_1582 : vector<16xf32>
      %min3A_1584 = arith.minimumf %min3A_1572, %add3A_1583 : vector<16xf32>
      %lt3A_1585 = arith.cmpf olt, %add3A_1583, %select_n3A_1474 : vector<16xf32>
      %select_n3A_1586 = arith.select %lt3A_1585, %add3A_1583, %select_n3A_1474 : vector<16xi1>, vector<16xf32>
      %select_n3A_1587 = arith.select %lt3A_1585, %add3A_1503, %select_n3A_1475 : vector<16xi1>, vector<16xi32>
      %sub3A_1588 = arith.subf %get3A_1495, %gather3A_772 : vector<16xf32>
      %abs3A_1589 = math.absf %sub3A_1588 : vector<16xf32>
      %sub3A_1590 = arith.subf %get3A_1497, %gather3A_776 : vector<16xf32>
      %abs3A_1591 = math.absf %sub3A_1590 : vector<16xf32>
      %add3A_1592 = arith.addf %abs3A_1589, %abs3A_1591 : vector<16xf32>
      %sub3A_1593 = arith.subf %get3A_1499, %gather3A_780 : vector<16xf32>
      %abs3A_1594 = math.absf %sub3A_1593 : vector<16xf32>
      %add3A_1595 = arith.addf %add3A_1592, %abs3A_1594 : vector<16xf32>
      %min3A_1596 = arith.minimumf %min3A_1584, %add3A_1595 : vector<16xf32>
      %lt3A_1597 = arith.cmpf olt, %add3A_1595, %select_n3A_1486 : vector<16xf32>
      %select_n3A_1598 = arith.select %lt3A_1597, %add3A_1595, %select_n3A_1486 : vector<16xi1>, vector<16xf32>
      %select_n3A_1599 = arith.select %lt3A_1597, %add3A_1503, %select_n3A_1487 : vector<16xi1>, vector<16xi32>
      %swap3A_1600 = arith.index_cast %add3A_1493 : i32 to index
      %swap3A_1601 = tpu.vector_load %arg13[%swap3A_1600] {strides = array<i32>} : memref<4096xf32, #tpu.memory_space<vmem>>, vector<16xf32>,
      tpu.vector_store %arg13[%swap3A_1600], %min3A_1596 {strides = array<i32>} : memref<4096xf32, #tpu.memory_space<vmem>>, vector<16xf32>,
      scf.yield %select_n3A_1514, %select_n3A_1526, %select_n3A_1538, %select_n3A_1550, %select_n3A_1562, %select_n3A_1574, %select_n3A_1586, %select_n3A_1598, %select_n3A_1515, %select_n3A_1527, %select_n3A_1539, %select_n3A_1551, %select_n3A_1563, %select_n3A_1575, %select_n3A_1587, %select_n3A_1599 : vector<16xf32>, vector<16xf32>, vector<16xf32>, vector<16xf32>, vector<16xf32>, vector<16xf32>, vector<16xf32>, vector<16xf32>, vector<16xi32>, vector<16xi32>, vector<16xi32>, vector<16xi32>, vector<16xi32>, vector<16xi32>, vector<16xi32>, vector<16xi32>
    }
    %scan3A_818 = arith.constant 128 : i32
    %reduce_min3A_819 = arith.constant true
    %reduce_min3A_820 = vector.broadcast %reduce_min3A_819 : i1 to vector<16xi1>
    %reduce_min3A_821 = tpu.scan <min>, %scan3A_817#0 masked %reduce_min3A_820 : vector<16xf32>, vector<16xi1> -> vector<16xf32>
    %reduce_min3A_822 = vector.extract %reduce_min3A_821[15] : f32 from vector<16xf32>
    %eq3A_823 = vector.broadcast %reduce_min3A_822 : f32 to vector<16xf32>
    %eq3A_824 = arith.cmpf oeq, %scan3A_817#0, %eq3A_823 : vector<16xf32>
    %jit3A_825 = arith.constant 4096 : i32
    %broadcast_in_dim3A_826 = vector.broadcast %jit3A_825 : i32 to vector<16xi32>
    %select_n3A_827 = arith.select %eq3A_824, %scan3A_817#8, %broadcast_in_dim3A_826 : vector<16xi1>, vector<16xi32>
    %reduce_min3A_828 = arith.constant true
    %reduce_min3A_829 = vector.broadcast %reduce_min3A_828 : i1 to vector<16xi1>
    %reduce_min3A_830 = arith.constant -2147483648 : i32
    %reduce_min3A_831 = vector.broadcast %reduce_min3A_830 : i32 to vector<16xi32>
    %reduce_min3A_832 = arith.xori %select_n3A_827, %reduce_min3A_831 : vector<16xi32>
    %reduce_min3A_833 = tpu.scan <min>, %reduce_min3A_832 masked %reduce_min3A_829 : vector<16xi32>, vector<16xi1> -> vector<16xi32>
    %reduce_min3A_834 = arith.xori %reduce_min3A_833, %reduce_min3A_831 : vector<16xi32>
    %reduce_min3A_835 = vector.extract %reduce_min3A_834[15] : i32 from vector<16xi32>
    %eq3A_836 = arith.constant 0 : i32
    %eq3A_837 = vector.broadcast %eq3A_836 : i32 to vector<16xi32>
    %eq3A_838 = arith.cmpi eq, %iota3A, %eq3A_837 : vector<16xi32>
    %broadcast_in_dim3A_839 = vector.broadcast %reduce_min3A_822 : f32 to vector<16xf32>
    %select_n3A_840 = arith.select %eq3A_838, %broadcast_in_dim3A_839, %select_n3A_673 : vector<16xi1>, vector<16xf32>
    %broadcast_in_dim3A_841 = vector.broadcast %reduce_min3A_835 : i32 to vector<16xi32>
    %select_n3A_842 = arith.select %eq3A_838, %broadcast_in_dim3A_841, %select_n3A_675 : vector<16xi1>, vector<16xi32>
    %reduce_min3A_843 = arith.constant true
    %reduce_min3A_844 = vector.broadcast %reduce_min3A_843 : i1 to vector<16xi1>
    %reduce_min3A_845 = tpu.scan <min>, %scan3A_817#1 masked %reduce_min3A_844 : vector<16xf32>, vector<16xi1> -> vector<16xf32>
    %reduce_min3A_846 = vector.extract %reduce_min3A_845[15] : f32 from vector<16xf32>
    %eq3A_847 = vector.broadcast %reduce_min3A_846 : f32 to vector<16xf32>
    %eq3A_848 = arith.cmpf oeq, %scan3A_817#1, %eq3A_847 : vector<16xf32>
    %jit3A_849 = arith.constant 4096 : i32
    %broadcast_in_dim3A_850 = vector.broadcast %jit3A_849 : i32 to vector<16xi32>
    %select_n3A_851 = arith.select %eq3A_848, %scan3A_817#9, %broadcast_in_dim3A_850 : vector<16xi1>, vector<16xi32>
    %reduce_min3A_852 = arith.constant true
    %reduce_min3A_853 = vector.broadcast %reduce_min3A_852 : i1 to vector<16xi1>
    %reduce_min3A_854 = arith.constant -2147483648 : i32
    %reduce_min3A_855 = vector.broadcast %reduce_min3A_854 : i32 to vector<16xi32>
    %reduce_min3A_856 = arith.xori %select_n3A_851, %reduce_min3A_855 : vector<16xi32>
    %reduce_min3A_857 = tpu.scan <min>, %reduce_min3A_856 masked %reduce_min3A_853 : vector<16xi32>, vector<16xi1> -> vector<16xi32>
    %reduce_min3A_858 = arith.xori %reduce_min3A_857, %reduce_min3A_855 : vector<16xi32>
    %reduce_min3A_859 = vector.extract %reduce_min3A_858[15] : i32 from vector<16xi32>
    %eq3A_860 = arith.constant 1 : i32
    %eq3A_861 = vector.broadcast %eq3A_860 : i32 to vector<16xi32>
    %eq3A_862 = arith.cmpi eq, %iota3A, %eq3A_861 : vector<16xi32>
    %broadcast_in_dim3A_863 = vector.broadcast %reduce_min3A_846 : f32 to vector<16xf32>
    %select_n3A_864 = arith.select %eq3A_862, %broadcast_in_dim3A_863, %select_n3A_840 : vector<16xi1>, vector<16xf32>
    %broadcast_in_dim3A_865 = vector.broadcast %reduce_min3A_859 : i32 to vector<16xi32>
    %select_n3A_866 = arith.select %eq3A_862, %broadcast_in_dim3A_865, %select_n3A_842 : vector<16xi1>, vector<16xi32>
    %reduce_min3A_867 = arith.constant true
    %reduce_min3A_868 = vector.broadcast %reduce_min3A_867 : i1 to vector<16xi1>
    %reduce_min3A_869 = tpu.scan <min>, %scan3A_817#2 masked %reduce_min3A_868 : vector<16xf32>, vector<16xi1> -> vector<16xf32>
    %reduce_min3A_870 = vector.extract %reduce_min3A_869[15] : f32 from vector<16xf32>
    %eq3A_871 = vector.broadcast %reduce_min3A_870 : f32 to vector<16xf32>
    %eq3A_872 = arith.cmpf oeq, %scan3A_817#2, %eq3A_871 : vector<16xf32>
    %jit3A_873 = arith.constant 4096 : i32
    %broadcast_in_dim3A_874 = vector.broadcast %jit3A_873 : i32 to vector<16xi32>
    %select_n3A_875 = arith.select %eq3A_872, %scan3A_817#10, %broadcast_in_dim3A_874 : vector<16xi1>, vector<16xi32>
    %reduce_min3A_876 = arith.constant true
    %reduce_min3A_877 = vector.broadcast %reduce_min3A_876 : i1 to vector<16xi1>
    %reduce_min3A_878 = arith.constant -2147483648 : i32
    %reduce_min3A_879 = vector.broadcast %reduce_min3A_878 : i32 to vector<16xi32>
    %reduce_min3A_880 = arith.xori %select_n3A_875, %reduce_min3A_879 : vector<16xi32>
    %reduce_min3A_881 = tpu.scan <min>, %reduce_min3A_880 masked %reduce_min3A_877 : vector<16xi32>, vector<16xi1> -> vector<16xi32>
    %reduce_min3A_882 = arith.xori %reduce_min3A_881, %reduce_min3A_879 : vector<16xi32>
    %reduce_min3A_883 = vector.extract %reduce_min3A_882[15] : i32 from vector<16xi32>
    %eq3A_884 = arith.constant 2 : i32
    %eq3A_885 = vector.broadcast %eq3A_884 : i32 to vector<16xi32>
    %eq3A_886 = arith.cmpi eq, %iota3A, %eq3A_885 : vector<16xi32>
    %broadcast_in_dim3A_887 = vector.broadcast %reduce_min3A_870 : f32 to vector<16xf32>
    %select_n3A_888 = arith.select %eq3A_886, %broadcast_in_dim3A_887, %select_n3A_864 : vector<16xi1>, vector<16xf32>
    %broadcast_in_dim3A_889 = vector.broadcast %reduce_min3A_883 : i32 to vector<16xi32>
    %select_n3A_890 = arith.select %eq3A_886, %broadcast_in_dim3A_889, %select_n3A_866 : vector<16xi1>, vector<16xi32>
    %reduce_min3A_891 = arith.constant true
    %reduce_min3A_892 = vector.broadcast %reduce_min3A_891 : i1 to vector<16xi1>
    %reduce_min3A_893 = tpu.scan <min>, %scan3A_817#3 masked %reduce_min3A_892 : vector<16xf32>, vector<16xi1> -> vector<16xf32>
    %reduce_min3A_894 = vector.extract %reduce_min3A_893[15] : f32 from vector<16xf32>
    %eq3A_895 = vector.broadcast %reduce_min3A_894 : f32 to vector<16xf32>
    %eq3A_896 = arith.cmpf oeq, %scan3A_817#3, %eq3A_895 : vector<16xf32>
    %jit3A_897 = arith.constant 4096 : i32
    %broadcast_in_dim3A_898 = vector.broadcast %jit3A_897 : i32 to vector<16xi32>
    %select_n3A_899 = arith.select %eq3A_896, %scan3A_817#11, %broadcast_in_dim3A_898 : vector<16xi1>, vector<16xi32>
    %reduce_min3A_900 = arith.constant true
    %reduce_min3A_901 = vector.broadcast %reduce_min3A_900 : i1 to vector<16xi1>
    %reduce_min3A_902 = arith.constant -2147483648 : i32
    %reduce_min3A_903 = vector.broadcast %reduce_min3A_902 : i32 to vector<16xi32>
    %reduce_min3A_904 = arith.xori %select_n3A_899, %reduce_min3A_903 : vector<16xi32>
    %reduce_min3A_905 = tpu.scan <min>, %reduce_min3A_904 masked %reduce_min3A_901 : vector<16xi32>, vector<16xi1> -> vector<16xi32>
    %reduce_min3A_906 = arith.xori %reduce_min3A_905, %reduce_min3A_903 : vector<16xi32>
    %reduce_min3A_907 = vector.extract %reduce_min3A_906[15] : i32 from vector<16xi32>
    %eq3A_908 = arith.constant 3 : i32
    %eq3A_909 = vector.broadcast %eq3A_908 : i32 to vector<16xi32>
    %eq3A_910 = arith.cmpi eq, %iota3A, %eq3A_909 : vector<16xi32>
    %broadcast_in_dim3A_911 = vector.broadcast %reduce_min3A_894 : f32 to vector<16xf32>
    %select_n3A_912 = arith.select %eq3A_910, %broadcast_in_dim3A_911, %select_n3A_888 : vector<16xi1>, vector<16xf32>
    %broadcast_in_dim3A_913 = vector.broadcast %reduce_min3A_907 : i32 to vector<16xi32>
    %select_n3A_914 = arith.select %eq3A_910, %broadcast_in_dim3A_913, %select_n3A_890 : vector<16xi1>, vector<16xi32>
    %reduce_min3A_915 = arith.constant true
    %reduce_min3A_916 = vector.broadcast %reduce_min3A_915 : i1 to vector<16xi1>
    %reduce_min3A_917 = tpu.scan <min>, %scan3A_817#4 masked %reduce_min3A_916 : vector<16xf32>, vector<16xi1> -> vector<16xf32>
    %reduce_min3A_918 = vector.extract %reduce_min3A_917[15] : f32 from vector<16xf32>
    %eq3A_919 = vector.broadcast %reduce_min3A_918 : f32 to vector<16xf32>
    %eq3A_920 = arith.cmpf oeq, %scan3A_817#4, %eq3A_919 : vector<16xf32>
    %jit3A_921 = arith.constant 4096 : i32
    %broadcast_in_dim3A_922 = vector.broadcast %jit3A_921 : i32 to vector<16xi32>
    %select_n3A_923 = arith.select %eq3A_920, %scan3A_817#12, %broadcast_in_dim3A_922 : vector<16xi1>, vector<16xi32>
    %reduce_min3A_924 = arith.constant true
    %reduce_min3A_925 = vector.broadcast %reduce_min3A_924 : i1 to vector<16xi1>
    %reduce_min3A_926 = arith.constant -2147483648 : i32
    %reduce_min3A_927 = vector.broadcast %reduce_min3A_926 : i32 to vector<16xi32>
    %reduce_min3A_928 = arith.xori %select_n3A_923, %reduce_min3A_927 : vector<16xi32>
    %reduce_min3A_929 = tpu.scan <min>, %reduce_min3A_928 masked %reduce_min3A_925 : vector<16xi32>, vector<16xi1> -> vector<16xi32>
    %reduce_min3A_930 = arith.xori %reduce_min3A_929, %reduce_min3A_927 : vector<16xi32>
    %reduce_min3A_931 = vector.extract %reduce_min3A_930[15] : i32 from vector<16xi32>
    %eq3A_932 = arith.constant 4 : i32
    %eq3A_933 = vector.broadcast %eq3A_932 : i32 to vector<16xi32>
    %eq3A_934 = arith.cmpi eq, %iota3A, %eq3A_933 : vector<16xi32>
    %broadcast_in_dim3A_935 = vector.broadcast %reduce_min3A_918 : f32 to vector<16xf32>
    %select_n3A_936 = arith.select %eq3A_934, %broadcast_in_dim3A_935, %select_n3A_912 : vector<16xi1>, vector<16xf32>
    %broadcast_in_dim3A_937 = vector.broadcast %reduce_min3A_931 : i32 to vector<16xi32>
    %select_n3A_938 = arith.select %eq3A_934, %broadcast_in_dim3A_937, %select_n3A_914 : vector<16xi1>, vector<16xi32>
    %reduce_min3A_939 = arith.constant true
    %reduce_min3A_940 = vector.broadcast %reduce_min3A_939 : i1 to vector<16xi1>
    %reduce_min3A_941 = tpu.scan <min>, %scan3A_817#5 masked %reduce_min3A_940 : vector<16xf32>, vector<16xi1> -> vector<16xf32>
    %reduce_min3A_942 = vector.extract %reduce_min3A_941[15] : f32 from vector<16xf32>
    %eq3A_943 = vector.broadcast %reduce_min3A_942 : f32 to vector<16xf32>
    %eq3A_944 = arith.cmpf oeq, %scan3A_817#5, %eq3A_943 : vector<16xf32>
    %jit3A_945 = arith.constant 4096 : i32
    %broadcast_in_dim3A_946 = vector.broadcast %jit3A_945 : i32 to vector<16xi32>
    %select_n3A_947 = arith.select %eq3A_944, %scan3A_817#13, %broadcast_in_dim3A_946 : vector<16xi1>, vector<16xi32>
    %reduce_min3A_948 = arith.constant true
    %reduce_min3A_949 = vector.broadcast %reduce_min3A_948 : i1 to vector<16xi1>
    %reduce_min3A_950 = arith.constant -2147483648 : i32
    %reduce_min3A_951 = vector.broadcast %reduce_min3A_950 : i32 to vector<16xi32>
    %reduce_min3A_952 = arith.xori %select_n3A_947, %reduce_min3A_951 : vector<16xi32>
    %reduce_min3A_953 = tpu.scan <min>, %reduce_min3A_952 masked %reduce_min3A_949 : vector<16xi32>, vector<16xi1> -> vector<16xi32>
    %reduce_min3A_954 = arith.xori %reduce_min3A_953, %reduce_min3A_951 : vector<16xi32>
    %reduce_min3A_955 = vector.extract %reduce_min3A_954[15] : i32 from vector<16xi32>
    %eq3A_956 = arith.constant 5 : i32
    %eq3A_957 = vector.broadcast %eq3A_956 : i32 to vector<16xi32>
    %eq3A_958 = arith.cmpi eq, %iota3A, %eq3A_957 : vector<16xi32>
    %broadcast_in_dim3A_959 = vector.broadcast %reduce_min3A_942 : f32 to vector<16xf32>
    %select_n3A_960 = arith.select %eq3A_958, %broadcast_in_dim3A_959, %select_n3A_936 : vector<16xi1>, vector<16xf32>
    %broadcast_in_dim3A_961 = vector.broadcast %reduce_min3A_955 : i32 to vector<16xi32>
    %select_n3A_962 = arith.select %eq3A_958, %broadcast_in_dim3A_961, %select_n3A_938 : vector<16xi1>, vector<16xi32>
    %reduce_min3A_963 = arith.constant true
    %reduce_min3A_964 = vector.broadcast %reduce_min3A_963 : i1 to vector<16xi1>
    %reduce_min3A_965 = tpu.scan <min>, %scan3A_817#6 masked %reduce_min3A_964 : vector<16xf32>, vector<16xi1> -> vector<16xf32>
    %reduce_min3A_966 = vector.extract %reduce_min3A_965[15] : f32 from vector<16xf32>
    %eq3A_967 = vector.broadcast %reduce_min3A_966 : f32 to vector<16xf32>
    %eq3A_968 = arith.cmpf oeq, %scan3A_817#6, %eq3A_967 : vector<16xf32>
    %jit3A_969 = arith.constant 4096 : i32
    %broadcast_in_dim3A_970 = vector.broadcast %jit3A_969 : i32 to vector<16xi32>
    %select_n3A_971 = arith.select %eq3A_968, %scan3A_817#14, %broadcast_in_dim3A_970 : vector<16xi1>, vector<16xi32>
    %reduce_min3A_972 = arith.constant true
    %reduce_min3A_973 = vector.broadcast %reduce_min3A_972 : i1 to vector<16xi1>
    %reduce_min3A_974 = arith.constant -2147483648 : i32
    %reduce_min3A_975 = vector.broadcast %reduce_min3A_974 : i32 to vector<16xi32>
    %reduce_min3A_976 = arith.xori %select_n3A_971, %reduce_min3A_975 : vector<16xi32>
    %reduce_min3A_977 = tpu.scan <min>, %reduce_min3A_976 masked %reduce_min3A_973 : vector<16xi32>, vector<16xi1> -> vector<16xi32>
    %reduce_min3A_978 = arith.xori %reduce_min3A_977, %reduce_min3A_975 : vector<16xi32>
    %reduce_min3A_979 = vector.extract %reduce_min3A_978[15] : i32 from vector<16xi32>
    %eq3A_980 = arith.constant 6 : i32
    %eq3A_981 = vector.broadcast %eq3A_980 : i32 to vector<16xi32>
    %eq3A_982 = arith.cmpi eq, %iota3A, %eq3A_981 : vector<16xi32>
    %broadcast_in_dim3A_983 = vector.broadcast %reduce_min3A_966 : f32 to vector<16xf32>
    %select_n3A_984 = arith.select %eq3A_982, %broadcast_in_dim3A_983, %select_n3A_960 : vector<16xi1>, vector<16xf32>
    %broadcast_in_dim3A_985 = vector.broadcast %reduce_min3A_979 : i32 to vector<16xi32>
    %select_n3A_986 = arith.select %eq3A_982, %broadcast_in_dim3A_985, %select_n3A_962 : vector<16xi1>, vector<16xi32>
    %reduce_min3A_987 = arith.constant true
    %reduce_min3A_988 = vector.broadcast %reduce_min3A_987 : i1 to vector<16xi1>
    %reduce_min3A_989 = tpu.scan <min>, %scan3A_817#7 masked %reduce_min3A_988 : vector<16xf32>, vector<16xi1> -> vector<16xf32>
    %reduce_min3A_990 = vector.extract %reduce_min3A_989[15] : f32 from vector<16xf32>
    %eq3A_991 = vector.broadcast %reduce_min3A_990 : f32 to vector<16xf32>
    %eq3A_992 = arith.cmpf oeq, %scan3A_817#7, %eq3A_991 : vector<16xf32>
    %jit3A_993 = arith.constant 4096 : i32
    %broadcast_in_dim3A_994 = vector.broadcast %jit3A_993 : i32 to vector<16xi32>
    %select_n3A_995 = arith.select %eq3A_992, %scan3A_817#15, %broadcast_in_dim3A_994 : vector<16xi1>, vector<16xi32>
    %reduce_min3A_996 = arith.constant true
    %reduce_min3A_997 = vector.broadcast %reduce_min3A_996 : i1 to vector<16xi1>
    %reduce_min3A_998 = arith.constant -2147483648 : i32
    %reduce_min3A_999 = vector.broadcast %reduce_min3A_998 : i32 to vector<16xi32>
    %reduce_min3A_1000 = arith.xori %select_n3A_995, %reduce_min3A_999 : vector<16xi32>
    %reduce_min3A_1001 = tpu.scan <min>, %reduce_min3A_1000 masked %reduce_min3A_997 : vector<16xi32>, vector<16xi1> -> vector<16xi32>
    %reduce_min3A_1002 = arith.xori %reduce_min3A_1001, %reduce_min3A_999 : vector<16xi32>
    %reduce_min3A_1003 = vector.extract %reduce_min3A_1002[15] : i32 from vector<16xi32>
    %eq3A_1004 = arith.constant 7 : i32
    %eq3A_1005 = vector.broadcast %eq3A_1004 : i32 to vector<16xi32>
    %eq3A_1006 = arith.cmpi eq, %iota3A, %eq3A_1005 : vector<16xi32>
    %broadcast_in_dim3A_1007 = vector.broadcast %reduce_min3A_990 : f32 to vector<16xf32>
    %select_n3A_1008 = arith.select %eq3A_1006, %broadcast_in_dim3A_1007, %select_n3A_984 : vector<16xi1>, vector<16xf32>
    %broadcast_in_dim3A_1009 = vector.broadcast %reduce_min3A_1003 : i32 to vector<16xi32>
    %select_n3A_1010 = arith.select %eq3A_1006, %broadcast_in_dim3A_1009, %select_n3A_986 : vector<16xi1>, vector<16xi32>
    %get3A_1011 = arith.constant 16 : index
    %get3A_1012 = tpu.vector_load %arg10[%get3A_1011] {strides = array<i32>} : memref<32xf32, #tpu.memory_space<vmem>>, vector<16xf32>,
    %get3A_1013 = arith.constant 16 : index
    %get3A_1014 = tpu.vector_load %arg11[%get3A_1013] {strides = array<i32>} : memref<32xf32, #tpu.memory_space<vmem>>, vector<16xf32>,
    %get3A_1015 = arith.constant 16 : index
    %get3A_1016 = tpu.vector_load %arg12[%get3A_1015] {strides = array<i32>} : memref<32xf32, #tpu.memory_space<vmem>>, vector<16xf32>,
    %broadcast_in_dim3A_1017 = arith.constant 8 : i32
    %broadcast_in_dim3A_1018 = vector.broadcast %broadcast_in_dim3A_1017 : i32 to vector<16x1xi32>
    %gather3A_1019 = vector.shape_cast %broadcast_in_dim3A_1018 : vector<16x1xi32> to vector<16xi32>
    %gather3A_1020 = tpu.dynamic_gather %get3A_1012[%gather3A_1019] in [0] : vector<16xf32>, vector<16xi32> -> vector<16xf32>
    %broadcast_in_dim3A_1021 = arith.constant 8 : i32
    %broadcast_in_dim3A_1022 = vector.broadcast %broadcast_in_dim3A_1021 : i32 to vector<16x1xi32>
    %gather3A_1023 = vector.shape_cast %broadcast_in_dim3A_1022 : vector<16x1xi32> to vector<16xi32>
    %gather3A_1024 = tpu.dynamic_gather %get3A_1014[%gather3A_1023] in [0] : vector<16xf32>, vector<16xi32> -> vector<16xf32>
    %broadcast_in_dim3A_1025 = arith.constant 8 : i32
    %broadcast_in_dim3A_1026 = vector.broadcast %broadcast_in_dim3A_1025 : i32 to vector<16x1xi32>
    %gather3A_1027 = vector.shape_cast %broadcast_in_dim3A_1026 : vector<16x1xi32> to vector<16xi32>
    %gather3A_1028 = tpu.dynamic_gather %get3A_1016[%gather3A_1027] in [0] : vector<16xf32>, vector<16xi32> -> vector<16xf32>
    %broadcast_in_dim3A_1029 = arith.constant 9 : i32
    %broadcast_in_dim3A_1030 = vector.broadcast %broadcast_in_dim3A_1029 : i32 to vector<16x1xi32>
    %gather3A_1031 = vector.shape_cast %broadcast_in_dim3A_1030 : vector<16x1xi32> to vector<16xi32>
    %gather3A_1032 = tpu.dynamic_gather %get3A_1012[%gather3A_1031] in [0] : vector<16xf32>, vector<16xi32> -> vector<16xf32>
    %broadcast_in_dim3A_1033 = arith.constant 9 : i32
    %broadcast_in_dim3A_1034 = vector.broadcast %broadcast_in_dim3A_1033 : i32 to vector<16x1xi32>
    %gather3A_1035 = vector.shape_cast %broadcast_in_dim3A_1034 : vector<16x1xi32> to vector<16xi32>
    %gather3A_1036 = tpu.dynamic_gather %get3A_1014[%gather3A_1035] in [0] : vector<16xf32>, vector<16xi32> -> vector<16xf32>
    %broadcast_in_dim3A_1037 = arith.constant 9 : i32
    %broadcast_in_dim3A_1038 = vector.broadcast %broadcast_in_dim3A_1037 : i32 to vector<16x1xi32>
    %gather3A_1039 = vector.shape_cast %broadcast_in_dim3A_1038 : vector<16x1xi32> to vector<16xi32>
    %gather3A_1040 = tpu.dynamic_gather %get3A_1016[%gather3A_1039] in [0] : vector<16xf32>, vector<16xi32> -> vector<16xf32>
    %broadcast_in_dim3A_1041 = arith.constant 10 : i32
    %broadcast_in_dim3A_1042 = vector.broadcast %broadcast_in_dim3A_1041 : i32 to vector<16x1xi32>
    %gather3A_1043 = vector.shape_cast %broadcast_in_dim3A_1042 : vector<16x1xi32> to vector<16xi32>
    %gather3A_1044 = tpu.dynamic_gather %get3A_1012[%gather3A_1043] in [0] : vector<16xf32>, vector<16xi32> -> vector<16xf32>
    %broadcast_in_dim3A_1045 = arith.constant 10 : i32
    %broadcast_in_dim3A_1046 = vector.broadcast %broadcast_in_dim3A_1045 : i32 to vector<16x1xi32>
    %gather3A_1047 = vector.shape_cast %broadcast_in_dim3A_1046 : vector<16x1xi32> to vector<16xi32>
    %gather3A_1048 = tpu.dynamic_gather %get3A_1014[%gather3A_1047] in [0] : vector<16xf32>, vector<16xi32> -> vector<16xf32>
    %broadcast_in_dim3A_1049 = arith.constant 10 : i32
    %broadcast_in_dim3A_1050 = vector.broadcast %broadcast_in_dim3A_1049 : i32 to vector<16x1xi32>
    %gather3A_1051 = vector.shape_cast %broadcast_in_dim3A_1050 : vector<16x1xi32> to vector<16xi32>
    %gather3A_1052 = tpu.dynamic_gather %get3A_1016[%gather3A_1051] in [0] : vector<16xf32>, vector<16xi32> -> vector<16xf32>
    %broadcast_in_dim3A_1053 = arith.constant 11 : i32
    %broadcast_in_dim3A_1054 = vector.broadcast %broadcast_in_dim3A_1053 : i32 to vector<16x1xi32>
    %gather3A_1055 = vector.shape_cast %broadcast_in_dim3A_1054 : vector<16x1xi32> to vector<16xi32>
    %gather3A_1056 = tpu.dynamic_gather %get3A_1012[%gather3A_1055] in [0] : vector<16xf32>, vector<16xi32> -> vector<16xf32>
    %broadcast_in_dim3A_1057 = arith.constant 11 : i32
    %broadcast_in_dim3A_1058 = vector.broadcast %broadcast_in_dim3A_1057 : i32 to vector<16x1xi32>
    %gather3A_1059 = vector.shape_cast %broadcast_in_dim3A_1058 : vector<16x1xi32> to vector<16xi32>
    %gather3A_1060 = tpu.dynamic_gather %get3A_1014[%gather3A_1059] in [0] : vector<16xf32>, vector<16xi32> -> vector<16xf32>
    %broadcast_in_dim3A_1061 = arith.constant 11 : i32
    %broadcast_in_dim3A_1062 = vector.broadcast %broadcast_in_dim3A_1061 : i32 to vector<16x1xi32>
    %gather3A_1063 = vector.shape_cast %broadcast_in_dim3A_1062 : vector<16x1xi32> to vector<16xi32>
    %gather3A_1064 = tpu.dynamic_gather %get3A_1016[%gather3A_1063] in [0] : vector<16xf32>, vector<16xi32> -> vector<16xf32>
    %broadcast_in_dim3A_1065 = arith.constant 12 : i32
    %broadcast_in_dim3A_1066 = vector.broadcast %broadcast_in_dim3A_1065 : i32 to vector<16x1xi32>
    %gather3A_1067 = vector.shape_cast %broadcast_in_dim3A_1066 : vector<16x1xi32> to vector<16xi32>
    %gather3A_1068 = tpu.dynamic_gather %get3A_1012[%gather3A_1067] in [0] : vector<16xf32>, vector<16xi32> -> vector<16xf32>
    %broadcast_in_dim3A_1069 = arith.constant 12 : i32
    %broadcast_in_dim3A_1070 = vector.broadcast %broadcast_in_dim3A_1069 : i32 to vector<16x1xi32>
    %gather3A_1071 = vector.shape_cast %broadcast_in_dim3A_1070 : vector<16x1xi32> to vector<16xi32>
    %gather3A_1072 = tpu.dynamic_gather %get3A_1014[%gather3A_1071] in [0] : vector<16xf32>, vector<16xi32> -> vector<16xf32>
    %broadcast_in_dim3A_1073 = arith.constant 12 : i32
    %broadcast_in_dim3A_1074 = vector.broadcast %broadcast_in_dim3A_1073 : i32 to vector<16x1xi32>
    %gather3A_1075 = vector.shape_cast %broadcast_in_dim3A_1074 : vector<16x1xi32> to vector<16xi32>
    %gather3A_1076 = tpu.dynamic_gather %get3A_1016[%gather3A_1075] in [0] : vector<16xf32>, vector<16xi32> -> vector<16xf32>
    %broadcast_in_dim3A_1077 = arith.constant 13 : i32
    %broadcast_in_dim3A_1078 = vector.broadcast %broadcast_in_dim3A_1077 : i32 to vector<16x1xi32>
    %gather3A_1079 = vector.shape_cast %broadcast_in_dim3A_1078 : vector<16x1xi32> to vector<16xi32>
    %gather3A_1080 = tpu.dynamic_gather %get3A_1012[%gather3A_1079] in [0] : vector<16xf32>, vector<16xi32> -> vector<16xf32>
    %broadcast_in_dim3A_1081 = arith.constant 13 : i32
    %broadcast_in_dim3A_1082 = vector.broadcast %broadcast_in_dim3A_1081 : i32 to vector<16x1xi32>
    %gather3A_1083 = vector.shape_cast %broadcast_in_dim3A_1082 : vector<16x1xi32> to vector<16xi32>
    %gather3A_1084 = tpu.dynamic_gather %get3A_1014[%gather3A_1083] in [0] : vector<16xf32>, vector<16xi32> -> vector<16xf32>
    %broadcast_in_dim3A_1085 = arith.constant 13 : i32
    %broadcast_in_dim3A_1086 = vector.broadcast %broadcast_in_dim3A_1085 : i32 to vector<16x1xi32>
    %gather3A_1087 = vector.shape_cast %broadcast_in_dim3A_1086 : vector<16x1xi32> to vector<16xi32>
    %gather3A_1088 = tpu.dynamic_gather %get3A_1016[%gather3A_1087] in [0] : vector<16xf32>, vector<16xi32> -> vector<16xf32>
    %broadcast_in_dim3A_1089 = arith.constant 14 : i32
    %broadcast_in_dim3A_1090 = vector.broadcast %broadcast_in_dim3A_1089 : i32 to vector<16x1xi32>
    %gather3A_1091 = vector.shape_cast %broadcast_in_dim3A_1090 : vector<16x1xi32> to vector<16xi32>
    %gather3A_1092 = tpu.dynamic_gather %get3A_1012[%gather3A_1091] in [0] : vector<16xf32>, vector<16xi32> -> vector<16xf32>
    %broadcast_in_dim3A_1093 = arith.constant 14 : i32
    %broadcast_in_dim3A_1094 = vector.broadcast %broadcast_in_dim3A_1093 : i32 to vector<16x1xi32>
    %gather3A_1095 = vector.shape_cast %broadcast_in_dim3A_1094 : vector<16x1xi32> to vector<16xi32>
    %gather3A_1096 = tpu.dynamic_gather %get3A_1014[%gather3A_1095] in [0] : vector<16xf32>, vector<16xi32> -> vector<16xf32>
    %broadcast_in_dim3A_1097 = arith.constant 14 : i32
    %broadcast_in_dim3A_1098 = vector.broadcast %broadcast_in_dim3A_1097 : i32 to vector<16x1xi32>
    %gather3A_1099 = vector.shape_cast %broadcast_in_dim3A_1098 : vector<16x1xi32> to vector<16xi32>
    %gather3A_1100 = tpu.dynamic_gather %get3A_1016[%gather3A_1099] in [0] : vector<16xf32>, vector<16xi32> -> vector<16xf32>
    %broadcast_in_dim3A_1101 = arith.constant 15 : i32
    %broadcast_in_dim3A_1102 = vector.broadcast %broadcast_in_dim3A_1101 : i32 to vector<16x1xi32>
    %gather3A_1103 = vector.shape_cast %broadcast_in_dim3A_1102 : vector<16x1xi32> to vector<16xi32>
    %gather3A_1104 = tpu.dynamic_gather %get3A_1012[%gather3A_1103] in [0] : vector<16xf32>, vector<16xi32> -> vector<16xf32>
    %broadcast_in_dim3A_1105 = arith.constant 15 : i32
    %broadcast_in_dim3A_1106 = vector.broadcast %broadcast_in_dim3A_1105 : i32 to vector<16x1xi32>
    %gather3A_1107 = vector.shape_cast %broadcast_in_dim3A_1106 : vector<16x1xi32> to vector<16xi32>
    %gather3A_1108 = tpu.dynamic_gather %get3A_1014[%gather3A_1107] in [0] : vector<16xf32>, vector<16xi32> -> vector<16xf32>
    %broadcast_in_dim3A_1109 = arith.constant 15 : i32
    %broadcast_in_dim3A_1110 = vector.broadcast %broadcast_in_dim3A_1109 : i32 to vector<16x1xi32>
    %gather3A_1111 = vector.shape_cast %broadcast_in_dim3A_1110 : vector<16x1xi32> to vector<16xi32>
    %gather3A_1112 = tpu.dynamic_gather %get3A_1016[%gather3A_1111] in [0] : vector<16xf32>, vector<16xi32> -> vector<16xf32>
    %broadcast_in_dim3A_1113 = arith.constant 3.000000e+38 : f32
    %broadcast_in_dim3A_1114 = vector.broadcast %broadcast_in_dim3A_1113 : f32 to vector<16xf32>
    %broadcast_in_dim3A_1115 = arith.constant 3.000000e+38 : f32
    %broadcast_in_dim3A_1116 = vector.broadcast %broadcast_in_dim3A_1115 : f32 to vector<16xf32>
    %broadcast_in_dim3A_1117 = arith.constant 3.000000e+38 : f32
    %broadcast_in_dim3A_1118 = vector.broadcast %broadcast_in_dim3A_1117 : f32 to vector<16xf32>
    %broadcast_in_dim3A_1119 = arith.constant 3.000000e+38 : f32
    %broadcast_in_dim3A_1120 = vector.broadcast %broadcast_in_dim3A_1119 : f32 to vector<16xf32>
    %broadcast_in_dim3A_1121 = arith.constant 3.000000e+38 : f32
    %broadcast_in_dim3A_1122 = vector.broadcast %broadcast_in_dim3A_1121 : f32 to vector<16xf32>
    %broadcast_in_dim3A_1123 = arith.constant 3.000000e+38 : f32
    %broadcast_in_dim3A_1124 = vector.broadcast %broadcast_in_dim3A_1123 : f32 to vector<16xf32>
    %broadcast_in_dim3A_1125 = arith.constant 3.000000e+38 : f32
    %broadcast_in_dim3A_1126 = vector.broadcast %broadcast_in_dim3A_1125 : f32 to vector<16xf32>
    %broadcast_in_dim3A_1127 = arith.constant 3.000000e+38 : f32
    %broadcast_in_dim3A_1128 = vector.broadcast %broadcast_in_dim3A_1127 : f32 to vector<16xf32>
    %broadcast_in_dim3A_1129 = arith.constant 0 : i32
    %broadcast_in_dim3A_1130 = vector.broadcast %broadcast_in_dim3A_1129 : i32 to vector<16xi32>
    %broadcast_in_dim3A_1131 = arith.constant 0 : i32
    %broadcast_in_dim3A_1132 = vector.broadcast %broadcast_in_dim3A_1131 : i32 to vector<16xi32>
    %broadcast_in_dim3A_1133 = arith.constant 0 : i32
    %broadcast_in_dim3A_1134 = vector.broadcast %broadcast_in_dim3A_1133 : i32 to vector<16xi32>
    %broadcast_in_dim3A_1135 = arith.constant 0 : i32
    %broadcast_in_dim3A_1136 = vector.broadcast %broadcast_in_dim3A_1135 : i32 to vector<16xi32>
    %broadcast_in_dim3A_1137 = arith.constant 0 : i32
    %broadcast_in_dim3A_1138 = vector.broadcast %broadcast_in_dim3A_1137 : i32 to vector<16xi32>
    %broadcast_in_dim3A_1139 = arith.constant 0 : i32
    %broadcast_in_dim3A_1140 = vector.broadcast %broadcast_in_dim3A_1139 : i32 to vector<16xi32>
    %broadcast_in_dim3A_1141 = arith.constant 0 : i32
    %broadcast_in_dim3A_1142 = vector.broadcast %broadcast_in_dim3A_1141 : i32 to vector<16xi32>
    %broadcast_in_dim3A_1143 = arith.constant 0 : i32
    %broadcast_in_dim3A_1144 = vector.broadcast %broadcast_in_dim3A_1143 : i32 to vector<16xi32>
    %scan3A_1145 = arith.constant 0 : i32
    %scan3A_1146 = arith.constant 128 : i32
    %scan3A_1147 = arith.addi %scan3A_1145, %scan3A_1146 : i32
    %scan3A_1148 = arith.constant 1 : i32
    %scan3A_1149:16 = scf.for %scan3A_1365 = %scan3A_1145 to %scan3A_1147 step %scan3A_1148 iter_args(%scan3A_1366 = %broadcast_in_dim3A_1114, %scan3A_1367 = %broadcast_in_dim3A_1116, %scan3A_1368 = %broadcast_in_dim3A_1118, %scan3A_1369 = %broadcast_in_dim3A_1120, %scan3A_1370 = %broadcast_in_dim3A_1122, %scan3A_1371 = %broadcast_in_dim3A_1124, %scan3A_1372 = %broadcast_in_dim3A_1126, %scan3A_1373 = %broadcast_in_dim3A_1128, %scan3A_1374 = %broadcast_in_dim3A_1130, %scan3A_1375 = %broadcast_in_dim3A_1132, %scan3A_1376 = %broadcast_in_dim3A_1134, %scan3A_1377 = %broadcast_in_dim3A_1136, %scan3A_1378 = %broadcast_in_dim3A_1138, %scan3A_1379 = %broadcast_in_dim3A_1140, %scan3A_1380 = %broadcast_in_dim3A_1142, %scan3A_1381 = %broadcast_in_dim3A_1144) -> (vector<16xf32>, vector<16xf32>, vector<16xf32>, vector<16xf32>, vector<16xf32>, vector<16xf32>, vector<16xf32>, vector<16xf32>, vector<16xi32>, vector<16xi32>, vector<16xi32>, vector<16xi32>, vector<16xi32>, vector<16xi32>, vector<16xi32>, vector<16xi32>)  : i32 {
      %mul3A_1382 = arith.constant 32 : i32
      %mul3A_1383 = arith.muli %scan3A_1365, %mul3A_1382 : i32
      %add3A_1384 = arith.constant 0 : i32
      %add3A_1385 = arith.addi %mul3A_1383, %add3A_1384 : i32
      %get3A_1386 = arith.index_cast %add3A_1385 : i32 to index
      %get3A_1387 = tpu.vector_load %arg7[%get3A_1386] {strides = array<i32>} : memref<4096xf32, #tpu.memory_space<vmem>>, vector<16xf32>,
      %get3A_1388 = arith.index_cast %add3A_1385 : i32 to index
      %get3A_1389 = tpu.vector_load %arg8[%get3A_1388] {strides = array<i32>} : memref<4096xf32, #tpu.memory_space<vmem>>, vector<16xf32>,
      %get3A_1390 = arith.index_cast %add3A_1385 : i32 to index
      %get3A_1391 = tpu.vector_load %arg9[%get3A_1390] {strides = array<i32>} : memref<4096xf32, #tpu.memory_space<vmem>>, vector<16xf32>,
      %get3A_1392 = arith.index_cast %add3A_1385 : i32 to index
      %get3A_1393 = tpu.vector_load %arg13[%get3A_1392] {strides = array<i32>} : memref<4096xf32, #tpu.memory_space<vmem>>, vector<16xf32>,
      %add3A_1394 = vector.broadcast %add3A_1385 : i32 to vector<16xi32>
      %add3A_1395 = arith.addi %iota3A, %add3A_1394 : vector<16xi32>
      %sub3A = arith.subf %get3A_1387, %gather3A_1020 : vector<16xf32>
      %abs3A = math.absf %sub3A : vector<16xf32>
      %sub3A_1396 = arith.subf %get3A_1389, %gather3A_1024 : vector<16xf32>
      %abs3A_1397 = math.absf %sub3A_1396 : vector<16xf32>
      %add3A_1398 = arith.addf %abs3A, %abs3A_1397 : vector<16xf32>
      %sub3A_1399 = arith.subf %get3A_1391, %gather3A_1028 : vector<16xf32>
      %abs3A_1400 = math.absf %sub3A_1399 : vector<16xf32>
      %add3A_1401 = arith.addf %add3A_1398, %abs3A_1400 : vector<16xf32>
      %min3A = arith.minimumf %get3A_1393, %add3A_1401 : vector<16xf32>
      %lt3A = arith.cmpf olt, %add3A_1401, %scan3A_1366 : vector<16xf32>
      %select_n3A_1402 = arith.select %lt3A, %add3A_1401, %scan3A_1366 : vector<16xi1>, vector<16xf32>
      %select_n3A_1403 = arith.select %lt3A, %add3A_1395, %scan3A_1374 : vector<16xi1>, vector<16xi32>
      %sub3A_1404 = arith.subf %get3A_1387, %gather3A_1032 : vector<16xf32>
      %abs3A_1405 = math.absf %sub3A_1404 : vector<16xf32>
      %sub3A_1406 = arith.subf %get3A_1389, %gather3A_1036 : vector<16xf32>
      %abs3A_1407 = math.absf %sub3A_1406 : vector<16xf32>
      %add3A_1408 = arith.addf %abs3A_1405, %abs3A_1407 : vector<16xf32>
      %sub3A_1409 = arith.subf %get3A_1391, %gather3A_1040 : vector<16xf32>
      %abs3A_1410 = math.absf %sub3A_1409 : vector<16xf32>
      %add3A_1411 = arith.addf %add3A_1408, %abs3A_1410 : vector<16xf32>
      %min3A_1412 = arith.minimumf %min3A, %add3A_1411 : vector<16xf32>
      %lt3A_1413 = arith.cmpf olt, %add3A_1411, %scan3A_1367 : vector<16xf32>
      %select_n3A_1414 = arith.select %lt3A_1413, %add3A_1411, %scan3A_1367 : vector<16xi1>, vector<16xf32>
      %select_n3A_1415 = arith.select %lt3A_1413, %add3A_1395, %scan3A_1375 : vector<16xi1>, vector<16xi32>
      %sub3A_1416 = arith.subf %get3A_1387, %gather3A_1044 : vector<16xf32>
      %abs3A_1417 = math.absf %sub3A_1416 : vector<16xf32>
      %sub3A_1418 = arith.subf %get3A_1389, %gather3A_1048 : vector<16xf32>
      %abs3A_1419 = math.absf %sub3A_1418 : vector<16xf32>
      %add3A_1420 = arith.addf %abs3A_1417, %abs3A_1419 : vector<16xf32>
      %sub3A_1421 = arith.subf %get3A_1391, %gather3A_1052 : vector<16xf32>
      %abs3A_1422 = math.absf %sub3A_1421 : vector<16xf32>
      %add3A_1423 = arith.addf %add3A_1420, %abs3A_1422 : vector<16xf32>
      %min3A_1424 = arith.minimumf %min3A_1412, %add3A_1423 : vector<16xf32>
      %lt3A_1425 = arith.cmpf olt, %add3A_1423, %scan3A_1368 : vector<16xf32>
      %select_n3A_1426 = arith.select %lt3A_1425, %add3A_1423, %scan3A_1368 : vector<16xi1>, vector<16xf32>
      %select_n3A_1427 = arith.select %lt3A_1425, %add3A_1395, %scan3A_1376 : vector<16xi1>, vector<16xi32>
      %sub3A_1428 = arith.subf %get3A_1387, %gather3A_1056 : vector<16xf32>
      %abs3A_1429 = math.absf %sub3A_1428 : vector<16xf32>
      %sub3A_1430 = arith.subf %get3A_1389, %gather3A_1060 : vector<16xf32>
      %abs3A_1431 = math.absf %sub3A_1430 : vector<16xf32>
      %add3A_1432 = arith.addf %abs3A_1429, %abs3A_1431 : vector<16xf32>
      %sub3A_1433 = arith.subf %get3A_1391, %gather3A_1064 : vector<16xf32>
      %abs3A_1434 = math.absf %sub3A_1433 : vector<16xf32>
      %add3A_1435 = arith.addf %add3A_1432, %abs3A_1434 : vector<16xf32>
      %min3A_1436 = arith.minimumf %min3A_1424, %add3A_1435 : vector<16xf32>
      %lt3A_1437 = arith.cmpf olt, %add3A_1435, %scan3A_1369 : vector<16xf32>
      %select_n3A_1438 = arith.select %lt3A_1437, %add3A_1435, %scan3A_1369 : vector<16xi1>, vector<16xf32>
      %select_n3A_1439 = arith.select %lt3A_1437, %add3A_1395, %scan3A_1377 : vector<16xi1>, vector<16xi32>
      %sub3A_1440 = arith.subf %get3A_1387, %gather3A_1068 : vector<16xf32>
      %abs3A_1441 = math.absf %sub3A_1440 : vector<16xf32>
      %sub3A_1442 = arith.subf %get3A_1389, %gather3A_1072 : vector<16xf32>
      %abs3A_1443 = math.absf %sub3A_1442 : vector<16xf32>
      %add3A_1444 = arith.addf %abs3A_1441, %abs3A_1443 : vector<16xf32>
      %sub3A_1445 = arith.subf %get3A_1391, %gather3A_1076 : vector<16xf32>
      %abs3A_1446 = math.absf %sub3A_1445 : vector<16xf32>
      %add3A_1447 = arith.addf %add3A_1444, %abs3A_1446 : vector<16xf32>
      %min3A_1448 = arith.minimumf %min3A_1436, %add3A_1447 : vector<16xf32>
      %lt3A_1449 = arith.cmpf olt, %add3A_1447, %scan3A_1370 : vector<16xf32>
      %select_n3A_1450 = arith.select %lt3A_1449, %add3A_1447, %scan3A_1370 : vector<16xi1>, vector<16xf32>
      %select_n3A_1451 = arith.select %lt3A_1449, %add3A_1395, %scan3A_1378 : vector<16xi1>, vector<16xi32>
      %sub3A_1452 = arith.subf %get3A_1387, %gather3A_1080 : vector<16xf32>
      %abs3A_1453 = math.absf %sub3A_1452 : vector<16xf32>
      %sub3A_1454 = arith.subf %get3A_1389, %gather3A_1084 : vector<16xf32>
      %abs3A_1455 = math.absf %sub3A_1454 : vector<16xf32>
      %add3A_1456 = arith.addf %abs3A_1453, %abs3A_1455 : vector<16xf32>
      %sub3A_1457 = arith.subf %get3A_1391, %gather3A_1088 : vector<16xf32>
      %abs3A_1458 = math.absf %sub3A_1457 : vector<16xf32>
      %add3A_1459 = arith.addf %add3A_1456, %abs3A_1458 : vector<16xf32>
      %min3A_1460 = arith.minimumf %min3A_1448, %add3A_1459 : vector<16xf32>
      %lt3A_1461 = arith.cmpf olt, %add3A_1459, %scan3A_1371 : vector<16xf32>
      %select_n3A_1462 = arith.select %lt3A_1461, %add3A_1459, %scan3A_1371 : vector<16xi1>, vector<16xf32>
      %select_n3A_1463 = arith.select %lt3A_1461, %add3A_1395, %scan3A_1379 : vector<16xi1>, vector<16xi32>
      %sub3A_1464 = arith.subf %get3A_1387, %gather3A_1092 : vector<16xf32>
      %abs3A_1465 = math.absf %sub3A_1464 : vector<16xf32>
      %sub3A_1466 = arith.subf %get3A_1389, %gather3A_1096 : vector<16xf32>
      %abs3A_1467 = math.absf %sub3A_1466 : vector<16xf32>
      %add3A_1468 = arith.addf %abs3A_1465, %abs3A_1467 : vector<16xf32>
      %sub3A_1469 = arith.subf %get3A_1391, %gather3A_1100 : vector<16xf32>
      %abs3A_1470 = math.absf %sub3A_1469 : vector<16xf32>
      %add3A_1471 = arith.addf %add3A_1468, %abs3A_1470 : vector<16xf32>
      %min3A_1472 = arith.minimumf %min3A_1460, %add3A_1471 : vector<16xf32>
      %lt3A_1473 = arith.cmpf olt, %add3A_1471, %scan3A_1372 : vector<16xf32>
      %select_n3A_1474 = arith.select %lt3A_1473, %add3A_1471, %scan3A_1372 : vector<16xi1>, vector<16xf32>
      %select_n3A_1475 = arith.select %lt3A_1473, %add3A_1395, %scan3A_1380 : vector<16xi1>, vector<16xi32>
      %sub3A_1476 = arith.subf %get3A_1387, %gather3A_1104 : vector<16xf32>
      %abs3A_1477 = math.absf %sub3A_1476 : vector<16xf32>
      %sub3A_1478 = arith.subf %get3A_1389, %gather3A_1108 : vector<16xf32>
      %abs3A_1479 = math.absf %sub3A_1478 : vector<16xf32>
      %add3A_1480 = arith.addf %abs3A_1477, %abs3A_1479 : vector<16xf32>
      %sub3A_1481 = arith.subf %get3A_1391, %gather3A_1112 : vector<16xf32>
      %abs3A_1482 = math.absf %sub3A_1481 : vector<16xf32>
      %add3A_1483 = arith.addf %add3A_1480, %abs3A_1482 : vector<16xf32>
      %min3A_1484 = arith.minimumf %min3A_1472, %add3A_1483 : vector<16xf32>
      %lt3A_1485 = arith.cmpf olt, %add3A_1483, %scan3A_1373 : vector<16xf32>
      %select_n3A_1486 = arith.select %lt3A_1485, %add3A_1483, %scan3A_1373 : vector<16xi1>, vector<16xf32>
      %select_n3A_1487 = arith.select %lt3A_1485, %add3A_1395, %scan3A_1381 : vector<16xi1>, vector<16xi32>
      %swap3A_1488 = arith.index_cast %add3A_1385 : i32 to index
      %swap3A_1489 = tpu.vector_load %arg13[%swap3A_1488] {strides = array<i32>} : memref<4096xf32, #tpu.memory_space<vmem>>, vector<16xf32>,
      tpu.vector_store %arg13[%swap3A_1488], %min3A_1484 {strides = array<i32>} : memref<4096xf32, #tpu.memory_space<vmem>>, vector<16xf32>,
      %mul3A_1490 = arith.constant 32 : i32
      %mul3A_1491 = arith.muli %scan3A_1365, %mul3A_1490 : i32
      %add3A_1492 = arith.constant 16 : i32
      %add3A_1493 = arith.addi %mul3A_1491, %add3A_1492 : i32
      %get3A_1494 = arith.index_cast %add3A_1493 : i32 to index
      %get3A_1495 = tpu.vector_load %arg7[%get3A_1494] {strides = array<i32>} : memref<4096xf32, #tpu.memory_space<vmem>>, vector<16xf32>,
      %get3A_1496 = arith.index_cast %add3A_1493 : i32 to index
      %get3A_1497 = tpu.vector_load %arg8[%get3A_1496] {strides = array<i32>} : memref<4096xf32, #tpu.memory_space<vmem>>, vector<16xf32>,
      %get3A_1498 = arith.index_cast %add3A_1493 : i32 to index
      %get3A_1499 = tpu.vector_load %arg9[%get3A_1498] {strides = array<i32>} : memref<4096xf32, #tpu.memory_space<vmem>>, vector<16xf32>,
      %get3A_1500 = arith.index_cast %add3A_1493 : i32 to index
      %get3A_1501 = tpu.vector_load %arg13[%get3A_1500] {strides = array<i32>} : memref<4096xf32, #tpu.memory_space<vmem>>, vector<16xf32>,
      %add3A_1502 = vector.broadcast %add3A_1493 : i32 to vector<16xi32>
      %add3A_1503 = arith.addi %iota3A, %add3A_1502 : vector<16xi32>
      %sub3A_1504 = arith.subf %get3A_1495, %gather3A_1020 : vector<16xf32>
      %abs3A_1505 = math.absf %sub3A_1504 : vector<16xf32>
      %sub3A_1506 = arith.subf %get3A_1497, %gather3A_1024 : vector<16xf32>
      %abs3A_1507 = math.absf %sub3A_1506 : vector<16xf32>
      %add3A_1508 = arith.addf %abs3A_1505, %abs3A_1507 : vector<16xf32>
      %sub3A_1509 = arith.subf %get3A_1499, %gather3A_1028 : vector<16xf32>
      %abs3A_1510 = math.absf %sub3A_1509 : vector<16xf32>
      %add3A_1511 = arith.addf %add3A_1508, %abs3A_1510 : vector<16xf32>
      %min3A_1512 = arith.minimumf %get3A_1501, %add3A_1511 : vector<16xf32>
      %lt3A_1513 = arith.cmpf olt, %add3A_1511, %select_n3A_1402 : vector<16xf32>
      %select_n3A_1514 = arith.select %lt3A_1513, %add3A_1511, %select_n3A_1402 : vector<16xi1>, vector<16xf32>
      %select_n3A_1515 = arith.select %lt3A_1513, %add3A_1503, %select_n3A_1403 : vector<16xi1>, vector<16xi32>
      %sub3A_1516 = arith.subf %get3A_1495, %gather3A_1032 : vector<16xf32>
      %abs3A_1517 = math.absf %sub3A_1516 : vector<16xf32>
      %sub3A_1518 = arith.subf %get3A_1497, %gather3A_1036 : vector<16xf32>
      %abs3A_1519 = math.absf %sub3A_1518 : vector<16xf32>
      %add3A_1520 = arith.addf %abs3A_1517, %abs3A_1519 : vector<16xf32>
      %sub3A_1521 = arith.subf %get3A_1499, %gather3A_1040 : vector<16xf32>
      %abs3A_1522 = math.absf %sub3A_1521 : vector<16xf32>
      %add3A_1523 = arith.addf %add3A_1520, %abs3A_1522 : vector<16xf32>
      %min3A_1524 = arith.minimumf %min3A_1512, %add3A_1523 : vector<16xf32>
      %lt3A_1525 = arith.cmpf olt, %add3A_1523, %select_n3A_1414 : vector<16xf32>
      %select_n3A_1526 = arith.select %lt3A_1525, %add3A_1523, %select_n3A_1414 : vector<16xi1>, vector<16xf32>
      %select_n3A_1527 = arith.select %lt3A_1525, %add3A_1503, %select_n3A_1415 : vector<16xi1>, vector<16xi32>
      %sub3A_1528 = arith.subf %get3A_1495, %gather3A_1044 : vector<16xf32>
      %abs3A_1529 = math.absf %sub3A_1528 : vector<16xf32>
      %sub3A_1530 = arith.subf %get3A_1497, %gather3A_1048 : vector<16xf32>
      %abs3A_1531 = math.absf %sub3A_1530 : vector<16xf32>
      %add3A_1532 = arith.addf %abs3A_1529, %abs3A_1531 : vector<16xf32>
      %sub3A_1533 = arith.subf %get3A_1499, %gather3A_1052 : vector<16xf32>
      %abs3A_1534 = math.absf %sub3A_1533 : vector<16xf32>
      %add3A_1535 = arith.addf %add3A_1532, %abs3A_1534 : vector<16xf32>
      %min3A_1536 = arith.minimumf %min3A_1524, %add3A_1535 : vector<16xf32>
      %lt3A_1537 = arith.cmpf olt, %add3A_1535, %select_n3A_1426 : vector<16xf32>
      %select_n3A_1538 = arith.select %lt3A_1537, %add3A_1535, %select_n3A_1426 : vector<16xi1>, vector<16xf32>
      %select_n3A_1539 = arith.select %lt3A_1537, %add3A_1503, %select_n3A_1427 : vector<16xi1>, vector<16xi32>
      %sub3A_1540 = arith.subf %get3A_1495, %gather3A_1056 : vector<16xf32>
      %abs3A_1541 = math.absf %sub3A_1540 : vector<16xf32>
      %sub3A_1542 = arith.subf %get3A_1497, %gather3A_1060 : vector<16xf32>
      %abs3A_1543 = math.absf %sub3A_1542 : vector<16xf32>
      %add3A_1544 = arith.addf %abs3A_1541, %abs3A_1543 : vector<16xf32>
      %sub3A_1545 = arith.subf %get3A_1499, %gather3A_1064 : vector<16xf32>
      %abs3A_1546 = math.absf %sub3A_1545 : vector<16xf32>
      %add3A_1547 = arith.addf %add3A_1544, %abs3A_1546 : vector<16xf32>
      %min3A_1548 = arith.minimumf %min3A_1536, %add3A_1547 : vector<16xf32>
      %lt3A_1549 = arith.cmpf olt, %add3A_1547, %select_n3A_1438 : vector<16xf32>
      %select_n3A_1550 = arith.select %lt3A_1549, %add3A_1547, %select_n3A_1438 : vector<16xi1>, vector<16xf32>
      %select_n3A_1551 = arith.select %lt3A_1549, %add3A_1503, %select_n3A_1439 : vector<16xi1>, vector<16xi32>
      %sub3A_1552 = arith.subf %get3A_1495, %gather3A_1068 : vector<16xf32>
      %abs3A_1553 = math.absf %sub3A_1552 : vector<16xf32>
      %sub3A_1554 = arith.subf %get3A_1497, %gather3A_1072 : vector<16xf32>
      %abs3A_1555 = math.absf %sub3A_1554 : vector<16xf32>
      %add3A_1556 = arith.addf %abs3A_1553, %abs3A_1555 : vector<16xf32>
      %sub3A_1557 = arith.subf %get3A_1499, %gather3A_1076 : vector<16xf32>
      %abs3A_1558 = math.absf %sub3A_1557 : vector<16xf32>
      %add3A_1559 = arith.addf %add3A_1556, %abs3A_1558 : vector<16xf32>
      %min3A_1560 = arith.minimumf %min3A_1548, %add3A_1559 : vector<16xf32>
      %lt3A_1561 = arith.cmpf olt, %add3A_1559, %select_n3A_1450 : vector<16xf32>
      %select_n3A_1562 = arith.select %lt3A_1561, %add3A_1559, %select_n3A_1450 : vector<16xi1>, vector<16xf32>
      %select_n3A_1563 = arith.select %lt3A_1561, %add3A_1503, %select_n3A_1451 : vector<16xi1>, vector<16xi32>
      %sub3A_1564 = arith.subf %get3A_1495, %gather3A_1080 : vector<16xf32>
      %abs3A_1565 = math.absf %sub3A_1564 : vector<16xf32>
      %sub3A_1566 = arith.subf %get3A_1497, %gather3A_1084 : vector<16xf32>
      %abs3A_1567 = math.absf %sub3A_1566 : vector<16xf32>
      %add3A_1568 = arith.addf %abs3A_1565, %abs3A_1567 : vector<16xf32>
      %sub3A_1569 = arith.subf %get3A_1499, %gather3A_1088 : vector<16xf32>
      %abs3A_1570 = math.absf %sub3A_1569 : vector<16xf32>
      %add3A_1571 = arith.addf %add3A_1568, %abs3A_1570 : vector<16xf32>
      %min3A_1572 = arith.minimumf %min3A_1560, %add3A_1571 : vector<16xf32>
      %lt3A_1573 = arith.cmpf olt, %add3A_1571, %select_n3A_1462 : vector<16xf32>
      %select_n3A_1574 = arith.select %lt3A_1573, %add3A_1571, %select_n3A_1462 : vector<16xi1>, vector<16xf32>
      %select_n3A_1575 = arith.select %lt3A_1573, %add3A_1503, %select_n3A_1463 : vector<16xi1>, vector<16xi32>
      %sub3A_1576 = arith.subf %get3A_1495, %gather3A_1092 : vector<16xf32>
      %abs3A_1577 = math.absf %sub3A_1576 : vector<16xf32>
      %sub3A_1578 = arith.subf %get3A_1497, %gather3A_1096 : vector<16xf32>
      %abs3A_1579 = math.absf %sub3A_1578 : vector<16xf32>
      %add3A_1580 = arith.addf %abs3A_1577, %abs3A_1579 : vector<16xf32>
      %sub3A_1581 = arith.subf %get3A_1499, %gather3A_1100 : vector<16xf32>
      %abs3A_1582 = math.absf %sub3A_1581 : vector<16xf32>
      %add3A_1583 = arith.addf %add3A_1580, %abs3A_1582 : vector<16xf32>
      %min3A_1584 = arith.minimumf %min3A_1572, %add3A_1583 : vector<16xf32>
      %lt3A_1585 = arith.cmpf olt, %add3A_1583, %select_n3A_1474 : vector<16xf32>
      %select_n3A_1586 = arith.select %lt3A_1585, %add3A_1583, %select_n3A_1474 : vector<16xi1>, vector<16xf32>
      %select_n3A_1587 = arith.select %lt3A_1585, %add3A_1503, %select_n3A_1475 : vector<16xi1>, vector<16xi32>
      %sub3A_1588 = arith.subf %get3A_1495, %gather3A_1104 : vector<16xf32>
      %abs3A_1589 = math.absf %sub3A_1588 : vector<16xf32>
      %sub3A_1590 = arith.subf %get3A_1497, %gather3A_1108 : vector<16xf32>
      %abs3A_1591 = math.absf %sub3A_1590 : vector<16xf32>
      %add3A_1592 = arith.addf %abs3A_1589, %abs3A_1591 : vector<16xf32>
      %sub3A_1593 = arith.subf %get3A_1499, %gather3A_1112 : vector<16xf32>
      %abs3A_1594 = math.absf %sub3A_1593 : vector<16xf32>
      %add3A_1595 = arith.addf %add3A_1592, %abs3A_1594 : vector<16xf32>
      %min3A_1596 = arith.minimumf %min3A_1584, %add3A_1595 : vector<16xf32>
      %lt3A_1597 = arith.cmpf olt, %add3A_1595, %select_n3A_1486 : vector<16xf32>
      %select_n3A_1598 = arith.select %lt3A_1597, %add3A_1595, %select_n3A_1486 : vector<16xi1>, vector<16xf32>
      %select_n3A_1599 = arith.select %lt3A_1597, %add3A_1503, %select_n3A_1487 : vector<16xi1>, vector<16xi32>
      %swap3A_1600 = arith.index_cast %add3A_1493 : i32 to index
      %swap3A_1601 = tpu.vector_load %arg13[%swap3A_1600] {strides = array<i32>} : memref<4096xf32, #tpu.memory_space<vmem>>, vector<16xf32>,
      tpu.vector_store %arg13[%swap3A_1600], %min3A_1596 {strides = array<i32>} : memref<4096xf32, #tpu.memory_space<vmem>>, vector<16xf32>,
      scf.yield %select_n3A_1514, %select_n3A_1526, %select_n3A_1538, %select_n3A_1550, %select_n3A_1562, %select_n3A_1574, %select_n3A_1586, %select_n3A_1598, %select_n3A_1515, %select_n3A_1527, %select_n3A_1539, %select_n3A_1551, %select_n3A_1563, %select_n3A_1575, %select_n3A_1587, %select_n3A_1599 : vector<16xf32>, vector<16xf32>, vector<16xf32>, vector<16xf32>, vector<16xf32>, vector<16xf32>, vector<16xf32>, vector<16xf32>, vector<16xi32>, vector<16xi32>, vector<16xi32>, vector<16xi32>, vector<16xi32>, vector<16xi32>, vector<16xi32>, vector<16xi32>
    }
    %scan3A_1150 = arith.constant 128 : i32
    %reduce_min3A_1151 = arith.constant true
    %reduce_min3A_1152 = vector.broadcast %reduce_min3A_1151 : i1 to vector<16xi1>
    %reduce_min3A_1153 = tpu.scan <min>, %scan3A_1149#0 masked %reduce_min3A_1152 : vector<16xf32>, vector<16xi1> -> vector<16xf32>
    %reduce_min3A_1154 = vector.extract %reduce_min3A_1153[15] : f32 from vector<16xf32>
    %eq3A_1155 = vector.broadcast %reduce_min3A_1154 : f32 to vector<16xf32>
    %eq3A_1156 = arith.cmpf oeq, %scan3A_1149#0, %eq3A_1155 : vector<16xf32>
    %jit3A_1157 = arith.constant 4096 : i32
    %broadcast_in_dim3A_1158 = vector.broadcast %jit3A_1157 : i32 to vector<16xi32>
    %select_n3A_1159 = arith.select %eq3A_1156, %scan3A_1149#8, %broadcast_in_dim3A_1158 : vector<16xi1>, vector<16xi32>
    %reduce_min3A_1160 = arith.constant true
    %reduce_min3A_1161 = vector.broadcast %reduce_min3A_1160 : i1 to vector<16xi1>
    %reduce_min3A_1162 = arith.constant -2147483648 : i32
    %reduce_min3A_1163 = vector.broadcast %reduce_min3A_1162 : i32 to vector<16xi32>
    %reduce_min3A_1164 = arith.xori %select_n3A_1159, %reduce_min3A_1163 : vector<16xi32>
    %reduce_min3A_1165 = tpu.scan <min>, %reduce_min3A_1164 masked %reduce_min3A_1161 : vector<16xi32>, vector<16xi1> -> vector<16xi32>
    %reduce_min3A_1166 = arith.xori %reduce_min3A_1165, %reduce_min3A_1163 : vector<16xi32>
    %reduce_min3A_1167 = vector.extract %reduce_min3A_1166[15] : i32 from vector<16xi32>
    %eq3A_1168 = arith.constant 8 : i32
    %eq3A_1169 = vector.broadcast %eq3A_1168 : i32 to vector<16xi32>
    %eq3A_1170 = arith.cmpi eq, %iota3A, %eq3A_1169 : vector<16xi32>
    %broadcast_in_dim3A_1171 = vector.broadcast %reduce_min3A_1154 : f32 to vector<16xf32>
    %select_n3A_1172 = arith.select %eq3A_1170, %broadcast_in_dim3A_1171, %select_n3A_1008 : vector<16xi1>, vector<16xf32>
    %broadcast_in_dim3A_1173 = vector.broadcast %reduce_min3A_1167 : i32 to vector<16xi32>
    %select_n3A_1174 = arith.select %eq3A_1170, %broadcast_in_dim3A_1173, %select_n3A_1010 : vector<16xi1>, vector<16xi32>
    %reduce_min3A_1175 = arith.constant true
    %reduce_min3A_1176 = vector.broadcast %reduce_min3A_1175 : i1 to vector<16xi1>
    %reduce_min3A_1177 = tpu.scan <min>, %scan3A_1149#1 masked %reduce_min3A_1176 : vector<16xf32>, vector<16xi1> -> vector<16xf32>
    %reduce_min3A_1178 = vector.extract %reduce_min3A_1177[15] : f32 from vector<16xf32>
    %eq3A_1179 = vector.broadcast %reduce_min3A_1178 : f32 to vector<16xf32>
    %eq3A_1180 = arith.cmpf oeq, %scan3A_1149#1, %eq3A_1179 : vector<16xf32>
    %jit3A_1181 = arith.constant 4096 : i32
    %broadcast_in_dim3A_1182 = vector.broadcast %jit3A_1181 : i32 to vector<16xi32>
    %select_n3A_1183 = arith.select %eq3A_1180, %scan3A_1149#9, %broadcast_in_dim3A_1182 : vector<16xi1>, vector<16xi32>
    %reduce_min3A_1184 = arith.constant true
    %reduce_min3A_1185 = vector.broadcast %reduce_min3A_1184 : i1 to vector<16xi1>
    %reduce_min3A_1186 = arith.constant -2147483648 : i32
    %reduce_min3A_1187 = vector.broadcast %reduce_min3A_1186 : i32 to vector<16xi32>
    %reduce_min3A_1188 = arith.xori %select_n3A_1183, %reduce_min3A_1187 : vector<16xi32>
    %reduce_min3A_1189 = tpu.scan <min>, %reduce_min3A_1188 masked %reduce_min3A_1185 : vector<16xi32>, vector<16xi1> -> vector<16xi32>
    %reduce_min3A_1190 = arith.xori %reduce_min3A_1189, %reduce_min3A_1187 : vector<16xi32>
    %reduce_min3A_1191 = vector.extract %reduce_min3A_1190[15] : i32 from vector<16xi32>
    %eq3A_1192 = arith.constant 9 : i32
    %eq3A_1193 = vector.broadcast %eq3A_1192 : i32 to vector<16xi32>
    %eq3A_1194 = arith.cmpi eq, %iota3A, %eq3A_1193 : vector<16xi32>
    %broadcast_in_dim3A_1195 = vector.broadcast %reduce_min3A_1178 : f32 to vector<16xf32>
    %select_n3A_1196 = arith.select %eq3A_1194, %broadcast_in_dim3A_1195, %select_n3A_1172 : vector<16xi1>, vector<16xf32>
    %broadcast_in_dim3A_1197 = vector.broadcast %reduce_min3A_1191 : i32 to vector<16xi32>
    %select_n3A_1198 = arith.select %eq3A_1194, %broadcast_in_dim3A_1197, %select_n3A_1174 : vector<16xi1>, vector<16xi32>
    %reduce_min3A_1199 = arith.constant true
    %reduce_min3A_1200 = vector.broadcast %reduce_min3A_1199 : i1 to vector<16xi1>
    %reduce_min3A_1201 = tpu.scan <min>, %scan3A_1149#2 masked %reduce_min3A_1200 : vector<16xf32>, vector<16xi1> -> vector<16xf32>
    %reduce_min3A_1202 = vector.extract %reduce_min3A_1201[15] : f32 from vector<16xf32>
    %eq3A_1203 = vector.broadcast %reduce_min3A_1202 : f32 to vector<16xf32>
    %eq3A_1204 = arith.cmpf oeq, %scan3A_1149#2, %eq3A_1203 : vector<16xf32>
    %jit3A_1205 = arith.constant 4096 : i32
    %broadcast_in_dim3A_1206 = vector.broadcast %jit3A_1205 : i32 to vector<16xi32>
    %select_n3A_1207 = arith.select %eq3A_1204, %scan3A_1149#10, %broadcast_in_dim3A_1206 : vector<16xi1>, vector<16xi32>
    %reduce_min3A_1208 = arith.constant true
    %reduce_min3A_1209 = vector.broadcast %reduce_min3A_1208 : i1 to vector<16xi1>
    %reduce_min3A_1210 = arith.constant -2147483648 : i32
    %reduce_min3A_1211 = vector.broadcast %reduce_min3A_1210 : i32 to vector<16xi32>
    %reduce_min3A_1212 = arith.xori %select_n3A_1207, %reduce_min3A_1211 : vector<16xi32>
    %reduce_min3A_1213 = tpu.scan <min>, %reduce_min3A_1212 masked %reduce_min3A_1209 : vector<16xi32>, vector<16xi1> -> vector<16xi32>
    %reduce_min3A_1214 = arith.xori %reduce_min3A_1213, %reduce_min3A_1211 : vector<16xi32>
    %reduce_min3A_1215 = vector.extract %reduce_min3A_1214[15] : i32 from vector<16xi32>
    %eq3A_1216 = arith.constant 10 : i32
    %eq3A_1217 = vector.broadcast %eq3A_1216 : i32 to vector<16xi32>
    %eq3A_1218 = arith.cmpi eq, %iota3A, %eq3A_1217 : vector<16xi32>
    %broadcast_in_dim3A_1219 = vector.broadcast %reduce_min3A_1202 : f32 to vector<16xf32>
    %select_n3A_1220 = arith.select %eq3A_1218, %broadcast_in_dim3A_1219, %select_n3A_1196 : vector<16xi1>, vector<16xf32>
    %broadcast_in_dim3A_1221 = vector.broadcast %reduce_min3A_1215 : i32 to vector<16xi32>
    %select_n3A_1222 = arith.select %eq3A_1218, %broadcast_in_dim3A_1221, %select_n3A_1198 : vector<16xi1>, vector<16xi32>
    %reduce_min3A_1223 = arith.constant true
    %reduce_min3A_1224 = vector.broadcast %reduce_min3A_1223 : i1 to vector<16xi1>
    %reduce_min3A_1225 = tpu.scan <min>, %scan3A_1149#3 masked %reduce_min3A_1224 : vector<16xf32>, vector<16xi1> -> vector<16xf32>
    %reduce_min3A_1226 = vector.extract %reduce_min3A_1225[15] : f32 from vector<16xf32>
    %eq3A_1227 = vector.broadcast %reduce_min3A_1226 : f32 to vector<16xf32>
    %eq3A_1228 = arith.cmpf oeq, %scan3A_1149#3, %eq3A_1227 : vector<16xf32>
    %jit3A_1229 = arith.constant 4096 : i32
    %broadcast_in_dim3A_1230 = vector.broadcast %jit3A_1229 : i32 to vector<16xi32>
    %select_n3A_1231 = arith.select %eq3A_1228, %scan3A_1149#11, %broadcast_in_dim3A_1230 : vector<16xi1>, vector<16xi32>
    %reduce_min3A_1232 = arith.constant true
    %reduce_min3A_1233 = vector.broadcast %reduce_min3A_1232 : i1 to vector<16xi1>
    %reduce_min3A_1234 = arith.constant -2147483648 : i32
    %reduce_min3A_1235 = vector.broadcast %reduce_min3A_1234 : i32 to vector<16xi32>
    %reduce_min3A_1236 = arith.xori %select_n3A_1231, %reduce_min3A_1235 : vector<16xi32>
    %reduce_min3A_1237 = tpu.scan <min>, %reduce_min3A_1236 masked %reduce_min3A_1233 : vector<16xi32>, vector<16xi1> -> vector<16xi32>
    %reduce_min3A_1238 = arith.xori %reduce_min3A_1237, %reduce_min3A_1235 : vector<16xi32>
    %reduce_min3A_1239 = vector.extract %reduce_min3A_1238[15] : i32 from vector<16xi32>
    %eq3A_1240 = arith.constant 11 : i32
    %eq3A_1241 = vector.broadcast %eq3A_1240 : i32 to vector<16xi32>
    %eq3A_1242 = arith.cmpi eq, %iota3A, %eq3A_1241 : vector<16xi32>
    %broadcast_in_dim3A_1243 = vector.broadcast %reduce_min3A_1226 : f32 to vector<16xf32>
    %select_n3A_1244 = arith.select %eq3A_1242, %broadcast_in_dim3A_1243, %select_n3A_1220 : vector<16xi1>, vector<16xf32>
    %broadcast_in_dim3A_1245 = vector.broadcast %reduce_min3A_1239 : i32 to vector<16xi32>
    %select_n3A_1246 = arith.select %eq3A_1242, %broadcast_in_dim3A_1245, %select_n3A_1222 : vector<16xi1>, vector<16xi32>
    %reduce_min3A_1247 = arith.constant true
    %reduce_min3A_1248 = vector.broadcast %reduce_min3A_1247 : i1 to vector<16xi1>
    %reduce_min3A_1249 = tpu.scan <min>, %scan3A_1149#4 masked %reduce_min3A_1248 : vector<16xf32>, vector<16xi1> -> vector<16xf32>
    %reduce_min3A_1250 = vector.extract %reduce_min3A_1249[15] : f32 from vector<16xf32>
    %eq3A_1251 = vector.broadcast %reduce_min3A_1250 : f32 to vector<16xf32>
    %eq3A_1252 = arith.cmpf oeq, %scan3A_1149#4, %eq3A_1251 : vector<16xf32>
    %jit3A_1253 = arith.constant 4096 : i32
    %broadcast_in_dim3A_1254 = vector.broadcast %jit3A_1253 : i32 to vector<16xi32>
    %select_n3A_1255 = arith.select %eq3A_1252, %scan3A_1149#12, %broadcast_in_dim3A_1254 : vector<16xi1>, vector<16xi32>
    %reduce_min3A_1256 = arith.constant true
    %reduce_min3A_1257 = vector.broadcast %reduce_min3A_1256 : i1 to vector<16xi1>
    %reduce_min3A_1258 = arith.constant -2147483648 : i32
    %reduce_min3A_1259 = vector.broadcast %reduce_min3A_1258 : i32 to vector<16xi32>
    %reduce_min3A_1260 = arith.xori %select_n3A_1255, %reduce_min3A_1259 : vector<16xi32>
    %reduce_min3A_1261 = tpu.scan <min>, %reduce_min3A_1260 masked %reduce_min3A_1257 : vector<16xi32>, vector<16xi1> -> vector<16xi32>
    %reduce_min3A_1262 = arith.xori %reduce_min3A_1261, %reduce_min3A_1259 : vector<16xi32>
    %reduce_min3A_1263 = vector.extract %reduce_min3A_1262[15] : i32 from vector<16xi32>
    %eq3A_1264 = arith.constant 12 : i32
    %eq3A_1265 = vector.broadcast %eq3A_1264 : i32 to vector<16xi32>
    %eq3A_1266 = arith.cmpi eq, %iota3A, %eq3A_1265 : vector<16xi32>
    %broadcast_in_dim3A_1267 = vector.broadcast %reduce_min3A_1250 : f32 to vector<16xf32>
    %select_n3A_1268 = arith.select %eq3A_1266, %broadcast_in_dim3A_1267, %select_n3A_1244 : vector<16xi1>, vector<16xf32>
    %broadcast_in_dim3A_1269 = vector.broadcast %reduce_min3A_1263 : i32 to vector<16xi32>
    %select_n3A_1270 = arith.select %eq3A_1266, %broadcast_in_dim3A_1269, %select_n3A_1246 : vector<16xi1>, vector<16xi32>
    %reduce_min3A_1271 = arith.constant true
    %reduce_min3A_1272 = vector.broadcast %reduce_min3A_1271 : i1 to vector<16xi1>
    %reduce_min3A_1273 = tpu.scan <min>, %scan3A_1149#5 masked %reduce_min3A_1272 : vector<16xf32>, vector<16xi1> -> vector<16xf32>
    %reduce_min3A_1274 = vector.extract %reduce_min3A_1273[15] : f32 from vector<16xf32>
    %eq3A_1275 = vector.broadcast %reduce_min3A_1274 : f32 to vector<16xf32>
    %eq3A_1276 = arith.cmpf oeq, %scan3A_1149#5, %eq3A_1275 : vector<16xf32>
    %jit3A_1277 = arith.constant 4096 : i32
    %broadcast_in_dim3A_1278 = vector.broadcast %jit3A_1277 : i32 to vector<16xi32>
    %select_n3A_1279 = arith.select %eq3A_1276, %scan3A_1149#13, %broadcast_in_dim3A_1278 : vector<16xi1>, vector<16xi32>
    %reduce_min3A_1280 = arith.constant true
    %reduce_min3A_1281 = vector.broadcast %reduce_min3A_1280 : i1 to vector<16xi1>
    %reduce_min3A_1282 = arith.constant -2147483648 : i32
    %reduce_min3A_1283 = vector.broadcast %reduce_min3A_1282 : i32 to vector<16xi32>
    %reduce_min3A_1284 = arith.xori %select_n3A_1279, %reduce_min3A_1283 : vector<16xi32>
    %reduce_min3A_1285 = tpu.scan <min>, %reduce_min3A_1284 masked %reduce_min3A_1281 : vector<16xi32>, vector<16xi1> -> vector<16xi32>
    %reduce_min3A_1286 = arith.xori %reduce_min3A_1285, %reduce_min3A_1283 : vector<16xi32>
    %reduce_min3A_1287 = vector.extract %reduce_min3A_1286[15] : i32 from vector<16xi32>
    %eq3A_1288 = arith.constant 13 : i32
    %eq3A_1289 = vector.broadcast %eq3A_1288 : i32 to vector<16xi32>
    %eq3A_1290 = arith.cmpi eq, %iota3A, %eq3A_1289 : vector<16xi32>
    %broadcast_in_dim3A_1291 = vector.broadcast %reduce_min3A_1274 : f32 to vector<16xf32>
    %select_n3A_1292 = arith.select %eq3A_1290, %broadcast_in_dim3A_1291, %select_n3A_1268 : vector<16xi1>, vector<16xf32>
    %broadcast_in_dim3A_1293 = vector.broadcast %reduce_min3A_1287 : i32 to vector<16xi32>
    %select_n3A_1294 = arith.select %eq3A_1290, %broadcast_in_dim3A_1293, %select_n3A_1270 : vector<16xi1>, vector<16xi32>
    %reduce_min3A_1295 = arith.constant true
    %reduce_min3A_1296 = vector.broadcast %reduce_min3A_1295 : i1 to vector<16xi1>
    %reduce_min3A_1297 = tpu.scan <min>, %scan3A_1149#6 masked %reduce_min3A_1296 : vector<16xf32>, vector<16xi1> -> vector<16xf32>
    %reduce_min3A_1298 = vector.extract %reduce_min3A_1297[15] : f32 from vector<16xf32>
    %eq3A_1299 = vector.broadcast %reduce_min3A_1298 : f32 to vector<16xf32>
    %eq3A_1300 = arith.cmpf oeq, %scan3A_1149#6, %eq3A_1299 : vector<16xf32>
    %jit3A_1301 = arith.constant 4096 : i32
    %broadcast_in_dim3A_1302 = vector.broadcast %jit3A_1301 : i32 to vector<16xi32>
    %select_n3A_1303 = arith.select %eq3A_1300, %scan3A_1149#14, %broadcast_in_dim3A_1302 : vector<16xi1>, vector<16xi32>
    %reduce_min3A_1304 = arith.constant true
    %reduce_min3A_1305 = vector.broadcast %reduce_min3A_1304 : i1 to vector<16xi1>
    %reduce_min3A_1306 = arith.constant -2147483648 : i32
    %reduce_min3A_1307 = vector.broadcast %reduce_min3A_1306 : i32 to vector<16xi32>
    %reduce_min3A_1308 = arith.xori %select_n3A_1303, %reduce_min3A_1307 : vector<16xi32>
    %reduce_min3A_1309 = tpu.scan <min>, %reduce_min3A_1308 masked %reduce_min3A_1305 : vector<16xi32>, vector<16xi1> -> vector<16xi32>
    %reduce_min3A_1310 = arith.xori %reduce_min3A_1309, %reduce_min3A_1307 : vector<16xi32>
    %reduce_min3A_1311 = vector.extract %reduce_min3A_1310[15] : i32 from vector<16xi32>
    %eq3A_1312 = arith.constant 14 : i32
    %eq3A_1313 = vector.broadcast %eq3A_1312 : i32 to vector<16xi32>
    %eq3A_1314 = arith.cmpi eq, %iota3A, %eq3A_1313 : vector<16xi32>
    %broadcast_in_dim3A_1315 = vector.broadcast %reduce_min3A_1298 : f32 to vector<16xf32>
    %select_n3A_1316 = arith.select %eq3A_1314, %broadcast_in_dim3A_1315, %select_n3A_1292 : vector<16xi1>, vector<16xf32>
    %broadcast_in_dim3A_1317 = vector.broadcast %reduce_min3A_1311 : i32 to vector<16xi32>
    %select_n3A_1318 = arith.select %eq3A_1314, %broadcast_in_dim3A_1317, %select_n3A_1294 : vector<16xi1>, vector<16xi32>
    %reduce_min3A_1319 = arith.constant true
    %reduce_min3A_1320 = vector.broadcast %reduce_min3A_1319 : i1 to vector<16xi1>
    %reduce_min3A_1321 = tpu.scan <min>, %scan3A_1149#7 masked %reduce_min3A_1320 : vector<16xf32>, vector<16xi1> -> vector<16xf32>
    %reduce_min3A_1322 = vector.extract %reduce_min3A_1321[15] : f32 from vector<16xf32>
    %eq3A_1323 = vector.broadcast %reduce_min3A_1322 : f32 to vector<16xf32>
    %eq3A_1324 = arith.cmpf oeq, %scan3A_1149#7, %eq3A_1323 : vector<16xf32>
    %jit3A_1325 = arith.constant 4096 : i32
    %broadcast_in_dim3A_1326 = vector.broadcast %jit3A_1325 : i32 to vector<16xi32>
    %select_n3A_1327 = arith.select %eq3A_1324, %scan3A_1149#15, %broadcast_in_dim3A_1326 : vector<16xi1>, vector<16xi32>
    %reduce_min3A_1328 = arith.constant true
    %reduce_min3A_1329 = vector.broadcast %reduce_min3A_1328 : i1 to vector<16xi1>
    %reduce_min3A_1330 = arith.constant -2147483648 : i32
    %reduce_min3A_1331 = vector.broadcast %reduce_min3A_1330 : i32 to vector<16xi32>
    %reduce_min3A_1332 = arith.xori %select_n3A_1327, %reduce_min3A_1331 : vector<16xi32>
    %reduce_min3A_1333 = tpu.scan <min>, %reduce_min3A_1332 masked %reduce_min3A_1329 : vector<16xi32>, vector<16xi1> -> vector<16xi32>
    %reduce_min3A_1334 = arith.xori %reduce_min3A_1333, %reduce_min3A_1331 : vector<16xi32>
    %reduce_min3A_1335 = vector.extract %reduce_min3A_1334[15] : i32 from vector<16xi32>
    %eq3A_1336 = arith.constant 15 : i32
    %eq3A_1337 = vector.broadcast %eq3A_1336 : i32 to vector<16xi32>
    %eq3A_1338 = arith.cmpi eq, %iota3A, %eq3A_1337 : vector<16xi32>
    %broadcast_in_dim3A_1339 = vector.broadcast %reduce_min3A_1322 : f32 to vector<16xf32>
    %select_n3A_1340 = arith.select %eq3A_1338, %broadcast_in_dim3A_1339, %select_n3A_1316 : vector<16xi1>, vector<16xf32>
    %broadcast_in_dim3A_1341 = vector.broadcast %reduce_min3A_1335 : i32 to vector<16xi32>
    %select_n3A_1342 = arith.select %eq3A_1338, %broadcast_in_dim3A_1341, %select_n3A_1318 : vector<16xi1>, vector<16xi32>
    %swap3A_1343 = arith.constant 16 : index
    %swap3A_1344 = tpu.vector_load %arg14[%swap3A_1343] {strides = array<i32>} : memref<32xf32, #tpu.memory_space<vmem>>, vector<16xf32>,
    tpu.vector_store %arg14[%swap3A_1343], %select_n3A_1340 {strides = array<i32>} : memref<32xf32, #tpu.memory_space<vmem>>, vector<16xf32>,
    %swap3A_1345 = arith.constant 16 : index
    %swap3A_1346 = tpu.vector_load %arg15[%swap3A_1345] {strides = array<i32>} : memref<32xi32, #tpu.memory_space<vmem>>, vector<16xi32>,
    tpu.vector_store %arg15[%swap3A_1345], %select_n3A_1342 {strides = array<i32>} : memref<32xi32, #tpu.memory_space<vmem>>, vector<16xi32>,
    %broadcast_in_dim3A_1347 = arith.constant 0.000000e+00 : f32
    %broadcast_in_dim3A_1348 = vector.broadcast %broadcast_in_dim3A_1347 : f32 to vector<16xf32>
    %get3A_1349 = arith.constant 0 : index
    %get3A_1350 = tpu.vector_load %arg14[%get3A_1349] {strides = array<i32>} : memref<32xf32, #tpu.memory_space<vmem>>, vector<16xf32>,
    %add3A_1351 = arith.addf %broadcast_in_dim3A_1348, %get3A_1350 : vector<16xf32>
    %get3A_1352 = arith.constant 16 : index
    %get3A_1353 = tpu.vector_load %arg14[%get3A_1352] {strides = array<i32>} : memref<32xf32, #tpu.memory_space<vmem>>, vector<16xf32>,
    %add3A_1354 = arith.addf %add3A_1351, %get3A_1353 : vector<16xf32>
    %swap3A_1355 = arith.constant 0 : index
    %swap3A_1356 = tpu.vector_load %arg16[%swap3A_1355] {strides = array<i32>} : memref<16xf32, #tpu.memory_space<vmem>>, vector<16xf32>,
    tpu.vector_store %arg16[%swap3A_1355], %add3A_1354 {strides = array<i32>} : memref<16xf32, #tpu.memory_space<vmem>>, vector<16xf32>,
    %mul3A_1357 = arith.constant 32 : i32
    %mul3A_1358 = arith.muli %add3A, %mul3A_1357 : i32
    "tpu.region"() ({
      %run_scoped3A = tpu.sem_alloc : memref<!tpu.dma_semaphore, #tpu.memory_space<semaphore_mem>>
      %dma_start3A = tpu.memref_slice %arg3[%mul3A_1358] : memref<1024xf32, #tpu.memory_space<hbm>> -> memref<32xf32, #tpu.memory_space<hbm>>
      %dma_start3A_1365 = tpu.memref_slice %arg3[%mul3A_1358] : memref<1024xf32, #tpu.memory_space<hbm>> -> memref<32xf32, #tpu.memory_space<hbm>>
      tpu.enqueue_dma source(%arg14 : memref<32xf32, #tpu.memory_space<vmem>>) target(%dma_start3A_1365 : memref<32xf32, #tpu.memory_space<hbm>>) target_semaphore(%run_scoped3A : memref<!tpu.dma_semaphore, #tpu.memory_space<semaphore_mem>>)
      %dma_wait3A = tpu.memref_slice %arg3[%mul3A_1358] : memref<1024xf32, #tpu.memory_space<hbm>> -> memref<32xf32, #tpu.memory_space<hbm>>
      %dma_wait3A_1366 = tpu.memref_slice %arg3[%mul3A_1358] : memref<1024xf32, #tpu.memory_space<hbm>> -> memref<32xf32, #tpu.memory_space<hbm>>
      tpu.wait_dma2 semaphore(%run_scoped3A : memref<!tpu.dma_semaphore, #tpu.memory_space<semaphore_mem>>) src(%arg14 : memref<32xf32, #tpu.memory_space<vmem>>) dst(%dma_wait3A_1366 : memref<32xf32, #tpu.memory_space<hbm>>)
      tpu.yield
    }) : () -> ()
    %mul3A_1359 = arith.constant 32 : i32
    %mul3A_1360 = arith.muli %add3A, %mul3A_1359 : i32
    "tpu.region"() ({
      %run_scoped3A = tpu.sem_alloc : memref<!tpu.dma_semaphore, #tpu.memory_space<semaphore_mem>>
      %dma_start3A = tpu.memref_slice %arg4[%mul3A_1360] : memref<1024xi32, #tpu.memory_space<hbm>> -> memref<32xi32, #tpu.memory_space<hbm>>
      %dma_start3A_1365 = tpu.memref_slice %arg4[%mul3A_1360] : memref<1024xi32, #tpu.memory_space<hbm>> -> memref<32xi32, #tpu.memory_space<hbm>>
      tpu.enqueue_dma source(%arg15 : memref<32xi32, #tpu.memory_space<vmem>>) target(%dma_start3A_1365 : memref<32xi32, #tpu.memory_space<hbm>>) target_semaphore(%run_scoped3A : memref<!tpu.dma_semaphore, #tpu.memory_space<semaphore_mem>>)
      %dma_wait3A = tpu.memref_slice %arg4[%mul3A_1360] : memref<1024xi32, #tpu.memory_space<hbm>> -> memref<32xi32, #tpu.memory_space<hbm>>
      %dma_wait3A_1366 = tpu.memref_slice %arg4[%mul3A_1360] : memref<1024xi32, #tpu.memory_space<hbm>> -> memref<32xi32, #tpu.memory_space<hbm>>
      tpu.wait_dma2 semaphore(%run_scoped3A : memref<!tpu.dma_semaphore, #tpu.memory_space<semaphore_mem>>) src(%arg15 : memref<32xi32, #tpu.memory_space<vmem>>) dst(%dma_wait3A_1366 : memref<32xi32, #tpu.memory_space<hbm>>)
      tpu.yield
    }) : () -> ()
    %mul3A_1361 = arith.constant 4096 : i32
    %mul3A_1362 = arith.muli %add3A, %mul3A_1361 : i32
    "tpu.region"() ({
      %run_scoped3A = tpu.sem_alloc : memref<!tpu.dma_semaphore, #tpu.memory_space<semaphore_mem>>
      %dma_start3A = tpu.memref_slice %arg5[%mul3A_1362] : memref<131072xf32, #tpu.memory_space<hbm>> -> memref<4096xf32, #tpu.memory_space<hbm>>
      %dma_start3A_1365 = tpu.memref_slice %arg5[%mul3A_1362] : memref<131072xf32, #tpu.memory_space<hbm>> -> memref<4096xf32, #tpu.memory_space<hbm>>
      tpu.enqueue_dma source(%arg13 : memref<4096xf32, #tpu.memory_space<vmem>>) target(%dma_start3A_1365 : memref<4096xf32, #tpu.memory_space<hbm>>) target_semaphore(%run_scoped3A : memref<!tpu.dma_semaphore, #tpu.memory_space<semaphore_mem>>)
      %dma_wait3A = tpu.memref_slice %arg5[%mul3A_1362] : memref<131072xf32, #tpu.memory_space<hbm>> -> memref<4096xf32, #tpu.memory_space<hbm>>
      %dma_wait3A_1366 = tpu.memref_slice %arg5[%mul3A_1362] : memref<131072xf32, #tpu.memory_space<hbm>> -> memref<4096xf32, #tpu.memory_space<hbm>>
      tpu.wait_dma2 semaphore(%run_scoped3A : memref<!tpu.dma_semaphore, #tpu.memory_space<semaphore_mem>>) src(%arg13 : memref<4096xf32, #tpu.memory_space<vmem>>) dst(%dma_wait3A_1366 : memref<4096xf32, #tpu.memory_space<hbm>>)
      tpu.yield
    }) : () -> ()
    %mul3A_1363 = arith.constant 16 : i32
    %mul3A_1364 = arith.muli %add3A, %mul3A_1363 : i32
    "tpu.region"() ({
      %run_scoped3A = tpu.sem_alloc : memref<!tpu.dma_semaphore, #tpu.memory_space<semaphore_mem>>
      %dma_start3A = tpu.memref_slice %arg6[%mul3A_1364] : memref<512xf32, #tpu.memory_space<hbm>> -> memref<16xf32, #tpu.memory_space<hbm>>
      %dma_start3A_1365 = tpu.memref_slice %arg6[%mul3A_1364] : memref<512xf32, #tpu.memory_space<hbm>> -> memref<16xf32, #tpu.memory_space<hbm>>
      tpu.enqueue_dma source(%arg16 : memref<16xf32, #tpu.memory_space<vmem>>) target(%dma_start3A_1365 : memref<16xf32, #tpu.memory_space<hbm>>) target_semaphore(%run_scoped3A : memref<!tpu.dma_semaphore, #tpu.memory_space<semaphore_mem>>)
      %dma_wait3A = tpu.memref_slice %arg6[%mul3A_1364] : memref<512xf32, #tpu.memory_space<hbm>> -> memref<16xf32, #tpu.memory_space<hbm>>
      %dma_wait3A_1366 = tpu.memref_slice %arg6[%mul3A_1364] : memref<512xf32, #tpu.memory_space<hbm>> -> memref<16xf32, #tpu.memory_space<hbm>>
      tpu.wait_dma2 semaphore(%run_scoped3A : memref<!tpu.dma_semaphore, #tpu.memory_space<semaphore_mem>>) src(%arg16 : memref<16xf32, #tpu.memory_space<vmem>>) dst(%dma_wait3A_1366 : memref<16xf32, #tpu.memory_space<hbm>>)
      tpu.yield
    }) : () -> ()
    return
  }
}

module attributes {stable_mosaic.version = 14 : i64} {
  func.func @_tc_body(%arg0: i32, %arg1: memref<256x3xf32, #tpu.memory_space<vmem>>, %arg2: memref<256x3xf32, #tpu.memory_space<vmem>>, %arg3: memref<8x4096xf32, #tpu.memory_space<vmem>>, %arg4: memref<1x4096xi32, #tpu.memory_space<vmem>>, %arg5: memref<256x1xf32, #tpu.memory_space<vmem>>, %arg6: memref<256x1xi32, #tpu.memory_space<vmem>>, %arg7: memref<1x4096xf32, #tpu.memory_space<vmem>>, %arg8: memref<1x1xf32, #tpu.memory_space<vmem>>) attributes {dimension_semantics = [#tpu.dimension_semantics<arbitrary>], iteration_bounds = array<i64: 12>, scalar_prefetch = 0 : i64, scratch_operands = 0 : i64, tpu.core_type = #tpu.core_type<tc>, window_params = [{transform_indices = @transform_0, window_bounds = array<i64: 256, 3>}, {transform_indices = @transform_1, window_bounds = array<i64: 256, 3>}, {pipeline_mode = #tpu.pipeline_mode<synchronous>, transform_indices = @transform_2, window_bounds = array<i64: 8, 4096>}, {pipeline_mode = #tpu.pipeline_mode<synchronous>, transform_indices = @transform_3, window_bounds = array<i64: 1, 4096>}, {transform_indices = @transform_4, window_bounds = array<i64: 256, 1>}, {transform_indices = @transform_5, window_bounds = array<i64: 256, 1>}, {pipeline_mode = #tpu.pipeline_mode<synchronous>, transform_indices = @transform_6, window_bounds = array<i64: 1, 4096>}, {pipeline_mode = #tpu.pipeline_mode<synchronous>, transform_indices = @transform_7, window_bounds = array<i64: 1, 1>}]} {
    %get3A = arith.constant 0 : index
    %get3A_0 = arith.constant 0 : index
    %get3A_1 = vector.load %arg1[%get3A, %get3A_0] : memref<256x3xf32, #tpu.memory_space<vmem>>, vector<256x3xf32>
    %get3A_2 = arith.constant 0 : index
    %get3A_3 = arith.constant 0 : index
    %get3A_4 = vector.load %arg2[%get3A_2, %get3A_3] : memref<256x3xf32, #tpu.memory_space<vmem>>, vector<256x3xf32>
    %add3A = arith.addf %get3A_1, %get3A_4 : vector<256x3xf32>
    %slice3A = vector.extract_strided_slice %add3A {offsets = [0, 0], sizes = [256, 1], strides = [1, 1]} : vector<256x3xf32> to vector<256x1xf32>
    %slice3A_5 = vector.extract_strided_slice %add3A {offsets = [0, 1], sizes = [256, 1], strides = [1, 1]} : vector<256x3xf32> to vector<256x1xf32>
    %slice3A_6 = vector.extract_strided_slice %add3A {offsets = [0, 2], sizes = [256, 1], strides = [1, 1]} : vector<256x3xf32> to vector<256x1xf32>
    %get3A_7 = arith.constant 0 : index
    %get3A_8 = arith.constant 0 : index
    %get3A_9 = vector.load %arg3[%get3A_7, %get3A_8] : memref<8x4096xf32, #tpu.memory_space<vmem>>, vector<1x4096xf32>
    %get3A_10 = arith.constant 1 : index
    %get3A_11 = arith.constant 0 : index
    %get3A_12 = vector.load %arg3[%get3A_10, %get3A_11] : memref<8x4096xf32, #tpu.memory_space<vmem>>, vector<1x4096xf32>
    %get3A_13 = arith.constant 2 : index
    %get3A_14 = arith.constant 0 : index
    %get3A_15 = vector.load %arg3[%get3A_13, %get3A_14] : memref<8x4096xf32, #tpu.memory_space<vmem>>, vector<1x4096xf32>
    %sub3A = vector.broadcast %slice3A : vector<256x1xf32> to vector<256x4096xf32>
    %sub3A_16 = vector.broadcast %get3A_9 : vector<1x4096xf32> to vector<256x4096xf32>
    %sub3A_17 = arith.subf %sub3A, %sub3A_16 : vector<256x4096xf32>
    %abs3A = math.absf %sub3A_17 : vector<256x4096xf32>
    %sub3A_18 = vector.broadcast %slice3A_5 : vector<256x1xf32> to vector<256x4096xf32>
    %sub3A_19 = vector.broadcast %get3A_12 : vector<1x4096xf32> to vector<256x4096xf32>
    %sub3A_20 = arith.subf %sub3A_18, %sub3A_19 : vector<256x4096xf32>
    %abs3A_21 = math.absf %sub3A_20 : vector<256x4096xf32>
    %add3A_22 = arith.addf %abs3A, %abs3A_21 : vector<256x4096xf32>
    %sub3A_23 = vector.broadcast %slice3A_6 : vector<256x1xf32> to vector<256x4096xf32>
    %sub3A_24 = vector.broadcast %get3A_15 : vector<1x4096xf32> to vector<256x4096xf32>
    %sub3A_25 = arith.subf %sub3A_23, %sub3A_24 : vector<256x4096xf32>
    %abs3A_26 = math.absf %sub3A_25 : vector<256x4096xf32>
    %add3A_27 = arith.addf %add3A_22, %abs3A_26 : vector<256x4096xf32>
    %reduce_min3A = arith.constant dense<0x7F800000> : vector<256xf32>
    %reduce_min3A_28 = vector.multi_reduction <minimumf>, %add3A_27, %reduce_min3A [1] : vector<256x4096xf32> to vector<256xf32>
    %broadcast_in_dim3A = vector.shape_cast %reduce_min3A_28 : vector<256xf32> to vector<256x1xf32>
    %eq3A = vector.broadcast %broadcast_in_dim3A : vector<256x1xf32> to vector<256x4096xf32>
    %eq3A_29 = arith.cmpf oeq, %add3A_27, %eq3A : vector<256x4096xf32>
    %get3A_30 = arith.constant 0 : index
    %get3A_31 = arith.constant 0 : index
    %get3A_32 = vector.load %arg4[%get3A_30, %get3A_31] : memref<1x4096xi32, #tpu.memory_space<vmem>>, vector<1x4096xi32>
    %jit3A = arith.constant 4096 : i32
    %broadcast_in_dim3A_33 = vector.shape_cast %get3A_32 : vector<1x4096xi32> to vector<1x4096xi32>
    %broadcast_in_dim3A_34 = vector.broadcast %broadcast_in_dim3A_33 : vector<1x4096xi32> to vector<256x4096xi32>
    %broadcast_in_dim3A_35 = vector.broadcast %jit3A : i32 to vector<256x4096xi32>
    %select_n3A = arith.select %eq3A_29, %broadcast_in_dim3A_34, %broadcast_in_dim3A_35 : vector<256x4096xi1>, vector<256x4096xi32>
    %reduce_min3A_36 = arith.constant dense<2147483647> : vector<256xi32>
    %reduce_min3A_37 = vector.multi_reduction <minsi>, %select_n3A, %reduce_min3A_36 [1] : vector<256x4096xi32> to vector<256xi32>
    %broadcast_in_dim3A_38 = vector.shape_cast %reduce_min3A_37 : vector<256xi32> to vector<256x1xi32>
    %swap3A = arith.constant 0 : index
    %swap3A_39 = arith.constant 0 : index
    %swap3A_40 = vector.load %arg5[%swap3A, %swap3A_39] : memref<256x1xf32, #tpu.memory_space<vmem>>, vector<256x1xf32>
    tpu.vector_store %arg5[%swap3A, %swap3A_39], %broadcast_in_dim3A {strides = array<i32>} : memref<256x1xf32, #tpu.memory_space<vmem>>, vector<256x1xf32>,
    %swap3A_41 = arith.constant 0 : index
    %swap3A_42 = arith.constant 0 : index
    %swap3A_43 = vector.load %arg6[%swap3A_41, %swap3A_42] : memref<256x1xi32, #tpu.memory_space<vmem>>, vector<256x1xi32>
    tpu.vector_store %arg6[%swap3A_41, %swap3A_42], %broadcast_in_dim3A_38 {strides = array<i32>} : memref<256x1xi32, #tpu.memory_space<vmem>>, vector<256x1xi32>,
    %reduce_min3A_44 = arith.constant dense<0x7F800000> : vector<4096xf32>
    %reduce_min3A_45 = vector.multi_reduction <minimumf>, %add3A_27, %reduce_min3A_44 [0] : vector<256x4096xf32> to vector<4096xf32>
    %broadcast_in_dim3A_46 = vector.shape_cast %reduce_min3A_45 : vector<4096xf32> to vector<1x4096xf32>
    %eq3A_47 = arith.constant 0 : i32
    %eq3A_48 = arith.cmpi eq, %arg0, %eq3A_47 : i32
    %convert_element_type3A = arith.extui %eq3A_48 : i1 to i32
    %cond3A = arith.constant 0 : i32
    %cond3A_49 = arith.cmpi ne, %convert_element_type3A, %cond3A : i32
    scf.if %cond3A_49 {
      %swap3A_54 = arith.constant 0 : index
      %swap3A_55 = arith.constant 0 : index
      %swap3A_56 = vector.load %arg7[%swap3A_54, %swap3A_55] : memref<1x4096xf32, #tpu.memory_space<vmem>>, vector<1x4096xf32>
      tpu.vector_store %arg7[%swap3A_54, %swap3A_55], %broadcast_in_dim3A_46 {strides = array<i32>} : memref<1x4096xf32, #tpu.memory_space<vmem>>, vector<1x4096xf32>,
      %reduce_sum3A = vector.shape_cast %broadcast_in_dim3A : vector<256x1xf32> to vector<1x256x1xf32>
      %reduce_sum3A_57 = arith.constant dense<0.000000e+00> : vector<1xf32>
      %reduce_sum3A_58 = vector.multi_reduction <add>, %reduce_sum3A, %reduce_sum3A_57 [1, 2] : vector<1x256x1xf32> to vector<1xf32>
      %reduce_sum3A_59 = vector.shape_cast %reduce_sum3A_58 : vector<1xf32> to vector<1x1x1xf32>
      %reduce_sum3A_60 = vector.extract %reduce_sum3A_59[0, 0, 0] : f32 from vector<1x1x1xf32>
      %broadcast_in_dim3A_61 = vector.broadcast %reduce_sum3A_60 : f32 to vector<1x1xf32>
      %swap3A_62 = arith.constant 0 : index
      %swap3A_63 = arith.constant 0 : index
      %swap3A_64 = vector.load %arg8[%swap3A_62, %swap3A_63] : memref<1x1xf32, #tpu.memory_space<vmem>>, vector<1x1xf32>
      tpu.vector_store %arg8[%swap3A_62, %swap3A_63], %broadcast_in_dim3A_61 {strides = array<i32>} : memref<1x1xf32, #tpu.memory_space<vmem>>, vector<1x1xf32>,
    } else {
    }
    %ne3A = arith.constant 0 : i32
    %ne3A_50 = arith.cmpi ne, %arg0, %ne3A : i32
    %convert_element_type3A_51 = arith.extui %ne3A_50 : i1 to i32
    %cond3A_52 = arith.constant 0 : i32
    %cond3A_53 = arith.cmpi ne, %convert_element_type3A_51, %cond3A_52 : i32
    scf.if %cond3A_53 {
      %get3A_54 = arith.constant 0 : index
      %get3A_55 = arith.constant 0 : index
      %get3A_56 = vector.load %arg7[%get3A_54, %get3A_55] : memref<1x4096xf32, #tpu.memory_space<vmem>>, vector<1x4096xf32>
      %min3A = arith.minimumf %get3A_56, %broadcast_in_dim3A_46 : vector<1x4096xf32>
      %swap3A_57 = arith.constant 0 : index
      %swap3A_58 = arith.constant 0 : index
      %swap3A_59 = vector.load %arg7[%swap3A_57, %swap3A_58] : memref<1x4096xf32, #tpu.memory_space<vmem>>, vector<1x4096xf32>
      tpu.vector_store %arg7[%swap3A_57, %swap3A_58], %min3A {strides = array<i32>} : memref<1x4096xf32, #tpu.memory_space<vmem>>, vector<1x4096xf32>,
      %get3A_60 = arith.constant 0 : index
      %get3A_61 = arith.constant 0 : index
      %get3A_62 = vector.load %arg8[%get3A_60, %get3A_61] : memref<1x1xf32, #tpu.memory_space<vmem>>, vector<1x1xf32>
      %reduce_sum3A = vector.shape_cast %broadcast_in_dim3A : vector<256x1xf32> to vector<1x256x1xf32>
      %reduce_sum3A_63 = arith.constant dense<0.000000e+00> : vector<1xf32>
      %reduce_sum3A_64 = vector.multi_reduction <add>, %reduce_sum3A, %reduce_sum3A_63 [1, 2] : vector<1x256x1xf32> to vector<1xf32>
      %reduce_sum3A_65 = vector.shape_cast %reduce_sum3A_64 : vector<1xf32> to vector<1x1x1xf32>
      %reduce_sum3A_66 = vector.extract %reduce_sum3A_65[0, 0, 0] : f32 from vector<1x1x1xf32>
      %add3A_67 = vector.broadcast %reduce_sum3A_66 : f32 to vector<1x1xf32>
      %add3A_68 = arith.addf %get3A_62, %add3A_67 : vector<1x1xf32>
      %swap3A_69 = arith.constant 0 : index
      %swap3A_70 = arith.constant 0 : index
      %swap3A_71 = vector.load %arg8[%swap3A_69, %swap3A_70] : memref<1x1xf32, #tpu.memory_space<vmem>>, vector<1x1xf32>
      tpu.vector_store %arg8[%swap3A_69, %swap3A_70], %add3A_68 {strides = array<i32>} : memref<1x1xf32, #tpu.memory_space<vmem>>, vector<1x1xf32>,
    } else {
    }
    return
  }
  func.func @transform_0(%arg0: i32) -> (i32, i32) {
    %c0_i32 = arith.constant 0 : i32
    %c0_i32_0 = arith.constant 0 : i32
    return %arg0, %c0_i32 : i32, i32
  }
  func.func @transform_1(%arg0: i32) -> (i32, i32) {
    %c0_i32 = arith.constant 0 : i32
    %c0_i32_0 = arith.constant 0 : i32
    return %arg0, %c0_i32 : i32, i32
  }
  func.func @transform_2(%arg0: i32) -> (i32, i32) {
    %c0_i32 = arith.constant 0 : i32
    %c0_i32_0 = arith.constant 0 : i32
    %c0_i32_1 = arith.constant 0 : i32
    return %c0_i32, %c0_i32_0 : i32, i32
  }
  func.func @transform_3(%arg0: i32) -> (i32, i32) {
    %c0_i32 = arith.constant 0 : i32
    %c0_i32_0 = arith.constant 0 : i32
    %c0_i32_1 = arith.constant 0 : i32
    return %c0_i32, %c0_i32_0 : i32, i32
  }
  func.func @transform_4(%arg0: i32) -> (i32, i32) {
    %c0_i32 = arith.constant 0 : i32
    %c0_i32_0 = arith.constant 0 : i32
    return %arg0, %c0_i32 : i32, i32
  }
  func.func @transform_5(%arg0: i32) -> (i32, i32) {
    %c0_i32 = arith.constant 0 : i32
    %c0_i32_0 = arith.constant 0 : i32
    return %arg0, %c0_i32 : i32, i32
  }
  func.func @transform_6(%arg0: i32) -> (i32, i32) {
    %c0_i32 = arith.constant 0 : i32
    %c0_i32_0 = arith.constant 0 : i32
    %c0_i32_1 = arith.constant 0 : i32
    return %c0_i32, %c0_i32_0 : i32, i32
  }
  func.func @transform_7(%arg0: i32) -> (i32, i32) {
    %c0_i32 = arith.constant 0 : i32
    %c0_i32_0 = arith.constant 0 : i32
    %c0_i32_1 = arith.constant 0 : i32
    return %c0_i32, %c0_i32_0 : i32, i32
  }
}

module attributes {stable_mosaic.version = 14 : i64} {
  func.func @_loss_body(%arg0: memref<8x64xf32, #tpu.memory_space<vmem>>, %arg1: memref<32x4096xf32, #tpu.memory_space<vmem>>, %arg2: memref<1x4096xf32, #tpu.memory_space<vmem>>, %arg3: memref<1x1xf32, #tpu.memory_space<vmem>>, %arg4: memref<1x1xf32, #tpu.memory_space<vmem>>) attributes {dimension_semantics = [], scalar_prefetch = 0 : i64, scratch_operands = 0 : i64, tpu.core_type = #tpu.core_type<tc>} {
    %get3A = arith.constant 0 : index
    %get3A_0 = arith.constant 0 : index
    %get3A_1 = vector.load %arg3[%get3A, %get3A_0] : memref<1x1xf32, #tpu.memory_space<vmem>>, vector<1x1xf32>
    %get3A_2 = vector.extract %get3A_1[0, 0] : f32 from vector<1x1xf32>
    %get3A_3 = arith.constant 0 : index
    %get3A_4 = arith.constant 0 : index
    %get3A_5 = vector.load %arg0[%get3A_3, %get3A_4] : memref<8x64xf32, #tpu.memory_space<vmem>>, vector<8x64xf32>
    %reduce_sum3A = vector.shape_cast %get3A_5 : vector<8x64xf32> to vector<1x8x64xf32>
    %reduce_sum3A_6 = arith.constant dense<0.000000e+00> : vector<1xf32>
    %reduce_sum3A_7 = vector.multi_reduction <add>, %reduce_sum3A, %reduce_sum3A_6 [1, 2] : vector<1x8x64xf32> to vector<1xf32>
    %reduce_sum3A_8 = vector.shape_cast %reduce_sum3A_7 : vector<1xf32> to vector<1x1x1xf32>
    %reduce_sum3A_9 = vector.extract %reduce_sum3A_8[0, 0, 0] : f32 from vector<1x1x1xf32>
    %add3A = arith.addf %get3A_2, %reduce_sum3A_9 : f32
    %get3A_10 = arith.constant 0 : index
    %get3A_11 = arith.constant 0 : index
    %get3A_12 = vector.load %arg1[%get3A_10, %get3A_11] : memref<32x4096xf32, #tpu.memory_space<vmem>>, vector<32x4096xf32>
    %reduce_min3A = arith.constant dense<0x7F800000> : vector<4096xf32>
    %reduce_min3A_13 = vector.multi_reduction <minimumf>, %get3A_12, %reduce_min3A [0] : vector<32x4096xf32> to vector<4096xf32>
    %broadcast_in_dim3A = vector.shape_cast %reduce_min3A_13 : vector<4096xf32> to vector<1x4096xf32>
    %get3A_14 = arith.constant 0 : index
    %get3A_15 = arith.constant 0 : index
    %get3A_16 = vector.load %arg2[%get3A_14, %get3A_15] : memref<1x4096xf32, #tpu.memory_space<vmem>>, vector<1x4096xf32>
    %min3A = arith.minimumf %broadcast_in_dim3A, %get3A_16 : vector<1x4096xf32>
    %reduce_sum3A_17 = vector.shape_cast %min3A : vector<1x4096xf32> to vector<1x1x4096xf32>
    %reduce_sum3A_18 = arith.constant dense<0.000000e+00> : vector<1xf32>
    %reduce_sum3A_19 = vector.multi_reduction <add>, %reduce_sum3A_17, %reduce_sum3A_18 [1, 2] : vector<1x1x4096xf32> to vector<1xf32>
    %reduce_sum3A_20 = vector.shape_cast %reduce_sum3A_19 : vector<1xf32> to vector<1x1x1xf32>
    %reduce_sum3A_21 = vector.extract %reduce_sum3A_20[0, 0, 0] : f32 from vector<1x1x1xf32>
    %div3A = arith.constant 4.096000e+03 : f32
    %div3A_22 = arith.divf %reduce_sum3A_21, %div3A : f32
    %div3A_23 = arith.constant 4.096000e+03 : f32
    %div3A_24 = arith.divf %add3A, %div3A_23 : f32
    %add3A_25 = arith.addf %div3A_24, %div3A_22 : f32
    %mul3A = arith.constant 5.000000e-01 : f32
    %mul3A_26 = arith.mulf %add3A_25, %mul3A : f32
    %broadcast_in_dim3A_27 = vector.broadcast %mul3A_26 : f32 to vector<1x1xf32>
    %swap3A = arith.constant 0 : index
    %swap3A_28 = arith.constant 0 : index
    %swap3A_29 = vector.load %arg4[%swap3A, %swap3A_28] : memref<1x1xf32, #tpu.memory_space<vmem>>, vector<1x1xf32>
    tpu.vector_store %arg4[%swap3A, %swap3A_28], %broadcast_in_dim3A_27 {strides = array<i32>} : memref<1x1xf32, #tpu.memory_space<vmem>>, vector<1x1xf32>,
    return
  }
}

</mosaic_0001>

<sc_bundles>
// kernel: _chamfer.5.cloned.1.call-start
scs
__scs_entry_jumppad:
0x0: {  	(pc) =	sbr.rel $0x88, $3  }
0x1: {  	(tag) =	ssettag $0x0;
	lr =	simm.s32 $0x1  }
0x2: {  	[smem:$0x3F9C] =	sst lr;
	_ =	strace $0xD0000000  }
0x3: {  	_ = 	snop  }
0x4: {  	_ = 	snop  }
0x5: {  	_ = 	snop  }
0x6: {  	_ = 	snop  }
0x7: {  	_ = 	snop  }
__scs_overlays_trampoline_lowered:
0x8: {  	[smem:$0x3FAB] =	sst s0  }
0x9: {  	[smem:$0x3FAC] =	sst s1  }
0xa: {  	[smem:$0x3FAD] =	sst s2  }
0xb: {  	[smem:$0x3FAE] =	sst s3  }
0xc: {  	[smem:$0x3FAF] =	sst s4  }
0xd: {  	[smem:$0x3FB0] =	sst s5  }
0xe: {  	[smem:$0x3FB1] =	sst s6  }
0xf: {  	[smem:$0x3FB2] =	sst s7  }
0x10: {  	[smem:$0x3FB3] =	sst s8  }
0x11: {  	[smem:$0x3FB4] =	sst s9;
	s0 =	simm.s32 @!p0 $0x0  }
0x12: {  	s1 =	sld [smem:$0x3F9A];
	s0 =	simm.s32 @p0 $0x1  }
0x13: {  	[smem:$0x3FB5] =	sst s0;
	s0 =	simm.s32 @!p1 $0x0  }
0x14: {  	s2 =	sld [smem:$0x3F99];
	s0 =	simm.s32 @p1 $0x1  }
0x15: {  	[smem:$0x3FB6] =	sst s0;
	s0 =	simm.s32 @!p2 $0x0  }
0x16: {  	s3 =	sld [smem:$0x3FDB];
	s0 =	simm.s32 @p2 $0x1  }
0x17: {  	s4 =	simm.s32 $0x1BF5;
	[smem:$0x3FB8] =	sst s0  }
0x18: {  	s0 =	sld [smem:$0x3F9B];
	_ =	swait.ge [sflag:s4], $0x0  }
0x19: {  	s7 =	sld [smem:$0x3F9C]  }
0x1a: {  	s8 =	sadd.s32 $0xFFFFE003, lr  }
0x1b: {  	s9 =	sadd.s32 $0xFFFFFEF7, lr;
	s5 =	simm.s32 $0xFFFFFFFF;
	p2 =	slt.u32 s8, $0xFFFFF086  }
0x1c: {  	p1 =	slt.u32 s9, $0xF7A;
	s5 =	simm.s32 @!p2 $0x0  }
0x1d: {  	s5 =	simm.s32 @p1 $0x1;
	p0 =	seq.s32 s7, s2  }
0x1e: {  	s7 =	smul.u32 @!p0 $0xF7A, s2;
	p2 =	seq.s32 @!p0 s5, $0x0  }
0x1f: {  	s9 =	smul.u32 $0xF7A, s1;
	s8 =	simm.s32 @!p0 $0x1BF5;
	p2 =	por !p2, p0  }
0x20: {  	[sflag:s8] =	ssyncset.s32 @!p0 $0xFFFFF086;
	s6 =	sadd.s32 @!p0 s3, s7;
	s7 =	simm.s32 @!p0 $0x108  }
0x21: {  	s3 =	sadd.s32 s3, s9;
	s6 =	sadd.s32 @!p0 $0x88, s6;
	s7 =	simm.s32 @p2 $0x1082  }
0x22: {  	[simem:s7], [sflag:s8] =	dma.local @!p0 [hbm:s6], $0xF7A  }
0x23: {  	s9 =	sor.u32 $0xD0000000, s2;
	s6 =	simm.s32 $0x108;
	_ =	swait.ge @!p0 [sflag:s8], $0x0  }
0x24: {  	s3 =	sadd.s32 $0x88, s3;
	s6 =	simm.s32 @!p1 $0x1082;
	[sflag:s4] =	ssyncset.s32 $0xFFFFF086  }
0x25: {  	[simem:s6], [sflag:s4] =	dma.local [hbm:s3], $0xF7A  }
0x26: {  	[smem:$0x3F9C] =	sst s1;
	(tag) =	ssettag s2;
	_ =	strace s9  }
0x27: {  	s1 =	sld [smem:$0x3FAC]  }
0x28: {  	s2 =	sld [smem:$0x3FAD]  }
0x29: {  	s4 =	sld [smem:$0x3FAF]  }
0x2a: {  	p0 =	seq.s32 s5, $0x0;
	s5 =	sld [smem:$0x3FB0]  }
0x2b: {  	s6 =	sld [smem:$0x3FB1]  }
0x2c: {  	s7 =	sld [smem:$0x3FB2]  }
0x2d: {  	s3 =	simm.s32 $0x108;
	s8 =	sld [smem:$0x3FB3]  }
0x2e: {  	s3 =	simm.s32 @!p0 $0x1082;
	s9 =	sld [smem:$0x3FB4]  }
0x2f: {  	lr =	sadd.s32 s0, s3;
	s0 =	sld [smem:$0x3FAB]  }
0x30: {  	s3 =	sld [smem:$0x3FAE]  }
0x31: {  	[smem:$0x3FB7] =	sst s10  }
0x32: {  	s10 =	sld [smem:$0x3FB5];
	_ =	sdelay $0x3  }
0x33: {  	p0 =	seq.s32 s10, $0x1;
	s10 =	sld [smem:$0x3FB7];
	_ =	sdelay $0x3  }
0x34: {  	[smem:$0x3FB7] =	sst s10  }
0x35: {  	s10 =	sld [smem:$0x3FB6];
	_ =	sdelay $0x3  }
0x36: {  	p1 =	seq.s32 s10, $0x1;
	s10 =	sld [smem:$0x3FB7];
	_ =	sdelay $0x3  }
0x37: {  	[smem:$0x3FB7] =	sst s10  }
0x38: {  	s10 =	sld [smem:$0x3FB8]  }
0x39: {  	_ = 	snop;
	(pc) =	sbr.ind lr, $3  }
0x3a: {  	_ = 	snop  }
0x3b: {  	_ = 	snop  }
0x3c: {  	p2 =	seq.s32 s10, $0x1;
	s10 =	sld [smem:$0x3FB7]  }
0x3d: {  	_ =	shalt  }
0x3e: {  	_ =	shalt  }
0x3f: {  	_ =	shalt  }
0x40: {  	_ =	shalt  }
0x41: {  	_ =	shalt  }
0x42: {  	_ =	shalt  }
0x43: {  	_ =	shalt  }
0x44: {  	_ =	shalt  }
0x45: {  	_ =	shalt  }
0x46: {  	_ =	shalt  }
0x47: {  	_ =	shalt  }
0x48: {  	_ =	shalt  }
0x49: {  	_ =	shalt  }
0x4a: {  	_ =	shalt  }
0x4b: {  	_ =	shalt  }
0x4c: {  	_ =	shalt  }
0x4d: {  	_ =	shalt  }
0x4e: {  	_ =	shalt  }
0x4f: {  	_ =	shalt  }
0x50: {  	_ =	shalt  }
0x51: {  	_ =	shalt  }
0x52: {  	_ =	shalt  }
0x53: {  	_ =	shalt  }
0x54: {  	_ =	shalt  }
0x55: {  	_ =	shalt  }
0x56: {  	_ =	shalt  }
0x57: {  	_ =	shalt  }
0x58: {  	_ =	shalt  }
0x59: {  	_ =	shalt  }
0x5a: {  	_ =	shalt  }
0x5b: {  	_ =	shalt  }
0x5c: {  	_ =	shalt  }
0x5d: {  	_ =	shalt  }
0x5e: {  	_ =	shalt  }
0x5f: {  	_ =	shalt  }
0x60: {  	_ =	shalt  }
0x61: {  	_ =	shalt  }
0x62: {  	_ =	shalt  }
0x63: {  	_ =	shalt  }
0x64: {  	_ =	shalt  }
0x65: {  	_ =	shalt  }
0x66: {  	_ =	shalt  }
0x67: {  	_ =	shalt  }
0x68: {  	_ =	shalt  }
0x69: {  	_ =	shalt  }
0x6a: {  	_ =	shalt  }
0x6b: {  	_ =	shalt  }
0x6c: {  	_ =	shalt  }
0x6d: {  	_ =	shalt  }
0x6e: {  	_ =	shalt  }
0x6f: {  	_ =	shalt  }
0x70: {  	_ =	shalt  }
0x71: {  	_ =	shalt  }
0x72: {  	_ =	shalt  }
0x73: {  	_ =	shalt  }
0x74: {  	_ =	shalt  }
0x75: {  	_ =	shalt  }
0x76: {  	_ =	shalt  }
0x77: {  	_ =	shalt  }
0x78: {  	_ =	shalt  }
0x79: {  	_ =	shalt  }
0x7a: {  	_ =	shalt  }
0x7b: {  	_ =	shalt  }
0x7c: {  	_ =	shalt  }
0x7d: {  	_ =	shalt  }
0x7e: {  	_ =	shalt  }
0x7f: {  	_ =	shalt  }
0x80: {  	_ =	shalt  }
0x81: {  	_ =	shalt  }
0x82: {  	_ =	shalt  }
0x83: {  	_ =	shalt  }
0x84: {  	_ =	shalt  }
0x85: {  	_ =	shalt  }
0x86: {  	_ =	shalt  }
0x87: {  	_ =	shalt  }
.Lfunc_end0:
.L_simem_size_0:
called_computation_lowered:
.L_overlay_start_0:
0x88: {  	s2 =	sld [smem:$0x3FD9]  }
0x89: {  	s3 =	sld [smem:$0x3FFE];
	_ =	sdelay $0x1  }
0x8a: {  	s1 =	srdreg.scid  }
0x8b: {  	s0 =	sand.u32 $0x1, s1  }
0x8c: {  	s14 =	sshll.u32 s0, $0xA;
	s2 =	sadd.s32 s3, s2  }
0x8d: {  	s2 =	sadd.s32 s2, s14  }
0x8e: {  	[smem:$0x3FC3] =	sst s2  }
0x8f: {  	_ = 	snop  }
0x90: {  	s2 =	sld [smem:$0x3FD0];
	_ =	sdelay $0x2  }
0x91: {  	s4 =	simm.s32 $0xA;
	s5 =	simm.s32 $0x10;
	s15 =	sld [smem:$0x3FC6]  }
0x92: {  	[smem:s5], [sflag:s4] =	dma.local [hbm:s2], $0x1  }
0x93: {  	_ =	swait.eq [sflag:s4], $0x1  }
0x94: {  	[sflag:s4] =	ssyncset.done $0x0  }
0x95: {  	s16 =	sld [smem:$0x11];
	[sflag:s4] =	ssyncadd.s32 $0xFFFFFFFF  }
0x96: {  	s17 =	sld [smem:$0x12];
	(tm) =	ssettm $0x1  }
0x97: {  	s18 =	sld [smem:$0x3FFB];
	_ =	sdelay $0x3  }
0x98: {  	_ =	strace s18  }
0x99: {  	s5 =	sld [smem:$0x3FFC];
	_ =	sdelay $0x3  }
0x9a: {  	_ =	strace s5  }
0x9b: {  	s5 =	sld [smem:$0x3FFD];
	_ =	sdelay $0x3  }
0x9c: {  	_ =	strace s5  }
0x9d: {  	_ =	strace $0x8FFFFFFF  }
0x9e: {  	s19 =	sld [smem:$0x3FDB];
	_ =	sdelay $0x1  }
0x9f: {  	s6 =	simm.s32 $_scs_section_size  }
0xa0: {  	s7 =	simm.s32 $_size__tile_overlayer_lowered;
	s8 =	simm.s32 $_tile_overlayer_lowered  }
0xa1: {  	s22 =	simm.s32 $0x1BFF;
	s21 =	sshll.u32 s8, $0x1;
	s5 =	sadd.s32 s6, s19  }
0xa2: {  	s9 =	simm.s32 $0x0;
	s20 =	sshll.u32 s7, $0x1;
	s7 =	sadd.s32 s21, s5  }
0xa3: {  	[timem:s9], [sflag:s22] =	dma.local [hbm:s7], s20  }
0xa4: {  	_ =	swait.ge [sflag:s22], s20  }
0xa5: {  	s6 =	ssub.s32 $0x0, s20;
	[sflag:s22] =	ssyncset.done $0x0  }
0xa6: {  	[sflag:s22] =	ssyncadd.s32 s6;
	_ =	sdelay $0x1  }
0xa7: {  	s23 =	simm.s32 $0x1B8B  }
0xa8: {  	_ =	swait.ge [sflag:s23], $0x1  }
0xa9: {  	[sflag:s23] =	ssyncset.done $0x0  }
0xaa: {  	s25 =	simm.s32 $0x1B8E;
	s24 =	sld [smem:$0x3FFE];
	[sflag:s23] =	ssyncadd.s32 $0xFFFFFFFF  }
0xab: {  	s26 =	simm.s32 $execute0_lowered;
	[smem:$0x3FD2] =	sst s25  }
0xac: {  	s7 =	sshll.u32 s26, $0x1;
	_ =	strace $0x80000046;
	[dreg:$0x1] =	wrdreg $0xFFFFFFFF  }
0xad: {  	s28 =	simm.s32 $_size_execute0_lowered;
	s5 =	sadd.s32 s5, s7;
	[dreg:$0x0] =	wrdreg $0x0  }
0xae: {  	s7 =	sshll.u32 s28, $0x1;
	[dreg:$0x2] =	wrdreg s5  }
0xaf: {  	[dreg:$0x3] =	wrdreg s7  }
0xb0: {  	[dreg:$0x4] =	wrdreg $0xC0  }
0xb1: {  	_ =	task [dreg:s9], $0x5FFFF  }
0xb2: {  	[dreg:$0x1] =	wrdreg $0xFFFFFFFF  }
0xb3: {  	[dreg:$0x0] =	wrdreg $0x60  }
0xb4: {  	[dreg:$0x2] =	wrdreg s15  }
0xb5: {  	[dreg:$0x3] =	wrdreg s24  }
0xb6: {  	[dreg:$0x4] =	wrdreg s16  }
0xb7: {  	[dreg:$0x5] =	wrdreg s17  }
0xb8: {  	[dreg:$0x6] =	wrdreg $0x9  }
0xb9: {  	_ =	task.clear_ibuf [dreg:s9], $0x7FFFF;
	_ =	strace $0x90000046  }
0xba: {  	s29 =	simm.s32 $0x9;
	_ =	strace $0x80000048  }
0xbb: {  	_ =	swait.ge [sflag:s29], $0x1  }
0xbc: {  	[sflag:s29] =	ssyncadd.s32 $0xFFFFFFFF  }
0xbd: {  	_ =	strace $0x90000048  }
0xbe: {  	_ =	sfence  }
0xbf: {  	s30 =	sld [smem:$0x0];
	_ =	sdelay $0x2  }
0xc0: {  	s31 =	sshll.u32 s1, $0xD;
	s1 =	sshrl.u32 s1, $0x2  }
0xc1: {  	s3 =	sand.u32 $0x4000, s31;
	s1 =	sadd.s32 s1, s30  }
0xc2: {  	s0 =	sor.u32 s3, s0;
	s1 =	sshll.u32 s1, $0x11  }
0xc3: {  	s0 =	sor.u32 s1, s0  }
0xc4: {  	s0 =	sadd.s32 $0x8F2B, s0  }
0xc5: {  	[sflag:s0] =	ssyncadd.remote.s32 $0x1  }
0xc6: {  	_ =	sfence.sel $0xFFFF  }
0xc7: {  	[dreg:$0x0] =	wrdreg $0xFFFFFFFF;
	(pc) =	sbr.abs _section_cstart, $3  }
0xc8: {  	[dreg:$0x1] =	wrdreg $0xFFFFFFFF  }
0xc9: {  	_ =	task.clear_ibuf [dreg:s9], $0x2FFFF;
	_ =	strace $0x9FFFFFFF  }
0xca: {  	(tm) =	ssettm $0x7FFFFFFF  }
0xcb: {  	_ =	shalt  }
tec
execute0_lowered:
.L_overlay_start_1:
0x0: {  	(tag) =	ssettag $0x1  }
0x1: {  	s0 =	rddreg [dreg:$0x0]  }
0x2: {  	s3 =	rddreg [dreg:$0x1]  }
0x3: {  	s10 =	rddreg [dreg:$0x2];
	s1 =	srdreg.scid  }
0x4: {  	s12 =	rddreg [dreg:$0x3];
	s2 =	simm.s32 $0x0;
	s4 =	sand.u32 $0x1, s1  }
0x5: {  	s30 =	stileid.u32;
	s24 =	simm.s32 $0x0;
	s5 =	sshll.u32 s4, $0x4  }
0x6: {  	[smem:$0x7FF] =	sst s2;
	s4 =	ssub.s32 $0x2, s4;
	s11 =	sor.u32 s30, s5  }
0x7: {  	_ =	strace $0x80000047;
	s6 =	sshrl.u32 s4, $0x1;
	s13 =	sshll.u32 s11, $0x2  }
0x8: {  	s5 =	sshll.u32 s11, $0x9;
	s15 =	ssub.s32 s4, s6;
	s4 =	sadd.s32 $0x800, s0  }
0x9: {  	s31 =	sshll.u32 s11, $0x1;
	s9 =	sadd.s32 s13, s3;
	s14 =	sadd.s32 s5, s3  }
0xa: {  	v0 =	vimm.f32 $3.000000010e+38;
	s3 =	sadd.s32 $0x600, s0;
	s8 =	sadd.s32 s13, s0;
	s5 =	sadd.s32 $0xA00, s0  }
0xb: {  	v8 =	vlaneseq.u32;
	vm14 =	vcmask $0x300;
	vm15 =	vcmask $0x704;
	s10 =	sadd.s32 s10, s13;
	s12 =	sadd.s32 s12, s31;
	s13 =	smax.u32 s15, $0x1  }
0xc: {  	vm8 =	vcmask $0xF0C;
	vm9 =	vcmask $0x1310;
	vm10 =	vcmask $0x1714;
	s6 =	sadd.s32 $0x180, s8;
	s7 =	sadd.s32 $0x380, s8;
	s8 =	sadd.s32 $0x580, s8  }
0xd: {  	vm11 =	vcmask $0x1B18;
	vm12 =	vcmask $0x1F1C;
	vm13 =	vcmask $0x2320;
	s9 =	sadd.s32 $0x4800, s9;
	s11 =	sadd.s32 $0x800, s14;
	s14 =	simm.s32 $0x1  }
.LBB2_1:
0xe: {  	[tilespmem:s2], [sflag:$0x1] =	stream.linear.gather [hbm4b:s3+s2], $0x1000, $0x38;
	[tilespmem:$0x4300] =	vst v63  }
0xf: {  	_ =	swait.ge [sflag:s14], $0x1000  }
0x10: {  	[sflag:s14] =	ssyncset.done $0x0  }
0x11: {  	s0 =	simm.s32 $0x1000;
	[sflag:s14] =	ssyncadd.s32 $0xFFFFF000  }
0x12: {  	[tilespmem:s0], [sflag:$0x1] =	stream.linear.gather [hbm4b:s4+s2], $0x1000, $0x38;
	[tilespmem:$0x4300] =	vst v63  }
0x13: {  	_ =	swait.ge [sflag:s14], $0x1000  }
0x14: {  	[sflag:s14] =	ssyncset.done $0x0  }
0x15: {  	s28 =	simm.s32 $0x2000;
	[sflag:s14] =	ssyncadd.s32 $0xFFFFF000  }
0x16: {  	[tilespmem:s28], [sflag:$0x1] =	stream.linear.gather [hbm4b:s5+s2], $0x1000, $0x38;
	[tilespmem:$0x4300] =	vst v63  }
0x17: {  	_ =	swait.ge [sflag:s14], $0x1000  }
0x18: {  	[sflag:s14] =	ssyncset.done $0x0  }
0x19: {  	s29 =	simm.s32 $0x3000;
	[sflag:s14] =	ssyncadd.s32 $0xFFFFF000  }
0x1a: {  	[tilespmem:s29], [sflag:$0x1] =	stream.linear.gather [hbm4b:s6+s2], $0x20, $0x38;
	[tilespmem:$0x4300] =	vst v63  }
0x1b: {  	_ =	swait.ge [sflag:s14], $0x20  }
0x1c: {  	[sflag:s14] =	ssyncset.done $0x0  }
0x1d: {  	s30 =	simm.s32 $0x3080;
	[sflag:s14] =	ssyncadd.s32 $0xFFFFFFE0  }
0x1e: {  	[tilespmem:s30], [sflag:$0x1] =	stream.linear.gather [hbm4b:s7+s2], $0x20, $0x38;
	[tilespmem:$0x4300] =	vst v63  }
0x1f: {  	_ =	swait.ge [sflag:s14], $0x20  }
0x20: {  	[sflag:s14] =	ssyncset.done $0x0  }
0x21: {  	s31 =	simm.s32 $0x3100;
	[sflag:s14] =	ssyncadd.s32 $0xFFFFFFE0  }
0x22: {  	[tilespmem:s31], [sflag:$0x1] =	stream.linear.gather [hbm4b:s8+s2], $0x20, $0x38;
	[tilespmem:$0x4300] =	vst v63  }
0x23: {  	_ =	swait.ge [sflag:s14], $0x20  }
0x24: {  	[sflag:s14] =	ssyncset.done $0x0  }
0x25: {  	s25 =	simm.s32 $0x0;
	s0 =	simm.s32 $0x40;
	[sflag:s14] =	ssyncadd.s32 $0xFFFFFFE0  }
.LBB2_2:
0x26: {  	p0 =	sne.s32 s0, $0x3FC0;
	[tilespmem:s25+$0x3180] =	vst v0;
	s25 =	smov.u32 s0;
	s0 =	sadd.s32 $0x40, s0  }
.Ltmp0:
0x27: {  	(pc) =	sbr.rel @p0 .LBB2_2-.Ltmp0, $2  }
0x28: {  	_ =	sdelay $0x2  }
0x29: {  	s25 =	sshra.s32 s25, $0x2  }
0x2a: {  	[tilespmem:s25+$0x3180] =	vst v0  }
0x2b: {  	v2 =	vld [tilespmem:$0x3000]  }
0x2c: {  	v3 =	vld [tilespmem:$0x3080]  }
0x2d: {  	v4 =	vld [tilespmem:$0x3100];
	_ =	sdelay $0x2  }
0x2e: {  	v1 =	vimm.s32 $0x0;
	v0 =	vimm.s32 $0x1;
	s0 =	simm.s32 $0x1010  }
0x2f: {  	s28 =	simm.s32 $0x10;
	v5 =	vld [tilespmem:s0+$0xFFFFFFF0];
	v20 =	vperm.xlane v2, v1;
	v23 =	vperm.xlane v2, v0  }
0x30: {  	v7 =	vld [tilespmem:s28+$0xFFFFFFF0];
	v24 =	vperm.xlane v3, v0;
	v25 =	vperm.xlane v4, v0;
	v0 =	vimm.s32 $0x2  }
0x31: {  	v21 =	vperm.xlane v3, v1;
	v26 =	vperm.xlane v2, v0  }
0x32: {  	s26 =	simm.s32 $0x2010;
	v27 =	vperm.xlane v3, v0;
	v28 =	vperm.xlane v4, v0;
	v0 =	vimm.s32 $0x3  }
0x33: {  	v6 =	vld [tilespmem:s26+$0xFFFFFFF0];
	v22 =	vperm.xlane v4, v1;
	v29 =	vperm.xlane v2, v0  }
0x34: {  	v30 =	vperm.xlane v3, v0;
	v31 =	vperm.xlane v4, v0  }
0x35: {  	v0 =	vimm.s32 $0x4;
	v9 =	vsub.f32 v5, v21;
	v14 =	vsub.f32 v7, v20  }
0x36: {  	v15 =	vsub.f32 v7, v23;
	v16 =	vsub.f32 v5, v24;
	v32 =	vperm.xlane v2, v0  }
0x37: {  	v33 =	vperm.xlane v3, v0;
	v34 =	vperm.xlane v4, v0;
	v0 =	vimm.s32 $0x5  }
0x38: {  	v10 =	vsub.f32 v7, v26;
	v12 =	vsub.f32 v6, v28;
	v35 =	vperm.xlane v2, v0  }
0x39: {  	v36 =	vperm.xlane v3, v0;
	v37 =	vperm.xlane v4, v0;
	v0 =	vimm.s32 $0x6  }
0x3a: {  	v11 =	vsub.f32 v5, v30;
	v9 =	vand.u32 $0x7FFFFFFF, v9;
	v17 =	vsub.f32 v7, v29  }
0x3b: {  	v16 =	vand.u32 $0x7FFFFFFF, v16;
	v45 =	vsub.f32 v6, v31;
	v14 =	vand.u32 $0x7FFFFFFF, v14  }
0x3c: {  	v15 =	vand.u32 $0x7FFFFFFF, v15;
	v38 =	vperm.xlane v2, v0;
	v39 =	vperm.xlane v3, v0  }
0x3d: {  	v40 =	vperm.xlane v4, v0;
	v0 =	vimm.s32 $0x7;
	v19 =	vsub.f32 v7, v32  }
0x3e: {  	v10 =	vand.u32 $0x7FFFFFFF, v10;
	v9 =	vadd.f32 v9, v14;
	v15 =	vadd.f32 v16, v15  }
0x3f: {  	v41 =	vperm.xlane v2, v0;
	v2 =	vsub.f32 v5, v27;
	v42 =	vperm.xlane v3, v0  }
0x40: {  	v43 =	vperm.xlane v4, v0;
	v4 =	vsub.f32 v6, v22;
	v13 =	vsub.f32 v5, v36  }
0x41: {  	v11 =	vand.u32 $0x7FFFFFFF, v11;
	v17 =	vand.u32 $0x7FFFFFFF, v17;
	v46 =	vsub.f32 v6, v37  }
0x42: {  	v62 =	vand.u32 $0x7FFFFFFF, v45;
	v3 =	vsub.f32 v5, v39;
	v11 =	vadd.f32 v11, v17  }
0x43: {  	v17 =	vsub.f32 v7, v35;
	v19 =	vand.u32 $0x7FFFFFFF, v19;
	v60 =	vsub.f32 v6, v40  }
0x44: {  	v2 =	vand.u32 $0x7FFFFFFF, v2;
	v18 =	vsub.f32 v7, v41;
	v44 =	vsub.f32 v5, v42  }
0x45: {  	v13 =	vand.u32 $0x7FFFFFFF, v13;
	v5 =	vsub.f32 v5, v33;
	v7 =	vsub.f32 v7, v38  }
0x46: {  	s25 =	simm.s32 $0x3190;
	v47 =	vsub.f32 v6, v43;
	v61 =	vand.u32 $0x7FFFFFFF, v46;
	v4 =	vand.u32 $0x7FFFFFFF, v4  }
0x47: {  	v48 =	vld [tilespmem:s25+$0xFFFFFFF0];
	v2 =	vadd.f32 v2, v10;
	v10 =	vsub.f32 v6, v34;
	v3 =	vand.u32 $0x7FFFFFFF, v3  }
0x48: {  	v17 =	vand.u32 $0x7FFFFFFF, v17;
	v6 =	vsub.f32 v6, v25;
	v9 =	vadd.f32 v4, v9  }
0x49: {  	v11 =	vadd.f32 v62, v11;
	v18 =	vand.u32 $0x7FFFFFFF, v18;
	v44 =	vand.u32 $0x7FFFFFFF, v44  }
0x4a: {  	v13 =	vadd.f32 v13, v17;
	v7 =	vand.u32 $0x7FFFFFFF, v7;
	v4 =	vand.u32 $0x7FFFFFFF, v6  }
0x4b: {  	v5 =	vand.u32 $0x7FFFFFFF, v5;
	v6 =	vand.u32 $0x7FFFFFFF, v12;
	v4 =	vadd.f32 v4, v15  }
0x4c: {  	v5 =	vadd.f32 v5, v19;
	v15 =	vmin.f32 v48, v9;
	v2 =	vadd.f32 v6, v2  }
0x4d: {  	v18 =	vadd.f32 v44, v18;
	v10 =	vand.u32 $0x7FFFFFFF, v10;
	v6 =	vmin.f32 v15, v4  }
0x4e: {  	v3 =	vadd.f32 v3, v7;
	v5 =	vadd.f32 v10, v5;
	v6 =	vmin.f32 v6, v2  }
0x4f: {  	v7 =	vadd.f32 v61, v13;
	v10 =	vand.u32 $0x7FFFFFFF, v60;
	v6 =	vmin.f32 v6, v11  }
0x50: {  	v3 =	vadd.f32 v10, v3;
	v10 =	vand.u32 $0x7FFFFFFF, v47;
	v6 =	vmin.f32 v6, v5  }
0x51: {  	v10 =	vadd.f32 v10, v18;
	v6 =	vmin.f32 v6, v7  }
0x52: {  	v6 =	vmin.f32 v6, v3  }
0x53: {  	v63 =	vimm.f32 $3.000000010e+38;
	v6 =	vmin.f32 v6, v10  }
0x54: {  	s29 =	simm.s32 $0x0;
	vm0 =	vlt.f32 v9, v63;
	vm6 =	vlt.f32 v11, v63;
	[tilespmem:s25+$0xFFFFFFF0] =	vst v6  }
0x55: {  	v50 =	vsel vm6, v11, v63;
	v9 =	vsel vm0, v9, v63;
	v60 =	vor.u32 s29, v8;
	v6 =	vld [tilespmem:s28+$0x0]  }
0x56: {  	vm4 =	vlt.f32 v7, v63;
	vm5 =	vlt.f32 v4, v63;
	vm7 =	vlt.f32 v2, v63;
	v61 =	vld [tilespmem:s26+$0x0]  }
0x57: {  	v49 =	vsel vm6, v60, v1;
	v13 =	vsel vm0, v60, v1;
	vm3 =	vlt.f32 v5, v63;
	v15 =	vld [tilespmem:s0+$0x0]  }
0x58: {  	v48 =	vsel vm5, v60, v1;
	v47 =	vsel vm7, v60, v1;
	v54 =	vsel vm4, v60, v1  }
0x59: {  	v16 =	vsel vm5, v4, v63;
	v55 =	vsel vm7, v2, v63;
	v44 =	vsel vm4, v7, v63  }
0x5a: {  	vm1 =	vlt.f32 v3, v63;
	v51 =	vsel vm3, v60, v1;
	v2 =	vsub.f32 v6, v20  }
0x5b: {  	v56 =	vsel vm3, v5, v63;
	v4 =	vsub.f32 v6, v29;
	v7 =	vsub.f32 v61, v22  }
0x5c: {  	vm2 =	vlt.f32 v10, v63;
	v5 =	vsub.f32 v6, v26;
	v11 =	vsub.f32 v15, v21  }
0x5d: {  	v45 =	vsel vm1, v60, v1;
	v17 =	vsub.f32 v6, v32;
	v18 =	vsub.f32 v6, v35  }
0x5e: {  	v46 =	vsel vm2, v60, v1;
	v19 =	vsub.f32 v6, v38;
	v52 =	vsub.f32 v15, v27  }
0x5f: {  	v57 =	vsel vm2, v10, v63;
	v1 =	vsub.f32 v61, v37;
	v62 =	vsub.f32 v61, v31  }
0x60: {  	v2 =	vand.u32 $0x7FFFFFFF, v2;
	v11 =	vand.u32 $0x7FFFFFFF, v11;
	v18 =	vand.u32 $0x7FFFFFFF, v18  }
0x61: {  	v5 =	vand.u32 $0x7FFFFFFF, v5;
	v2 =	vadd.f32 v11, v2;
	v11 =	vsub.f32 v15, v30  }
0x62: {  	v4 =	vand.u32 $0x7FFFFFFF, v4;
	v52 =	vand.u32 $0x7FFFFFFF, v52;
	v7 =	vand.u32 $0x7FFFFFFF, v7  }
0x63: {  	v52 =	vadd.f32 v52, v5;
	v5 =	vsub.f32 v15, v33;
	v11 =	vand.u32 $0x7FFFFFFF, v11  }
0x64: {  	v17 =	vand.u32 $0x7FFFFFFF, v17;
	v11 =	vadd.f32 v11, v4;
	v4 =	vsub.f32 v15, v36  }
0x65: {  	v5 =	vand.u32 $0x7FFFFFFF, v5;
	v53 =	vadd.f32 v7, v2;
	v7 =	vsub.f32 v6, v41  }
0x66: {  	v5 =	vadd.f32 v5, v17;
	v2 =	vand.u32 $0x7FFFFFFF, v4;
	v4 =	vsub.f32 v15, v39  }
0x67: {  	v17 =	vand.u32 $0x7FFFFFFF, v19;
	v10 =	vadd.f32 v2, v18;
	v2 =	vsub.f32 v61, v34  }
0x68: {  	v19 =	vsub.f32 v61, v43;
	v18 =	vsub.f32 v15, v24;
	v4 =	vand.u32 $0x7FFFFFFF, v4  }
0x69: {  	v15 =	vsub.f32 v15, v42;
	v17 =	vadd.f32 v4, v17;
	v4 =	vand.u32 $0x7FFFFFFF, v2  }
0x6a: {  	v2 =	vsel vm1, v3, v63;
	v3 =	vsub.f32 v6, v23;
	v6 =	vand.u32 $0x7FFFFFFF, v7  }
0x6b: {  	v7 =	vand.u32 $0x7FFFFFFF, v15;
	v15 =	vand.u32 $0x7FFFFFFF, v18;
	v18 =	vsub.f32 v61, v25  }
0x6c: {  	v1 =	vand.u32 $0x7FFFFFFF, v1;
	v4 =	vadd.f32 v4, v5;
	v5 =	vsub.f32 v61, v40  }
0x6d: {  	vm0 =	vlt.f32 v53, v9;
	v6 =	vadd.f32 v7, v6;
	v7 =	vadd.f32 v1, v10  }
0x6e: {  	v1 =	vld [tilespmem:s25+$0x0];
	v10 =	vsub.f32 v61, v28;
	v3 =	vand.u32 $0x7FFFFFFF, v3;
	v63 =	vand.u32 $0x7FFFFFFF, v18  }
0x6f: {  	v15 =	vadd.f32 v15, v3;
	v3 =	vand.u32 $0x7FFFFFFF, v5;
	v5 =	vand.u32 $0x7FFFFFFF, v19  }
0x70: {  	vm5 =	vlt.f32 v4, v56;
	vm4 =	vlt.f32 v7, v44;
	v3 =	vadd.f32 v3, v17  }
0x71: {  	v5 =	vadd.f32 v5, v6;
	v6 =	vand.u32 $0x7FFFFFFF, v10;
	v10 =	vand.u32 $0x7FFFFFFF, v62  }
0x72: {  	s26 =	simm.s32 $0x10;
	v17 =	vsel vm0, v53, v9;
	v14 =	vadd.f32 v63, v15;
	v6 =	vadd.f32 v6, v52  }
0x73: {  	v10 =	vadd.f32 v10, v11;
	v9 =	vmin.f32 v1, v53;
	v1 =	vor.u32 s26, v8  }
0x74: {  	vm1 =	vlt.f32 v5, v57;
	v9 =	vmin.f32 v9, v14;
	vm2 =	vlt.f32 v14, v16  }
0x75: {  	s30 =	simm.s32 $0x2030;
	s31 =	simm.s32 $0x30;
	v18 =	vsel vm0, v1, v13;
	vm0 =	vlt.f32 v3, v2;
	v9 =	vmin.f32 v9, v6  }
0x76: {  	s29 =	simm.s32 $0x3190;
	s28 =	simm.s32 $0x1030;
	s26 =	simm.s32 $0x20;
	vm3 =	vlt.f32 v6, v55;
	v19 =	vsel vm2, v14, v16;
	v9 =	vmin.f32 v9, v10  }
.LBB2_4:
0x77: {  	p0 =	sne.s32 s26, $0xFE0  }
0x78: {  	vm6 =	vlt.f32 v10, v50;
	v11 =	vmin.f32 v9, v4;
	v9 =	vsel vm4, v7, v44;
	s25 =	sadd.s32 $0x20, s25;
	s0 =	smov.u32 s26;
	s26 =	sadd.s32 $0x20, s26  }
0x79: {  	v10 =	vsel vm6, v10, v50;
	v13 =	vsel vm6, v1, v49;
	v11 =	vmin.f32 v11, v7  }
0x7a: {  	v4 =	vsel vm5, v4, v56;
	v7 =	vsel vm5, v1, v51;
	v14 =	vmin.f32 v11, v3  }
0x7b: {  	v12 =	vsel vm2, v1, v48;
	v11 =	vsel vm4, v1, v54;
	v16 =	vmin.f32 v14, v5  }
0x7c: {  	v6 =	vsel vm3, v6, v55;
	v15 =	vsel vm0, v1, v45;
	v14 =	vsel vm3, v1, v47;
	[tilespmem:s29+$0x0] =	vst v16;
	s29 =	smov.u32 s25  }
0x7d: {  	v2 =	vsel vm0, v3, v2;
	v3 =	vsel vm1, v5, v57;
	v5 =	vsel vm1, v1, v46;
	v16 =	vld [tilespmem:s28+$0xFFFFFFF0]  }
0x7e: {  	v1 =	vld [tilespmem:s30+$0xFFFFFFF0]  }
0x7f: {  	v44 =	vld [tilespmem:s31+$0xFFFFFFF0];
	_ =	sdelay $0x2  }
0x80: {  	v45 =	vsub.f32 v16, v27;
	v46 =	vsub.f32 v16, v39  }
0x81: {  	v47 =	vsub.f32 v16, v21;
	v48 =	vsub.f32 v1, v22  }
0x82: {  	v50 =	vsub.f32 v16, v30;
	v49 =	vsub.f32 v44, v26;
	v45 =	vand.u32 $0x7FFFFFFF, v45  }
0x83: {  	v52 =	vsub.f32 v16, v36;
	v51 =	vsub.f32 v1, v28;
	v47 =	vand.u32 $0x7FFFFFFF, v47  }
0x84: {  	v53 =	vsub.f32 v44, v20;
	v54 =	vsub.f32 v44, v23;
	v50 =	vand.u32 $0x7FFFFFFF, v50  }
0x85: {  	v55 =	vsub.f32 v16, v24;
	v56 =	vsub.f32 v44, v29;
	v52 =	vand.u32 $0x7FFFFFFF, v52  }
0x86: {  	v57 =	vsub.f32 v44, v32;
	v58 =	vsub.f32 v44, v41;
	v49 =	vand.u32 $0x7FFFFFFF, v49  }
0x87: {  	v59 =	vsub.f32 v16, v42;
	v55 =	vand.u32 $0x7FFFFFFF, v55;
	v56 =	vand.u32 $0x7FFFFFFF, v56  }
0x88: {  	v60 =	vsub.f32 v1, v31;
	v46 =	vand.u32 $0x7FFFFFFF, v46;
	v58 =	vand.u32 $0x7FFFFFFF, v58  }
0x89: {  	v59 =	vand.u32 $0x7FFFFFFF, v59;
	v45 =	vadd.f32 v45, v49;
	v49 =	vsub.f32 v1, v34  }
0x8a: {  	v61 =	vsub.f32 v1, v37;
	v57 =	vand.u32 $0x7FFFFFFF, v57;
	v58 =	vadd.f32 v59, v58  }
0x8b: {  	v8 =	vlaneseq.u32;
	v50 =	vadd.f32 v50, v56;
	v56 =	vsub.f32 v44, v35  }
0x8c: {  	v16 =	vsub.f32 v16, v33;
	v62 =	vsub.f32 v1, v40;
	v59 =	vor.u32 s0, v8  }
0x8d: {  	v63 =	vsub.f32 v1, v43;
	v44 =	vsub.f32 v44, v38;
	v56 =	vand.u32 $0x7FFFFFFF, v56  }
0x8e: {  	v53 =	vand.u32 $0x7FFFFFFF, v53;
	v54 =	vand.u32 $0x7FFFFFFF, v54;
	v52 =	vadd.f32 v52, v56;
	v0 =	vld [tilespmem:s25+$0xFFFFFFF0]  }
0x8f: {  	v47 =	vadd.f32 v47, v53;
	v1 =	vsub.f32 v1, v25;
	v53 =	vand.u32 $0x7FFFFFFF, v61  }
0x90: {  	v48 =	vand.u32 $0x7FFFFFFF, v48;
	v54 =	vadd.f32 v55, v54;
	v44 =	vand.u32 $0x7FFFFFFF, v44  }
0x91: {  	v16 =	vand.u32 $0x7FFFFFFF, v16;
	v61 =	vadd.f32 v48, v47;
	v1 =	vand.u32 $0x7FFFFFFF, v1  }
0x92: {  	v47 =	vand.u32 $0x7FFFFFFF, v60;
	v55 =	vadd.f32 v1, v54;
	v1 =	vand.u32 $0x7FFFFFFF, v51  }
0x93: {  	v56 =	vadd.f32 v1, v45;
	v1 =	vadd.f32 v16, v57;
	v0 =	vmin.f32 v0, v61  }
0x94: {  	v16 =	vadd.f32 v47, v50;
	v45 =	vand.u32 $0x7FFFFFFF, v49;
	v0 =	vmin.f32 v0, v55  }
0x95: {  	v57 =	vadd.f32 v45, v1;
	v1 =	vadd.f32 v46, v44;
	v0 =	vmin.f32 v0, v56  }
0x96: {  	v44 =	vadd.f32 v53, v52;
	v45 =	vand.u32 $0x7FFFFFFF, v62;
	v0 =	vmin.f32 v0, v16  }
0x97: {  	v52 =	vadd.f32 v45, v1;
	v1 =	vand.u32 $0x7FFFFFFF, v63;
	v0 =	vmin.f32 v0, v57  }
0x98: {  	vm0 =	vlt.f32 v61, v17;
	v53 =	vadd.f32 v1, v58;
	v0 =	vmin.f32 v0, v44  }
0x99: {  	vm3 =	vlt.f32 v57, v4;
	vm1 =	vlt.f32 v52, v2;
	v0 =	vmin.f32 v0, v52  }
0x9a: {  	vm4 =	vlt.f32 v44, v9;
	vm2 =	vlt.f32 v53, v3;
	v0 =	vmin.f32 v0, v53  }
0x9b: {  	vm5 =	vlt.f32 v55, v19;
	vm6 =	vlt.f32 v56, v6;
	vm7 =	vlt.f32 v16, v10;
	[tilespmem:s25+$0xFFFFFFF0] =	vst v0  }
0x9c: {  	s0 =	sadd.s32 $0x10, s0;
	v49 =	vsel vm7, v59, v13;
	v0 =	vld [tilespmem:s31+$0x0]  }
0x9d: {  	v1 =	vor.u32 s0, v8;
	v13 =	vld [tilespmem:s30+$0x0]  }
0x9e: {  	v48 =	vsel vm5, v59, v12;
	v45 =	vsel vm1, v59, v15;
	v46 =	vsel vm2, v59, v5  }
0x9f: {  	v47 =	vsel vm6, v59, v14;
	v51 =	vsel vm3, v59, v7;
	v54 =	vsel vm4, v59, v11  }
0xa0: {  	v50 =	vsel vm7, v16, v10;
	v11 =	vsel vm5, v55, v19;
	v55 =	vsel vm6, v56, v6  }
0xa1: {  	v44 =	vsel vm4, v44, v9;
	v5 =	vsub.f32 v0, v20;
	v6 =	vsub.f32 v0, v29  }
0xa2: {  	v56 =	vsel vm3, v57, v4;
	v7 =	vsub.f32 v0, v26;
	v4 =	vsub.f32 v13, v22  }
0xa3: {  	v9 =	vsub.f32 v0, v32;
	v10 =	vsub.f32 v0, v35;
	v5 =	vand.u32 $0x7FFFFFFF, v5  }
0xa4: {  	v57 =	vsel vm2, v53, v3;
	v3 =	vsub.f32 v0, v38;
	v12 =	vsub.f32 v0, v41  }
0xa5: {  	v2 =	vsel vm1, v52, v2;
	v14 =	vsub.f32 v13, v34;
	v15 =	vsub.f32 v13, v37  }
0xa6: {  	v16 =	vsel vm0, v59, v18;
	v19 =	vsub.f32 v13, v25;
	v52 =	vsub.f32 v13, v40;
	v18 =	vld [tilespmem:s28+$0x0]  }
0xa7: {  	v17 =	vsel vm0, v61, v17;
	v53 =	vsub.f32 v13, v28;
	v58 =	vsub.f32 v13, v43  }
0xa8: {  	v13 =	vsub.f32 v13, v31;
	v10 =	vand.u32 $0x7FFFFFFF, v10;
	v52 =	vand.u32 $0x7FFFFFFF, v52  }
0xa9: {  	v53 =	vand.u32 $0x7FFFFFFF, v53;
	v14 =	vand.u32 $0x7FFFFFFF, v14;
	v15 =	vand.u32 $0x7FFFFFFF, v15  }
0xaa: {  	v9 =	vand.u32 $0x7FFFFFFF, v9;
	v4 =	vand.u32 $0x7FFFFFFF, v4;
	v58 =	vand.u32 $0x7FFFFFFF, v58  }
0xab: {  	v7 =	vand.u32 $0x7FFFFFFF, v7;
	v59 =	vsub.f32 v18, v21;
	v60 =	vsub.f32 v18, v24  }
0xac: {  	v6 =	vand.u32 $0x7FFFFFFF, v6;
	v61 =	vsub.f32 v18, v27;
	v62 =	vsub.f32 v18, v30  }
0xad: {  	v63 =	vsub.f32 v18, v33;
	v8 =	vsub.f32 v18, v36;
	v59 =	vand.u32 $0x7FFFFFFF, v59  }
0xae: {  	v5 =	vadd.f32 v59, v5;
	v59 =	vand.u32 $0x7FFFFFFF, v61;
	v61 =	vand.u32 $0x7FFFFFFF, v62  }
0xaf: {  	v59 =	vadd.f32 v59, v7;
	v61 =	vadd.f32 v61, v6;
	v6 =	vand.u32 $0x7FFFFFFF, v63  }
0xb0: {  	v62 =	vadd.f32 v4, v5;
	v4 =	vadd.f32 v6, v9;
	v5 =	vand.u32 $0x7FFFFFFF, v8  }
0xb1: {  	v7 =	vand.u32 $0x7FFFFFFF, v12;
	v6 =	vsub.f32 v18, v39;
	v5 =	vadd.f32 v5, v10  }
0xb2: {  	v3 =	vand.u32 $0x7FFFFFFF, v3;
	v8 =	vsub.f32 v18, v42;
	vm0 =	vlt.f32 v62, v17  }
0xb3: {  	v0 =	vsub.f32 v0, v23;
	v6 =	vand.u32 $0x7FFFFFFF, v6;
	v17 =	vsel vm0, v62, v17  }
0xb4: {  	v10 =	vand.u32 $0x7FFFFFFF, v60;
	v3 =	vadd.f32 v6, v3;
	v6 =	vand.u32 $0x7FFFFFFF, v8;
	v9 =	vld [tilespmem:s25+$0x0]  }
0xb5: {  	v0 =	vand.u32 $0x7FFFFFFF, v0;
	v4 =	vadd.f32 v14, v4;
	v6 =	vadd.f32 v6, v7  }
0xb6: {  	v0 =	vadd.f32 v10, v0;
	v18 =	vsel vm0, v1, v16;
	v7 =	vadd.f32 v15, v5  }
0xb7: {  	v8 =	vand.u32 $0x7FFFFFFF, v19;
	v3 =	vadd.f32 v52, v3;
	v5 =	vadd.f32 v58, v6  }
.Ltmp1:
0xb8: {  	v0 =	vadd.f32 v8, v0;
	v8 =	vand.u32 $0x7FFFFFFF, v13;
	v6 =	vadd.f32 v53, v59;
	(pc) =	sbr.rel @p0 .LBB2_4-.Ltmp1, $4  }
0xb9: {  	v10 =	vadd.f32 v8, v61;
	vm0 =	vlt.f32 v3, v2;
	v9 =	vmin.f32 v9, v62  }
0xba: {  	vm2 =	vlt.f32 v0, v11;
	vm1 =	vlt.f32 v5, v57;
	v8 =	vmin.f32 v9, v0  }
0xbb: {  	v19 =	vsel vm2, v0, v11;
	vm3 =	vlt.f32 v6, v55;
	v0 =	vmin.f32 v8, v6  }
0xbc: {  	s31 =	sadd.s32 $0x20, s31;
	s30 =	sadd.s32 $0x20, s30;
	s28 =	sadd.s32 $0x20, s28;
	vm5 =	vlt.f32 v4, v56;
	vm4 =	vlt.f32 v7, v44;
	v9 =	vmin.f32 v0, v10  }
0xbd: {  	v0 =	vmin.f32 v9, v4  }
0xbe: {  	v0 =	vmin.f32 v0, v7  }
0xbf: {  	v0 =	vmin.f32 v0, v3  }
0xc0: {  	v0 =	vmin.f32 v0, v5  }
0xc1: {  	[tilespmem:s29+$0x0] =	vst v0  }
0xc2: {  	v0 =	vld [tilespmem:$0x3000]  }
0xc3: {  	v8 =	vld [tilespmem:$0x3080]  }
0xc4: {  	v9 =	vld [tilespmem:$0x3100];
	_ =	sdelay $0x1  }
0xc5: {  	v11 =	vimm.s32 $0x8  }
0xc6: {  	v13 =	vimm.s32 $0xC;
	v14 =	vimm.s32 $0xD;
	vm6 =	vlt.f32 v10, v50  }
0xc7: {  	v15 =	vimm.s32 $0xF;
	v4 =	vsel vm5, v4, v56;
	v21 =	vperm.xlane v0, v11  }
0xc8: {  	v6 =	vsel vm3, v6, v55;
	v22 =	vperm.xlane v8, v11;
	v23 =	vperm.xlane v9, v11  }
0xc9: {  	v2 =	vsel vm0, v3, v2;
	v33 =	vperm.xlane v0, v13;
	v34 =	vperm.xlane v8, v13  }
0xca: {  	s25 =	simm.s32 $0x2010;
	v7 =	vsel vm4, v7, v44;
	v35 =	vperm.xlane v9, v13;
	v36 =	vperm.xlane v0, v14  }
0xcb: {  	v12 =	vld [tilespmem:s25+$0xFFFFFFF0];
	v11 =	vimm.s32 $0x9;
	v37 =	vperm.xlane v8, v14;
	v38 =	vperm.xlane v9, v14  }
0xcc: {  	s28 =	simm.s32 $0x10;
	v10 =	vsel vm6, v10, v50;
	v42 =	vperm.xlane v0, v15;
	v24 =	vperm.xlane v0, v11  }
0xcd: {  	v13 =	vld [tilespmem:s28+$0xFFFFFFF0];
	v25 =	vperm.xlane v8, v11;
	v26 =	vperm.xlane v9, v11;
	v11 =	vimm.s32 $0xA  }
0xce: {  	[tilespmem:$0x1FD80] =	vst v17;
	v14 =	vimm.s32 $0xE;
	v17 =	vperm.xlane v8, v15;
	v27 =	vperm.xlane v0, v11  }
0xcf: {  	v28 =	vperm.xlane v8, v11;
	v29 =	vperm.xlane v9, v11;
	v11 =	vimm.s32 $0xB  }
0xd0: {  	[tilespmem:$0x1FD90] =	vst v18;
	s0 =	simm.s32 $0x1010;
	v18 =	vperm.xlane v9, v15;
	v43 =	vsub.f32 v12, v23;
	v30 =	vperm.xlane v0, v11  }
0xd1: {  	[tilespmem:$0x1FD70] =	vst v19;
	v31 =	vperm.xlane v8, v11;
	v32 =	vperm.xlane v9, v11;
	v11 =	vld [tilespmem:s0+$0xFFFFFFF0];
	v19 =	vsub.f32 v12, v29  }
0xd2: {  	v39 =	vperm.xlane v0, v14;
	v15 =	vsub.f32 v13, v27;
	v58 =	vsub.f32 v13, v21  }
0xd3: {  	v40 =	vperm.xlane v8, v14;
	v59 =	vsub.f32 v13, v24;
	v62 =	vsub.f32 v13, v42  }
0xd4: {  	v41 =	vperm.xlane v9, v14;
	v61 =	vsub.f32 v13, v30;
	v63 =	vsub.f32 v13, v33  }
0xd5: {  	v9 =	vsub.f32 v12, v32;
	v15 =	vand.u32 $0x7FFFFFFF, v15;
	v62 =	vand.u32 $0x7FFFFFFF, v62  }
0xd6: {  	v61 =	vand.u32 $0x7FFFFFFF, v61;
	v58 =	vand.u32 $0x7FFFFFFF, v58;
	v0 =	vsub.f32 v11, v28  }
0xd7: {  	v59 =	vand.u32 $0x7FFFFFFF, v59;
	v52 =	vsub.f32 v11, v40;
	v14 =	vsub.f32 v11, v22  }
0xd8: {  	v9 =	vand.u32 $0x7FFFFFFF, v9;
	v16 =	vsub.f32 v11, v31;
	v53 =	vsub.f32 v11, v37  }
0xd9: {  	v60 =	vsub.f32 v11, v25;
	v8 =	vand.u32 $0x7FFFFFFF, v0;
	v0 =	vsub.f32 v11, v17  }
0xda: {  	v14 =	vand.u32 $0x7FFFFFFF, v14;
	v16 =	vand.u32 $0x7FFFFFFF, v16;
	v11 =	vsub.f32 v11, v34  }
0xdb: {  	v15 =	vadd.f32 v8, v15;
	v8 =	vsub.f32 v12, v35;
	v0 =	vand.u32 $0x7FFFFFFF, v0  }
0xdc: {  	v53 =	vand.u32 $0x7FFFFFFF, v53;
	v20 =	vadd.f32 v0, v62;
	v62 =	vsub.f32 v13, v36  }
0xdd: {  	v60 =	vand.u32 $0x7FFFFFFF, v60;
	v16 =	vadd.f32 v16, v61;
	v61 =	vsub.f32 v12, v41  }
0xde: {  	s26 =	simm.s32 $0x3190;
	v14 =	vadd.f32 v14, v58;
	v0 =	vsub.f32 v12, v38;
	v62 =	vand.u32 $0x7FFFFFFF, v62  }
0xdf: {  	v52 =	vand.u32 $0x7FFFFFFF, v52;
	v58 =	vld [tilespmem:s26+$0xFFFFFFF0];
	[tilespmem:$0x1FDA0] =	vst v8;
	v9 =	vadd.f32 v9, v16;
	v53 =	vadd.f32 v53, v62  }
0xe0: {  	v16 =	vld [tilespmem:$0x1FDA0];
	v62 =	vand.u32 $0x7FFFFFFF, v63;
	v63 =	vsub.f32 v12, v18;
	v12 =	vsub.f32 v12, v26  }
0xe1: {  	v59 =	vadd.f32 v60, v59;
	v8 =	vand.u32 $0x7FFFFFFF, v0;
	v0 =	vand.u32 $0x7FFFFFFF, v43  }
0xe2: {  	v11 =	vand.u32 $0x7FFFFFFF, v11;
	v0 =	vadd.f32 v0, v14;
	v12 =	vand.u32 $0x7FFFFFFF, v12  }
0xe3: {  	v13 =	vsub.f32 v13, v39;
	v14 =	vand.u32 $0x7FFFFFFF, v19;
	v12 =	vadd.f32 v12, v59  }
0xe4: {  	v14 =	vadd.f32 v14, v15;
	v11 =	vadd.f32 v11, v62;
	v58 =	vmin.f32 v58, v0  }
0xe5: {  	[tilespmem:$0x1FDE0] =	vst v4;
	v13 =	vand.u32 $0x7FFFFFFF, v13;
	v16 =	vand.u32 $0x7FFFFFFF, v16;
	v15 =	vmin.f32 v58, v12  }
0xe6: {  	[tilespmem:$0x1FE20] =	vst v6;
	v13 =	vadd.f32 v52, v13;
	v11 =	vadd.f32 v16, v11;
	v15 =	vmin.f32 v15, v14  }
0xe7: {  	[tilespmem:$0x1FE50] =	vst v2;
	v8 =	vadd.f32 v8, v53;
	v16 =	vand.u32 $0x7FFFFFFF, v61;
	v15 =	vmin.f32 v15, v9  }
0xe8: {  	[tilespmem:$0x1FDB0] =	vst v7;
	v13 =	vadd.f32 v16, v13;
	v16 =	vand.u32 $0x7FFFFFFF, v63;
	v15 =	vmin.f32 v15, v11  }
0xe9: {  	v4 =	vsel vm5, v1, v51;
	[tilespmem:$0x1FDC0] =	vst v10;
	v16 =	vadd.f32 v16, v20;
	v7 =	vmin.f32 v15, v8  }
0xea: {  	v10 =	vsel vm6, v1, v49;
	[tilespmem:$0x1FDF0] =	vst v4;
	v7 =	vmin.f32 v7, v13  }
0xeb: {  	[tilespmem:$0x1FDD0] =	vst v10;
	v4 =	vmin.f32 v7, v16;
	v7 =	vsel vm2, v1, v48  }
0xec: {  	[tilespmem:$0x1FE00] =	vst v7  }
0xed: {  	[tilespmem:s26+$0xFFFFFFF0] =	vst v4;
	v4 =	vsel vm3, v1, v47  }
0xee: {  	v3 =	vsel vm1, v5, v57;
	v5 =	vimm.s32 $0x0;
	[tilespmem:$0x1FE30] =	vst v4;
	v4 =	vsel vm0, v1, v45  }
0xef: {  	v20 =	vlaneseq.u32;
	v7 =	vsel vm4, v1, v54;
	v2 =	vld [tilespmem:s28+$0x0];
	s28 =	simm.s32 $0x0;
	[tilespmem:$0x1FE40] =	vst v4;
	v4 =	vimm.f32 $3.000000010e+38  }
0xf0: {  	[tilespmem:$0x1FE60] =	vst v3;
	v1 =	vsel vm1, v1, v46;
	v10 =	vld [tilespmem:s25+$0x0];
	v6 =	vor.u32 s28, v20;
	vm0 =	vlt.f32 v0, v4  }
0xf1: {  	[tilespmem:$0x1FE10] =	vst v7;
	v7 =	vld [tilespmem:s0+$0x0];
	vm2 =	vlt.f32 v11, v4;
	vm1 =	vlt.f32 v13, v4;
	vm4 =	vlt.f32 v8, v4  }
0xf2: {  	[tilespmem:$0x1FE80] =	vst v21;
	vm3 =	vlt.f32 v16, v4;
	vm6 =	vlt.f32 v12, v4;
	vm5 =	vlt.f32 v9, v4  }
0xf3: {  	[tilespmem:$0x1FEA0] =	vst v23;
	vm7 =	vlt.f32 v14, v4;
	v59 =	vsel vm5, v6, v5;
	v61 =	vsel vm6, v6, v5  }
0xf4: {  	[tilespmem:$0x1FE70] =	vst v1;
	v58 =	vsel vm1, v6, v5;
	v52 =	vsel vm6, v12, v4;
	v1 =	vsub.f32 v2, v21  }
0xf5: {  	[tilespmem:$0x1FEC0] =	vst v22;
	v12 =	vsel vm7, v14, v4;
	v3 =	vsub.f32 v2, v30;
	v15 =	vsub.f32 v10, v23  }
0xf6: {  	[tilespmem:$0x1FEE0] =	vst v36;
	v14 =	vsel vm5, v9, v4;
	v55 =	vsub.f32 v2, v27;
	v57 =	vsub.f32 v7, v22  }
0xf7: {  	[tilespmem:$0x1FEB0] =	vst v27;
	v11 =	vsel vm2, v11, v4;
	v21 =	vsub.f32 v2, v33;
	v22 =	vsub.f32 v2, v36  }
0xf8: {  	[tilespmem:$0x1FF00] =	vst v28;
	v0 =	vsel vm0, v0, v4;
	v23 =	vsub.f32 v2, v39;
	v27 =	vsub.f32 v7, v28  }
0xf9: {  	[tilespmem:$0x1FE90] =	vst v30;
	v28 =	vsub.f32 v7, v31;
	v30 =	vsub.f32 v7, v34;
	v36 =	vsel vm0, v6, v5  }
0xfa: {  	[tilespmem:$0x1FFA0] =	vst v38;
	v38 =	vsub.f32 v10, v38;
	v1 =	vand.u32 $0x7FFFFFFF, v1;
	v47 =	vand.u32 $0x7FFFFFFF, v57  }
0xfb: {  	v57 =	vsel vm3, v6, v5;
	v46 =	vand.u32 $0x7FFFFFFF, v55;
	v3 =	vand.u32 $0x7FFFFFFF, v3  }
0xfc: {  	v49 =	vand.u32 $0x7FFFFFFF, v27;
	v62 =	vand.u32 $0x7FFFFFFF, v22;
	v60 =	vand.u32 $0x7FFFFFFF, v21  }
0xfd: {  	v1 =	vadd.f32 v47, v1;
	v46 =	vadd.f32 v49, v46;
	v47 =	vand.u32 $0x7FFFFFFF, v28  }
0xfe: {  	[tilespmem:$0x1FF20] =	vst v34;
	v49 =	vand.u32 $0x7FFFFFFF, v30;
	v47 =	vadd.f32 v47, v3;
	v3 =	vsub.f32 v7, v37  }
0xff: {  	[tilespmem:$0x1FF30] =	vst v37;
	v15 =	vand.u32 $0x7FFFFFFF, v15;
	v49 =	vadd.f32 v49, v60;
	v37 =	vsub.f32 v7, v25  }
0x100: {  	[tilespmem:$0x1FF10] =	vst v31;
	v34 =	vand.u32 $0x7FFFFFFF, v23;
	v31 =	vadd.f32 v15, v1;
	v15 =	vsub.f32 v7, v40  }
0x101: {  	v7 =	vsub.f32 v7, v17;
	v1 =	vand.u32 $0x7FFFFFFF, v3;
	v3 =	vsel vm7, v6, v5  }
0x102: {  	[tilespmem:$0x1FED0] =	vst v33;
	v33 =	vadd.f32 v1, v62;
	v1 =	vsel vm2, v6, v5;
	v15 =	vand.u32 $0x7FFFFFFF, v15  }
0x103: {  	v62 =	vsel vm4, v6, v5;
	v5 =	vsub.f32 v2, v42;
	v2 =	vsub.f32 v2, v24  }
0x104: {  	v7 =	vand.u32 $0x7FFFFFFF, v7;
	v63 =	vadd.f32 v15, v34;
	v15 =	vsub.f32 v10, v35  }
0x105: {  	vm0 =	vlt.f32 v31, v0;
	v5 =	vand.u32 $0x7FFFFFFF, v5;
	v2 =	vand.u32 $0x7FFFFFFF, v2  }
0x106: {  	[tilespmem:$0x1FEF0] =	vst v39;
	v6 =	vand.u32 $0x7FFFFFFF, v15;
	v15 =	vand.u32 $0x7FFFFFFF, v37;
	v39 =	vadd.f32 v7, v5  }
0x107: {  	v54 =	vld [tilespmem:s26+$0x0];
	v7 =	vsel vm4, v8, v4;
	v8 =	vsub.f32 v10, v41;
	v5 =	vsel vm1, v13, v4  }
0x108: {  	[tilespmem:$0x1FF40] =	vst v40;
	v13 =	vsub.f32 v10, v26;
	v40 =	vadd.f32 v15, v2;
	v2 =	vand.u32 $0x7FFFFFFF, v38  }
0x109: {  	[tilespmem:$0x1FF50] =	vst v35;
	v60 =	vsel vm0, v31, v0;
	v6 =	vadd.f32 v6, v49;
	v15 =	vadd.f32 v2, v33  }
0x10a: {  	[tilespmem:$0x1FF60] =	vst v42;
	v2 =	vsel vm3, v16, v4;
	v8 =	vand.u32 $0x7FFFFFFF, v8;
	v16 =	vsub.f32 v10, v18  }
0x10b: {  	[tilespmem:$0x1FF80] =	vst v17;
	v4 =	vsub.f32 v10, v29;
	v13 =	vand.u32 $0x7FFFFFFF, v13;
	v9 =	vadd.f32 v8, v63  }
0x10c: {  	[tilespmem:$0x1FFD0] =	vst v18;
	s25 =	simm.s32 $0x10;
	v0 =	vmin.f32 v54, v31;
	v8 =	vsub.f32 v10, v32;
	v13 =	vadd.f32 v13, v40  }
0x10d: {  	[tilespmem:$0x1FF70] =	vst v25;
	v63 =	vor.u32 s25, v20;
	vm3 =	vlt.f32 v6, v11;
	v10 =	vand.u32 $0x7FFFFFFF, v16  }
0x10e: {  	[tilespmem:$0x1FF90] =	vst v24;
	v4 =	vand.u32 $0x7FFFFFFF, v4;
	vm2 =	vlt.f32 v15, v7;
	v10 =	vadd.f32 v10, v39  }
0x10f: {  	[tilespmem:$0x1FFB0] =	vst v41;
	v46 =	vadd.f32 v4, v46;
	v4 =	vand.u32 $0x7FFFFFFF, v8;
	v0 =	vmin.f32 v0, v13  }
0x110: {  	[tilespmem:$0x1FFC0] =	vst v26;
	vm5 =	vlt.f32 v13, v52;
	vm1 =	vlt.f32 v9, v5;
	v47 =	vadd.f32 v4, v47  }
0x111: {  	s30 =	simm.s32 $0x2030;
	s31 =	simm.s32 $0x30;
	[tilespmem:$0x1FFE0] =	vst v29;
	v13 =	vsel vm5, v13, v52;
	v4 =	vsel vm0, v63, v36;
	v0 =	vmin.f32 v0, v46  }
0x112: {  	s29 =	simm.s32 $0x1030;
	[tilespmem:$0x1FFF0] =	vst v32;
	s28 =	simm.s32 $0x20;
	s25 =	simm.s32 $0x3190;
	vm0 =	vlt.f32 v10, v2;
	vm4 =	vlt.f32 v46, v12;
	v16 =	vmin.f32 v0, v47  }
.LBB2_6:
0x113: {  	v30 =	vld [tilespmem:$0x1FF00]  }
0x114: {  	v42 =	vld [tilespmem:$0x1FF40]  }
0x115: {  	v24 =	vld [tilespmem:$0x1FEC0]  }
0x116: {  	v25 =	vld [tilespmem:$0x1FEA0]  }
0x117: {  	v29 =	vld [tilespmem:$0x1FEB0]  }
0x118: {  	v33 =	vld [tilespmem:$0x1FF10]  }
0x119: {  	v31 =	vld [tilespmem:$0x1FFE0]  }
0x11a: {  	v39 =	vld [tilespmem:$0x1FF30]  }
0x11b: {  	v0 =	vmin.f32 v16, v6;
	v23 =	vld [tilespmem:$0x1FE80]  }
0x11c: {  	v26 =	vld [tilespmem:$0x1FF90];
	v0 =	vmin.f32 v0, v15  }
0x11d: {  	v27 =	vld [tilespmem:$0x1FF70];
	v0 =	vmin.f32 v0, v9  }
0x11e: {  	v32 =	vld [tilespmem:$0x1FE90];
	v0 =	vmin.f32 v0, v10  }
0x11f: {  	v35 =	vld [tilespmem:$0x1FED0];
	[tilespmem:s25+$0x0] =	vst v0  }
0x120: {  	v0 =	vld [tilespmem:s29+$0xFFFFFFF0]  }
0x121: {  	v5 =	vsel vm1, v9, v5;
	v9 =	vld [tilespmem:s30+$0xFFFFFFF0]  }
0x122: {  	v2 =	vsel vm0, v10, v2;
	v10 =	vld [tilespmem:s31+$0xFFFFFFF0]  }
0x123: {  	v18 =	vld [tilespmem:$0x1FF60]  }
0x124: {  	vm6 =	vlt.f32 v47, v14;
	v6 =	vsel vm3, v6, v11;
	v17 =	vld [tilespmem:$0x1FF80]  }
0x125: {  	v11 =	vsel vm4, v46, v12;
	v34 =	vld [tilespmem:$0x1FFF0];
	v44 =	vsub.f32 v0, v30;
	v46 =	vsub.f32 v0, v42  }
0x126: {  	v7 =	vsel vm2, v15, v7;
	v40 =	vld [tilespmem:$0x1FFA0];
	v41 =	vsub.f32 v0, v24;
	v49 =	vsub.f32 v9, v25  }
0x127: {  	v1 =	vsel vm3, v63, v1;
	v38 =	vld [tilespmem:$0x1FEE0];
	v51 =	vsub.f32 v10, v29;
	v53 =	vsub.f32 v0, v33  }
0x128: {  	v12 =	vsel vm1, v63, v58;
	v36 =	vld [tilespmem:$0x1FF20];
	v55 =	vsub.f32 v9, v31;
	v56 =	vsub.f32 v0, v39  }
0x129: {  	v8 =	vsel vm0, v63, v57;
	v19 =	vld [tilespmem:$0x1FFD0];
	v57 =	vsub.f32 v10, v23;
	v58 =	vsub.f32 v10, v26  }
0x12a: {  	v16 =	vsel vm5, v63, v61;
	v43 =	vsub.f32 v0, v27;
	v21 =	vsub.f32 v10, v32  }
0x12b: {  	v3 =	vsel vm4, v63, v3;
	v22 =	vsub.f32 v10, v35;
	v45 =	vsub.f32 v10, v18  }
0x12c: {  	v14 =	vsel vm6, v47, v14;
	v48 =	vsub.f32 v0, v17;
	v50 =	vsub.f32 v9, v34  }
0x12d: {  	v59 =	vsel vm6, v63, v59;
	v52 =	vsub.f32 v9, v40;
	v28 =	vsub.f32 v10, v38  }
0x12e: {  	v15 =	vsel vm2, v63, v62;
	v0 =	vsub.f32 v0, v36;
	v20 =	vsub.f32 v9, v19  }
0x12f: {  	v37 =	vld [tilespmem:$0x1FF50];
	v44 =	vand.u32 $0x7FFFFFFF, v44;
	v53 =	vand.u32 $0x7FFFFFFF, v53;
	v61 =	vand.u32 $0x7FFFFFFF, v43  }
0x130: {  	v62 =	vand.u32 $0x7FFFFFFF, v21;
	v45 =	vand.u32 $0x7FFFFFFF, v45;
	v48 =	vand.u32 $0x7FFFFFFF, v48;
	v43 =	vld [tilespmem:$0x1FFB0]  }
0x131: {  	v45 =	vadd.f32 v48, v45;
	v48 =	vadd.f32 v53, v62;
	v53 =	vand.u32 $0x7FFFFFFF, v28;
	v28 =	vld [tilespmem:$0x1FFC0]  }
0x132: {  	v47 =	vand.u32 $0x7FFFFFFF, v41;
	v56 =	vand.u32 $0x7FFFFFFF, v56;
	v51 =	vand.u32 $0x7FFFFFFF, v51  }
0x133: {  	v46 =	vand.u32 $0x7FFFFFFF, v46;
	v63 =	vand.u32 $0x7FFFFFFF, v22;
	v57 =	vand.u32 $0x7FFFFFFF, v57  }
0x134: {  	s26 =	sadd.s32 $0x20, s26;
	v41 =	vld [tilespmem:$0x1FEF0];
	v58 =	vand.u32 $0x7FFFFFFF, v58;
	v52 =	vand.u32 $0x7FFFFFFF, v52;
	v44 =	vadd.f32 v44, v51  }
0x135: {  	v21 =	vld [tilespmem:s26+$0xFFFFFFF0];
	v49 =	vand.u32 $0x7FFFFFFF, v49;
	v51 =	vsub.f32 v9, v37;
	v47 =	vadd.f32 v47, v57  }
0x136: {  	v0 =	vand.u32 $0x7FFFFFFF, v0;
	v62 =	vsub.f32 v9, v43;
	v9 =	vsub.f32 v9, v28  }
0x137: {  	v50 =	vand.u32 $0x7FFFFFFF, v50;
	v61 =	vadd.f32 v61, v58;
	v0 =	vadd.f32 v0, v63  }
0x138: {  	v53 =	vadd.f32 v56, v53;
	v47 =	vadd.f32 v49, v47;
	v9 =	vand.u32 $0x7FFFFFFF, v9  }
0x139: {  	v10 =	vsub.f32 v10, v41;
	v9 =	vadd.f32 v9, v61;
	v61 =	vand.u32 $0x7FFFFFFF, v55  }
0x13a: {  	v48 =	vadd.f32 v50, v48;
	v21 =	vmin.f32 v21, v47;
	v44 =	vadd.f32 v61, v44  }
0x13b: {  	v63 =	vand.u32 $0x7FFFFFFF, v51;
	v10 =	vand.u32 $0x7FFFFFFF, v10;
	v21 =	vmin.f32 v21, v9  }
0x13c: {  	v0 =	vadd.f32 v63, v0;
	v10 =	vadd.f32 v46, v10;
	v21 =	vmin.f32 v21, v44  }
0x13d: {  	v63 =	vand.u32 $0x7FFFFFFF, v62;
	v55 =	vadd.f32 v52, v53;
	v21 =	vmin.f32 v21, v48  }
0x13e: {  	v20 =	vand.u32 $0x7FFFFFFF, v20;
	v10 =	vadd.f32 v63, v10;
	v21 =	vmin.f32 v21, v0  }
0x13f: {  	v20 =	vadd.f32 v20, v45;
	v21 =	vmin.f32 v21, v55  }
0x140: {  	v21 =	vmin.f32 v21, v10  }
0x141: {  	s0 =	smov.u32 s28;
	v22 =	vlaneseq.u32;
	v21 =	vmin.f32 v21, v20  }
0x142: {  	v54 =	vor.u32 s0, v22;
	vm0 =	vlt.f32 v47, v60;
	[tilespmem:s26+$0xFFFFFFF0] =	vst v21  }
0x143: {  	vm2 =	vlt.f32 v20, v2;
	vm7 =	vlt.f32 v48, v14;
	vm3 =	vlt.f32 v0, v6;
	v21 =	vld [tilespmem:s31+$0x0]  }
0x144: {  	v59 =	vsel vm7, v54, v59;
	v57 =	vsel vm2, v54, v8;
	v14 =	vsel vm7, v48, v14;
	v45 =	vld [tilespmem:s30+$0x0]  }
0x145: {  	v2 =	vsel vm2, v20, v2;
	v4 =	vsel vm0, v54, v4;
	v47 =	vsel vm0, v47, v60  }
0x146: {  	v1 =	vsel vm3, v54, v1;
	vm4 =	vlt.f32 v55, v7;
	vm5 =	vlt.f32 v9, v13  }
0x147: {  	vm1 =	vlt.f32 v10, v5;
	vm6 =	vlt.f32 v44, v11;
	v8 =	vsel vm5, v9, v13  }
0x148: {  	v58 =	vsel vm1, v54, v12;
	v12 =	vsel vm6, v44, v11;
	v9 =	vsub.f32 v21, v23  }
0x149: {  	v11 =	vsel vm3, v0, v6;
	v13 =	vsub.f32 v21, v32;
	v0 =	vsub.f32 v45, v25  }
0x14a: {  	v62 =	vsel vm4, v54, v15;
	v6 =	vsub.f32 v21, v29;
	v15 =	vsub.f32 v21, v35  }
0x14b: {  	v61 =	vsel vm5, v54, v16;
	v16 =	vsub.f32 v21, v38;
	v20 =	vsub.f32 v21, v41  }
0x14c: {  	s0 =	sadd.s32 $0x10, s0;
	v5 =	vsel vm1, v10, v5;
	v44 =	vsub.f32 v21, v18;
	v10 =	vsub.f32 v45, v37  }
0x14d: {  	v63 =	vor.u32 s0, v22;
	v40 =	vsub.f32 v45, v40;
	v49 =	vsub.f32 v45, v28  }
0x14e: {  	v7 =	vsel vm4, v55, v7;
	v25 =	vsub.f32 v45, v43;
	v28 =	vsub.f32 v45, v31  }
0x14f: {  	v3 =	vsel vm6, v54, v3;
	v41 =	vld [tilespmem:s29+$0x0];
	v29 =	vsub.f32 v45, v19;
	v45 =	vsub.f32 v45, v34  }
0x150: {  	v21 =	vsub.f32 v21, v26;
	v9 =	vand.u32 $0x7FFFFFFF, v9;
	v16 =	vand.u32 $0x7FFFFFFF, v16  }
0x151: {  	v50 =	vand.u32 $0x7FFFFFFF, v25;
	v51 =	vand.u32 $0x7FFFFFFF, v28;
	v10 =	vand.u32 $0x7FFFFFFF, v10  }
0x152: {  	v46 =	vand.u32 $0x7FFFFFFF, v40;
	v0 =	vand.u32 $0x7FFFFFFF, v0;
	v15 =	vand.u32 $0x7FFFFFFF, v15  }
0x153: {  	v52 =	vand.u32 $0x7FFFFFFF, v29;
	v6 =	vand.u32 $0x7FFFFFFF, v6;
	v13 =	vand.u32 $0x7FFFFFFF, v13  }
0x154: {  	v20 =	vand.u32 $0x7FFFFFFF, v20;
	v31 =	vsub.f32 v41, v24;
	v32 =	vsub.f32 v41, v27  }
0x155: {  	v21 =	vand.u32 $0x7FFFFFFF, v21;
	v34 =	vsub.f32 v41, v30;
	v35 =	vsub.f32 v41, v33  }
0x156: {  	v55 =	vand.u32 $0x7FFFFFFF, v49;
	v37 =	vsub.f32 v41, v36;
	v38 =	vsub.f32 v41, v39  }
0x157: {  	v53 =	vand.u32 $0x7FFFFFFF, v31;
	v39 =	vand.u32 $0x7FFFFFFF, v34;
	v40 =	vand.u32 $0x7FFFFFFF, v35  }
0x158: {  	v9 =	vadd.f32 v53, v9;
	v53 =	vadd.f32 v39, v6;
	v6 =	vand.u32 $0x7FFFFFFF, v37  }
0x159: {  	v56 =	vand.u32 $0x7FFFFFFF, v45;
	v13 =	vadd.f32 v40, v13;
	v6 =	vadd.f32 v6, v15  }
0x15a: {  	v15 =	vsub.f32 v41, v42;
	v0 =	vadd.f32 v0, v9;
	v9 =	vand.u32 $0x7FFFFFFF, v38  }
0x15b: {  	v48 =	vld [tilespmem:s26+$0x0];
	v54 =	vand.u32 $0x7FFFFFFF, v32;
	v41 =	vsub.f32 v41, v17;
	v9 =	vadd.f32 v9, v16  }
0x15c: {  	v16 =	vand.u32 $0x7FFFFFFF, v44;
	v15 =	vand.u32 $0x7FFFFFFF, v15;
	v6 =	vadd.f32 v10, v6  }
0x15d: {  	vm0 =	vlt.f32 v0, v47;
	v20 =	vadd.f32 v15, v20;
	v15 =	vand.u32 $0x7FFFFFFF, v41  }
0x15e: {  	v60 =	vsel vm0, v0, v47;
	v10 =	vadd.f32 v15, v16;
	v16 =	vadd.f32 v54, v21  }
0x15f: {  	p0 =	sne.s32 s28, $0xFE0;
	v4 =	vsel vm0, v63, v4;
	v15 =	vadd.f32 v46, v9;
	v46 =	vadd.f32 v51, v53  }
.Ltmp2:
0x160: {  	v0 =	vmin.f32 v48, v0;
	v47 =	vadd.f32 v56, v13;
	v16 =	vadd.f32 v55, v16;
	(pc) =	sbr.rel @p0 .LBB2_6-.Ltmp2, $4  }
0x161: {  	vm3 =	vlt.f32 v6, v11;
	v9 =	vadd.f32 v50, v20;
	v10 =	vadd.f32 v52, v10  }
0x162: {  	vm4 =	vlt.f32 v46, v12;
	vm2 =	vlt.f32 v15, v7;
	v0 =	vmin.f32 v0, v16  }
0x163: {  	s28 =	sadd.s32 $0x20, s28;
	s25 =	smov.u32 s26;
	vm1 =	vlt.f32 v9, v5;
	vm5 =	vlt.f32 v16, v8;
	v0 =	vmin.f32 v0, v46  }
0x164: {  	s30 =	sadd.s32 $0x20, s30;
	s31 =	sadd.s32 $0x20, s31;
	s29 =	sadd.s32 $0x20, s29;
	vm0 =	vlt.f32 v10, v2;
	v13 =	vsel vm5, v16, v8;
	v16 =	vmin.f32 v0, v47  }
0x165: {  	v8 =	vld [tilespmem:$0x1FD80];
	_ =	sdelay $0x4  }
0x166: {  	(xrf0) =	vmin.scan.msk.f32 $0xffff, v8;
	_ =	sdelay $0x5  }
0x167: {  	v0, _, _ =	vpop (xrf0)  }
0x168: {  	v20 =	vbroadcast v0, $0xF;
	v0 =	vld [tilespmem:$0x1FD90];
	_ =	sdelay $0x2  }
0x169: {  	v18 =	vld [tilespmem:$0x1FD70];
	_ =	sdelay $0x1  }
0x16a: {  	vm6 =	veq.f32 v8, v20;
	v0 =	vxor.u32 $0x80000000, v0  }
0x16b: {  	v0 =	vnsel vm6, $0x80001000, v0  }
0x16c: {  	(xrf0) =	vmin.scan.msk.u32 $0xffff, v0  }
0x16d: {  	(xrf0) =	vmin.scan.msk.f32 $0xffff, v18;
	_ =	sdelay $0x4  }
0x16e: {  	v0, _, _ =	vpop (xrf0)  }
0x16f: {  	v8, _, _ =	vpop (xrf0)  }
0x170: {  	v17 =	vbroadcast v8, $0xF;
	v8 =	vld [tilespmem:$0x1FE00];
	_ =	sdelay $0x2  }
0x171: {  	v19 =	vld [tilespmem:$0x1FE20];
	_ =	sdelay $0x1  }
0x172: {  	vm6 =	veq.f32 v18, v17;
	v8 =	vxor.u32 $0x80000000, v8  }
0x173: {  	v8 =	vnsel vm6, $0x80001000, v8  }
0x174: {  	(xrf0) =	vmin.scan.msk.u32 $0xffff, v8  }
0x175: {  	(xrf0) =	vmin.scan.msk.f32 $0xffff, v19;
	_ =	sdelay $0x4  }
0x176: {  	v8, _, _ =	vpop (xrf0)  }
0x177: {  	v18, _, _ =	vpop (xrf0)  }
0x178: {  	v18 =	vbroadcast v18, $0xF;
	_ =	sdelay $0x1  }
0x179: {  	vm6 =	veq.f32 v19, v18;
	v19 =	vld [tilespmem:$0x1FE30];
	_ =	sdelay $0x2  }
0x17a: {  	v21 =	vld [tilespmem:$0x1FDC0];
	_ =	sdelay $0x1  }
0x17b: {  	v19 =	vxor.u32 $0x80000000, v19  }
0x17c: {  	v19 =	vnsel vm6, $0x80001000, v19  }
0x17d: {  	(xrf0) =	vmin.scan.msk.u32 $0xffff, v19  }
0x17e: {  	(xrf0) =	vmin.scan.msk.f32 $0xffff, v21;
	_ =	sdelay $0x4  }
0x17f: {  	v26, _, _ =	vpop (xrf0)  }
0x180: {  	v19, _, _ =	vpop (xrf0)  }
0x181: {  	v19 =	vbroadcast v19, $0xF;
	_ =	sdelay $0x1  }
0x182: {  	vm6 =	veq.f32 v21, v19;
	v21 =	vld [tilespmem:$0x1FDD0];
	_ =	sdelay $0x2  }
0x183: {  	v22 =	vld [tilespmem:$0x1FDE0];
	_ =	sdelay $0x1  }
0x184: {  	v21 =	vxor.u32 $0x80000000, v21  }
0x185: {  	v21 =	vnsel vm6, $0x80001000, v21  }
0x186: {  	(xrf0) =	vmin.scan.msk.u32 $0xffff, v21  }
0x187: {  	(xrf0) =	vmin.scan.msk.f32 $0xffff, v22;
	_ =	sdelay $0x4  }
0x188: {  	v27, _, _ =	vpop (xrf0)  }
0x189: {  	v21, _, _ =	vpop (xrf0)  }
0x18a: {  	v21 =	vbroadcast v21, $0xF;
	_ =	sdelay $0x1  }
0x18b: {  	vm6 =	veq.f32 v22, v21;
	v22 =	vld [tilespmem:$0x1FDF0];
	_ =	sdelay $0x2  }
0x18c: {  	v23 =	vld [tilespmem:$0x1FDB0];
	_ =	sdelay $0x1  }
0x18d: {  	v22 =	vxor.u32 $0x80000000, v22  }
0x18e: {  	v22 =	vnsel vm6, $0x80001000, v22  }
0x18f: {  	(xrf0) =	vmin.scan.msk.u32 $0xffff, v22  }
0x190: {  	(xrf0) =	vmin.scan.msk.f32 $0xffff, v23;
	_ =	sdelay $0x4  }
0x191: {  	v28, _, _ =	vpop (xrf0)  }
0x192: {  	v22, _, _ =	vpop (xrf0)  }
0x193: {  	v22 =	vbroadcast v22, $0xF;
	_ =	sdelay $0x1  }
0x194: {  	vm6 =	veq.f32 v23, v22;
	v23 =	vld [tilespmem:$0x1FE10];
	_ =	sdelay $0x2  }
0x195: {  	v24 =	vld [tilespmem:$0x1FE50];
	_ =	sdelay $0x1  }
0x196: {  	v23 =	vxor.u32 $0x80000000, v23  }
0x197: {  	v23 =	vnsel vm6, $0x80001000, v23  }
0x198: {  	(xrf0) =	vmin.scan.msk.u32 $0xffff, v23  }
0x199: {  	(xrf0) =	vmin.scan.msk.f32 $0xffff, v24;
	_ =	sdelay $0x4  }
0x19a: {  	v29, _, _ =	vpop (xrf0)  }
0x19b: {  	v23, _, _ =	vpop (xrf0)  }
0x19c: {  	v23 =	vbroadcast v23, $0xF;
	_ =	sdelay $0x1  }
0x19d: {  	vm6 =	veq.f32 v24, v23;
	v24 =	vld [tilespmem:$0x1FE40];
	_ =	sdelay $0x2  }
0x19e: {  	v25 =	vld [tilespmem:$0x1FE60];
	_ =	sdelay $0x1  }
0x19f: {  	v24 =	vxor.u32 $0x80000000, v24  }
0x1a0: {  	v24 =	vnsel vm6, $0x80001000, v24  }
0x1a1: {  	(xrf0) =	vmin.scan.msk.u32 $0xffff, v24  }
0x1a2: {  	(xrf0) =	vmin.scan.msk.f32 $0xffff, v25;
	_ =	sdelay $0x4  }
0x1a3: {  	v30, _, _ =	vpop (xrf0)  }
0x1a4: {  	v24, _, _ =	vpop (xrf0)  }
0x1a5: {  	v24 =	vbroadcast v24, $0xF;
	_ =	sdelay $0x1  }
0x1a6: {  	vm6 =	veq.f32 v25, v24;
	v25 =	vld [tilespmem:$0x1FE70];
	_ =	sdelay $0x4  }
0x1a7: {  	v25 =	vxor.u32 $0x80000000, v25  }
0x1a8: {  	v25 =	vnsel vm6, $0x80001000, v25  }
0x1a9: {  	(xrf0) =	vmin.scan.msk.u32 $0xffff, v25  }
0x1aa: {  	(xrf0) =	vmin.scan.msk.f32 $0xffff, v60;
	_ =	sdelay $0x4  }
0x1ab: {  	v31, _, _ =	vpop (xrf0)  }
0x1ac: {  	v25, _, _ =	vpop (xrf0)  }
0x1ad: {  	v25 =	vbroadcast v25, $0xF;
	_ =	sdelay $0x1  }
0x1ae: {  	v4 =	vxor.u32 $0x80000000, v4;
	vm6 =	veq.f32 v60, v25  }
0x1af: {  	v4 =	vnsel vm6, $0x80001000, v4  }
0x1b0: {  	(xrf0) =	vmin.scan.msk.u32 $0xffff, v4  }
0x1b1: {  	(xrf0) =	vmin.scan.msk.f32 $0xffff, v13;
	_ =	sdelay $0x4  }
0x1b2: {  	v32, _, _ =	vpop (xrf0)  }
0x1b3: {  	v4, _, _ =	vpop (xrf0)  }
0x1b4: {  	v4 =	vbroadcast v4, $0xF  }
0x1b5: {  	v33 =	vsel vm5, v63, v61  }
0x1b6: {  	v48 =	vxor.u32 $0x80000000, v33;
	vm5 =	veq.f32 v13, v4  }
0x1b7: {  	v13 =	vnsel vm5, $0x80001000, v48  }
0x1b8: {  	v12 =	vsel vm4, v46, v12;
	(xrf0) =	vmin.scan.msk.u32 $0xffff, v13  }
0x1b9: {  	(xrf0) =	vmin.scan.msk.f32 $0xffff, v12;
	_ =	sdelay $0x4  }
0x1ba: {  	v13, _, _ =	vpop (xrf0)  }
0x1bb: {  	v49, _, _ =	vpop (xrf0)  }
0x1bc: {  	v33 =	vbroadcast v49, $0xF  }
0x1bd: {  	v3 =	vsel vm4, v63, v3  }
0x1be: {  	v3 =	vxor.u32 $0x80000000, v3;
	vm4 =	veq.f32 v12, v33  }
0x1bf: {  	vm5 =	vlt.f32 v47, v14;
	v3 =	vnsel vm4, $0x80001000, v3  }
0x1c0: {  	v50 =	vsel vm5, v47, v14;
	(xrf0) =	vmin.scan.msk.u32 $0xffff, v3  }
0x1c1: {  	(xrf0) =	vmin.scan.msk.f32 $0xffff, v50;
	_ =	sdelay $0x4  }
0x1c2: {  	v3, _, _ =	vpop (xrf0)  }
0x1c3: {  	v51, _, _ =	vpop (xrf0)  }
0x1c4: {  	v14 =	vbroadcast v51, $0xF  }
0x1c5: {  	v34 =	vsel vm5, v63, v59  }
0x1c6: {  	v52 =	vxor.u32 $0x80000000, v34;
	vm4 =	veq.f32 v50, v14  }
0x1c7: {  	v12 =	vnsel vm4, $0x80001000, v52  }
0x1c8: {  	v11 =	vsel vm3, v6, v11;
	(xrf0) =	vmin.scan.msk.u32 $0xffff, v12  }
0x1c9: {  	(xrf0) =	vmin.scan.msk.f32 $0xffff, v11;
	_ =	sdelay $0x4  }
0x1ca: {  	v12, _, _ =	vpop (xrf0)  }
0x1cb: {  	v53, _, _ =	vpop (xrf0)  }
0x1cc: {  	v34 =	vbroadcast v53, $0xF  }
0x1cd: {  	v1 =	vsel vm3, v63, v1  }
0x1ce: {  	v1 =	vxor.u32 $0x80000000, v1;
	vm3 =	veq.f32 v11, v34  }
0x1cf: {  	v1 =	vnsel vm3, $0x80001000, v1  }
0x1d0: {  	v7 =	vsel vm2, v15, v7;
	(xrf0) =	vmin.scan.msk.u32 $0xffff, v1  }
0x1d1: {  	(xrf0) =	vmin.scan.msk.f32 $0xffff, v7;
	_ =	sdelay $0x4  }
0x1d2: {  	v1, _, _ =	vpop (xrf0)  }
0x1d3: {  	v11, _, _ =	vpop (xrf0)  }
0x1d4: {  	v11 =	vbroadcast v11, $0xF  }
0x1d5: {  	v35 =	vsel vm2, v63, v62  }
0x1d6: {  	vm2 =	veq.f32 v7, v11;
	v7 =	vxor.u32 $0x80000000, v35  }
0x1d7: {  	v7 =	vnsel vm2, $0x80001000, v7  }
0x1d8: {  	v5 =	vsel vm1, v9, v5;
	(xrf0) =	vmin.scan.msk.u32 $0xffff, v7  }
0x1d9: {  	(xrf0) =	vmin.scan.msk.f32 $0xffff, v5;
	_ =	sdelay $0x4  }
0x1da: {  	v7, _, _ =	vpop (xrf0)  }
0x1db: {  	v54, _, _ =	vpop (xrf0)  }
0x1dc: {  	v35 =	vbroadcast v54, $0xF  }
0x1dd: {  	v36 =	vsel vm1, v63, v58  }
0x1de: {  	vm1 =	veq.f32 v5, v35;
	v5 =	vxor.u32 $0x80000000, v36  }
0x1df: {  	v5 =	vnsel vm1, $0x80001000, v5  }
0x1e0: {  	v2 =	vsel vm0, v10, v2;
	(xrf0) =	vmin.scan.msk.u32 $0xffff, v5  }
0x1e1: {  	(xrf0) =	vmin.scan.msk.f32 $0xffff, v2;
	_ =	sdelay $0x2  }
0x1e2: {  	(v2sf) =	vpush v0, $0xF  }
0x1e3: {  	(v2sf) =	vpush v8, $0xF  }
0x1e4: {  	(v2sf) =	vpush v26, $0xF;
	v0, _, _ =	vpop (xrf0)  }
0x1e5: {  	(v2sf) =	vpush v27, $0xF;
	v5, _, _ =	vpop (xrf0)  }
0x1e6: {  	(v2sf) =	vpush v28, $0xF;
	v8 =	vbroadcast v5, $0xF  }
0x1e7: {  	v26 =	vsel vm0, v63, v57;
	(v2sf) =	vpush v29, $0xF  }
0x1e8: {  	(v2sf) =	vpush v30, $0xF;
	vm0 =	veq.f32 v2, v8;
	v2 =	vxor.u32 $0x80000000, v26  }
0x1e9: {  	(v2sf) =	vpush v31, $0xF;
	v2 =	vnsel vm0, $0x80001000, v2  }
0x1ea: {  	(v2sf) =	vpush v32, $0xF;
	(xrf0) =	vmin.scan.msk.u32 $0xffff, v2  }
0x1eb: {  	(v2sf) =	vpush v13, $0xF  }
0x1ec: {  	(v2sf) =	vpush v3, $0xF  }
0x1ed: {  	(v2sf) =	vpush v12, $0xF  }
0x1ee: {  	(v2sf) =	vpush v1, $0xF  }
0x1ef: {  	(v2sf) =	vpush v7, $0xF  }
0x1f0: {  	(v2sf) =	vpush v0, $0xF;
	v0, _, _ =	vpop (xrf0)  }
0x1f1: {  	s30 =	spop (v2sf);
	vm0 =	vmmov $0x1;
	v2 =	vimm.s32 $0x0;
	(v2sf) =	vpush v0, $0xF  }
0x1f2: {  	s31 =	spop (v2sf);
	v2 =	vsel vm0, $0xFFFFFFFF, v2  }
0x1f3: {  	s1 =	spop (v2sf);
	v3 =	vimm.s32 $0x0;
	[tilespmem:$0x1FD00] =	vst v2;
	v2 =	vsel vm0, v20, v17;
	vm0 =	vmmov $0x3  }
0x1f4: {  	s15 =	spop (v2sf);
	v1 =	vmin.f32 v16, v6;
	v3 =	vsel vm0, $0xFFFFFFFF, v3  }
0x1f5: {  	s16 =	spop (v2sf);
	v2 =	vsel vm0, v2, v18;
	vm0 =	vmmov $0x7;
	[tilespmem:$0x1FD10] =	vst v3;
	v3 =	vimm.s32 $0x0  }
0x1f6: {  	s17 =	spop (v2sf);
	v1 =	vmin.f32 v1, v15;
	v3 =	vsel vm0, $0xFFFFFFFF, v3  }
0x1f7: {  	s18 =	spop (v2sf);
	v2 =	vsel vm0, v2, v19;
	vm0 =	vmmov $0xf;
	[tilespmem:$0x1FD20] =	vst v3;
	v3 =	vimm.s32 $0x0  }
0x1f8: {  	s19 =	spop (v2sf);
	v1 =	vmin.f32 v1, v9;
	v3 =	vsel vm0, $0xFFFFFFFF, v3  }
0x1f9: {  	s20 =	spop (v2sf);
	v2 =	vsel vm0, v2, v21;
	vm0 =	vmmov $0x1f;
	[tilespmem:$0x1FD30] =	vst v3;
	v3 =	vimm.s32 $0x0  }
0x1fa: {  	s21 =	spop (v2sf);
	v1 =	vmin.f32 v1, v10;
	v3 =	vsel vm0, $0xFFFFFFFF, v3  }
0x1fb: {  	s22 =	spop (v2sf);
	v2 =	vsel vm0, v2, v22;
	vm0 =	vmmov $0x3f;
	[tilespmem:$0x1FD40] =	vst v3;
	v3 =	vimm.s32 $0x0  }
0x1fc: {  	s29 =	spop (v2sf);
	v2 =	vsel vm0, v2, v23;
	v3 =	vsel vm0, $0xFFFFFFFF, v3;
	vm0 =	vmmov $0x7f  }
0x1fd: {  	vm6 =	vmmov $0xff;
	[tilespmem:s25+$0x0] =	vst v1;
	s28 =	spop (v2sf);
	v2 =	vsel vm0, v2, v24  }
0x1fe: {  	vm7 =	vmmov $0x1ff;
	s26 =	spop (v2sf);
	[tilespmem:$0x1FD50] =	vst v3;
	v3 =	vimm.s32 $0x0;
	v2 =	vsel vm6, v2, v25  }
0x1ff: {  	s0 =	spop (v2sf);
	v3 =	vsel vm0, $0xFFFFFFFF, v3;
	v1 =	vsel vm7, v2, v4;
	v2 =	vld [tilespmem:$0x3010]  }
0x200: {  	[tilespmem:$0x1FD60] =	vst v3;
	v3 =	vld [tilespmem:$0x3090];
	s23 =	spop (v2sf)  }
0x201: {  	v4 =	vld [tilespmem:$0x3110];
	s23 =	sxor.u32 $0x80000000, s23  }
0x202: {  	v0 =	vmov s23;
	s23 =	sxor.u32 $0x80000000, s30  }
0x203: {  	v6 =	vimm.s32 $0x1;
	v7 =	vimm.s32 $0x5;
	s30 =	sxor.u32 $0x80000000, s31;
	v0 =	vsel vm14, s23, v0  }
0x204: {  	s1 =	sxor.u32 $0x80000000, s1;
	v8 =	vimm.s32 $0x7;
	vm0 =	vcmask $0xB08;
	v0 =	vsel vm15, s30, v0  }
0x205: {  	s15 =	sxor.u32 $0x80000000, s15;
	v23 =	vperm.xlane v2, v6;
	v24 =	vperm.xlane v3, v6;
	v0 =	vsel vm0, s1, v0  }
0x206: {  	s16 =	sxor.u32 $0x80000000, s16;
	v25 =	vperm.xlane v4, v6;
	v6 =	vimm.s32 $0x4;
	v0 =	vsel vm8, s15, v0  }
0x207: {  	s17 =	sxor.u32 $0x80000000, s17;
	v36 =	vperm.xlane v3, v7;
	v37 =	vperm.xlane v4, v7;
	v0 =	vsel vm9, s16, v0  }
0x208: {  	s18 =	sxor.u32 $0x80000000, s18;
	vm0 =	vcmask $0x2724;
	vm8 =	vmmov $0x3ff;
	v0 =	vsel vm10, s17, v0  }
0x209: {  	s23 =	sxor.u32 $0x80000000, s19;
	v1 =	vsel vm8, v1, v33;
	vm9 =	vmmov $0x7ff;
	v0 =	vsel vm11, s18, v0  }
0x20a: {  	s25 =	sxor.u32 $0x80000000, s20;
	v1 =	vsel vm9, v1, v14;
	vm10 =	vmmov $0xfff;
	v0 =	vsel vm12, s23, v0  }
0x20b: {  	s16 =	sxor.u32 $0x80000000, s21;
	v1 =	vsel vm10, v1, v34;
	vm11 =	vmmov $0x1fff;
	v0 =	vsel vm13, s25, v0  }
0x20c: {  	s17 =	sxor.u32 $0x80000000, s22;
	v1 =	vsel vm11, v1, v11;
	v0 =	vsel vm0, s16, v0;
	vm0 =	vcmask $0x2B28  }
0x20d: {  	s18 =	sxor.u32 $0x80000000, s29;
	vm12 =	vmmov $0x3fff;
	v0 =	vsel vm0, s17, v0;
	vm0 =	vcmask $0x2F2C  }
0x20e: {  	s19 =	sxor.u32 $0x80000000, s28;
	v1 =	vsel vm12, v1, v35;
	v0 =	vsel vm0, s18, v0;
	vm0 =	vcmask $0x3330  }
0x20f: {  	s20 =	sxor.u32 $0x80000000, s26;
	vm13 =	vmmov $0x7fff;
	v0 =	vsel vm0, s19, v0;
	vm0 =	vcmask $0x3734  }
0x210: {  	s0 =	sxor.u32 $0x80000000, s0;
	v5 =	vsel vm13, v1, v5;
	v0 =	vsel vm0, s20, v0;
	vm0 =	vcmask $0x3B38  }
0x211: {  	v41 =	vperm.xlane v2, v8;
	v32 =	vperm.xlane v2, v6;
	[tilespmem:$0x4180] =	vst v5;
	v0 =	vsel vm0, s0, v0  }
0x212: {  	v33 =	vperm.xlane v3, v6;
	v5 =	vimm.s32 $0x2;
	[tilespmem:$0x4200] =	vst v0;
	v0 =	vimm.s32 $0x3  }
0x213: {  	s21 =	simm.s32 $0x1010;
	v26 =	vperm.xlane v2, v5;
	v29 =	vperm.xlane v2, v0  }
0x214: {  	s22 =	simm.s32 $0x2010;
	v30 =	vperm.xlane v3, v0;
	v31 =	vperm.xlane v4, v0;
	v0 =	vld [tilespmem:s21+$0xFFFFFFF0]  }
0x215: {  	s28 =	simm.s32 $0x10;
	v27 =	vperm.xlane v3, v5;
	v28 =	vperm.xlane v4, v5;
	v5 =	vld [tilespmem:s22+$0xFFFFFFF0]  }
0x216: {  	v34 =	vperm.xlane v4, v6;
	v35 =	vperm.xlane v2, v7;
	v7 =	vimm.s32 $0x6;
	v6 =	vld [tilespmem:s28+$0xFFFFFFF0]  }
0x217: {  	v42 =	vperm.xlane v3, v8;
	v1 =	vimm.s32 $0x0;
	v38 =	vperm.xlane v2, v7  }
0x218: {  	v39 =	vperm.xlane v3, v7;
	v21 =	vperm.xlane v3, v1  }
0x219: {  	v20 =	vperm.xlane v2, v1;
	v22 =	vperm.xlane v4, v1;
	v2 =	vsub.f32 v0, v27  }
0x21a: {  	v40 =	vperm.xlane v4, v7;
	v3 =	vsub.f32 v0, v39;
	v7 =	vsub.f32 v0, v21  }
0x21b: {  	v43 =	vperm.xlane v4, v8;
	v4 =	vsub.f32 v5, v22;
	v8 =	vsub.f32 v6, v26  }
0x21c: {  	v9 =	vsub.f32 v0, v30;
	v10 =	vsub.f32 v5, v28  }
0x21d: {  	v11 =	vsub.f32 v0, v36;
	v55 =	vsub.f32 v6, v20  }
0x21e: {  	v56 =	vsub.f32 v6, v23;
	v57 =	vsub.f32 v0, v24  }
0x21f: {  	v15 =	vsub.f32 v6, v29;
	v16 =	vsub.f32 v6, v41  }
0x220: {  	v17 =	vsub.f32 v6, v32;
	v18 =	vsub.f32 v0, v42  }
0x221: {  	v19 =	vsub.f32 v5, v31;
	v44 =	vsub.f32 v5, v37  }
0x222: {  	v0 =	vsub.f32 v0, v33;
	v45 =	vsub.f32 v5, v43;
	v2 =	vand.u32 $0x7FFFFFFF, v2  }
0x223: {  	v7 =	vand.u32 $0x7FFFFFFF, v7;
	v9 =	vand.u32 $0x7FFFFFFF, v9;
	v11 =	vand.u32 $0x7FFFFFFF, v11  }
0x224: {  	v8 =	vand.u32 $0x7FFFFFFF, v8;
	v14 =	vand.u32 $0x7FFFFFFF, v57;
	v16 =	vand.u32 $0x7FFFFFFF, v16  }
0x225: {  	v18 =	vand.u32 $0x7FFFFFFF, v18;
	v15 =	vand.u32 $0x7FFFFFFF, v15;
	v3 =	vand.u32 $0x7FFFFFFF, v3  }
0x226: {  	v17 =	vand.u32 $0x7FFFFFFF, v17;
	v12 =	vand.u32 $0x7FFFFFFF, v55;
	v2 =	vadd.f32 v2, v8  }
0x227: {  	v13 =	vand.u32 $0x7FFFFFFF, v56;
	v8 =	vsub.f32 v5, v34;
	v16 =	vadd.f32 v18, v16  }
0x228: {  	s25 =	simm.s32 $0x3190;
	v59 =	vand.u32 $0x7FFFFFFF, v44;
	v9 =	vadd.f32 v9, v15;
	v15 =	vsub.f32 v6, v35  }
0x229: {  	v58 =	vld [tilespmem:s25+$0xFFFFFFF0];
	v4 =	vand.u32 $0x7FFFFFFF, v4;
	v18 =	vsub.f32 v5, v40;
	v6 =	vsub.f32 v6, v38  }
0x22a: {  	v0 =	vand.u32 $0x7FFFFFFF, v0;
	v7 =	vadd.f32 v7, v12;
	v5 =	vsub.f32 v5, v25  }
0x22b: {  	v13 =	vadd.f32 v14, v13;
	v0 =	vadd.f32 v0, v17;
	v15 =	vand.u32 $0x7FFFFFFF, v15  }
0x22c: {  	v6 =	vand.u32 $0x7FFFFFFF, v6;
	v7 =	vadd.f32 v4, v7;
	v4 =	vand.u32 $0x7FFFFFFF, v5  }
0x22d: {  	v5 =	vand.u32 $0x7FFFFFFF, v10;
	v10 =	vand.u32 $0x7FFFFFFF, v19;
	v4 =	vadd.f32 v4, v13  }
0x22e: {  	v8 =	vand.u32 $0x7FFFFFFF, v8;
	v2 =	vadd.f32 v5, v2;
	v60 =	vmin.f32 v58, v7  }
0x22f: {  	v11 =	vadd.f32 v11, v15;
	v9 =	vadd.f32 v10, v9;
	v5 =	vmin.f32 v60, v4  }
0x230: {  	v0 =	vadd.f32 v8, v0;
	v3 =	vadd.f32 v3, v6;
	v5 =	vmin.f32 v5, v2  }
0x231: {  	v8 =	vand.u32 $0x7FFFFFFF, v18;
	v6 =	vadd.f32 v59, v11;
	v5 =	vmin.f32 v5, v9  }
0x232: {  	v3 =	vadd.f32 v8, v3;
	v8 =	vand.u32 $0x7FFFFFFF, v45;
	v5 =	vmin.f32 v5, v0  }
0x233: {  	v8 =	vadd.f32 v8, v16;
	v5 =	vmin.f32 v5, v6  }
0x234: {  	s23 =	simm.s32 $0x0;
	v19 =	vlaneseq.u32;
	v10 =	vimm.f32 $3.000000010e+38;
	v5 =	vmin.f32 v5, v3  }
0x235: {  	v11 =	vor.u32 s23, v19;
	vm0 =	vlt.f32 v4, v10;
	v5 =	vmin.f32 v5, v8  }
0x236: {  	v47 =	vsel vm0, v11, v1;
	v61 =	vsel vm0, v4, v10;
	vm0 =	vlt.f32 v2, v10;
	[tilespmem:s25+$0xFFFFFFF0] =	vst v5  }
0x237: {  	v45 =	vsel vm0, v11, v1;
	v48 =	vsel vm0, v2, v10;
	vm0 =	vlt.f32 v9, v10;
	v4 =	vld [tilespmem:s28+$0x0]  }
0x238: {  	v49 =	vsel vm0, v11, v1;
	v50 =	vsel vm0, v9, v10;
	vm0 =	vlt.f32 v6, v10;
	v62 =	vld [tilespmem:s22+$0x0]  }
0x239: {  	v54 =	vsel vm0, v11, v1;
	v44 =	vsel vm0, v6, v10;
	vm0 =	vlt.f32 v0, v10  }
0x23a: {  	v51 =	vsel vm0, v11, v1;
	v55 =	vsel vm0, v0, v10;
	vm0 =	vlt.f32 v8, v10;
	v2 =	vld [tilespmem:s21+$0x0]  }
0x23b: {  	v46 =	vsel vm0, v11, v1;
	v58 =	vsel vm0, v8, v10;
	vm0 =	vlt.f32 v3, v10  }
0x23c: {  	v57 =	vsel vm0, v11, v1;
	v0 =	vsub.f32 v4, v20;
	v5 =	vsub.f32 v4, v29  }
0x23d: {  	v59 =	vsel vm0, v3, v10;
	v6 =	vsub.f32 v62, v22;
	v8 =	vsub.f32 v4, v26  }
0x23e: {  	vm0 =	vlt.f32 v7, v10;
	v9 =	vsub.f32 v4, v32;
	v63 =	vsub.f32 v4, v35  }
0x23f: {  	v11 =	vsel vm0, v11, v1;
	v15 =	vsub.f32 v2, v21;
	v16 =	vsub.f32 v4, v38  }
0x240: {  	v7 =	vsel vm0, v7, v10;
	v17 =	vsub.f32 v4, v41;
	v3 =	vsub.f32 v62, v34  }
0x241: {  	v18 =	vsub.f32 v2, v27;
	v10 =	vsub.f32 v62, v28;
	v0 =	vand.u32 $0x7FFFFFFF, v0  }
0x242: {  	v15 =	vand.u32 $0x7FFFFFFF, v15;
	v8 =	vand.u32 $0x7FFFFFFF, v8;
	v5 =	vand.u32 $0x7FFFFFFF, v5  }
0x243: {  	v18 =	vand.u32 $0x7FFFFFFF, v18;
	v0 =	vadd.f32 v15, v0;
	v15 =	vsub.f32 v2, v30  }
0x244: {  	v6 =	vand.u32 $0x7FFFFFFF, v6;
	v8 =	vadd.f32 v18, v8;
	v18 =	vsub.f32 v2, v33  }
0x245: {  	v9 =	vand.u32 $0x7FFFFFFF, v9;
	v15 =	vand.u32 $0x7FFFFFFF, v15;
	v0 =	vadd.f32 v6, v0  }
0x246: {  	v18 =	vand.u32 $0x7FFFFFFF, v18;
	v15 =	vadd.f32 v15, v5;
	v5 =	vsub.f32 v2, v36  }
0x247: {  	v14 =	vand.u32 $0x7FFFFFFF, v63;
	v6 =	vadd.f32 v18, v9;
	v9 =	vsub.f32 v2, v39  }
0x248: {  	v16 =	vand.u32 $0x7FFFFFFF, v16;
	v18 =	vsub.f32 v62, v25;
	v5 =	vand.u32 $0x7FFFFFFF, v5  }
0x249: {  	v9 =	vand.u32 $0x7FFFFFFF, v9;
	v14 =	vadd.f32 v5, v14;
	v5 =	vsub.f32 v62, v40  }
0x24a: {  	v3 =	vand.u32 $0x7FFFFFFF, v3;
	v1 =	vadd.f32 v9, v16;
	v9 =	vsub.f32 v2, v24  }
0x24b: {  	vm0 =	vlt.f32 v0, v7;
	v2 =	vsub.f32 v2, v42;
	v16 =	vsub.f32 v4, v23  }
0x24c: {  	v4 =	vadd.f32 v3, v6;
	v3 =	vsub.f32 v62, v43;
	v6 =	vand.u32 $0x7FFFFFFF, v17  }
0x24d: {  	v9 =	vand.u32 $0x7FFFFFFF, v9;
	v2 =	vand.u32 $0x7FFFFFFF, v2;
	v16 =	vand.u32 $0x7FFFFFFF, v16  }
0x24e: {  	v5 =	vand.u32 $0x7FFFFFFF, v5;
	v2 =	vadd.f32 v2, v6;
	v9 =	vadd.f32 v9, v16  }
0x24f: {  	v6 =	vld [tilespmem:s25+$0x0];
	v16 =	vand.u32 $0x7FFFFFFF, v3;
	v3 =	vadd.f32 v5, v1;
	v5 =	vand.u32 $0x7FFFFFFF, v10  }
0x250: {  	v1 =	vand.u32 $0x7FFFFFFF, v18;
	v5 =	vadd.f32 v5, v8;
	v2 =	vadd.f32 v16, v2  }
0x251: {  	v17 =	vsel vm0, v0, v7;
	v16 =	vadd.f32 v1, v9;
	v1 =	vsub.f32 v62, v31  }
0x252: {  	vm3 =	vlt.f32 v4, v55;
	v8 =	vsub.f32 v62, v37;
	vm14 =	vlt.f32 v3, v59  }
0x253: {  	vm1 =	vlt.f32 v5, v48;
	v1 =	vand.u32 $0x7FFFFFFF, v1;
	vm15 =	vlt.f32 v2, v58  }
0x254: {  	s26 =	simm.s32 $0x10;
	v0 =	vmin.f32 v6, v0;
	v9 =	vadd.f32 v1, v15;
	v6 =	vand.u32 $0x7FFFFFFF, v8  }
0x255: {  	v1 =	vor.u32 s26, v19;
	v0 =	vmin.f32 v0, v16;
	v6 =	vadd.f32 v6, v14  }
0x256: {  	s31 =	simm.s32 $0x30;
	s30 =	simm.s32 $0x2030;
	v18 =	vsel vm0, v1, v11;
	vm0 =	vlt.f32 v16, v61;
	v0 =	vmin.f32 v0, v5  }
0x257: {  	s29 =	simm.s32 $0x3190;
	s28 =	simm.s32 $0x1030;
	s26 =	simm.s32 $0x20;
	v19 =	vsel vm0, v16, v61;
	v7 =	vmin.f32 v0, v9;
	vm2 =	vlt.f32 v6, v44  }
.LBB2_8:
0x258: {  	p0 =	sne.s32 s26, $0xFE0  }
0x259: {  	vm4 =	vlt.f32 v9, v50;
	v0 =	vmin.f32 v7, v4;
	v7 =	vsel vm2, v6, v44;
	s25 =	sadd.s32 $0x20, s25;
	s0 =	smov.u32 s26;
	s26 =	sadd.s32 $0x20, s26  }
0x25a: {  	v9 =	vsel vm4, v9, v50;
	v12 =	vsel vm4, v1, v49;
	v0 =	vmin.f32 v0, v6  }
0x25b: {  	v4 =	vsel vm3, v4, v55;
	v6 =	vsel vm3, v1, v51;
	v0 =	vmin.f32 v0, v3  }
0x25c: {  	v11 =	vsel vm0, v1, v47;
	v10 =	vsel vm2, v1, v54;
	v0 =	vmin.f32 v0, v2  }
0x25d: {  	v5 =	vsel vm1, v5, v48;
	v13 =	vsel vm1, v1, v45;
	v14 =	vsel vm14, v1, v57;
	[tilespmem:s29+$0x0] =	vst v0;
	s29 =	smov.u32 s25  }
0x25e: {  	v8 =	vsel vm15, v1, v46;
	v3 =	vsel vm14, v3, v59;
	v2 =	vsel vm15, v2, v58;
	v0 =	vld [tilespmem:s28+$0xFFFFFFF0]  }
0x25f: {  	v1 =	vld [tilespmem:s30+$0xFFFFFFF0]  }
0x260: {  	v15 =	vld [tilespmem:s31+$0xFFFFFFF0];
	_ =	sdelay $0x2  }
0x261: {  	v16 =	vsub.f32 v0, v27;
	v44 =	vsub.f32 v0, v39  }
0x262: {  	v45 =	vsub.f32 v0, v21;
	v46 =	vsub.f32 v1, v22  }
0x263: {  	v48 =	vsub.f32 v0, v30;
	v47 =	vsub.f32 v15, v26;
	v16 =	vand.u32 $0x7FFFFFFF, v16  }
0x264: {  	v50 =	vsub.f32 v0, v36;
	v49 =	vsub.f32 v1, v28;
	v45 =	vand.u32 $0x7FFFFFFF, v45  }
0x265: {  	v51 =	vsub.f32 v15, v20;
	v52 =	vsub.f32 v15, v23;
	v48 =	vand.u32 $0x7FFFFFFF, v48  }
0x266: {  	v53 =	vsub.f32 v0, v24;
	v54 =	vsub.f32 v15, v29;
	v50 =	vand.u32 $0x7FFFFFFF, v50  }
0x267: {  	v55 =	vsub.f32 v15, v32;
	v56 =	vsub.f32 v15, v41;
	v47 =	vand.u32 $0x7FFFFFFF, v47  }
0x268: {  	v57 =	vsub.f32 v0, v42;
	v53 =	vand.u32 $0x7FFFFFFF, v53;
	v54 =	vand.u32 $0x7FFFFFFF, v54  }
0x269: {  	v58 =	vsub.f32 v1, v31;
	v44 =	vand.u32 $0x7FFFFFFF, v44;
	v56 =	vand.u32 $0x7FFFFFFF, v56  }
0x26a: {  	v57 =	vand.u32 $0x7FFFFFFF, v57;
	v16 =	vadd.f32 v16, v47;
	v47 =	vsub.f32 v1, v34  }
0x26b: {  	v59 =	vsub.f32 v1, v37;
	v55 =	vand.u32 $0x7FFFFFFF, v55;
	v56 =	vadd.f32 v57, v56  }
0x26c: {  	v63 =	vlaneseq.u32;
	v48 =	vadd.f32 v48, v54;
	v54 =	vsub.f32 v15, v35  }
0x26d: {  	v60 =	vor.u32 s0, v63;
	v0 =	vsub.f32 v0, v33;
	v57 =	vsub.f32 v1, v40  }
0x26e: {  	v61 =	vsub.f32 v1, v43;
	v15 =	vsub.f32 v15, v38;
	v54 =	vand.u32 $0x7FFFFFFF, v54  }
0x26f: {  	v51 =	vand.u32 $0x7FFFFFFF, v51;
	v52 =	vand.u32 $0x7FFFFFFF, v52;
	v50 =	vadd.f32 v50, v54;
	v62 =	vld [tilespmem:s25+$0xFFFFFFF0]  }
0x270: {  	v45 =	vadd.f32 v45, v51;
	v1 =	vsub.f32 v1, v25;
	v51 =	vand.u32 $0x7FFFFFFF, v59  }
0x271: {  	v46 =	vand.u32 $0x7FFFFFFF, v46;
	v52 =	vadd.f32 v53, v52;
	v15 =	vand.u32 $0x7FFFFFFF, v15  }
0x272: {  	v0 =	vand.u32 $0x7FFFFFFF, v0;
	v53 =	vadd.f32 v46, v45;
	v1 =	vand.u32 $0x7FFFFFFF, v1  }
0x273: {  	v45 =	vand.u32 $0x7FFFFFFF, v58;
	v52 =	vadd.f32 v1, v52;
	v1 =	vand.u32 $0x7FFFFFFF, v49  }
0x274: {  	v0 =	vadd.f32 v0, v55;
	v16 =	vadd.f32 v1, v16;
	v46 =	vmin.f32 v62, v53  }
0x275: {  	v55 =	vadd.f32 v45, v48;
	v45 =	vand.u32 $0x7FFFFFFF, v47;
	v1 =	vmin.f32 v46, v52  }
0x276: {  	v15 =	vadd.f32 v44, v15;
	v0 =	vadd.f32 v45, v0;
	v1 =	vmin.f32 v1, v16  }
0x277: {  	v45 =	vand.u32 $0x7FFFFFFF, v57;
	v44 =	vadd.f32 v51, v50;
	v1 =	vmin.f32 v1, v55  }
0x278: {  	v15 =	vadd.f32 v45, v15;
	v45 =	vand.u32 $0x7FFFFFFF, v61;
	v1 =	vmin.f32 v1, v0  }
0x279: {  	vm0 =	vlt.f32 v53, v17;
	v56 =	vadd.f32 v45, v56;
	v1 =	vmin.f32 v1, v44  }
0x27a: {  	vm3 =	vlt.f32 v0, v4;
	vm1 =	vlt.f32 v15, v3;
	v1 =	vmin.f32 v1, v15  }
0x27b: {  	vm4 =	vlt.f32 v44, v7;
	vm2 =	vlt.f32 v56, v2;
	v1 =	vmin.f32 v1, v56  }
0x27c: {  	vm5 =	vlt.f32 v52, v19;
	vm15 =	vlt.f32 v55, v9;
	vm14 =	vlt.f32 v16, v5;
	[tilespmem:s25+$0xFFFFFFF0] =	vst v1  }
0x27d: {  	s0 =	sadd.s32 $0x10, s0;
	v49 =	vsel vm15, v60, v12;
	v12 =	vld [tilespmem:s31+$0x0]  }
0x27e: {  	v1 =	vor.u32 s0, v63;
	v61 =	vld [tilespmem:s30+$0x0]  }
0x27f: {  	v47 =	vsel vm5, v60, v11;
	v57 =	vsel vm1, v60, v14;
	v46 =	vsel vm2, v60, v8  }
0x280: {  	v45 =	vsel vm14, v60, v13;
	v51 =	vsel vm3, v60, v6;
	v54 =	vsel vm4, v60, v10  }
0x281: {  	v50 =	vsel vm15, v55, v9;
	v48 =	vsel vm14, v16, v5;
	v8 =	vsel vm5, v52, v19  }
0x282: {  	v44 =	vsel vm4, v44, v7;
	v5 =	vsub.f32 v12, v20;
	v6 =	vsub.f32 v12, v29  }
0x283: {  	v55 =	vsel vm3, v0, v4;
	v4 =	vsub.f32 v12, v26;
	v0 =	vsub.f32 v61, v22  }
0x284: {  	v7 =	vsub.f32 v12, v32;
	v9 =	vsub.f32 v12, v35;
	v5 =	vand.u32 $0x7FFFFFFF, v5  }
0x285: {  	v58 =	vsel vm2, v56, v2;
	v2 =	vsub.f32 v12, v38;
	v10 =	vsub.f32 v12, v41  }
0x286: {  	v59 =	vsel vm1, v15, v3;
	v3 =	vsub.f32 v61, v34;
	v11 =	vsub.f32 v61, v37  }
0x287: {  	v13 =	vsel vm0, v60, v18;
	v15 =	vsub.f32 v61, v25;
	v16 =	vsub.f32 v61, v40;
	v14 =	vld [tilespmem:s28+$0x0]  }
0x288: {  	v17 =	vsel vm0, v53, v17;
	v18 =	vsub.f32 v61, v28;
	v19 =	vsub.f32 v61, v43  }
0x289: {  	v52 =	vsub.f32 v61, v31;
	v9 =	vand.u32 $0x7FFFFFFF, v9;
	v16 =	vand.u32 $0x7FFFFFFF, v16  }
0x28a: {  	v53 =	vand.u32 $0x7FFFFFFF, v18;
	v3 =	vand.u32 $0x7FFFFFFF, v3;
	v11 =	vand.u32 $0x7FFFFFFF, v11  }
0x28b: {  	v7 =	vand.u32 $0x7FFFFFFF, v7;
	v0 =	vand.u32 $0x7FFFFFFF, v0;
	v19 =	vand.u32 $0x7FFFFFFF, v19  }
0x28c: {  	v4 =	vand.u32 $0x7FFFFFFF, v4;
	v18 =	vsub.f32 v14, v21;
	v56 =	vsub.f32 v14, v24  }
0x28d: {  	v6 =	vand.u32 $0x7FFFFFFF, v6;
	v60 =	vsub.f32 v14, v27;
	v61 =	vsub.f32 v14, v30  }
0x28e: {  	v62 =	vsub.f32 v14, v33;
	v63 =	vsub.f32 v14, v36;
	v18 =	vand.u32 $0x7FFFFFFF, v18  }
0x28f: {  	v5 =	vadd.f32 v18, v5;
	v18 =	vand.u32 $0x7FFFFFFF, v60;
	v60 =	vand.u32 $0x7FFFFFFF, v61  }
0x290: {  	v61 =	vadd.f32 v18, v4;
	v60 =	vadd.f32 v60, v6;
	v4 =	vand.u32 $0x7FFFFFFF, v62  }
0x291: {  	v0 =	vadd.f32 v0, v5;
	v4 =	vadd.f32 v4, v7;
	v5 =	vand.u32 $0x7FFFFFFF, v63  }
0x292: {  	v6 =	vsub.f32 v14, v39;
	v7 =	vand.u32 $0x7FFFFFFF, v10;
	v5 =	vadd.f32 v5, v9  }
0x293: {  	v2 =	vand.u32 $0x7FFFFFFF, v2;
	v9 =	vsub.f32 v14, v42;
	vm0 =	vlt.f32 v0, v17  }
0x294: {  	v10 =	vsub.f32 v12, v23;
	v6 =	vand.u32 $0x7FFFFFFF, v6;
	v17 =	vsel vm0, v0, v17  }
0x295: {  	v14 =	vand.u32 $0x7FFFFFFF, v56;
	v2 =	vadd.f32 v6, v2;
	v6 =	vand.u32 $0x7FFFFFFF, v9;
	v12 =	vld [tilespmem:s25+$0x0]  }
0x296: {  	v4 =	vadd.f32 v3, v4;
	v9 =	vand.u32 $0x7FFFFFFF, v10;
	v7 =	vadd.f32 v6, v7  }
0x297: {  	v18 =	vsel vm0, v1, v13;
	v9 =	vadd.f32 v14, v9;
	v6 =	vadd.f32 v11, v5  }
0x298: {  	v5 =	vand.u32 $0x7FFFFFFF, v15;
	v3 =	vadd.f32 v16, v2;
	v2 =	vadd.f32 v19, v7  }
.Ltmp3:
0x299: {  	v7 =	vadd.f32 v5, v9;
	v5 =	vadd.f32 v53, v61;
	v9 =	vand.u32 $0x7FFFFFFF, v52;
	(pc) =	sbr.rel @p0 .LBB2_8-.Ltmp3, $4  }
0x29a: {  	vm14 =	vlt.f32 v3, v59;
	v9 =	vadd.f32 v9, v60;
	v0 =	vmin.f32 v12, v0  }
0x29b: {  	vm0 =	vlt.f32 v7, v8;
	vm15 =	vlt.f32 v2, v58;
	v0 =	vmin.f32 v0, v7  }
0x29c: {  	vm1 =	vlt.f32 v5, v48;
	v19 =	vsel vm0, v7, v8;
	v0 =	vmin.f32 v0, v5  }
0x29d: {  	s31 =	sadd.s32 $0x20, s31;
	s30 =	sadd.s32 $0x20, s30;
	s28 =	sadd.s32 $0x20, s28;
	vm3 =	vlt.f32 v4, v55;
	vm2 =	vlt.f32 v6, v44;
	v7 =	vmin.f32 v0, v9  }
0x29e: {  	v0 =	vmin.f32 v7, v4  }
0x29f: {  	v0 =	vmin.f32 v0, v6  }
0x2a0: {  	v0 =	vmin.f32 v0, v3  }
0x2a1: {  	v0 =	vmin.f32 v0, v2  }
0x2a2: {  	[tilespmem:s29+$0x0] =	vst v0  }
0x2a3: {  	v0 =	vld [tilespmem:$0x3010]  }
0x2a4: {  	v7 =	vld [tilespmem:$0x3090]  }
0x2a5: {  	v8 =	vld [tilespmem:$0x3110];
	_ =	sdelay $0x2  }
0x2a6: {  	v10 =	vimm.s32 $0x8;
	v12 =	vimm.s32 $0xC;
	v13 =	vimm.s32 $0xD  }
0x2a7: {  	vm4 =	vlt.f32 v9, v50;
	v14 =	vimm.s32 $0xF;
	v21 =	vperm.xlane v0, v10  }
0x2a8: {  	v4 =	vsel vm3, v4, v55;
	v22 =	vperm.xlane v7, v10;
	v23 =	vperm.xlane v8, v10  }
0x2a9: {  	v6 =	vsel vm2, v6, v44;
	v33 =	vperm.xlane v0, v12;
	v34 =	vperm.xlane v7, v12  }
0x2aa: {  	s25 =	simm.s32 $0x2010;
	v9 =	vsel vm4, v9, v50;
	v35 =	vperm.xlane v8, v12;
	v36 =	vperm.xlane v0, v13  }
0x2ab: {  	v11 =	vld [tilespmem:s25+$0xFFFFFFF0];
	v10 =	vimm.s32 $0x9;
	v37 =	vperm.xlane v7, v13;
	v38 =	vperm.xlane v8, v13  }
0x2ac: {  	s28 =	simm.s32 $0x10;
	[tilespmem:$0x1FAE0] =	vst v4;
	v4 =	vsel vm3, v1, v51;
	v42 =	vperm.xlane v0, v14;
	v24 =	vperm.xlane v0, v10  }
0x2ad: {  	v12 =	vld [tilespmem:s28+$0xFFFFFFF0];
	v25 =	vperm.xlane v7, v10;
	v26 =	vperm.xlane v8, v10;
	v10 =	vimm.s32 $0xA  }
0x2ae: {  	[tilespmem:$0x1FA80] =	vst v17;
	v13 =	vimm.s32 $0xE;
	v17 =	vperm.xlane v7, v14;
	v27 =	vperm.xlane v0, v10  }
0x2af: {  	v28 =	vperm.xlane v7, v10;
	v29 =	vperm.xlane v8, v10;
	v10 =	vimm.s32 $0xB  }
0x2b0: {  	[tilespmem:$0x1FA90] =	vst v18;
	s0 =	simm.s32 $0x1010;
	v18 =	vperm.xlane v8, v14;
	v43 =	vsub.f32 v11, v23;
	v30 =	vperm.xlane v0, v10  }
0x2b1: {  	[tilespmem:$0x1FA70] =	vst v19;
	v31 =	vperm.xlane v7, v10;
	v32 =	vperm.xlane v8, v10;
	v10 =	vld [tilespmem:s0+$0xFFFFFFF0];
	v19 =	vsub.f32 v11, v29  }
0x2b2: {  	v39 =	vperm.xlane v0, v13;
	v14 =	vsub.f32 v12, v27;
	v53 =	vsub.f32 v12, v21  }
0x2b3: {  	v40 =	vperm.xlane v7, v13;
	v56 =	vsub.f32 v12, v24;
	v62 =	vsub.f32 v12, v42  }
0x2b4: {  	v41 =	vperm.xlane v8, v13;
	v61 =	vsub.f32 v12, v30;
	v63 =	vsub.f32 v12, v33  }
0x2b5: {  	v8 =	vsub.f32 v11, v32;
	v14 =	vand.u32 $0x7FFFFFFF, v14;
	v62 =	vand.u32 $0x7FFFFFFF, v62  }
0x2b6: {  	v61 =	vand.u32 $0x7FFFFFFF, v61;
	v53 =	vand.u32 $0x7FFFFFFF, v53;
	v0 =	vsub.f32 v10, v28  }
0x2b7: {  	v56 =	vand.u32 $0x7FFFFFFF, v56;
	v16 =	vsub.f32 v10, v40;
	v13 =	vsub.f32 v10, v22  }
0x2b8: {  	v8 =	vand.u32 $0x7FFFFFFF, v8;
	v15 =	vsub.f32 v10, v31;
	v52 =	vsub.f32 v10, v37  }
0x2b9: {  	v60 =	vsub.f32 v10, v25;
	v7 =	vand.u32 $0x7FFFFFFF, v0;
	v0 =	vsub.f32 v10, v17  }
0x2ba: {  	v13 =	vand.u32 $0x7FFFFFFF, v13;
	v15 =	vand.u32 $0x7FFFFFFF, v15;
	v10 =	vsub.f32 v10, v34  }
0x2bb: {  	v14 =	vadd.f32 v7, v14;
	v7 =	vsub.f32 v11, v35;
	v0 =	vand.u32 $0x7FFFFFFF, v0  }
0x2bc: {  	v52 =	vand.u32 $0x7FFFFFFF, v52;
	v20 =	vadd.f32 v0, v62;
	v62 =	vsub.f32 v12, v36  }
0x2bd: {  	v60 =	vand.u32 $0x7FFFFFFF, v60;
	v15 =	vadd.f32 v15, v61;
	v61 =	vsub.f32 v11, v41  }
0x2be: {  	s26 =	simm.s32 $0x3190;
	v13 =	vadd.f32 v13, v53;
	v0 =	vsub.f32 v11, v38;
	v62 =	vand.u32 $0x7FFFFFFF, v62  }
0x2bf: {  	v16 =	vand.u32 $0x7FFFFFFF, v16;
	v53 =	vld [tilespmem:s26+$0xFFFFFFF0];
	[tilespmem:$0x1FAA0] =	vst v7;
	v8 =	vadd.f32 v8, v15;
	v52 =	vadd.f32 v52, v62  }
0x2c0: {  	v15 =	vld [tilespmem:$0x1FAA0];
	v62 =	vand.u32 $0x7FFFFFFF, v63;
	v63 =	vsub.f32 v11, v18;
	v11 =	vsub.f32 v11, v26  }
0x2c1: {  	v56 =	vadd.f32 v60, v56;
	v7 =	vand.u32 $0x7FFFFFFF, v0;
	v0 =	vand.u32 $0x7FFFFFFF, v43  }
0x2c2: {  	v10 =	vand.u32 $0x7FFFFFFF, v10;
	v0 =	vadd.f32 v0, v13;
	v11 =	vand.u32 $0x7FFFFFFF, v11  }
0x2c3: {  	v12 =	vsub.f32 v12, v39;
	v13 =	vand.u32 $0x7FFFFFFF, v19;
	v11 =	vadd.f32 v11, v56  }
0x2c4: {  	v13 =	vadd.f32 v13, v14;
	v10 =	vadd.f32 v10, v62;
	v53 =	vmin.f32 v53, v0  }
0x2c5: {  	v12 =	vand.u32 $0x7FFFFFFF, v12;
	v15 =	vand.u32 $0x7FFFFFFF, v15;
	v14 =	vmin.f32 v53, v11  }
0x2c6: {  	v60 =	vadd.f32 v15, v10;
	v10 =	vadd.f32 v16, v12;
	v14 =	vmin.f32 v14, v13  }
0x2c7: {  	[tilespmem:$0x1FAB0] =	vst v6;
	v7 =	vadd.f32 v7, v52;
	v12 =	vmin.f32 v14, v8;
	v14 =	vand.u32 $0x7FFFFFFF, v61  }
0x2c8: {  	[tilespmem:$0x1FAC0] =	vst v9;
	v12 =	vmin.f32 v12, v60;
	v14 =	vadd.f32 v14, v10;
	v10 =	vand.u32 $0x7FFFFFFF, v63  }
0x2c9: {  	v9 =	vsel vm4, v1, v49;
	[tilespmem:$0x1FAF0] =	vst v4;
	v6 =	vmin.f32 v12, v7;
	v16 =	vadd.f32 v10, v20  }
0x2ca: {  	[tilespmem:$0x1FAD0] =	vst v9;
	v2 =	vsel vm15, v2, v58;
	v6 =	vmin.f32 v6, v14  }
0x2cb: {  	[tilespmem:$0x1FB60] =	vst v2;
	v4 =	vmin.f32 v6, v16;
	v6 =	vsel vm0, v1, v47  }
0x2cc: {  	[tilespmem:$0x1FB00] =	vst v6  }
0x2cd: {  	v5 =	vsel vm1, v5, v48;
	[tilespmem:s26+$0xFFFFFFF0] =	vst v4;
	v4 =	vsel vm1, v1, v45  }
0x2ce: {  	v6 =	vsel vm2, v1, v54;
	[tilespmem:$0x1FB30] =	vst v4;
	v4 =	vsel vm14, v1, v57;
	v1 =	vsel vm15, v1, v46;
	v46 =	vld [tilespmem:s25+$0x0]  }
0x2cf: {  	v3 =	vsel vm14, v3, v59;
	v9 =	vimm.f32 $3.000000010e+38;
	v2 =	vimm.s32 $0x0;
	[tilespmem:$0x1FB10] =	vst v6;
	v6 =	vld [tilespmem:s0+$0x0]  }
0x2d0: {  	s1 =	simm.s32 $0x0;
	[tilespmem:$0x1FB20] =	vst v5;
	vm5 =	vlt.f32 v13, v9;
	vm4 =	vlt.f32 v7, v9;
	v20 =	vlaneseq.u32  }
0x2d1: {  	v13 =	vsel vm5, v13, v9;
	v5 =	vor.u32 s1, v20;
	vm0 =	vlt.f32 v0, v9;
	[tilespmem:$0x1FB40] =	vst v4;
	v4 =	vld [tilespmem:s28+$0x0]  }
0x2d2: {  	vm3 =	vlt.f32 v16, v9;
	vm2 =	vlt.f32 v60, v9;
	vm1 =	vlt.f32 v14, v9  }
0x2d3: {  	v0 =	vsel vm0, v0, v9;
	vm15 =	vlt.f32 v11, v9;
	vm14 =	vlt.f32 v8, v9  }
0x2d4: {  	[tilespmem:$0x1FB50] =	vst v3;
	v48 =	vsel vm15, v11, v9;
	v10 =	vsub.f32 v46, v23;
	v15 =	vsub.f32 v6, v22  }
0x2d5: {  	[tilespmem:$0x1FBA0] =	vst v23;
	v11 =	vsel vm4, v7, v9;
	v7 =	vsub.f32 v46, v41;
	v50 =	vsub.f32 v46, v29  }
0x2d6: {  	v58 =	vsel vm1, v5, v2;
	[tilespmem:$0x1FB70] =	vst v1;
	v54 =	vsub.f32 v46, v32;
	v1 =	vsub.f32 v4, v21  }
0x2d7: {  	[tilespmem:$0x1FBD0] =	vst v33;
	v57 =	vsel vm3, v5, v2;
	v3 =	vsub.f32 v4, v30;
	v12 =	vsub.f32 v4, v27  }
0x2d8: {  	[tilespmem:$0x1FBB0] =	vst v27;
	v59 =	vsel vm14, v5, v2;
	v23 =	vsub.f32 v4, v33;
	v27 =	vsub.f32 v4, v36  }
0x2d9: {  	[tilespmem:$0x1FB90] =	vst v30;
	v61 =	vsel vm15, v5, v2;
	v30 =	vsub.f32 v4, v39;
	v33 =	vsub.f32 v6, v28  }
0x2da: {  	v15 =	vand.u32 $0x7FFFFFFF, v15;
	v1 =	vand.u32 $0x7FFFFFFF, v1;
	v12 =	vand.u32 $0x7FFFFFFF, v12  }
0x2db: {  	v49 =	vand.u32 $0x7FFFFFFF, v33;
	v1 =	vadd.f32 v15, v1;
	v15 =	vsub.f32 v6, v31  }
0x2dc: {  	[tilespmem:$0x1FBF0] =	vst v39;
	v39 =	vsel vm0, v5, v2;
	v49 =	vadd.f32 v49, v12;
	v12 =	vsub.f32 v6, v34  }
0x2dd: {  	v10 =	vand.u32 $0x7FFFFFFF, v10;
	v7 =	vand.u32 $0x7FFFFFFF, v7;
	v3 =	vand.u32 $0x7FFFFFFF, v3  }
0x2de: {  	[tilespmem:$0x1FBE0] =	vst v36;
	v15 =	vand.u32 $0x7FFFFFFF, v15;
	v12 =	vand.u32 $0x7FFFFFFF, v12;
	v36 =	vadd.f32 v10, v1  }
0x2df: {  	[tilespmem:$0x1FC20] =	vst v34;
	v10 =	vsub.f32 v6, v40;
	v34 =	vadd.f32 v15, v3;
	v15 =	vand.u32 $0x7FFFFFFF, v23  }
0x2e0: {  	v62 =	vand.u32 $0x7FFFFFFF, v27;
	v3 =	vsub.f32 v6, v37;
	v12 =	vadd.f32 v12, v15  }
0x2e1: {  	v15 =	vand.u32 $0x7FFFFFFF, v30;
	v10 =	vand.u32 $0x7FFFFFFF, v10;
	vm0 =	vlt.f32 v36, v0  }
0x2e2: {  	[tilespmem:$0x1FB80] =	vst v21;
	v1 =	vand.u32 $0x7FFFFFFF, v3;
	v63 =	vadd.f32 v10, v15;
	v10 =	vsub.f32 v46, v35  }
0x2e3: {  	[tilespmem:$0x1FBC0] =	vst v22;
	v3 =	vsel vm5, v5, v2;
	v15 =	vsub.f32 v6, v25;
	v6 =	vsub.f32 v6, v17  }
0x2e4: {  	[tilespmem:$0x1FC30] =	vst v37;
	v37 =	vadd.f32 v1, v62;
	v1 =	vsel vm2, v5, v2;
	v62 =	vsel vm4, v5, v2  }
0x2e5: {  	[tilespmem:$0x1FC50] =	vst v35;
	v2 =	vsub.f32 v4, v42;
	v4 =	vsub.f32 v4, v24;
	v5 =	vand.u32 $0x7FFFFFFF, v10  }
0x2e6: {  	[tilespmem:$0x1FC60] =	vst v42;
	v10 =	vand.u32 $0x7FFFFFFF, v15;
	v15 =	vsel vm14, v8, v9;
	v8 =	vsub.f32 v46, v26  }
0x2e7: {  	[tilespmem:$0x1FC80] =	vst v17;
	s25 =	simm.s32 $0x10;
	v6 =	vand.u32 $0x7FFFFFFF, v6;
	v5 =	vadd.f32 v5, v12;
	v12 =	vsub.f32 v46, v38  }
0x2e8: {  	[tilespmem:$0x1FCA0] =	vst v38;
	v7 =	vadd.f32 v7, v63;
	v63 =	vor.u32 s25, v20;
	v2 =	vand.u32 $0x7FFFFFFF, v2  }
0x2e9: {  	[tilespmem:$0x1FC40] =	vst v40;
	v4 =	vand.u32 $0x7FFFFFFF, v4;
	v40 =	vadd.f32 v6, v2;
	v2 =	vand.u32 $0x7FFFFFFF, v12  }
0x2ea: {  	[tilespmem:$0x1FCD0] =	vst v18;
	v4 =	vadd.f32 v10, v4;
	v10 =	vadd.f32 v2, v37;
	v2 =	vsel vm3, v16, v9;
	v16 =	vld [tilespmem:s26+$0x0]  }
0x2eb: {  	[tilespmem:$0x1FC70] =	vst v25;
	v6 =	vsel vm1, v14, v9;
	v14 =	vsub.f32 v46, v18;
	v8 =	vand.u32 $0x7FFFFFFF, v8  }
0x2ec: {  	[tilespmem:$0x1FC90] =	vst v24;
	v12 =	vsel vm2, v60, v9;
	v60 =	vsel vm0, v36, v0;
	vm15 =	vlt.f32 v7, v6  }
0x2ed: {  	[tilespmem:$0x1FCB0] =	vst v41;
	v9 =	vand.u32 $0x7FFFFFFF, v14;
	v4 =	vadd.f32 v8, v4;
	v8 =	vand.u32 $0x7FFFFFFF, v50  }
0x2ee: {  	[tilespmem:$0x1FCC0] =	vst v26;
	vm1 =	vlt.f32 v5, v12;
	v9 =	vadd.f32 v9, v40;
	v46 =	vadd.f32 v8, v49  }
0x2ef: {  	[tilespmem:$0x1FC00] =	vst v28;
	v8 =	vand.u32 $0x7FFFFFFF, v54;
	vm3 =	vlt.f32 v4, v48;
	v0 =	vmin.f32 v16, v36  }
0x2f0: {  	[tilespmem:$0x1FCE0] =	vst v29;
	v47 =	vadd.f32 v8, v34;
	v14 =	vsel vm3, v4, v48;
	v0 =	vmin.f32 v0, v4  }
0x2f1: {  	s30 =	simm.s32 $0x2030;
	s31 =	simm.s32 $0x30;
	[tilespmem:$0x1FC10] =	vst v31;
	vm14 =	vlt.f32 v9, v2;
	vm2 =	vlt.f32 v46, v13;
	v0 =	vmin.f32 v0, v46  }
0x2f2: {  	s29 =	simm.s32 $0x1030;
	[tilespmem:$0x1FCF0] =	vst v32;
	s28 =	simm.s32 $0x20;
	s25 =	simm.s32 $0x3190;
	v4 =	vsel vm0, v63, v39;
	vm0 =	vlt.f32 v10, v11;
	v16 =	vmin.f32 v0, v47  }
.LBB2_10:
0x2f3: {  	v30 =	vld [tilespmem:$0x1FC00]  }
0x2f4: {  	v42 =	vld [tilespmem:$0x1FC40]  }
0x2f5: {  	v24 =	vld [tilespmem:$0x1FBC0]  }
0x2f6: {  	v25 =	vld [tilespmem:$0x1FBA0]  }
0x2f7: {  	v29 =	vld [tilespmem:$0x1FBB0]  }
0x2f8: {  	v33 =	vld [tilespmem:$0x1FC10]  }
0x2f9: {  	v31 =	vld [tilespmem:$0x1FCE0]  }
0x2fa: {  	v39 =	vld [tilespmem:$0x1FC30]  }
0x2fb: {  	v0 =	vmin.f32 v16, v5;
	v23 =	vld [tilespmem:$0x1FB80]  }
0x2fc: {  	v26 =	vld [tilespmem:$0x1FC90];
	v0 =	vmin.f32 v0, v10  }
0x2fd: {  	v27 =	vld [tilespmem:$0x1FC70];
	v0 =	vmin.f32 v0, v7  }
0x2fe: {  	v32 =	vld [tilespmem:$0x1FB90];
	v0 =	vmin.f32 v0, v9  }
0x2ff: {  	v35 =	vld [tilespmem:$0x1FBD0];
	[tilespmem:s25+$0x0] =	vst v0  }
0x300: {  	v0 =	vld [tilespmem:s29+$0xFFFFFFF0]  }
0x301: {  	v8 =	vld [tilespmem:s30+$0xFFFFFFF0]  }
0x302: {  	v2 =	vsel vm14, v9, v2;
	v9 =	vld [tilespmem:s31+$0xFFFFFFF0]  }
0x303: {  	v18 =	vld [tilespmem:$0x1FC60]  }
0x304: {  	vm4 =	vlt.f32 v47, v15;
	v11 =	vsel vm0, v10, v11;
	v5 =	vsel vm1, v5, v12;
	v17 =	vld [tilespmem:$0x1FC80]  }
0x305: {  	v34 =	vld [tilespmem:$0x1FCF0];
	v10 =	vsel vm2, v46, v13;
	v44 =	vsub.f32 v0, v30;
	v46 =	vsub.f32 v0, v42  }
0x306: {  	v1 =	vsel vm1, v63, v1;
	v40 =	vld [tilespmem:$0x1FCA0];
	v41 =	vsub.f32 v0, v24;
	v49 =	vsub.f32 v8, v25  }
0x307: {  	v6 =	vsel vm15, v7, v6;
	v38 =	vld [tilespmem:$0x1FBE0];
	v51 =	vsub.f32 v9, v29;
	v53 =	vsub.f32 v0, v33  }
0x308: {  	v36 =	vld [tilespmem:$0x1FC20];
	v13 =	vsel vm15, v63, v58;
	v55 =	vsub.f32 v8, v31;
	v56 =	vsub.f32 v0, v39  }
0x309: {  	v19 =	vld [tilespmem:$0x1FCD0];
	v7 =	vsel vm14, v63, v57;
	v57 =	vsub.f32 v9, v23;
	v58 =	vsub.f32 v9, v26  }
0x30a: {  	v16 =	vsel vm3, v63, v61;
	v43 =	vsub.f32 v0, v27;
	v21 =	vsub.f32 v9, v32  }
0x30b: {  	v12 =	vsel vm0, v63, v62;
	v22 =	vsub.f32 v9, v35;
	v45 =	vsub.f32 v9, v18  }
0x30c: {  	v3 =	vsel vm2, v63, v3;
	v48 =	vsub.f32 v0, v17;
	v50 =	vsub.f32 v8, v34  }
0x30d: {  	v15 =	vsel vm4, v47, v15;
	v52 =	vsub.f32 v8, v40;
	v28 =	vsub.f32 v9, v38  }
0x30e: {  	v59 =	vsel vm4, v63, v59;
	v0 =	vsub.f32 v0, v36;
	v20 =	vsub.f32 v8, v19  }
0x30f: {  	v37 =	vld [tilespmem:$0x1FC50];
	v44 =	vand.u32 $0x7FFFFFFF, v44;
	v53 =	vand.u32 $0x7FFFFFFF, v53;
	v61 =	vand.u32 $0x7FFFFFFF, v43  }
0x310: {  	v62 =	vand.u32 $0x7FFFFFFF, v21;
	v45 =	vand.u32 $0x7FFFFFFF, v45;
	v48 =	vand.u32 $0x7FFFFFFF, v48;
	v43 =	vld [tilespmem:$0x1FCB0]  }
0x311: {  	v45 =	vadd.f32 v48, v45;
	v48 =	vadd.f32 v53, v62;
	v53 =	vand.u32 $0x7FFFFFFF, v28;
	v28 =	vld [tilespmem:$0x1FCC0]  }
0x312: {  	v47 =	vand.u32 $0x7FFFFFFF, v41;
	v56 =	vand.u32 $0x7FFFFFFF, v56;
	v51 =	vand.u32 $0x7FFFFFFF, v51  }
0x313: {  	v46 =	vand.u32 $0x7FFFFFFF, v46;
	v63 =	vand.u32 $0x7FFFFFFF, v22;
	v57 =	vand.u32 $0x7FFFFFFF, v57  }
0x314: {  	s26 =	sadd.s32 $0x20, s26;
	v41 =	vld [tilespmem:$0x1FBF0];
	v58 =	vand.u32 $0x7FFFFFFF, v58;
	v52 =	vand.u32 $0x7FFFFFFF, v52;
	v44 =	vadd.f32 v44, v51  }
0x315: {  	v21 =	vld [tilespmem:s26+$0xFFFFFFF0];
	v49 =	vand.u32 $0x7FFFFFFF, v49;
	v51 =	vsub.f32 v8, v37;
	v47 =	vadd.f32 v47, v57  }
0x316: {  	v0 =	vand.u32 $0x7FFFFFFF, v0;
	v62 =	vsub.f32 v8, v43;
	v8 =	vsub.f32 v8, v28  }
0x317: {  	v50 =	vand.u32 $0x7FFFFFFF, v50;
	v61 =	vadd.f32 v61, v58;
	v0 =	vadd.f32 v0, v63  }
0x318: {  	v53 =	vadd.f32 v56, v53;
	v47 =	vadd.f32 v49, v47;
	v8 =	vand.u32 $0x7FFFFFFF, v8  }
0x319: {  	v9 =	vsub.f32 v9, v41;
	v8 =	vadd.f32 v8, v61;
	v61 =	vand.u32 $0x7FFFFFFF, v55  }
0x31a: {  	v48 =	vadd.f32 v50, v48;
	v21 =	vmin.f32 v21, v47;
	v44 =	vadd.f32 v61, v44  }
0x31b: {  	v63 =	vand.u32 $0x7FFFFFFF, v51;
	v9 =	vand.u32 $0x7FFFFFFF, v9;
	v21 =	vmin.f32 v21, v8  }
0x31c: {  	v0 =	vadd.f32 v63, v0;
	v9 =	vadd.f32 v46, v9;
	v21 =	vmin.f32 v21, v44  }
0x31d: {  	v63 =	vand.u32 $0x7FFFFFFF, v62;
	v55 =	vadd.f32 v52, v53;
	v21 =	vmin.f32 v21, v48  }
0x31e: {  	v20 =	vand.u32 $0x7FFFFFFF, v20;
	v9 =	vadd.f32 v63, v9;
	v21 =	vmin.f32 v21, v0  }
0x31f: {  	v20 =	vadd.f32 v20, v45;
	v21 =	vmin.f32 v21, v55  }
0x320: {  	v21 =	vmin.f32 v21, v9  }
0x321: {  	s0 =	smov.u32 s28;
	v22 =	vlaneseq.u32;
	v21 =	vmin.f32 v21, v20  }
0x322: {  	v54 =	vor.u32 s0, v22;
	vm0 =	vlt.f32 v47, v60;
	[tilespmem:s26+$0xFFFFFFF0] =	vst v21  }
0x323: {  	vm2 =	vlt.f32 v20, v2;
	vm15 =	vlt.f32 v48, v15;
	vm3 =	vlt.f32 v0, v5;
	v21 =	vld [tilespmem:s31+$0x0]  }
0x324: {  	v59 =	vsel vm15, v54, v59;
	v57 =	vsel vm2, v54, v7;
	v15 =	vsel vm15, v48, v15;
	v45 =	vld [tilespmem:s30+$0x0]  }
0x325: {  	v2 =	vsel vm2, v20, v2;
	v4 =	vsel vm0, v54, v4;
	v47 =	vsel vm0, v47, v60  }
0x326: {  	v1 =	vsel vm3, v54, v1;
	vm4 =	vlt.f32 v55, v11;
	vm5 =	vlt.f32 v8, v14  }
0x327: {  	vm1 =	vlt.f32 v9, v6;
	vm14 =	vlt.f32 v44, v10;
	v62 =	vsel vm4, v54, v12  }
0x328: {  	v12 =	vsel vm3, v0, v5;
	v58 =	vsel vm1, v54, v13;
	v7 =	vsub.f32 v21, v23  }
0x329: {  	v13 =	vsel vm14, v44, v10;
	v10 =	vsub.f32 v21, v32;
	v0 =	vsub.f32 v45, v25  }
0x32a: {  	v8 =	vsel vm5, v8, v14;
	v5 =	vsub.f32 v21, v29;
	v14 =	vsub.f32 v21, v35  }
0x32b: {  	v61 =	vsel vm5, v54, v16;
	v16 =	vsub.f32 v21, v38;
	v20 =	vsub.f32 v21, v41  }
0x32c: {  	s0 =	sadd.s32 $0x10, s0;
	v6 =	vsel vm1, v9, v6;
	v44 =	vsub.f32 v21, v18;
	v9 =	vsub.f32 v45, v37  }
0x32d: {  	v63 =	vor.u32 s0, v22;
	v40 =	vsub.f32 v45, v40;
	v49 =	vsub.f32 v45, v28  }
0x32e: {  	v11 =	vsel vm4, v55, v11;
	v41 =	vld [tilespmem:s29+$0x0];
	v25 =	vsub.f32 v45, v43;
	v28 =	vsub.f32 v45, v31  }
0x32f: {  	v3 =	vsel vm14, v54, v3;
	v29 =	vsub.f32 v45, v19;
	v45 =	vsub.f32 v45, v34  }
0x330: {  	v21 =	vsub.f32 v21, v26;
	v7 =	vand.u32 $0x7FFFFFFF, v7;
	v16 =	vand.u32 $0x7FFFFFFF, v16  }
0x331: {  	v50 =	vand.u32 $0x7FFFFFFF, v25;
	v51 =	vand.u32 $0x7FFFFFFF, v28;
	v9 =	vand.u32 $0x7FFFFFFF, v9  }
0x332: {  	v46 =	vand.u32 $0x7FFFFFFF, v40;
	v0 =	vand.u32 $0x7FFFFFFF, v0;
	v14 =	vand.u32 $0x7FFFFFFF, v14  }
0x333: {  	v52 =	vand.u32 $0x7FFFFFFF, v29;
	v5 =	vand.u32 $0x7FFFFFFF, v5;
	v31 =	vsub.f32 v41, v24  }
0x334: {  	v10 =	vand.u32 $0x7FFFFFFF, v10;
	v32 =	vsub.f32 v41, v27;
	v34 =	vsub.f32 v41, v30  }
0x335: {  	v54 =	vand.u32 $0x7FFFFFFF, v21;
	v35 =	vsub.f32 v41, v33;
	v36 =	vsub.f32 v41, v36  }
0x336: {  	v56 =	vand.u32 $0x7FFFFFFF, v49;
	v37 =	vsub.f32 v41, v39;
	v40 =	vsub.f32 v41, v17  }
0x337: {  	v53 =	vand.u32 $0x7FFFFFFF, v31;
	v38 =	vand.u32 $0x7FFFFFFF, v34;
	v39 =	vand.u32 $0x7FFFFFFF, v35  }
0x338: {  	v48 =	vand.u32 $0x7FFFFFFF, v32;
	v7 =	vadd.f32 v53, v7;
	v53 =	vadd.f32 v38, v5  }
0x339: {  	v55 =	vadd.f32 v39, v10;
	v5 =	vand.u32 $0x7FFFFFFF, v36;
	v10 =	vsub.f32 v41, v42  }
0x33a: {  	v41 =	vld [tilespmem:s26+$0x0];
	v5 =	vadd.f32 v5, v14;
	v0 =	vadd.f32 v0, v7;
	v7 =	vand.u32 $0x7FFFFFFF, v37  }
0x33b: {  	v14 =	vand.u32 $0x7FFFFFFF, v44;
	v10 =	vand.u32 $0x7FFFFFFF, v10;
	v7 =	vadd.f32 v7, v16  }
0x33c: {  	v16 =	vand.u32 $0x7FFFFFFF, v20;
	v5 =	vadd.f32 v9, v5;
	vm0 =	vlt.f32 v0, v47  }
0x33d: {  	v16 =	vadd.f32 v10, v16;
	v10 =	vand.u32 $0x7FFFFFFF, v40;
	v60 =	vsel vm0, v0, v47  }
0x33e: {  	v9 =	vadd.f32 v10, v14;
	v4 =	vsel vm0, v63, v4;
	v14 =	vadd.f32 v48, v54  }
0x33f: {  	p0 =	sne.s32 s28, $0xFE0;
	v10 =	vadd.f32 v46, v7;
	v46 =	vadd.f32 v51, v53;
	v0 =	vmin.f32 v41, v0  }
.Ltmp4:
0x340: {  	v7 =	vadd.f32 v50, v16;
	v16 =	vand.u32 $0x7FFFFFFF, v45;
	v14 =	vadd.f32 v56, v14;
	(pc) =	sbr.rel @p0 .LBB2_10-.Ltmp4, $4  }
0x341: {  	vm1 =	vlt.f32 v5, v12;
	v9 =	vadd.f32 v52, v9;
	v47 =	vadd.f32 v16, v55  }
0x342: {  	vm2 =	vlt.f32 v46, v13;
	vm0 =	vlt.f32 v10, v11;
	v0 =	vmin.f32 v0, v14  }
0x343: {  	s28 =	sadd.s32 $0x20, s28;
	s25 =	smov.u32 s26;
	vm15 =	vlt.f32 v7, v6;
	vm3 =	vlt.f32 v14, v8;
	v0 =	vmin.f32 v0, v46  }
0x344: {  	s30 =	sadd.s32 $0x20, s30;
	s31 =	sadd.s32 $0x20, s31;
	s29 =	sadd.s32 $0x20, s29;
	vm14 =	vlt.f32 v9, v2;
	v14 =	vsel vm3, v14, v8;
	v16 =	vmin.f32 v0, v47  }
0x345: {  	v8 =	vld [tilespmem:$0x1FA80];
	_ =	sdelay $0x4  }
0x346: {  	(xrf0) =	vmin.scan.msk.f32 $0xffff, v8;
	_ =	sdelay $0x5  }
0x347: {  	v0, _, _ =	vpop (xrf0)  }
0x348: {  	v20 =	vbroadcast v0, $0xF;
	v0 =	vld [tilespmem:$0x1FA90];
	_ =	sdelay $0x2  }
0x349: {  	v18 =	vld [tilespmem:$0x1FA70];
	_ =	sdelay $0x1  }
0x34a: {  	vm4 =	veq.f32 v8, v20;
	v0 =	vxor.u32 $0x80000000, v0  }
0x34b: {  	v0 =	vnsel vm4, $0x80001000, v0  }
0x34c: {  	(xrf0) =	vmin.scan.msk.u32 $0xffff, v0  }
0x34d: {  	(xrf0) =	vmin.scan.msk.f32 $0xffff, v18;
	_ =	sdelay $0x4  }
0x34e: {  	v0, _, _ =	vpop (xrf0)  }
0x34f: {  	v8, _, _ =	vpop (xrf0)  }
0x350: {  	v17 =	vbroadcast v8, $0xF;
	v8 =	vld [tilespmem:$0x1FB00];
	_ =	sdelay $0x2  }
0x351: {  	v21 =	vld [tilespmem:$0x1FB20];
	_ =	sdelay $0x1  }
0x352: {  	vm4 =	veq.f32 v18, v17;
	v8 =	vxor.u32 $0x80000000, v8  }
0x353: {  	v8 =	vnsel vm4, $0x80001000, v8  }
0x354: {  	(xrf0) =	vmin.scan.msk.u32 $0xffff, v8  }
0x355: {  	(xrf0) =	vmin.scan.msk.f32 $0xffff, v21;
	_ =	sdelay $0x3  }
0x356: {  	v19 =	vld [tilespmem:$0x1FB30]  }
0x357: {  	v8, _, _ =	vpop (xrf0)  }
0x358: {  	v41, _, _ =	vpop (xrf0)  }
0x359: {  	v22 =	vld [tilespmem:$0x1FAC0];
	v18 =	vbroadcast v41, $0xF;
	_ =	sdelay $0x1  }
0x35a: {  	v19 =	vxor.u32 $0x80000000, v19;
	vm4 =	veq.f32 v21, v18  }
0x35b: {  	v19 =	vnsel vm4, $0x80001000, v19  }
0x35c: {  	(xrf0) =	vmin.scan.msk.u32 $0xffff, v19  }
0x35d: {  	(xrf0) =	vmin.scan.msk.f32 $0xffff, v22;
	_ =	sdelay $0x3  }
0x35e: {  	v43 =	vld [tilespmem:$0x1FAD0]  }
0x35f: {  	v24, _, _ =	vpop (xrf0)  }
0x360: {  	v42, _, _ =	vpop (xrf0)  }
0x361: {  	v23 =	vld [tilespmem:$0x1FAE0];
	v19 =	vbroadcast v42, $0xF;
	_ =	sdelay $0x1  }
0x362: {  	v21 =	vxor.u32 $0x80000000, v43;
	vm4 =	veq.f32 v22, v19  }
0x363: {  	v21 =	vnsel vm4, $0x80001000, v21  }
0x364: {  	(xrf0) =	vmin.scan.msk.u32 $0xffff, v21  }
0x365: {  	(xrf0) =	vmin.scan.msk.f32 $0xffff, v23;
	_ =	sdelay $0x3  }
0x366: {  	v45 =	vld [tilespmem:$0x1FAF0]  }
0x367: {  	v25, _, _ =	vpop (xrf0)  }
0x368: {  	v44, _, _ =	vpop (xrf0)  }
0x369: {  	v27 =	vld [tilespmem:$0x1FAB0];
	v21 =	vbroadcast v44, $0xF;
	_ =	sdelay $0x1  }
0x36a: {  	v22 =	vxor.u32 $0x80000000, v45;
	vm4 =	veq.f32 v23, v21  }
0x36b: {  	v22 =	vnsel vm4, $0x80001000, v22  }
0x36c: {  	(xrf0) =	vmin.scan.msk.u32 $0xffff, v22  }
0x36d: {  	(xrf0) =	vmin.scan.msk.f32 $0xffff, v27;
	_ =	sdelay $0x3  }
0x36e: {  	v49 =	vld [tilespmem:$0x1FB10]  }
0x36f: {  	v26, _, _ =	vpop (xrf0)  }
0x370: {  	v48, _, _ =	vpop (xrf0)  }
0x371: {  	v29 =	vld [tilespmem:$0x1FB50];
	v22 =	vbroadcast v48, $0xF;
	_ =	sdelay $0x1  }
0x372: {  	v23 =	vxor.u32 $0x80000000, v49;
	vm4 =	veq.f32 v27, v22  }
0x373: {  	v23 =	vnsel vm4, $0x80001000, v23  }
0x374: {  	(xrf0) =	vmin.scan.msk.u32 $0xffff, v23  }
0x375: {  	(xrf0) =	vmin.scan.msk.f32 $0xffff, v29;
	_ =	sdelay $0x3  }
0x376: {  	v28 =	vld [tilespmem:$0x1FB40]  }
0x377: {  	v50, _, _ =	vpop (xrf0)  }
0x378: {  	v51, _, _ =	vpop (xrf0)  }
0x379: {  	v31 =	vld [tilespmem:$0x1FB60];
	v23 =	vbroadcast v51, $0xF;
	_ =	sdelay $0x1  }
0x37a: {  	v28 =	vxor.u32 $0x80000000, v28;
	vm4 =	veq.f32 v29, v23  }
0x37b: {  	v28 =	vnsel vm4, $0x80001000, v28  }
0x37c: {  	(xrf0) =	vmin.scan.msk.u32 $0xffff, v28  }
0x37d: {  	(xrf0) =	vmin.scan.msk.f32 $0xffff, v31;
	_ =	sdelay $0x3  }
0x37e: {  	v30 =	vld [tilespmem:$0x1FB70]  }
0x37f: {  	v28, _, _ =	vpop (xrf0)  }
0x380: {  	v52, _, _ =	vpop (xrf0)  }
0x381: {  	v29 =	vbroadcast v52, $0xF;
	_ =	sdelay $0x1  }
0x382: {  	v30 =	vxor.u32 $0x80000000, v30;
	vm4 =	veq.f32 v31, v29  }
0x383: {  	v30 =	vnsel vm4, $0x80001000, v30  }
0x384: {  	(xrf0) =	vmin.scan.msk.u32 $0xffff, v30  }
0x385: {  	(xrf0) =	vmin.scan.msk.f32 $0xffff, v60;
	_ =	sdelay $0x4  }
0x386: {  	v30, _, _ =	vpop (xrf0)  }
0x387: {  	v53, _, _ =	vpop (xrf0)  }
0x388: {  	v31 =	vbroadcast v53, $0xF;
	_ =	sdelay $0x1  }
0x389: {  	v4 =	vxor.u32 $0x80000000, v4;
	vm4 =	veq.f32 v60, v31  }
0x38a: {  	v4 =	vnsel vm4, $0x80001000, v4  }
0x38b: {  	(xrf0) =	vmin.scan.msk.u32 $0xffff, v4  }
0x38c: {  	(xrf0) =	vmin.scan.msk.f32 $0xffff, v14;
	_ =	sdelay $0x4  }
0x38d: {  	v4, _, _ =	vpop (xrf0)  }
0x38e: {  	v32, _, _ =	vpop (xrf0)  }
0x38f: {  	v32 =	vbroadcast v32, $0xF  }
0x390: {  	v33 =	vsel vm3, v63, v61  }
0x391: {  	v33 =	vxor.u32 $0x80000000, v33;
	vm3 =	veq.f32 v14, v32  }
0x392: {  	v14 =	vnsel vm3, $0x80001000, v33  }
0x393: {  	v13 =	vsel vm2, v46, v13;
	(xrf0) =	vmin.scan.msk.u32 $0xffff, v14  }
0x394: {  	(xrf0) =	vmin.scan.msk.f32 $0xffff, v13;
	_ =	sdelay $0x4  }
0x395: {  	v14, _, _ =	vpop (xrf0)  }
0x396: {  	v54, _, _ =	vpop (xrf0)  }
0x397: {  	v33 =	vbroadcast v54, $0xF  }
0x398: {  	v3 =	vsel vm2, v63, v3  }
0x399: {  	v3 =	vxor.u32 $0x80000000, v3;
	vm5 =	veq.f32 v13, v33  }
0x39a: {  	vm4 =	vlt.f32 v47, v15;
	v3 =	vnsel vm5, $0x80001000, v3  }
0x39b: {  	v55 =	vsel vm4, v47, v15;
	(xrf0) =	vmin.scan.msk.u32 $0xffff, v3  }
0x39c: {  	(xrf0) =	vmin.scan.msk.f32 $0xffff, v55;
	_ =	sdelay $0x4  }
0x39d: {  	v3, _, _ =	vpop (xrf0)  }
0x39e: {  	v56, _, _ =	vpop (xrf0)  }
0x39f: {  	v15 =	vbroadcast v56, $0xF  }
0x3a0: {  	v34 =	vsel vm4, v63, v59  }
0x3a1: {  	v34 =	vxor.u32 $0x80000000, v34;
	vm5 =	veq.f32 v55, v15  }
0x3a2: {  	v13 =	vnsel vm5, $0x80001000, v34  }
0x3a3: {  	v12 =	vsel vm1, v5, v12;
	(xrf0) =	vmin.scan.msk.u32 $0xffff, v13  }
0x3a4: {  	(xrf0) =	vmin.scan.msk.f32 $0xffff, v12;
	_ =	sdelay $0x4  }
0x3a5: {  	v13, _, _ =	vpop (xrf0)  }
0x3a6: {  	v60, _, _ =	vpop (xrf0)  }
0x3a7: {  	v34 =	vbroadcast v60, $0xF  }
0x3a8: {  	v1 =	vsel vm1, v63, v1  }
0x3a9: {  	v1 =	vxor.u32 $0x80000000, v1;
	vm4 =	veq.f32 v12, v34  }
0x3aa: {  	v1 =	vnsel vm4, $0x80001000, v1  }
0x3ab: {  	v11 =	vsel vm0, v10, v11;
	(xrf0) =	vmin.scan.msk.u32 $0xffff, v1  }
0x3ac: {  	(xrf0) =	vmin.scan.msk.f32 $0xffff, v11;
	_ =	sdelay $0x4  }
0x3ad: {  	v1, _, _ =	vpop (xrf0)  }
0x3ae: {  	v61, _, _ =	vpop (xrf0)  }
0x3af: {  	v12 =	vbroadcast v61, $0xF  }
0x3b0: {  	v35 =	vsel vm0, v63, v62  }
0x3b1: {  	v35 =	vxor.u32 $0x80000000, v35;
	vm5 =	veq.f32 v11, v12  }
0x3b2: {  	v11 =	vnsel vm5, $0x80001000, v35  }
0x3b3: {  	v6 =	vsel vm15, v7, v6;
	(xrf0) =	vmin.scan.msk.u32 $0xffff, v11  }
0x3b4: {  	(xrf0) =	vmin.scan.msk.f32 $0xffff, v6;
	_ =	sdelay $0x4  }
0x3b5: {  	v11, _, _ =	vpop (xrf0)  }
0x3b6: {  	v62, _, _ =	vpop (xrf0)  }
0x3b7: {  	v35 =	vbroadcast v62, $0xF  }
0x3b8: {  	v36 =	vsel vm15, v63, v58  }
0x3b9: {  	v36 =	vxor.u32 $0x80000000, v36;
	vm4 =	veq.f32 v6, v35  }
0x3ba: {  	v6 =	vnsel vm4, $0x80001000, v36  }
0x3bb: {  	v2 =	vsel vm14, v9, v2;
	(xrf0) =	vmin.scan.msk.u32 $0xffff, v6  }
0x3bc: {  	(xrf0) =	vmin.scan.msk.f32 $0xffff, v2;
	_ =	sdelay $0x1  }
0x3bd: {  	(v2sf) =	vpush v0, $0xF  }
0x3be: {  	(v2sf) =	vpush v8, $0xF  }
0x3bf: {  	(v2sf) =	vpush v24, $0xF  }
0x3c0: {  	(v2sf) =	vpush v25, $0xF;
	v0, _, _ =	vpop (xrf0)  }
0x3c1: {  	(v2sf) =	vpush v26, $0xF;
	v6, _, _ =	vpop (xrf0)  }
0x3c2: {  	(v2sf) =	vpush v50, $0xF;
	v8 =	vbroadcast v6, $0xF  }
0x3c3: {  	(v2sf) =	vpush v28, $0xF;
	v63 =	vsel vm14, v63, v57  }
0x3c4: {  	(v2sf) =	vpush v30, $0xF;
	vm5 =	veq.f32 v2, v8;
	v2 =	vxor.u32 $0x80000000, v63  }
0x3c5: {  	(v2sf) =	vpush v4, $0xF;
	v2 =	vnsel vm5, $0x80001000, v2  }
0x3c6: {  	(v2sf) =	vpush v14, $0xF;
	(xrf0) =	vmin.scan.msk.u32 $0xffff, v2  }
0x3c7: {  	(v2sf) =	vpush v3, $0xF  }
0x3c8: {  	(v2sf) =	vpush v13, $0xF  }
0x3c9: {  	(v2sf) =	vpush v1, $0xF;
	v1 =	vld [tilespmem:$0x1FD10];
	_ =	sdelay $0x1  }
0x3ca: {  	(v2sf) =	vpush v11, $0xF  }
0x3cb: {  	(v2sf) =	vpush v0, $0xF;
	v0, _, _ =	vpop (xrf0)  }
0x3cc: {  	s0 =	spop (v2sf);
	(v2sf) =	vpush v0, $0xF;
	v0 =	vld [tilespmem:$0x1FD00]  }
0x3cd: {  	vm5 =	vnez.u8 v1;
	v1 =	vld [tilespmem:$0x1FD20];
	_ =	sdelay $0x3  }
0x3ce: {  	vm4 =	vnez.u8 v0  }
0x3cf: {  	v0 =	vsel vm4, v20, v17;
	vm4 =	vnez.u8 v1;
	v1 =	vld [tilespmem:$0x1FD30]  }
0x3d0: {  	s1 =	spop (v2sf)  }
0x3d1: {  	s15 =	spop (v2sf)  }
0x3d2: {  	s16 =	spop (v2sf)  }
0x3d3: {  	s17 =	spop (v2sf)  }
0x3d4: {  	s18 =	spop (v2sf);
	v0 =	vsel vm5, v0, v18;
	vm5 =	vnez.u8 v1;
	v1 =	vld [tilespmem:$0x1FD40]  }
0x3d5: {  	s19 =	spop (v2sf)  }
0x3d6: {  	s20 =	spop (v2sf)  }
0x3d7: {  	s21 =	spop (v2sf)  }
0x3d8: {  	s22 =	spop (v2sf);
	v2 =	vld [tilespmem:$0x1FD60]  }
0x3d9: {  	s23 =	spop (v2sf);
	v0 =	vsel vm4, v0, v19;
	vm4 =	vnez.u8 v1;
	v1 =	vld [tilespmem:$0x1FD50]  }
0x3da: {  	s26 =	spop (v2sf)  }
0x3db: {  	s28 =	spop (v2sf)  }
0x3dc: {  	s29 =	spop (v2sf);
	v0 =	vsel vm5, v0, v21  }
0x3dd: {  	vm15 =	vcmask $0x704;
	s30 =	spop (v2sf);
	v0 =	vsel vm4, v0, v22  }
0x3de: {  	s31 =	spop (v2sf);
	vm4 =	vnez.u8 v2;
	v2 =	vmin.f32 v16, v5;
	vm5 =	vnez.u8 v1  }
0x3df: {  	vm14 =	vcmask $0x300;
	s31 =	sxor.u32 $0x80000000, s31;
	v2 =	vmin.f32 v2, v10;
	v0 =	vsel vm5, v0, v23  }
0x3e0: {  	s0 =	sxor.u32 $0x80000000, s0;
	v2 =	vmin.f32 v2, v7;
	v1 =	vmov s31;
	v0 =	vsel vm4, v0, v29  }
0x3e1: {  	s1 =	sxor.u32 $0x80000000, s1;
	v2 =	vmin.f32 v2, v9;
	v1 =	vsel vm14, s0, v1;
	v0 =	vsel vm6, v0, v31  }
0x3e2: {  	s31 =	sxor.u32 $0x80000000, s15;
	vm5 =	vcmask $0xB08;
	v1 =	vsel vm15, s1, v1;
	v0 =	vsel vm7, v0, v32  }
0x3e3: {  	s1 =	sxor.u32 $0x80000000, s16;
	v1 =	vsel vm5, s31, v1;
	v0 =	vsel vm8, v0, v33;
	vm8 =	vcmask $0xF0C  }
0x3e4: {  	s15 =	sxor.u32 $0x80000000, s17;
	v1 =	vsel vm8, s1, v1;
	v0 =	vsel vm9, v0, v15;
	vm9 =	vcmask $0x1310  }
0x3e5: {  	s16 =	sxor.u32 $0x80000000, s18;
	v1 =	vsel vm9, s15, v1;
	v0 =	vsel vm10, v0, v34;
	vm10 =	vcmask $0x1714  }
0x3e6: {  	s17 =	sxor.u32 $0x80000000, s19;
	v1 =	vsel vm10, s16, v1;
	v0 =	vsel vm11, v0, v12;
	vm11 =	vcmask $0x1B18  }
0x3e7: {  	[tilespmem:s25+$0x0] =	vst v2;
	s18 =	sxor.u32 $0x80000000, s20;
	v1 =	vsel vm11, s17, v1;
	v0 =	vsel vm12, v0, v35;
	vm12 =	vcmask $0x1F1C  }
0x3e8: {  	s19 =	sxor.u32 $0x80000000, s21;
	v2 =	vld [tilespmem:$0x4180];
	v1 =	vsel vm12, s18, v1;
	v0 =	vsel vm13, v0, v6;
	vm13 =	vcmask $0x2320  }
0x3e9: {  	s20 =	sxor.u32 $0x80000000, s22;
	vm4 =	vcmask $0x2724;
	v1 =	vsel vm13, s19, v1;
	[tilespmem:$0x4190] =	vst v0  }
0x3ea: {  	s21 =	sxor.u32 $0x80000000, s23;
	vm5 =	vcmask $0x2B28;
	v0 =	vsel vm4, s20, v1;
	v1 =	vld [tilespmem:$0x4190]  }
0x3eb: {  	s22 =	sxor.u32 $0x80000000, s26;
	vm4 =	vcmask $0x2F2C;
	v0 =	vsel vm5, s21, v0  }
0x3ec: {  	s23 =	sxor.u32 $0x80000000, s28;
	vm5 =	vcmask $0x3330;
	v0 =	vsel vm4, s22, v0  }
0x3ed: {  	s25 =	sxor.u32 $0x80000000, s29;
	v2 =	vadd.f32 $0.0e+00, v2;
	vm4 =	vcmask $0x3734;
	v0 =	vsel vm5, s23, v0  }
0x3ee: {  	s26 =	sxor.u32 $0x80000000, s30;
	vm5 =	vcmask $0x3B38;
	v0 =	vsel vm4, s25, v0  }
0x3ef: {  	v0 =	vsel vm5, s26, v0;
	v1 =	vadd.f32 v1, v2  }
0x3f0: {  	[tilespmem:$0x4210] =	vst v0  }
0x3f1: {  	s28 =	simm.s32 $0x4180;
	[tilespmem:$0x4280] =	vst v1  }
0x3f2: {  	[hbm4b:s9+s2] =	stream.linear.scatter [tilespmem:s28], [sflag:$0x1], $0x20, $0x38;
	[tilespmem:$0x4300] =	vst v63  }
0x3f3: {  	_ =	swait.ge [sflag:s14], $0x20  }
0x3f4: {  	[sflag:s14] =	ssyncset.done $0x0  }
0x3f5: {  	s29 =	simm.s32 $0x4200;
	[sflag:s14] =	ssyncadd.s32 $0xFFFFFFE0  }
0x3f6: {  	[hbm4b:s10+s2] =	stream.linear.scatter [tilespmem:s29], [sflag:$0x1], $0x20, $0x38;
	[tilespmem:$0x4300] =	vst v63  }
0x3f7: {  	_ =	swait.ge [sflag:s14], $0x20  }
0x3f8: {  	[sflag:s14] =	ssyncset.done $0x0  }
0x3f9: {  	s30 =	simm.s32 $0x3180;
	[sflag:s14] =	ssyncadd.s32 $0xFFFFFFE0  }
0x3fa: {  	[hbm4b:s11+s2] =	stream.linear.scatter [tilespmem:s30], [sflag:$0x1], $0x1000, $0x38;
	[tilespmem:$0x4300] =	vst v63  }
0x3fb: {  	s24 =	sadd.s32 $0x1, s24;
	_ =	swait.ge [sflag:s14], $0x1000  }
0x3fc: {  	p0 =	sne.s32 s24, s13;
	[sflag:s14] =	ssyncset.done $0x0  }
.Ltmp5:
0x3fd: {  	s31 =	simm.s32 $0x4280;
	[sflag:s14] =	ssyncadd.s32 $0xFFFFF000;
	(pc) =	sbr.rel @p0 .LBB2_1-.Ltmp5, $4  }
0x3fe: {  	[hbm4b:s12+s2] =	stream.linear.scatter [tilespmem:s31], [sflag:$0x1], $0x10, $0x38;
	[tilespmem:$0x4300] =	vst v63  }
0x3ff: {  	_ =	swait.ge [sflag:s14], $0x10  }
0x400: {  	[sflag:s14] =	ssyncset.done $0x0  }
0x401: {  	v8 =	vlaneseq.u32;
	v0 =	vimm.f32 $3.000000010e+38;
	[sflag:s14] =	ssyncadd.s32 $0xFFFFFFF0  }
0x402: {  	_ =	sfence.sel $0x180000  }
0x403: {  	[bflag:$0x0] =	sbarrier.arrive $0xFFFF  }
0x404: {  	_ =	strace $0x90000047  }
0x405: {  	s0 =	stileid.u32;
	[bflag:$0x2] =	sbarrier.arrive $0xFFFF  }
0x406: {  	p0 =	sne.s32 s0, $0x0;
	s0 =	rddreg [dreg:$0x4]  }
0x407: {  	s0 =	sadd.s32 @!p0 $0x100000, s0  }
0x408: {  	[sflag:s0] =	ssyncadd.tile.s32 @!p0 $0x1;
	_ =	shalt  }
.Lfunc_end2:
_tile_overlayer_lowered:
.L_overlay_start_2:
0x409: {  	(tag) =	ssettag $0x2  }
0x40a: {  	s0 =	rddreg [dreg:$0x0];
	s2 =	stileid.u32  }
0x40b: {  	s1 =	rddreg [dreg:$0x1];
	p0 =	sne.s32 s2, $0x0  }
0x40c: {  	s3 =	rddreg [dreg:$0x2];
	[bflag:$0x3] =	sbarrier.arrive $0xFFFF;
	s2 =	simm.s32 @!p0 $0x1C01  }
0x40d: {  	[timem:s3], [sflag:s2] =	dma.local @!p0 [hbm:s0], s1  }
0x40e: {  	s0 =	simm.s32 @!p0 $0x1  }
0x40f: {  	_ =	swait.ge @!p0 [sflag:s0], s1  }
0x410: {  	s1 =	ssub.s32 @!p0 $0x0, s1;
	[sflag:s0] =	ssyncset.done @!p0 $0x0  }
0x411: {  	[sflag:s0] =	ssyncadd.s32 @!p0 s1  }
0x412: {  	[bflag:$0x3] =	sbarrier.arrive $0xFFFF  }
0x413: {  	_ =	shalt  }

</sc_bundles>
